<compile_context>
chip_gen: v7x
topology: tpu7x:2x2x1
jax: 0.10.2.dev20260603
libtpu: 0.0.44.dev20260713+nightly
codegen_flags: <defaults>
</compile_context>

<pallas_src>
import functools

import jax
import jax.numpy as jnp
from jax import lax
from jax.experimental import pallas as pl
from jax.experimental.pallas import tpu as pltpu
from jax.experimental.pallas import tpu_sc as plsc

N_ITEMS = 1000000
N_FACTORS = 64
TILE_H = 8
N_TILES = N_ITEMS // TILE_H
BATCH = 16384

_info = plsc.get_sparse_core_info()
NC, NS, L = _info.num_cores, _info.num_subcores, _info.num_lanes
NW = NC * NS
BW = BATCH // NW
PH = 32
NPH = BW // PH
NG = PH // L


def _body(items0_hbm, items1_hbm, table_hbm, out_hbm,
          raw0_v, raw1_v, rows0_v, rows1_v, out_v,
          sem0, sem1):
    cid = lax.axis_index("c")
    sid = lax.axis_index("s")
    wid = sid * NC + cid
    base = wid * BW

    table_view = table_hbm.reshape(N_TILES, TILE_H, N_FACTORS)

    lane = lax.iota(jnp.int32, L)

    def phase(ph, _):
        pbase = base + ph * PH
        pltpu.sync_copy(items0_hbm.at[pl.ds(pbase, PH)], raw0_v)
        pltpu.sync_copy(items1_hbm.at[pl.ds(pbase, PH)], raw1_v)

        copies = []
        for g in range(NG):
            sl = pl.ds(g * L, L)
            t0v = lax.shift_right_logical(raw0_v[sl], 3)
            t1v = lax.shift_right_logical(raw1_v[sl], 3)
            for l in range(L):
                p = g * L + l
                copies.append(pltpu.async_copy(
                    table_view.at[t0v[l]], rows0_v.at[p], sem0))
                copies.append(pltpu.async_copy(
                    table_view.at[t1v[l]], rows1_v.at[p], sem1))
        for c in copies:
            c.wait()

        for g in range(NG):
            sl = pl.ds(g * L, L)
            p16 = jnp.full((L,), g * L, jnp.int32) + lane
            s0 = lax.bitwise_and(raw0_v[sl], 7)
            s1 = lax.bitwise_and(raw1_v[sl], 7)
            zero = jnp.zeros((L,), jnp.float32)

            def d_body(dd, acc):
                for j in range(8):
                    dvec = jnp.full((L,), dd * 8 + j, jnp.int32)
                    a = plsc.load_gather(rows0_v, [p16, s0, dvec])
                    b = plsc.load_gather(rows1_v, [p16, s1, dvec])
                    acc = acc + a * b
                return acc

            acc = lax.fori_loop(0, N_FACTORS // 8, d_body, zero,
                                unroll=False)
            out16 = 1.0 / (1.0 + jnp.exp(-acc))
            out_v[pl.ds(ph * PH + g * L, L)] = out16
        return 0

    lax.fori_loop(0, NPH, phase, 0, unroll=False)

    pltpu.sync_copy(out_v, out_hbm.at[pl.ds(base, BW)])


@jax.jit
def _newmf_sc(items0, items1, table):
    mesh = plsc.VectorSubcoreMesh(core_axis_name="c", subcore_axis_name="s")
    f = functools.partial(
        pl.kernel,
        out_type=jax.ShapeDtypeStruct((BATCH,), jnp.float32),
        mesh=mesh,
        scratch_types=[
            pltpu.VMEM((PH,), jnp.int32),
            pltpu.VMEM((PH,), jnp.int32),
            pltpu.VMEM((PH, TILE_H, N_FACTORS), jnp.float32),
            pltpu.VMEM((PH, TILE_H, N_FACTORS), jnp.float32),
            pltpu.VMEM((BW,), jnp.float32),
            pltpu.SemaphoreType.DMA,
            pltpu.SemaphoreType.DMA,
        ],
        compiler_params=pltpu.CompilerParams(
            use_tc_tiling_on_sc=True,
            needs_layout_passes=False,
        ),
    )(_body)
    return f(items0, items1, table)


def kernel(items, item_factors):
    items0 = items[0].astype(jnp.int32)
    items1 = items[1].astype(jnp.int32)
    return _newmf_sc(items0, items1, item_factors)

# --- scband reference (transcript-rebuilt; emitter-appended) ---
"""Pipeline reference for scband-new-mf-23733989277789 (READ-ONLY COPY).

The authoritative reference and input builder live on the scoring server;
editing this copy changes nothing except your own understanding.
"""

import jax, jax.numpy as jnp
import numpy as np

N_ITEMS = 1000000
N_FACTORS = 64
BATCH = 16384
N_SLOTS = 2


def setup_inputs(seed: int = 0) -> dict:
    key = jax.random.key(seed)
    k_items, k_w = jax.random.split(key)
    items = jax.random.randint(k_items, (N_SLOTS, BATCH), 0, N_ITEMS)
    # item_factors.weight.data.uniform_(-1, 1)
    item_factors = jax.random.uniform(k_w, (N_ITEMS, N_FACTORS), dtype=jnp.float32, minval=-1.0, maxval=1.0)
    return {"items": items, "item_factors": item_factors}


def reference(items, item_factors):
    # item_emb = self.item_factors(items[0])
    item_emb = jnp.take(item_factors, items[0], axis=0)
    # for i in range(1, len(items)): item_emb = item_emb * self.item_factors(items[i])
    for i in range(1, items.shape[0]):
        item_emb = item_emb * jnp.take(item_factors, items[i], axis=0)
    # sigmoid(item_emb.sum(-1))
    return jax.nn.sigmoid(item_emb.sum(-1))

if __name__ == "__main__":
    import jax
    _d = setup_inputs()
    print(jax.jit(kernel)(*tuple(_d.values())))

</pallas_src>

<mosaic_0001>
#map = affine_map<(d0, d1) -> (0)>
#map1 = affine_map<(d0, d1) -> (0, 0)>
module attributes {stable_mosaic.version = 14 : i64} {
  func.func @_body(%arg0: i32, %arg1: i32, %arg2: memref<16384xi32, #tpu.memory_space<hbm>>, %arg3: memref<16384xi32, #tpu.memory_space<hbm>>, %arg4: memref<1000000x64xf32, #tpu.memory_space<hbm>>, %arg5: memref<16384xf32, #tpu.memory_space<hbm>>, %arg6: memref<32xi32, #tpu.memory_space<vmem>>, %arg7: memref<32xi32, #tpu.memory_space<vmem>>, %arg8: memref<32x8x64xf32, #tpu.memory_space<vmem>>, %arg9: memref<32x8x64xf32, #tpu.memory_space<vmem>>, %arg10: memref<512xf32, #tpu.memory_space<vmem>>, %arg11: memref<!tpu.dma_semaphore, #tpu.memory_space<semaphore_mem>>, %arg12: memref<!tpu.dma_semaphore, #tpu.memory_space<semaphore_mem>>) attributes {dimension_semantics = [#tpu.dimension_semantics<core_parallel>, #tpu.dimension_semantics<subcore_parallel>], iteration_bounds = array<i64: 2, 16>, scalar_prefetch = 0 : i64, scratch_operands = 7 : i64, tpu.core_type = #tpu.core_type<sc_vector_subcore>, window_params = [{transform_indices = #map}, {transform_indices = #map}, {transform_indices = #map1}, {transform_indices = #map}]} {
    %mul3A = arith.constant 2 : i32
    %mul3A_0 = arith.muli %arg1, %mul3A : i32
    %add3A = arith.addi %mul3A_0, %arg0 : i32
    %mul3A_1 = arith.constant 512 : i32
    %mul3A_2 = arith.muli %add3A, %mul3A_1 : i32
    %iota3A = tpu.iota {dimensions = array<i32: 0>} : vector<16xi32>
    %scan3A = arith.constant 0 : i32
    %scan3A_3 = arith.constant 0 : i32
    %scan3A_4 = arith.constant 16 : i32
    %scan3A_5 = arith.addi %scan3A_3, %scan3A_4 : i32
    %scan3A_6 = arith.constant 1 : i32
    %scan3A_7 = scf.for %scan3A_9 = %scan3A_3 to %scan3A_5 step %scan3A_6 iter_args(%scan3A_10 = %scan3A) -> (i32)  : i32 {
      %mul3A_11 = arith.constant 32 : i32
      %mul3A_12 = arith.muli %scan3A_9, %mul3A_11 : i32
      %add3A_13 = arith.addi %mul3A_2, %mul3A_12 : i32
      "tpu.region"() ({
        %run_scoped3A = tpu.sem_alloc : memref<!tpu.dma_semaphore, #tpu.memory_space<semaphore_mem>>
        %dma_start3A_2657 = tpu.memref_slice %arg2[%add3A_13] : memref<16384xi32, #tpu.memory_space<hbm>> -> memref<32xi32, #tpu.memory_space<hbm>>
        %dma_start3A_2658 = tpu.memref_slice %arg2[%add3A_13] : memref<16384xi32, #tpu.memory_space<hbm>> -> memref<32xi32, #tpu.memory_space<hbm>>
        tpu.enqueue_dma source(%dma_start3A_2658 : memref<32xi32, #tpu.memory_space<hbm>>) target(%arg6 : memref<32xi32, #tpu.memory_space<vmem>>) target_semaphore(%run_scoped3A : memref<!tpu.dma_semaphore, #tpu.memory_space<semaphore_mem>>)
        %dma_wait3A_2659 = tpu.memref_slice %arg2[%add3A_13] : memref<16384xi32, #tpu.memory_space<hbm>> -> memref<32xi32, #tpu.memory_space<hbm>>
        %dma_wait3A_2660 = tpu.memref_slice %arg2[%add3A_13] : memref<16384xi32, #tpu.memory_space<hbm>> -> memref<32xi32, #tpu.memory_space<hbm>>
        tpu.wait_dma2 semaphore(%run_scoped3A : memref<!tpu.dma_semaphore, #tpu.memory_space<semaphore_mem>>) src(%dma_wait3A_2660 : memref<32xi32, #tpu.memory_space<hbm>>) dst(%arg6 : memref<32xi32, #tpu.memory_space<vmem>>)
        tpu.yield
      }) : () -> ()
      "tpu.region"() ({
        %run_scoped3A = tpu.sem_alloc : memref<!tpu.dma_semaphore, #tpu.memory_space<semaphore_mem>>
        %dma_start3A_2657 = tpu.memref_slice %arg3[%add3A_13] : memref<16384xi32, #tpu.memory_space<hbm>> -> memref<32xi32, #tpu.memory_space<hbm>>
        %dma_start3A_2658 = tpu.memref_slice %arg3[%add3A_13] : memref<16384xi32, #tpu.memory_space<hbm>> -> memref<32xi32, #tpu.memory_space<hbm>>
        tpu.enqueue_dma source(%dma_start3A_2658 : memref<32xi32, #tpu.memory_space<hbm>>) target(%arg7 : memref<32xi32, #tpu.memory_space<vmem>>) target_semaphore(%run_scoped3A : memref<!tpu.dma_semaphore, #tpu.memory_space<semaphore_mem>>)
        %dma_wait3A_2659 = tpu.memref_slice %arg3[%add3A_13] : memref<16384xi32, #tpu.memory_space<hbm>> -> memref<32xi32, #tpu.memory_space<hbm>>
        %dma_wait3A_2660 = tpu.memref_slice %arg3[%add3A_13] : memref<16384xi32, #tpu.memory_space<hbm>> -> memref<32xi32, #tpu.memory_space<hbm>>
        tpu.wait_dma2 semaphore(%run_scoped3A : memref<!tpu.dma_semaphore, #tpu.memory_space<semaphore_mem>>) src(%dma_wait3A_2660 : memref<32xi32, #tpu.memory_space<hbm>>) dst(%arg7 : memref<32xi32, #tpu.memory_space<vmem>>)
        tpu.yield
      }) : () -> ()
      %get3A = arith.constant 0 : index
      %get3A_14 = tpu.vector_load %arg6[%get3A] {strides = array<i32>} : memref<32xi32, #tpu.memory_space<vmem>>, vector<16xi32>,
      %shift_right_logical3A = arith.constant 3 : i32
      %shift_right_logical3A_15 = vector.broadcast %shift_right_logical3A : i32 to vector<16xi32>
      %shift_right_logical3A_16 = arith.shrui %get3A_14, %shift_right_logical3A_15 : vector<16xi32>
      %get3A_17 = arith.constant 0 : index
      %get3A_18 = tpu.vector_load %arg7[%get3A_17] {strides = array<i32>} : memref<32xi32, #tpu.memory_space<vmem>>, vector<16xi32>,
      %shift_right_logical3A_19 = arith.constant 3 : i32
      %shift_right_logical3A_20 = vector.broadcast %shift_right_logical3A_19 : i32 to vector<16xi32>
      %shift_right_logical3A_21 = arith.shrui %get3A_18, %shift_right_logical3A_20 : vector<16xi32>
      %slice3A = vector.extract_strided_slice %shift_right_logical3A_16 {offsets = [0], sizes = [1], strides = [1]} : vector<16xi32> to vector<1xi32>
      %squeeze3A = vector.extract %slice3A[0] : i32 from vector<1xi32>
      %dma_start3A = arith.constant 0 : i32
      %dma_start3A_22 = arith.constant 0 : i32
      %dma_start3A_23 = arith.constant 0 : i32
      %dma_start3A_24 = tpu.memref_slice %arg8[%dma_start3A, %dma_start3A_22, %dma_start3A_23] : memref<32x8x64xf32, #tpu.memory_space<vmem>> -> memref<1x8x64xf32, #tpu.memory_space<vmem>>
      %dma_start3A_25 = tpu.memref_squeeze %dma_start3A_24 : memref<1x8x64xf32, #tpu.memory_space<vmem>> -> memref<8x64xf32, #tpu.memory_space<vmem>>
      %dma_start3A_26 = tpu.memref_reshape %arg4 : memref<1000000x64xf32, #tpu.memory_space<hbm>> -> memref<125000x8x64xf32, #tpu.memory_space<hbm>>
      %dma_start3A_27 = arith.constant 0 : i32
      %dma_start3A_28 = arith.constant 0 : i32
      %dma_start3A_29 = tpu.memref_slice %dma_start3A_26[%squeeze3A, %dma_start3A_27, %dma_start3A_28] : memref<125000x8x64xf32, #tpu.memory_space<hbm>> -> memref<1x8x64xf32, #tpu.memory_space<hbm>>
      %dma_start3A_30 = tpu.memref_squeeze %dma_start3A_29 : memref<1x8x64xf32, #tpu.memory_space<hbm>> -> memref<8x64xf32, #tpu.memory_space<hbm>>
      %dma_start3A_31 = arith.constant 0 : i32
      %dma_start3A_32 = arith.constant 0 : i32
      %dma_start3A_33 = tpu.memref_slice %arg8[%dma_start3A, %dma_start3A_31, %dma_start3A_32] : memref<32x8x64xf32, #tpu.memory_space<vmem>> -> memref<1x8x64xf32, #tpu.memory_space<vmem>>
      %dma_start3A_34 = tpu.memref_squeeze %dma_start3A_33 : memref<1x8x64xf32, #tpu.memory_space<vmem>> -> memref<8x64xf32, #tpu.memory_space<vmem>>
      %dma_start3A_35 = tpu.memref_reshape %arg4 : memref<1000000x64xf32, #tpu.memory_space<hbm>> -> memref<125000x8x64xf32, #tpu.memory_space<hbm>>
      %dma_start3A_36 = arith.constant 0 : i32
      %dma_start3A_37 = arith.constant 0 : i32
      %dma_start3A_38 = tpu.memref_slice %dma_start3A_35[%squeeze3A, %dma_start3A_36, %dma_start3A_37] : memref<125000x8x64xf32, #tpu.memory_space<hbm>> -> memref<1x8x64xf32, #tpu.memory_space<hbm>>
      %dma_start3A_39 = tpu.memref_squeeze %dma_start3A_38 : memref<1x8x64xf32, #tpu.memory_space<hbm>> -> memref<8x64xf32, #tpu.memory_space<hbm>>
      tpu.enqueue_dma source(%dma_start3A_39 : memref<8x64xf32, #tpu.memory_space<hbm>>) target(%dma_start3A_34 : memref<8x64xf32, #tpu.memory_space<vmem>>) target_semaphore(%arg11 : memref<!tpu.dma_semaphore, #tpu.memory_space<semaphore_mem>>)
      %slice3A_40 = vector.extract_strided_slice %shift_right_logical3A_21 {offsets = [0], sizes = [1], strides = [1]} : vector<16xi32> to vector<1xi32>
      %squeeze3A_41 = vector.extract %slice3A_40[0] : i32 from vector<1xi32>
      %dma_start3A_42 = arith.constant 0 : i32
      %dma_start3A_43 = arith.constant 0 : i32
      %dma_start3A_44 = arith.constant 0 : i32
      %dma_start3A_45 = tpu.memref_slice %arg9[%dma_start3A_42, %dma_start3A_43, %dma_start3A_44] : memref<32x8x64xf32, #tpu.memory_space<vmem>> -> memref<1x8x64xf32, #tpu.memory_space<vmem>>
      %dma_start3A_46 = tpu.memref_squeeze %dma_start3A_45 : memref<1x8x64xf32, #tpu.memory_space<vmem>> -> memref<8x64xf32, #tpu.memory_space<vmem>>
      %dma_start3A_47 = tpu.memref_reshape %arg4 : memref<1000000x64xf32, #tpu.memory_space<hbm>> -> memref<125000x8x64xf32, #tpu.memory_space<hbm>>
      %dma_start3A_48 = arith.constant 0 : i32
      %dma_start3A_49 = arith.constant 0 : i32
      %dma_start3A_50 = tpu.memref_slice %dma_start3A_47[%squeeze3A_41, %dma_start3A_48, %dma_start3A_49] : memref<125000x8x64xf32, #tpu.memory_space<hbm>> -> memref<1x8x64xf32, #tpu.memory_space<hbm>>
      %dma_start3A_51 = tpu.memref_squeeze %dma_start3A_50 : memref<1x8x64xf32, #tpu.memory_space<hbm>> -> memref<8x64xf32, #tpu.memory_space<hbm>>
      %dma_start3A_52 = arith.constant 0 : i32
      %dma_start3A_53 = arith.constant 0 : i32
      %dma_start3A_54 = tpu.memref_slice %arg9[%dma_start3A_42, %dma_start3A_52, %dma_start3A_53] : memref<32x8x64xf32, #tpu.memory_space<vmem>> -> memref<1x8x64xf32, #tpu.memory_space<vmem>>
      %dma_start3A_55 = tpu.memref_squeeze %dma_start3A_54 : memref<1x8x64xf32, #tpu.memory_space<vmem>> -> memref<8x64xf32, #tpu.memory_space<vmem>>
      %dma_start3A_56 = tpu.memref_reshape %arg4 : memref<1000000x64xf32, #tpu.memory_space<hbm>> -> memref<125000x8x64xf32, #tpu.memory_space<hbm>>
      %dma_start3A_57 = arith.constant 0 : i32
      %dma_start3A_58 = arith.constant 0 : i32
      %dma_start3A_59 = tpu.memref_slice %dma_start3A_56[%squeeze3A_41, %dma_start3A_57, %dma_start3A_58] : memref<125000x8x64xf32, #tpu.memory_space<hbm>> -> memref<1x8x64xf32, #tpu.memory_space<hbm>>
      %dma_start3A_60 = tpu.memref_squeeze %dma_start3A_59 : memref<1x8x64xf32, #tpu.memory_space<hbm>> -> memref<8x64xf32, #tpu.memory_space<hbm>>
      tpu.enqueue_dma source(%dma_start3A_60 : memref<8x64xf32, #tpu.memory_space<hbm>>) target(%dma_start3A_55 : memref<8x64xf32, #tpu.memory_space<vmem>>) target_semaphore(%arg12 : memref<!tpu.dma_semaphore, #tpu.memory_space<semaphore_mem>>)
      %slice3A_61 = vector.extract_strided_slice %shift_right_logical3A_16 {offsets = [1], sizes = [1], strides = [1]} : vector<16xi32> to vector<1xi32>
      %squeeze3A_62 = vector.extract %slice3A_61[0] : i32 from vector<1xi32>
      %dma_start3A_63 = arith.constant 1 : i32
      %dma_start3A_64 = arith.constant 0 : i32
      %dma_start3A_65 = arith.constant 0 : i32
      %dma_start3A_66 = tpu.memref_slice %arg8[%dma_start3A_63, %dma_start3A_64, %dma_start3A_65] : memref<32x8x64xf32, #tpu.memory_space<vmem>> -> memref<1x8x64xf32, #tpu.memory_space<vmem>>
      %dma_start3A_67 = tpu.memref_squeeze %dma_start3A_66 : memref<1x8x64xf32, #tpu.memory_space<vmem>> -> memref<8x64xf32, #tpu.memory_space<vmem>>
      %dma_start3A_68 = tpu.memref_reshape %arg4 : memref<1000000x64xf32, #tpu.memory_space<hbm>> -> memref<125000x8x64xf32, #tpu.memory_space<hbm>>
      %dma_start3A_69 = arith.constant 0 : i32
      %dma_start3A_70 = arith.constant 0 : i32
      %dma_start3A_71 = tpu.memref_slice %dma_start3A_68[%squeeze3A_62, %dma_start3A_69, %dma_start3A_70] : memref<125000x8x64xf32, #tpu.memory_space<hbm>> -> memref<1x8x64xf32, #tpu.memory_space<hbm>>
      %dma_start3A_72 = tpu.memref_squeeze %dma_start3A_71 : memref<1x8x64xf32, #tpu.memory_space<hbm>> -> memref<8x64xf32, #tpu.memory_space<hbm>>
      %dma_start3A_73 = arith.constant 0 : i32
      %dma_start3A_74 = arith.constant 0 : i32
      %dma_start3A_75 = tpu.memref_slice %arg8[%dma_start3A_63, %dma_start3A_73, %dma_start3A_74] : memref<32x8x64xf32, #tpu.memory_space<vmem>> -> memref<1x8x64xf32, #tpu.memory_space<vmem>>
      %dma_start3A_76 = tpu.memref_squeeze %dma_start3A_75 : memref<1x8x64xf32, #tpu.memory_space<vmem>> -> memref<8x64xf32, #tpu.memory_space<vmem>>
      %dma_start3A_77 = tpu.memref_reshape %arg4 : memref<1000000x64xf32, #tpu.memory_space<hbm>> -> memref<125000x8x64xf32, #tpu.memory_space<hbm>>
      %dma_start3A_78 = arith.constant 0 : i32
      %dma_start3A_79 = arith.constant 0 : i32
      %dma_start3A_80 = tpu.memref_slice %dma_start3A_77[%squeeze3A_62, %dma_start3A_78, %dma_start3A_79] : memref<125000x8x64xf32, #tpu.memory_space<hbm>> -> memref<1x8x64xf32, #tpu.memory_space<hbm>>
      %dma_start3A_81 = tpu.memref_squeeze %dma_start3A_80 : memref<1x8x64xf32, #tpu.memory_space<hbm>> -> memref<8x64xf32, #tpu.memory_space<hbm>>
      tpu.enqueue_dma source(%dma_start3A_81 : memref<8x64xf32, #tpu.memory_space<hbm>>) target(%dma_start3A_76 : memref<8x64xf32, #tpu.memory_space<vmem>>) target_semaphore(%arg11 : memref<!tpu.dma_semaphore, #tpu.memory_space<semaphore_mem>>)
      %slice3A_82 = vector.extract_strided_slice %shift_right_logical3A_21 {offsets = [1], sizes = [1], strides = [1]} : vector<16xi32> to vector<1xi32>
      %squeeze3A_83 = vector.extract %slice3A_82[0] : i32 from vector<1xi32>
      %dma_start3A_84 = arith.constant 1 : i32
      %dma_start3A_85 = arith.constant 0 : i32
      %dma_start3A_86 = arith.constant 0 : i32
      %dma_start3A_87 = tpu.memref_slice %arg9[%dma_start3A_84, %dma_start3A_85, %dma_start3A_86] : memref<32x8x64xf32, #tpu.memory_space<vmem>> -> memref<1x8x64xf32, #tpu.memory_space<vmem>>
      %dma_start3A_88 = tpu.memref_squeeze %dma_start3A_87 : memref<1x8x64xf32, #tpu.memory_space<vmem>> -> memref<8x64xf32, #tpu.memory_space<vmem>>
      %dma_start3A_89 = tpu.memref_reshape %arg4 : memref<1000000x64xf32, #tpu.memory_space<hbm>> -> memref<125000x8x64xf32, #tpu.memory_space<hbm>>
      %dma_start3A_90 = arith.constant 0 : i32
      %dma_start3A_91 = arith.constant 0 : i32
      %dma_start3A_92 = tpu.memref_slice %dma_start3A_89[%squeeze3A_83, %dma_start3A_90, %dma_start3A_91] : memref<125000x8x64xf32, #tpu.memory_space<hbm>> -> memref<1x8x64xf32, #tpu.memory_space<hbm>>
      %dma_start3A_93 = tpu.memref_squeeze %dma_start3A_92 : memref<1x8x64xf32, #tpu.memory_space<hbm>> -> memref<8x64xf32, #tpu.memory_space<hbm>>
      %dma_start3A_94 = arith.constant 0 : i32
      %dma_start3A_95 = arith.constant 0 : i32
      %dma_start3A_96 = tpu.memref_slice %arg9[%dma_start3A_84, %dma_start3A_94, %dma_start3A_95] : memref<32x8x64xf32, #tpu.memory_space<vmem>> -> memref<1x8x64xf32, #tpu.memory_space<vmem>>
      %dma_start3A_97 = tpu.memref_squeeze %dma_start3A_96 : memref<1x8x64xf32, #tpu.memory_space<vmem>> -> memref<8x64xf32, #tpu.memory_space<vmem>>
      %dma_start3A_98 = tpu.memref_reshape %arg4 : memref<1000000x64xf32, #tpu.memory_space<hbm>> -> memref<125000x8x64xf32, #tpu.memory_space<hbm>>
      %dma_start3A_99 = arith.constant 0 : i32
      %dma_start3A_100 = arith.constant 0 : i32
      %dma_start3A_101 = tpu.memref_slice %dma_start3A_98[%squeeze3A_83, %dma_start3A_99, %dma_start3A_100] : memref<125000x8x64xf32, #tpu.memory_space<hbm>> -> memref<1x8x64xf32, #tpu.memory_space<hbm>>
      %dma_start3A_102 = tpu.memref_squeeze %dma_start3A_101 : memref<1x8x64xf32, #tpu.memory_space<hbm>> -> memref<8x64xf32, #tpu.memory_space<hbm>>
      tpu.enqueue_dma source(%dma_start3A_102 : memref<8x64xf32, #tpu.memory_space<hbm>>) target(%dma_start3A_97 : memref<8x64xf32, #tpu.memory_space<vmem>>) target_semaphore(%arg12 : memref<!tpu.dma_semaphore, #tpu.memory_space<semaphore_mem>>)
      %slice3A_103 = vector.extract_strided_slice %shift_right_logical3A_16 {offsets = [2], sizes = [1], strides = [1]} : vector<16xi32> to vector<1xi32>
      %squeeze3A_104 = vector.extract %slice3A_103[0] : i32 from vector<1xi32>
      %dma_start3A_105 = arith.constant 2 : i32
      %dma_start3A_106 = arith.constant 0 : i32
      %dma_start3A_107 = arith.constant 0 : i32
      %dma_start3A_108 = tpu.memref_slice %arg8[%dma_start3A_105, %dma_start3A_106, %dma_start3A_107] : memref<32x8x64xf32, #tpu.memory_space<vmem>> -> memref<1x8x64xf32, #tpu.memory_space<vmem>>
      %dma_start3A_109 = tpu.memref_squeeze %dma_start3A_108 : memref<1x8x64xf32, #tpu.memory_space<vmem>> -> memref<8x64xf32, #tpu.memory_space<vmem>>
      %dma_start3A_110 = tpu.memref_reshape %arg4 : memref<1000000x64xf32, #tpu.memory_space<hbm>> -> memref<125000x8x64xf32, #tpu.memory_space<hbm>>
      %dma_start3A_111 = arith.constant 0 : i32
      %dma_start3A_112 = arith.constant 0 : i32
      %dma_start3A_113 = tpu.memref_slice %dma_start3A_110[%squeeze3A_104, %dma_start3A_111, %dma_start3A_112] : memref<125000x8x64xf32, #tpu.memory_space<hbm>> -> memref<1x8x64xf32, #tpu.memory_space<hbm>>
      %dma_start3A_114 = tpu.memref_squeeze %dma_start3A_113 : memref<1x8x64xf32, #tpu.memory_space<hbm>> -> memref<8x64xf32, #tpu.memory_space<hbm>>
      %dma_start3A_115 = arith.constant 0 : i32
      %dma_start3A_116 = arith.constant 0 : i32
      %dma_start3A_117 = tpu.memref_slice %arg8[%dma_start3A_105, %dma_start3A_115, %dma_start3A_116] : memref<32x8x64xf32, #tpu.memory_space<vmem>> -> memref<1x8x64xf32, #tpu.memory_space<vmem>>
      %dma_start3A_118 = tpu.memref_squeeze %dma_start3A_117 : memref<1x8x64xf32, #tpu.memory_space<vmem>> -> memref<8x64xf32, #tpu.memory_space<vmem>>
      %dma_start3A_119 = tpu.memref_reshape %arg4 : memref<1000000x64xf32, #tpu.memory_space<hbm>> -> memref<125000x8x64xf32, #tpu.memory_space<hbm>>
      %dma_start3A_120 = arith.constant 0 : i32
      %dma_start3A_121 = arith.constant 0 : i32
      %dma_start3A_122 = tpu.memref_slice %dma_start3A_119[%squeeze3A_104, %dma_start3A_120, %dma_start3A_121] : memref<125000x8x64xf32, #tpu.memory_space<hbm>> -> memref<1x8x64xf32, #tpu.memory_space<hbm>>
      %dma_start3A_123 = tpu.memref_squeeze %dma_start3A_122 : memref<1x8x64xf32, #tpu.memory_space<hbm>> -> memref<8x64xf32, #tpu.memory_space<hbm>>
      tpu.enqueue_dma source(%dma_start3A_123 : memref<8x64xf32, #tpu.memory_space<hbm>>) target(%dma_start3A_118 : memref<8x64xf32, #tpu.memory_space<vmem>>) target_semaphore(%arg11 : memref<!tpu.dma_semaphore, #tpu.memory_space<semaphore_mem>>)
      %slice3A_124 = vector.extract_strided_slice %shift_right_logical3A_21 {offsets = [2], sizes = [1], strides = [1]} : vector<16xi32> to vector<1xi32>
      %squeeze3A_125 = vector.extract %slice3A_124[0] : i32 from vector<1xi32>
      %dma_start3A_126 = arith.constant 2 : i32
      %dma_start3A_127 = arith.constant 0 : i32
      %dma_start3A_128 = arith.constant 0 : i32
      %dma_start3A_129 = tpu.memref_slice %arg9[%dma_start3A_126, %dma_start3A_127, %dma_start3A_128] : memref<32x8x64xf32, #tpu.memory_space<vmem>> -> memref<1x8x64xf32, #tpu.memory_space<vmem>>
      %dma_start3A_130 = tpu.memref_squeeze %dma_start3A_129 : memref<1x8x64xf32, #tpu.memory_space<vmem>> -> memref<8x64xf32, #tpu.memory_space<vmem>>
      %dma_start3A_131 = tpu.memref_reshape %arg4 : memref<1000000x64xf32, #tpu.memory_space<hbm>> -> memref<125000x8x64xf32, #tpu.memory_space<hbm>>
      %dma_start3A_132 = arith.constant 0 : i32
      %dma_start3A_133 = arith.constant 0 : i32
      %dma_start3A_134 = tpu.memref_slice %dma_start3A_131[%squeeze3A_125, %dma_start3A_132, %dma_start3A_133] : memref<125000x8x64xf32, #tpu.memory_space<hbm>> -> memref<1x8x64xf32, #tpu.memory_space<hbm>>
      %dma_start3A_135 = tpu.memref_squeeze %dma_start3A_134 : memref<1x8x64xf32, #tpu.memory_space<hbm>> -> memref<8x64xf32, #tpu.memory_space<hbm>>
      %dma_start3A_136 = arith.constant 0 : i32
      %dma_start3A_137 = arith.constant 0 : i32
      %dma_start3A_138 = tpu.memref_slice %arg9[%dma_start3A_126, %dma_start3A_136, %dma_start3A_137] : memref<32x8x64xf32, #tpu.memory_space<vmem>> -> memref<1x8x64xf32, #tpu.memory_space<vmem>>
      %dma_start3A_139 = tpu.memref_squeeze %dma_start3A_138 : memref<1x8x64xf32, #tpu.memory_space<vmem>> -> memref<8x64xf32, #tpu.memory_space<vmem>>
      %dma_start3A_140 = tpu.memref_reshape %arg4 : memref<1000000x64xf32, #tpu.memory_space<hbm>> -> memref<125000x8x64xf32, #tpu.memory_space<hbm>>
      %dma_start3A_141 = arith.constant 0 : i32
      %dma_start3A_142 = arith.constant 0 : i32
      %dma_start3A_143 = tpu.memref_slice %dma_start3A_140[%squeeze3A_125, %dma_start3A_141, %dma_start3A_142] : memref<125000x8x64xf32, #tpu.memory_space<hbm>> -> memref<1x8x64xf32, #tpu.memory_space<hbm>>
      %dma_start3A_144 = tpu.memref_squeeze %dma_start3A_143 : memref<1x8x64xf32, #tpu.memory_space<hbm>> -> memref<8x64xf32, #tpu.memory_space<hbm>>
      tpu.enqueue_dma source(%dma_start3A_144 : memref<8x64xf32, #tpu.memory_space<hbm>>) target(%dma_start3A_139 : memref<8x64xf32, #tpu.memory_space<vmem>>) target_semaphore(%arg12 : memref<!tpu.dma_semaphore, #tpu.memory_space<semaphore_mem>>)
      %slice3A_145 = vector.extract_strided_slice %shift_right_logical3A_16 {offsets = [3], sizes = [1], strides = [1]} : vector<16xi32> to vector<1xi32>
      %squeeze3A_146 = vector.extract %slice3A_145[0] : i32 from vector<1xi32>
      %dma_start3A_147 = arith.constant 3 : i32
      %dma_start3A_148 = arith.constant 0 : i32
      %dma_start3A_149 = arith.constant 0 : i32
      %dma_start3A_150 = tpu.memref_slice %arg8[%dma_start3A_147, %dma_start3A_148, %dma_start3A_149] : memref<32x8x64xf32, #tpu.memory_space<vmem>> -> memref<1x8x64xf32, #tpu.memory_space<vmem>>
      %dma_start3A_151 = tpu.memref_squeeze %dma_start3A_150 : memref<1x8x64xf32, #tpu.memory_space<vmem>> -> memref<8x64xf32, #tpu.memory_space<vmem>>
      %dma_start3A_152 = tpu.memref_reshape %arg4 : memref<1000000x64xf32, #tpu.memory_space<hbm>> -> memref<125000x8x64xf32, #tpu.memory_space<hbm>>
      %dma_start3A_153 = arith.constant 0 : i32
      %dma_start3A_154 = arith.constant 0 : i32
      %dma_start3A_155 = tpu.memref_slice %dma_start3A_152[%squeeze3A_146, %dma_start3A_153, %dma_start3A_154] : memref<125000x8x64xf32, #tpu.memory_space<hbm>> -> memref<1x8x64xf32, #tpu.memory_space<hbm>>
      %dma_start3A_156 = tpu.memref_squeeze %dma_start3A_155 : memref<1x8x64xf32, #tpu.memory_space<hbm>> -> memref<8x64xf32, #tpu.memory_space<hbm>>
      %dma_start3A_157 = arith.constant 0 : i32
      %dma_start3A_158 = arith.constant 0 : i32
      %dma_start3A_159 = tpu.memref_slice %arg8[%dma_start3A_147, %dma_start3A_157, %dma_start3A_158] : memref<32x8x64xf32, #tpu.memory_space<vmem>> -> memref<1x8x64xf32, #tpu.memory_space<vmem>>
      %dma_start3A_160 = tpu.memref_squeeze %dma_start3A_159 : memref<1x8x64xf32, #tpu.memory_space<vmem>> -> memref<8x64xf32, #tpu.memory_space<vmem>>
      %dma_start3A_161 = tpu.memref_reshape %arg4 : memref<1000000x64xf32, #tpu.memory_space<hbm>> -> memref<125000x8x64xf32, #tpu.memory_space<hbm>>
      %dma_start3A_162 = arith.constant 0 : i32
      %dma_start3A_163 = arith.constant 0 : i32
      %dma_start3A_164 = tpu.memref_slice %dma_start3A_161[%squeeze3A_146, %dma_start3A_162, %dma_start3A_163] : memref<125000x8x64xf32, #tpu.memory_space<hbm>> -> memref<1x8x64xf32, #tpu.memory_space<hbm>>
      %dma_start3A_165 = tpu.memref_squeeze %dma_start3A_164 : memref<1x8x64xf32, #tpu.memory_space<hbm>> -> memref<8x64xf32, #tpu.memory_space<hbm>>
      tpu.enqueue_dma source(%dma_start3A_165 : memref<8x64xf32, #tpu.memory_space<hbm>>) target(%dma_start3A_160 : memref<8x64xf32, #tpu.memory_space<vmem>>) target_semaphore(%arg11 : memref<!tpu.dma_semaphore, #tpu.memory_space<semaphore_mem>>)
      %slice3A_166 = vector.extract_strided_slice %shift_right_logical3A_21 {offsets = [3], sizes = [1], strides = [1]} : vector<16xi32> to vector<1xi32>
      %squeeze3A_167 = vector.extract %slice3A_166[0] : i32 from vector<1xi32>
      %dma_start3A_168 = arith.constant 3 : i32
      %dma_start3A_169 = arith.constant 0 : i32
      %dma_start3A_170 = arith.constant 0 : i32
      %dma_start3A_171 = tpu.memref_slice %arg9[%dma_start3A_168, %dma_start3A_169, %dma_start3A_170] : memref<32x8x64xf32, #tpu.memory_space<vmem>> -> memref<1x8x64xf32, #tpu.memory_space<vmem>>
      %dma_start3A_172 = tpu.memref_squeeze %dma_start3A_171 : memref<1x8x64xf32, #tpu.memory_space<vmem>> -> memref<8x64xf32, #tpu.memory_space<vmem>>
      %dma_start3A_173 = tpu.memref_reshape %arg4 : memref<1000000x64xf32, #tpu.memory_space<hbm>> -> memref<125000x8x64xf32, #tpu.memory_space<hbm>>
      %dma_start3A_174 = arith.constant 0 : i32
      %dma_start3A_175 = arith.constant 0 : i32
      %dma_start3A_176 = tpu.memref_slice %dma_start3A_173[%squeeze3A_167, %dma_start3A_174, %dma_start3A_175] : memref<125000x8x64xf32, #tpu.memory_space<hbm>> -> memref<1x8x64xf32, #tpu.memory_space<hbm>>
      %dma_start3A_177 = tpu.memref_squeeze %dma_start3A_176 : memref<1x8x64xf32, #tpu.memory_space<hbm>> -> memref<8x64xf32, #tpu.memory_space<hbm>>
      %dma_start3A_178 = arith.constant 0 : i32
      %dma_start3A_179 = arith.constant 0 : i32
      %dma_start3A_180 = tpu.memref_slice %arg9[%dma_start3A_168, %dma_start3A_178, %dma_start3A_179] : memref<32x8x64xf32, #tpu.memory_space<vmem>> -> memref<1x8x64xf32, #tpu.memory_space<vmem>>
      %dma_start3A_181 = tpu.memref_squeeze %dma_start3A_180 : memref<1x8x64xf32, #tpu.memory_space<vmem>> -> memref<8x64xf32, #tpu.memory_space<vmem>>
      %dma_start3A_182 = tpu.memref_reshape %arg4 : memref<1000000x64xf32, #tpu.memory_space<hbm>> -> memref<125000x8x64xf32, #tpu.memory_space<hbm>>
      %dma_start3A_183 = arith.constant 0 : i32
      %dma_start3A_184 = arith.constant 0 : i32
      %dma_start3A_185 = tpu.memref_slice %dma_start3A_182[%squeeze3A_167, %dma_start3A_183, %dma_start3A_184] : memref<125000x8x64xf32, #tpu.memory_space<hbm>> -> memref<1x8x64xf32, #tpu.memory_space<hbm>>
      %dma_start3A_186 = tpu.memref_squeeze %dma_start3A_185 : memref<1x8x64xf32, #tpu.memory_space<hbm>> -> memref<8x64xf32, #tpu.memory_space<hbm>>
      tpu.enqueue_dma source(%dma_start3A_186 : memref<8x64xf32, #tpu.memory_space<hbm>>) target(%dma_start3A_181 : memref<8x64xf32, #tpu.memory_space<vmem>>) target_semaphore(%arg12 : memref<!tpu.dma_semaphore, #tpu.memory_space<semaphore_mem>>)
      %slice3A_187 = vector.extract_strided_slice %shift_right_logical3A_16 {offsets = [4], sizes = [1], strides = [1]} : vector<16xi32> to vector<1xi32>
      %squeeze3A_188 = vector.extract %slice3A_187[0] : i32 from vector<1xi32>
      %dma_start3A_189 = arith.constant 4 : i32
      %dma_start3A_190 = arith.constant 0 : i32
      %dma_start3A_191 = arith.constant 0 : i32
      %dma_start3A_192 = tpu.memref_slice %arg8[%dma_start3A_189, %dma_start3A_190, %dma_start3A_191] : memref<32x8x64xf32, #tpu.memory_space<vmem>> -> memref<1x8x64xf32, #tpu.memory_space<vmem>>
      %dma_start3A_193 = tpu.memref_squeeze %dma_start3A_192 : memref<1x8x64xf32, #tpu.memory_space<vmem>> -> memref<8x64xf32, #tpu.memory_space<vmem>>
      %dma_start3A_194 = tpu.memref_reshape %arg4 : memref<1000000x64xf32, #tpu.memory_space<hbm>> -> memref<125000x8x64xf32, #tpu.memory_space<hbm>>
      %dma_start3A_195 = arith.constant 0 : i32
      %dma_start3A_196 = arith.constant 0 : i32
      %dma_start3A_197 = tpu.memref_slice %dma_start3A_194[%squeeze3A_188, %dma_start3A_195, %dma_start3A_196] : memref<125000x8x64xf32, #tpu.memory_space<hbm>> -> memref<1x8x64xf32, #tpu.memory_space<hbm>>
      %dma_start3A_198 = tpu.memref_squeeze %dma_start3A_197 : memref<1x8x64xf32, #tpu.memory_space<hbm>> -> memref<8x64xf32, #tpu.memory_space<hbm>>
      %dma_start3A_199 = arith.constant 0 : i32
      %dma_start3A_200 = arith.constant 0 : i32
      %dma_start3A_201 = tpu.memref_slice %arg8[%dma_start3A_189, %dma_start3A_199, %dma_start3A_200] : memref<32x8x64xf32, #tpu.memory_space<vmem>> -> memref<1x8x64xf32, #tpu.memory_space<vmem>>
      %dma_start3A_202 = tpu.memref_squeeze %dma_start3A_201 : memref<1x8x64xf32, #tpu.memory_space<vmem>> -> memref<8x64xf32, #tpu.memory_space<vmem>>
      %dma_start3A_203 = tpu.memref_reshape %arg4 : memref<1000000x64xf32, #tpu.memory_space<hbm>> -> memref<125000x8x64xf32, #tpu.memory_space<hbm>>
      %dma_start3A_204 = arith.constant 0 : i32
      %dma_start3A_205 = arith.constant 0 : i32
      %dma_start3A_206 = tpu.memref_slice %dma_start3A_203[%squeeze3A_188, %dma_start3A_204, %dma_start3A_205] : memref<125000x8x64xf32, #tpu.memory_space<hbm>> -> memref<1x8x64xf32, #tpu.memory_space<hbm>>
      %dma_start3A_207 = tpu.memref_squeeze %dma_start3A_206 : memref<1x8x64xf32, #tpu.memory_space<hbm>> -> memref<8x64xf32, #tpu.memory_space<hbm>>
      tpu.enqueue_dma source(%dma_start3A_207 : memref<8x64xf32, #tpu.memory_space<hbm>>) target(%dma_start3A_202 : memref<8x64xf32, #tpu.memory_space<vmem>>) target_semaphore(%arg11 : memref<!tpu.dma_semaphore, #tpu.memory_space<semaphore_mem>>)
      %slice3A_208 = vector.extract_strided_slice %shift_right_logical3A_21 {offsets = [4], sizes = [1], strides = [1]} : vector<16xi32> to vector<1xi32>
      %squeeze3A_209 = vector.extract %slice3A_208[0] : i32 from vector<1xi32>
      %dma_start3A_210 = arith.constant 4 : i32
      %dma_start3A_211 = arith.constant 0 : i32
      %dma_start3A_212 = arith.constant 0 : i32
      %dma_start3A_213 = tpu.memref_slice %arg9[%dma_start3A_210, %dma_start3A_211, %dma_start3A_212] : memref<32x8x64xf32, #tpu.memory_space<vmem>> -> memref<1x8x64xf32, #tpu.memory_space<vmem>>
      %dma_start3A_214 = tpu.memref_squeeze %dma_start3A_213 : memref<1x8x64xf32, #tpu.memory_space<vmem>> -> memref<8x64xf32, #tpu.memory_space<vmem>>
      %dma_start3A_215 = tpu.memref_reshape %arg4 : memref<1000000x64xf32, #tpu.memory_space<hbm>> -> memref<125000x8x64xf32, #tpu.memory_space<hbm>>
      %dma_start3A_216 = arith.constant 0 : i32
      %dma_start3A_217 = arith.constant 0 : i32
      %dma_start3A_218 = tpu.memref_slice %dma_start3A_215[%squeeze3A_209, %dma_start3A_216, %dma_start3A_217] : memref<125000x8x64xf32, #tpu.memory_space<hbm>> -> memref<1x8x64xf32, #tpu.memory_space<hbm>>
      %dma_start3A_219 = tpu.memref_squeeze %dma_start3A_218 : memref<1x8x64xf32, #tpu.memory_space<hbm>> -> memref<8x64xf32, #tpu.memory_space<hbm>>
      %dma_start3A_220 = arith.constant 0 : i32
      %dma_start3A_221 = arith.constant 0 : i32
      %dma_start3A_222 = tpu.memref_slice %arg9[%dma_start3A_210, %dma_start3A_220, %dma_start3A_221] : memref<32x8x64xf32, #tpu.memory_space<vmem>> -> memref<1x8x64xf32, #tpu.memory_space<vmem>>
      %dma_start3A_223 = tpu.memref_squeeze %dma_start3A_222 : memref<1x8x64xf32, #tpu.memory_space<vmem>> -> memref<8x64xf32, #tpu.memory_space<vmem>>
      %dma_start3A_224 = tpu.memref_reshape %arg4 : memref<1000000x64xf32, #tpu.memory_space<hbm>> -> memref<125000x8x64xf32, #tpu.memory_space<hbm>>
      %dma_start3A_225 = arith.constant 0 : i32
      %dma_start3A_226 = arith.constant 0 : i32
      %dma_start3A_227 = tpu.memref_slice %dma_start3A_224[%squeeze3A_209, %dma_start3A_225, %dma_start3A_226] : memref<125000x8x64xf32, #tpu.memory_space<hbm>> -> memref<1x8x64xf32, #tpu.memory_space<hbm>>
      %dma_start3A_228 = tpu.memref_squeeze %dma_start3A_227 : memref<1x8x64xf32, #tpu.memory_space<hbm>> -> memref<8x64xf32, #tpu.memory_space<hbm>>
      tpu.enqueue_dma source(%dma_start3A_228 : memref<8x64xf32, #tpu.memory_space<hbm>>) target(%dma_start3A_223 : memref<8x64xf32, #tpu.memory_space<vmem>>) target_semaphore(%arg12 : memref<!tpu.dma_semaphore, #tpu.memory_space<semaphore_mem>>)
      %slice3A_229 = vector.extract_strided_slice %shift_right_logical3A_16 {offsets = [5], sizes = [1], strides = [1]} : vector<16xi32> to vector<1xi32>
      %squeeze3A_230 = vector.extract %slice3A_229[0] : i32 from vector<1xi32>
      %dma_start3A_231 = arith.constant 5 : i32
      %dma_start3A_232 = arith.constant 0 : i32
      %dma_start3A_233 = arith.constant 0 : i32
      %dma_start3A_234 = tpu.memref_slice %arg8[%dma_start3A_231, %dma_start3A_232, %dma_start3A_233] : memref<32x8x64xf32, #tpu.memory_space<vmem>> -> memref<1x8x64xf32, #tpu.memory_space<vmem>>
      %dma_start3A_235 = tpu.memref_squeeze %dma_start3A_234 : memref<1x8x64xf32, #tpu.memory_space<vmem>> -> memref<8x64xf32, #tpu.memory_space<vmem>>
      %dma_start3A_236 = tpu.memref_reshape %arg4 : memref<1000000x64xf32, #tpu.memory_space<hbm>> -> memref<125000x8x64xf32, #tpu.memory_space<hbm>>
      %dma_start3A_237 = arith.constant 0 : i32
      %dma_start3A_238 = arith.constant 0 : i32
      %dma_start3A_239 = tpu.memref_slice %dma_start3A_236[%squeeze3A_230, %dma_start3A_237, %dma_start3A_238] : memref<125000x8x64xf32, #tpu.memory_space<hbm>> -> memref<1x8x64xf32, #tpu.memory_space<hbm>>
      %dma_start3A_240 = tpu.memref_squeeze %dma_start3A_239 : memref<1x8x64xf32, #tpu.memory_space<hbm>> -> memref<8x64xf32, #tpu.memory_space<hbm>>
      %dma_start3A_241 = arith.constant 0 : i32
      %dma_start3A_242 = arith.constant 0 : i32
      %dma_start3A_243 = tpu.memref_slice %arg8[%dma_start3A_231, %dma_start3A_241, %dma_start3A_242] : memref<32x8x64xf32, #tpu.memory_space<vmem>> -> memref<1x8x64xf32, #tpu.memory_space<vmem>>
      %dma_start3A_244 = tpu.memref_squeeze %dma_start3A_243 : memref<1x8x64xf32, #tpu.memory_space<vmem>> -> memref<8x64xf32, #tpu.memory_space<vmem>>
      %dma_start3A_245 = tpu.memref_reshape %arg4 : memref<1000000x64xf32, #tpu.memory_space<hbm>> -> memref<125000x8x64xf32, #tpu.memory_space<hbm>>
      %dma_start3A_246 = arith.constant 0 : i32
      %dma_start3A_247 = arith.constant 0 : i32
      %dma_start3A_248 = tpu.memref_slice %dma_start3A_245[%squeeze3A_230, %dma_start3A_246, %dma_start3A_247] : memref<125000x8x64xf32, #tpu.memory_space<hbm>> -> memref<1x8x64xf32, #tpu.memory_space<hbm>>
      %dma_start3A_249 = tpu.memref_squeeze %dma_start3A_248 : memref<1x8x64xf32, #tpu.memory_space<hbm>> -> memref<8x64xf32, #tpu.memory_space<hbm>>
      tpu.enqueue_dma source(%dma_start3A_249 : memref<8x64xf32, #tpu.memory_space<hbm>>) target(%dma_start3A_244 : memref<8x64xf32, #tpu.memory_space<vmem>>) target_semaphore(%arg11 : memref<!tpu.dma_semaphore, #tpu.memory_space<semaphore_mem>>)
      %slice3A_250 = vector.extract_strided_slice %shift_right_logical3A_21 {offsets = [5], sizes = [1], strides = [1]} : vector<16xi32> to vector<1xi32>
      %squeeze3A_251 = vector.extract %slice3A_250[0] : i32 from vector<1xi32>
      %dma_start3A_252 = arith.constant 5 : i32
      %dma_start3A_253 = arith.constant 0 : i32
      %dma_start3A_254 = arith.constant 0 : i32
      %dma_start3A_255 = tpu.memref_slice %arg9[%dma_start3A_252, %dma_start3A_253, %dma_start3A_254] : memref<32x8x64xf32, #tpu.memory_space<vmem>> -> memref<1x8x64xf32, #tpu.memory_space<vmem>>
      %dma_start3A_256 = tpu.memref_squeeze %dma_start3A_255 : memref<1x8x64xf32, #tpu.memory_space<vmem>> -> memref<8x64xf32, #tpu.memory_space<vmem>>
      %dma_start3A_257 = tpu.memref_reshape %arg4 : memref<1000000x64xf32, #tpu.memory_space<hbm>> -> memref<125000x8x64xf32, #tpu.memory_space<hbm>>
      %dma_start3A_258 = arith.constant 0 : i32
      %dma_start3A_259 = arith.constant 0 : i32
      %dma_start3A_260 = tpu.memref_slice %dma_start3A_257[%squeeze3A_251, %dma_start3A_258, %dma_start3A_259] : memref<125000x8x64xf32, #tpu.memory_space<hbm>> -> memref<1x8x64xf32, #tpu.memory_space<hbm>>
      %dma_start3A_261 = tpu.memref_squeeze %dma_start3A_260 : memref<1x8x64xf32, #tpu.memory_space<hbm>> -> memref<8x64xf32, #tpu.memory_space<hbm>>
      %dma_start3A_262 = arith.constant 0 : i32
      %dma_start3A_263 = arith.constant 0 : i32
      %dma_start3A_264 = tpu.memref_slice %arg9[%dma_start3A_252, %dma_start3A_262, %dma_start3A_263] : memref<32x8x64xf32, #tpu.memory_space<vmem>> -> memref<1x8x64xf32, #tpu.memory_space<vmem>>
      %dma_start3A_265 = tpu.memref_squeeze %dma_start3A_264 : memref<1x8x64xf32, #tpu.memory_space<vmem>> -> memref<8x64xf32, #tpu.memory_space<vmem>>
      %dma_start3A_266 = tpu.memref_reshape %arg4 : memref<1000000x64xf32, #tpu.memory_space<hbm>> -> memref<125000x8x64xf32, #tpu.memory_space<hbm>>
      %dma_start3A_267 = arith.constant 0 : i32
      %dma_start3A_268 = arith.constant 0 : i32
      %dma_start3A_269 = tpu.memref_slice %dma_start3A_266[%squeeze3A_251, %dma_start3A_267, %dma_start3A_268] : memref<125000x8x64xf32, #tpu.memory_space<hbm>> -> memref<1x8x64xf32, #tpu.memory_space<hbm>>
      %dma_start3A_270 = tpu.memref_squeeze %dma_start3A_269 : memref<1x8x64xf32, #tpu.memory_space<hbm>> -> memref<8x64xf32, #tpu.memory_space<hbm>>
      tpu.enqueue_dma source(%dma_start3A_270 : memref<8x64xf32, #tpu.memory_space<hbm>>) target(%dma_start3A_265 : memref<8x64xf32, #tpu.memory_space<vmem>>) target_semaphore(%arg12 : memref<!tpu.dma_semaphore, #tpu.memory_space<semaphore_mem>>)
      %slice3A_271 = vector.extract_strided_slice %shift_right_logical3A_16 {offsets = [6], sizes = [1], strides = [1]} : vector<16xi32> to vector<1xi32>
      %squeeze3A_272 = vector.extract %slice3A_271[0] : i32 from vector<1xi32>
      %dma_start3A_273 = arith.constant 6 : i32
      %dma_start3A_274 = arith.constant 0 : i32
      %dma_start3A_275 = arith.constant 0 : i32
      %dma_start3A_276 = tpu.memref_slice %arg8[%dma_start3A_273, %dma_start3A_274, %dma_start3A_275] : memref<32x8x64xf32, #tpu.memory_space<vmem>> -> memref<1x8x64xf32, #tpu.memory_space<vmem>>
      %dma_start3A_277 = tpu.memref_squeeze %dma_start3A_276 : memref<1x8x64xf32, #tpu.memory_space<vmem>> -> memref<8x64xf32, #tpu.memory_space<vmem>>
      %dma_start3A_278 = tpu.memref_reshape %arg4 : memref<1000000x64xf32, #tpu.memory_space<hbm>> -> memref<125000x8x64xf32, #tpu.memory_space<hbm>>
      %dma_start3A_279 = arith.constant 0 : i32
      %dma_start3A_280 = arith.constant 0 : i32
      %dma_start3A_281 = tpu.memref_slice %dma_start3A_278[%squeeze3A_272, %dma_start3A_279, %dma_start3A_280] : memref<125000x8x64xf32, #tpu.memory_space<hbm>> -> memref<1x8x64xf32, #tpu.memory_space<hbm>>
      %dma_start3A_282 = tpu.memref_squeeze %dma_start3A_281 : memref<1x8x64xf32, #tpu.memory_space<hbm>> -> memref<8x64xf32, #tpu.memory_space<hbm>>
      %dma_start3A_283 = arith.constant 0 : i32
      %dma_start3A_284 = arith.constant 0 : i32
      %dma_start3A_285 = tpu.memref_slice %arg8[%dma_start3A_273, %dma_start3A_283, %dma_start3A_284] : memref<32x8x64xf32, #tpu.memory_space<vmem>> -> memref<1x8x64xf32, #tpu.memory_space<vmem>>
      %dma_start3A_286 = tpu.memref_squeeze %dma_start3A_285 : memref<1x8x64xf32, #tpu.memory_space<vmem>> -> memref<8x64xf32, #tpu.memory_space<vmem>>
      %dma_start3A_287 = tpu.memref_reshape %arg4 : memref<1000000x64xf32, #tpu.memory_space<hbm>> -> memref<125000x8x64xf32, #tpu.memory_space<hbm>>
      %dma_start3A_288 = arith.constant 0 : i32
      %dma_start3A_289 = arith.constant 0 : i32
      %dma_start3A_290 = tpu.memref_slice %dma_start3A_287[%squeeze3A_272, %dma_start3A_288, %dma_start3A_289] : memref<125000x8x64xf32, #tpu.memory_space<hbm>> -> memref<1x8x64xf32, #tpu.memory_space<hbm>>
      %dma_start3A_291 = tpu.memref_squeeze %dma_start3A_290 : memref<1x8x64xf32, #tpu.memory_space<hbm>> -> memref<8x64xf32, #tpu.memory_space<hbm>>
      tpu.enqueue_dma source(%dma_start3A_291 : memref<8x64xf32, #tpu.memory_space<hbm>>) target(%dma_start3A_286 : memref<8x64xf32, #tpu.memory_space<vmem>>) target_semaphore(%arg11 : memref<!tpu.dma_semaphore, #tpu.memory_space<semaphore_mem>>)
      %slice3A_292 = vector.extract_strided_slice %shift_right_logical3A_21 {offsets = [6], sizes = [1], strides = [1]} : vector<16xi32> to vector<1xi32>
      %squeeze3A_293 = vector.extract %slice3A_292[0] : i32 from vector<1xi32>
      %dma_start3A_294 = arith.constant 6 : i32
      %dma_start3A_295 = arith.constant 0 : i32
      %dma_start3A_296 = arith.constant 0 : i32
      %dma_start3A_297 = tpu.memref_slice %arg9[%dma_start3A_294, %dma_start3A_295, %dma_start3A_296] : memref<32x8x64xf32, #tpu.memory_space<vmem>> -> memref<1x8x64xf32, #tpu.memory_space<vmem>>
      %dma_start3A_298 = tpu.memref_squeeze %dma_start3A_297 : memref<1x8x64xf32, #tpu.memory_space<vmem>> -> memref<8x64xf32, #tpu.memory_space<vmem>>
      %dma_start3A_299 = tpu.memref_reshape %arg4 : memref<1000000x64xf32, #tpu.memory_space<hbm>> -> memref<125000x8x64xf32, #tpu.memory_space<hbm>>
      %dma_start3A_300 = arith.constant 0 : i32
      %dma_start3A_301 = arith.constant 0 : i32
      %dma_start3A_302 = tpu.memref_slice %dma_start3A_299[%squeeze3A_293, %dma_start3A_300, %dma_start3A_301] : memref<125000x8x64xf32, #tpu.memory_space<hbm>> -> memref<1x8x64xf32, #tpu.memory_space<hbm>>
      %dma_start3A_303 = tpu.memref_squeeze %dma_start3A_302 : memref<1x8x64xf32, #tpu.memory_space<hbm>> -> memref<8x64xf32, #tpu.memory_space<hbm>>
      %dma_start3A_304 = arith.constant 0 : i32
      %dma_start3A_305 = arith.constant 0 : i32
      %dma_start3A_306 = tpu.memref_slice %arg9[%dma_start3A_294, %dma_start3A_304, %dma_start3A_305] : memref<32x8x64xf32, #tpu.memory_space<vmem>> -> memref<1x8x64xf32, #tpu.memory_space<vmem>>
      %dma_start3A_307 = tpu.memref_squeeze %dma_start3A_306 : memref<1x8x64xf32, #tpu.memory_space<vmem>> -> memref<8x64xf32, #tpu.memory_space<vmem>>
      %dma_start3A_308 = tpu.memref_reshape %arg4 : memref<1000000x64xf32, #tpu.memory_space<hbm>> -> memref<125000x8x64xf32, #tpu.memory_space<hbm>>
      %dma_start3A_309 = arith.constant 0 : i32
      %dma_start3A_310 = arith.constant 0 : i32
      %dma_start3A_311 = tpu.memref_slice %dma_start3A_308[%squeeze3A_293, %dma_start3A_309, %dma_start3A_310] : memref<125000x8x64xf32, #tpu.memory_space<hbm>> -> memref<1x8x64xf32, #tpu.memory_space<hbm>>
      %dma_start3A_312 = tpu.memref_squeeze %dma_start3A_311 : memref<1x8x64xf32, #tpu.memory_space<hbm>> -> memref<8x64xf32, #tpu.memory_space<hbm>>
      tpu.enqueue_dma source(%dma_start3A_312 : memref<8x64xf32, #tpu.memory_space<hbm>>) target(%dma_start3A_307 : memref<8x64xf32, #tpu.memory_space<vmem>>) target_semaphore(%arg12 : memref<!tpu.dma_semaphore, #tpu.memory_space<semaphore_mem>>)
      %slice3A_313 = vector.extract_strided_slice %shift_right_logical3A_16 {offsets = [7], sizes = [1], strides = [1]} : vector<16xi32> to vector<1xi32>
      %squeeze3A_314 = vector.extract %slice3A_313[0] : i32 from vector<1xi32>
      %dma_start3A_315 = arith.constant 7 : i32
      %dma_start3A_316 = arith.constant 0 : i32
      %dma_start3A_317 = arith.constant 0 : i32
      %dma_start3A_318 = tpu.memref_slice %arg8[%dma_start3A_315, %dma_start3A_316, %dma_start3A_317] : memref<32x8x64xf32, #tpu.memory_space<vmem>> -> memref<1x8x64xf32, #tpu.memory_space<vmem>>
      %dma_start3A_319 = tpu.memref_squeeze %dma_start3A_318 : memref<1x8x64xf32, #tpu.memory_space<vmem>> -> memref<8x64xf32, #tpu.memory_space<vmem>>
      %dma_start3A_320 = tpu.memref_reshape %arg4 : memref<1000000x64xf32, #tpu.memory_space<hbm>> -> memref<125000x8x64xf32, #tpu.memory_space<hbm>>
      %dma_start3A_321 = arith.constant 0 : i32
      %dma_start3A_322 = arith.constant 0 : i32
      %dma_start3A_323 = tpu.memref_slice %dma_start3A_320[%squeeze3A_314, %dma_start3A_321, %dma_start3A_322] : memref<125000x8x64xf32, #tpu.memory_space<hbm>> -> memref<1x8x64xf32, #tpu.memory_space<hbm>>
      %dma_start3A_324 = tpu.memref_squeeze %dma_start3A_323 : memref<1x8x64xf32, #tpu.memory_space<hbm>> -> memref<8x64xf32, #tpu.memory_space<hbm>>
      %dma_start3A_325 = arith.constant 0 : i32
      %dma_start3A_326 = arith.constant 0 : i32
      %dma_start3A_327 = tpu.memref_slice %arg8[%dma_start3A_315, %dma_start3A_325, %dma_start3A_326] : memref<32x8x64xf32, #tpu.memory_space<vmem>> -> memref<1x8x64xf32, #tpu.memory_space<vmem>>
      %dma_start3A_328 = tpu.memref_squeeze %dma_start3A_327 : memref<1x8x64xf32, #tpu.memory_space<vmem>> -> memref<8x64xf32, #tpu.memory_space<vmem>>
      %dma_start3A_329 = tpu.memref_reshape %arg4 : memref<1000000x64xf32, #tpu.memory_space<hbm>> -> memref<125000x8x64xf32, #tpu.memory_space<hbm>>
      %dma_start3A_330 = arith.constant 0 : i32
      %dma_start3A_331 = arith.constant 0 : i32
      %dma_start3A_332 = tpu.memref_slice %dma_start3A_329[%squeeze3A_314, %dma_start3A_330, %dma_start3A_331] : memref<125000x8x64xf32, #tpu.memory_space<hbm>> -> memref<1x8x64xf32, #tpu.memory_space<hbm>>
      %dma_start3A_333 = tpu.memref_squeeze %dma_start3A_332 : memref<1x8x64xf32, #tpu.memory_space<hbm>> -> memref<8x64xf32, #tpu.memory_space<hbm>>
      tpu.enqueue_dma source(%dma_start3A_333 : memref<8x64xf32, #tpu.memory_space<hbm>>) target(%dma_start3A_328 : memref<8x64xf32, #tpu.memory_space<vmem>>) target_semaphore(%arg11 : memref<!tpu.dma_semaphore, #tpu.memory_space<semaphore_mem>>)
      %slice3A_334 = vector.extract_strided_slice %shift_right_logical3A_21 {offsets = [7], sizes = [1], strides = [1]} : vector<16xi32> to vector<1xi32>
      %squeeze3A_335 = vector.extract %slice3A_334[0] : i32 from vector<1xi32>
      %dma_start3A_336 = arith.constant 7 : i32
      %dma_start3A_337 = arith.constant 0 : i32
      %dma_start3A_338 = arith.constant 0 : i32
      %dma_start3A_339 = tpu.memref_slice %arg9[%dma_start3A_336, %dma_start3A_337, %dma_start3A_338] : memref<32x8x64xf32, #tpu.memory_space<vmem>> -> memref<1x8x64xf32, #tpu.memory_space<vmem>>
      %dma_start3A_340 = tpu.memref_squeeze %dma_start3A_339 : memref<1x8x64xf32, #tpu.memory_space<vmem>> -> memref<8x64xf32, #tpu.memory_space<vmem>>
      %dma_start3A_341 = tpu.memref_reshape %arg4 : memref<1000000x64xf32, #tpu.memory_space<hbm>> -> memref<125000x8x64xf32, #tpu.memory_space<hbm>>
      %dma_start3A_342 = arith.constant 0 : i32
      %dma_start3A_343 = arith.constant 0 : i32
      %dma_start3A_344 = tpu.memref_slice %dma_start3A_341[%squeeze3A_335, %dma_start3A_342, %dma_start3A_343] : memref<125000x8x64xf32, #tpu.memory_space<hbm>> -> memref<1x8x64xf32, #tpu.memory_space<hbm>>
      %dma_start3A_345 = tpu.memref_squeeze %dma_start3A_344 : memref<1x8x64xf32, #tpu.memory_space<hbm>> -> memref<8x64xf32, #tpu.memory_space<hbm>>
      %dma_start3A_346 = arith.constant 0 : i32
      %dma_start3A_347 = arith.constant 0 : i32
      %dma_start3A_348 = tpu.memref_slice %arg9[%dma_start3A_336, %dma_start3A_346, %dma_start3A_347] : memref<32x8x64xf32, #tpu.memory_space<vmem>> -> memref<1x8x64xf32, #tpu.memory_space<vmem>>
      %dma_start3A_349 = tpu.memref_squeeze %dma_start3A_348 : memref<1x8x64xf32, #tpu.memory_space<vmem>> -> memref<8x64xf32, #tpu.memory_space<vmem>>
      %dma_start3A_350 = tpu.memref_reshape %arg4 : memref<1000000x64xf32, #tpu.memory_space<hbm>> -> memref<125000x8x64xf32, #tpu.memory_space<hbm>>
      %dma_start3A_351 = arith.constant 0 : i32
      %dma_start3A_352 = arith.constant 0 : i32
      %dma_start3A_353 = tpu.memref_slice %dma_start3A_350[%squeeze3A_335, %dma_start3A_351, %dma_start3A_352] : memref<125000x8x64xf32, #tpu.memory_space<hbm>> -> memref<1x8x64xf32, #tpu.memory_space<hbm>>
      %dma_start3A_354 = tpu.memref_squeeze %dma_start3A_353 : memref<1x8x64xf32, #tpu.memory_space<hbm>> -> memref<8x64xf32, #tpu.memory_space<hbm>>
      tpu.enqueue_dma source(%dma_start3A_354 : memref<8x64xf32, #tpu.memory_space<hbm>>) target(%dma_start3A_349 : memref<8x64xf32, #tpu.memory_space<vmem>>) target_semaphore(%arg12 : memref<!tpu.dma_semaphore, #tpu.memory_space<semaphore_mem>>)
      %slice3A_355 = vector.extract_strided_slice %shift_right_logical3A_16 {offsets = [8], sizes = [1], strides = [1]} : vector<16xi32> to vector<1xi32>
      %squeeze3A_356 = vector.extract %slice3A_355[0] : i32 from vector<1xi32>
      %dma_start3A_357 = arith.constant 8 : i32
      %dma_start3A_358 = arith.constant 0 : i32
      %dma_start3A_359 = arith.constant 0 : i32
      %dma_start3A_360 = tpu.memref_slice %arg8[%dma_start3A_357, %dma_start3A_358, %dma_start3A_359] : memref<32x8x64xf32, #tpu.memory_space<vmem>> -> memref<1x8x64xf32, #tpu.memory_space<vmem>>
      %dma_start3A_361 = tpu.memref_squeeze %dma_start3A_360 : memref<1x8x64xf32, #tpu.memory_space<vmem>> -> memref<8x64xf32, #tpu.memory_space<vmem>>
      %dma_start3A_362 = tpu.memref_reshape %arg4 : memref<1000000x64xf32, #tpu.memory_space<hbm>> -> memref<125000x8x64xf32, #tpu.memory_space<hbm>>
      %dma_start3A_363 = arith.constant 0 : i32
      %dma_start3A_364 = arith.constant 0 : i32
      %dma_start3A_365 = tpu.memref_slice %dma_start3A_362[%squeeze3A_356, %dma_start3A_363, %dma_start3A_364] : memref<125000x8x64xf32, #tpu.memory_space<hbm>> -> memref<1x8x64xf32, #tpu.memory_space<hbm>>
      %dma_start3A_366 = tpu.memref_squeeze %dma_start3A_365 : memref<1x8x64xf32, #tpu.memory_space<hbm>> -> memref<8x64xf32, #tpu.memory_space<hbm>>
      %dma_start3A_367 = arith.constant 0 : i32
      %dma_start3A_368 = arith.constant 0 : i32
      %dma_start3A_369 = tpu.memref_slice %arg8[%dma_start3A_357, %dma_start3A_367, %dma_start3A_368] : memref<32x8x64xf32, #tpu.memory_space<vmem>> -> memref<1x8x64xf32, #tpu.memory_space<vmem>>
      %dma_start3A_370 = tpu.memref_squeeze %dma_start3A_369 : memref<1x8x64xf32, #tpu.memory_space<vmem>> -> memref<8x64xf32, #tpu.memory_space<vmem>>
      %dma_start3A_371 = tpu.memref_reshape %arg4 : memref<1000000x64xf32, #tpu.memory_space<hbm>> -> memref<125000x8x64xf32, #tpu.memory_space<hbm>>
      %dma_start3A_372 = arith.constant 0 : i32
      %dma_start3A_373 = arith.constant 0 : i32
      %dma_start3A_374 = tpu.memref_slice %dma_start3A_371[%squeeze3A_356, %dma_start3A_372, %dma_start3A_373] : memref<125000x8x64xf32, #tpu.memory_space<hbm>> -> memref<1x8x64xf32, #tpu.memory_space<hbm>>
      %dma_start3A_375 = tpu.memref_squeeze %dma_start3A_374 : memref<1x8x64xf32, #tpu.memory_space<hbm>> -> memref<8x64xf32, #tpu.memory_space<hbm>>
      tpu.enqueue_dma source(%dma_start3A_375 : memref<8x64xf32, #tpu.memory_space<hbm>>) target(%dma_start3A_370 : memref<8x64xf32, #tpu.memory_space<vmem>>) target_semaphore(%arg11 : memref<!tpu.dma_semaphore, #tpu.memory_space<semaphore_mem>>)
      %slice3A_376 = vector.extract_strided_slice %shift_right_logical3A_21 {offsets = [8], sizes = [1], strides = [1]} : vector<16xi32> to vector<1xi32>
      %squeeze3A_377 = vector.extract %slice3A_376[0] : i32 from vector<1xi32>
      %dma_start3A_378 = arith.constant 8 : i32
      %dma_start3A_379 = arith.constant 0 : i32
      %dma_start3A_380 = arith.constant 0 : i32
      %dma_start3A_381 = tpu.memref_slice %arg9[%dma_start3A_378, %dma_start3A_379, %dma_start3A_380] : memref<32x8x64xf32, #tpu.memory_space<vmem>> -> memref<1x8x64xf32, #tpu.memory_space<vmem>>
      %dma_start3A_382 = tpu.memref_squeeze %dma_start3A_381 : memref<1x8x64xf32, #tpu.memory_space<vmem>> -> memref<8x64xf32, #tpu.memory_space<vmem>>
      %dma_start3A_383 = tpu.memref_reshape %arg4 : memref<1000000x64xf32, #tpu.memory_space<hbm>> -> memref<125000x8x64xf32, #tpu.memory_space<hbm>>
      %dma_start3A_384 = arith.constant 0 : i32
      %dma_start3A_385 = arith.constant 0 : i32
      %dma_start3A_386 = tpu.memref_slice %dma_start3A_383[%squeeze3A_377, %dma_start3A_384, %dma_start3A_385] : memref<125000x8x64xf32, #tpu.memory_space<hbm>> -> memref<1x8x64xf32, #tpu.memory_space<hbm>>
      %dma_start3A_387 = tpu.memref_squeeze %dma_start3A_386 : memref<1x8x64xf32, #tpu.memory_space<hbm>> -> memref<8x64xf32, #tpu.memory_space<hbm>>
      %dma_start3A_388 = arith.constant 0 : i32
      %dma_start3A_389 = arith.constant 0 : i32
      %dma_start3A_390 = tpu.memref_slice %arg9[%dma_start3A_378, %dma_start3A_388, %dma_start3A_389] : memref<32x8x64xf32, #tpu.memory_space<vmem>> -> memref<1x8x64xf32, #tpu.memory_space<vmem>>
      %dma_start3A_391 = tpu.memref_squeeze %dma_start3A_390 : memref<1x8x64xf32, #tpu.memory_space<vmem>> -> memref<8x64xf32, #tpu.memory_space<vmem>>
      %dma_start3A_392 = tpu.memref_reshape %arg4 : memref<1000000x64xf32, #tpu.memory_space<hbm>> -> memref<125000x8x64xf32, #tpu.memory_space<hbm>>
      %dma_start3A_393 = arith.constant 0 : i32
      %dma_start3A_394 = arith.constant 0 : i32
      %dma_start3A_395 = tpu.memref_slice %dma_start3A_392[%squeeze3A_377, %dma_start3A_393, %dma_start3A_394] : memref<125000x8x64xf32, #tpu.memory_space<hbm>> -> memref<1x8x64xf32, #tpu.memory_space<hbm>>
      %dma_start3A_396 = tpu.memref_squeeze %dma_start3A_395 : memref<1x8x64xf32, #tpu.memory_space<hbm>> -> memref<8x64xf32, #tpu.memory_space<hbm>>
      tpu.enqueue_dma source(%dma_start3A_396 : memref<8x64xf32, #tpu.memory_space<hbm>>) target(%dma_start3A_391 : memref<8x64xf32, #tpu.memory_space<vmem>>) target_semaphore(%arg12 : memref<!tpu.dma_semaphore, #tpu.memory_space<semaphore_mem>>)
      %slice3A_397 = vector.extract_strided_slice %shift_right_logical3A_16 {offsets = [9], sizes = [1], strides = [1]} : vector<16xi32> to vector<1xi32>
      %squeeze3A_398 = vector.extract %slice3A_397[0] : i32 from vector<1xi32>
      %dma_start3A_399 = arith.constant 9 : i32
      %dma_start3A_400 = arith.constant 0 : i32
      %dma_start3A_401 = arith.constant 0 : i32
      %dma_start3A_402 = tpu.memref_slice %arg8[%dma_start3A_399, %dma_start3A_400, %dma_start3A_401] : memref<32x8x64xf32, #tpu.memory_space<vmem>> -> memref<1x8x64xf32, #tpu.memory_space<vmem>>
      %dma_start3A_403 = tpu.memref_squeeze %dma_start3A_402 : memref<1x8x64xf32, #tpu.memory_space<vmem>> -> memref<8x64xf32, #tpu.memory_space<vmem>>
      %dma_start3A_404 = tpu.memref_reshape %arg4 : memref<1000000x64xf32, #tpu.memory_space<hbm>> -> memref<125000x8x64xf32, #tpu.memory_space<hbm>>
      %dma_start3A_405 = arith.constant 0 : i32
      %dma_start3A_406 = arith.constant 0 : i32
      %dma_start3A_407 = tpu.memref_slice %dma_start3A_404[%squeeze3A_398, %dma_start3A_405, %dma_start3A_406] : memref<125000x8x64xf32, #tpu.memory_space<hbm>> -> memref<1x8x64xf32, #tpu.memory_space<hbm>>
      %dma_start3A_408 = tpu.memref_squeeze %dma_start3A_407 : memref<1x8x64xf32, #tpu.memory_space<hbm>> -> memref<8x64xf32, #tpu.memory_space<hbm>>
      %dma_start3A_409 = arith.constant 0 : i32
      %dma_start3A_410 = arith.constant 0 : i32
      %dma_start3A_411 = tpu.memref_slice %arg8[%dma_start3A_399, %dma_start3A_409, %dma_start3A_410] : memref<32x8x64xf32, #tpu.memory_space<vmem>> -> memref<1x8x64xf32, #tpu.memory_space<vmem>>
      %dma_start3A_412 = tpu.memref_squeeze %dma_start3A_411 : memref<1x8x64xf32, #tpu.memory_space<vmem>> -> memref<8x64xf32, #tpu.memory_space<vmem>>
      %dma_start3A_413 = tpu.memref_reshape %arg4 : memref<1000000x64xf32, #tpu.memory_space<hbm>> -> memref<125000x8x64xf32, #tpu.memory_space<hbm>>
      %dma_start3A_414 = arith.constant 0 : i32
      %dma_start3A_415 = arith.constant 0 : i32
      %dma_start3A_416 = tpu.memref_slice %dma_start3A_413[%squeeze3A_398, %dma_start3A_414, %dma_start3A_415] : memref<125000x8x64xf32, #tpu.memory_space<hbm>> -> memref<1x8x64xf32, #tpu.memory_space<hbm>>
      %dma_start3A_417 = tpu.memref_squeeze %dma_start3A_416 : memref<1x8x64xf32, #tpu.memory_space<hbm>> -> memref<8x64xf32, #tpu.memory_space<hbm>>
      tpu.enqueue_dma source(%dma_start3A_417 : memref<8x64xf32, #tpu.memory_space<hbm>>) target(%dma_start3A_412 : memref<8x64xf32, #tpu.memory_space<vmem>>) target_semaphore(%arg11 : memref<!tpu.dma_semaphore, #tpu.memory_space<semaphore_mem>>)
      %slice3A_418 = vector.extract_strided_slice %shift_right_logical3A_21 {offsets = [9], sizes = [1], strides = [1]} : vector<16xi32> to vector<1xi32>
      %squeeze3A_419 = vector.extract %slice3A_418[0] : i32 from vector<1xi32>
      %dma_start3A_420 = arith.constant 9 : i32
      %dma_start3A_421 = arith.constant 0 : i32
      %dma_start3A_422 = arith.constant 0 : i32
      %dma_start3A_423 = tpu.memref_slice %arg9[%dma_start3A_420, %dma_start3A_421, %dma_start3A_422] : memref<32x8x64xf32, #tpu.memory_space<vmem>> -> memref<1x8x64xf32, #tpu.memory_space<vmem>>
      %dma_start3A_424 = tpu.memref_squeeze %dma_start3A_423 : memref<1x8x64xf32, #tpu.memory_space<vmem>> -> memref<8x64xf32, #tpu.memory_space<vmem>>
      %dma_start3A_425 = tpu.memref_reshape %arg4 : memref<1000000x64xf32, #tpu.memory_space<hbm>> -> memref<125000x8x64xf32, #tpu.memory_space<hbm>>
      %dma_start3A_426 = arith.constant 0 : i32
      %dma_start3A_427 = arith.constant 0 : i32
      %dma_start3A_428 = tpu.memref_slice %dma_start3A_425[%squeeze3A_419, %dma_start3A_426, %dma_start3A_427] : memref<125000x8x64xf32, #tpu.memory_space<hbm>> -> memref<1x8x64xf32, #tpu.memory_space<hbm>>
      %dma_start3A_429 = tpu.memref_squeeze %dma_start3A_428 : memref<1x8x64xf32, #tpu.memory_space<hbm>> -> memref<8x64xf32, #tpu.memory_space<hbm>>
      %dma_start3A_430 = arith.constant 0 : i32
      %dma_start3A_431 = arith.constant 0 : i32
      %dma_start3A_432 = tpu.memref_slice %arg9[%dma_start3A_420, %dma_start3A_430, %dma_start3A_431] : memref<32x8x64xf32, #tpu.memory_space<vmem>> -> memref<1x8x64xf32, #tpu.memory_space<vmem>>
      %dma_start3A_433 = tpu.memref_squeeze %dma_start3A_432 : memref<1x8x64xf32, #tpu.memory_space<vmem>> -> memref<8x64xf32, #tpu.memory_space<vmem>>
      %dma_start3A_434 = tpu.memref_reshape %arg4 : memref<1000000x64xf32, #tpu.memory_space<hbm>> -> memref<125000x8x64xf32, #tpu.memory_space<hbm>>
      %dma_start3A_435 = arith.constant 0 : i32
      %dma_start3A_436 = arith.constant 0 : i32
      %dma_start3A_437 = tpu.memref_slice %dma_start3A_434[%squeeze3A_419, %dma_start3A_435, %dma_start3A_436] : memref<125000x8x64xf32, #tpu.memory_space<hbm>> -> memref<1x8x64xf32, #tpu.memory_space<hbm>>
      %dma_start3A_438 = tpu.memref_squeeze %dma_start3A_437 : memref<1x8x64xf32, #tpu.memory_space<hbm>> -> memref<8x64xf32, #tpu.memory_space<hbm>>
      tpu.enqueue_dma source(%dma_start3A_438 : memref<8x64xf32, #tpu.memory_space<hbm>>) target(%dma_start3A_433 : memref<8x64xf32, #tpu.memory_space<vmem>>) target_semaphore(%arg12 : memref<!tpu.dma_semaphore, #tpu.memory_space<semaphore_mem>>)
      %slice3A_439 = vector.extract_strided_slice %shift_right_logical3A_16 {offsets = [10], sizes = [1], strides = [1]} : vector<16xi32> to vector<1xi32>
      %squeeze3A_440 = vector.extract %slice3A_439[0] : i32 from vector<1xi32>
      %dma_start3A_441 = arith.constant 10 : i32
      %dma_start3A_442 = arith.constant 0 : i32
      %dma_start3A_443 = arith.constant 0 : i32
      %dma_start3A_444 = tpu.memref_slice %arg8[%dma_start3A_441, %dma_start3A_442, %dma_start3A_443] : memref<32x8x64xf32, #tpu.memory_space<vmem>> -> memref<1x8x64xf32, #tpu.memory_space<vmem>>
      %dma_start3A_445 = tpu.memref_squeeze %dma_start3A_444 : memref<1x8x64xf32, #tpu.memory_space<vmem>> -> memref<8x64xf32, #tpu.memory_space<vmem>>
      %dma_start3A_446 = tpu.memref_reshape %arg4 : memref<1000000x64xf32, #tpu.memory_space<hbm>> -> memref<125000x8x64xf32, #tpu.memory_space<hbm>>
      %dma_start3A_447 = arith.constant 0 : i32
      %dma_start3A_448 = arith.constant 0 : i32
      %dma_start3A_449 = tpu.memref_slice %dma_start3A_446[%squeeze3A_440, %dma_start3A_447, %dma_start3A_448] : memref<125000x8x64xf32, #tpu.memory_space<hbm>> -> memref<1x8x64xf32, #tpu.memory_space<hbm>>
      %dma_start3A_450 = tpu.memref_squeeze %dma_start3A_449 : memref<1x8x64xf32, #tpu.memory_space<hbm>> -> memref<8x64xf32, #tpu.memory_space<hbm>>
      %dma_start3A_451 = arith.constant 0 : i32
      %dma_start3A_452 = arith.constant 0 : i32
      %dma_start3A_453 = tpu.memref_slice %arg8[%dma_start3A_441, %dma_start3A_451, %dma_start3A_452] : memref<32x8x64xf32, #tpu.memory_space<vmem>> -> memref<1x8x64xf32, #tpu.memory_space<vmem>>
      %dma_start3A_454 = tpu.memref_squeeze %dma_start3A_453 : memref<1x8x64xf32, #tpu.memory_space<vmem>> -> memref<8x64xf32, #tpu.memory_space<vmem>>
      %dma_start3A_455 = tpu.memref_reshape %arg4 : memref<1000000x64xf32, #tpu.memory_space<hbm>> -> memref<125000x8x64xf32, #tpu.memory_space<hbm>>
      %dma_start3A_456 = arith.constant 0 : i32
      %dma_start3A_457 = arith.constant 0 : i32
      %dma_start3A_458 = tpu.memref_slice %dma_start3A_455[%squeeze3A_440, %dma_start3A_456, %dma_start3A_457] : memref<125000x8x64xf32, #tpu.memory_space<hbm>> -> memref<1x8x64xf32, #tpu.memory_space<hbm>>
      %dma_start3A_459 = tpu.memref_squeeze %dma_start3A_458 : memref<1x8x64xf32, #tpu.memory_space<hbm>> -> memref<8x64xf32, #tpu.memory_space<hbm>>
      tpu.enqueue_dma source(%dma_start3A_459 : memref<8x64xf32, #tpu.memory_space<hbm>>) target(%dma_start3A_454 : memref<8x64xf32, #tpu.memory_space<vmem>>) target_semaphore(%arg11 : memref<!tpu.dma_semaphore, #tpu.memory_space<semaphore_mem>>)
      %slice3A_460 = vector.extract_strided_slice %shift_right_logical3A_21 {offsets = [10], sizes = [1], strides = [1]} : vector<16xi32> to vector<1xi32>
      %squeeze3A_461 = vector.extract %slice3A_460[0] : i32 from vector<1xi32>
      %dma_start3A_462 = arith.constant 10 : i32
      %dma_start3A_463 = arith.constant 0 : i32
      %dma_start3A_464 = arith.constant 0 : i32
      %dma_start3A_465 = tpu.memref_slice %arg9[%dma_start3A_462, %dma_start3A_463, %dma_start3A_464] : memref<32x8x64xf32, #tpu.memory_space<vmem>> -> memref<1x8x64xf32, #tpu.memory_space<vmem>>
      %dma_start3A_466 = tpu.memref_squeeze %dma_start3A_465 : memref<1x8x64xf32, #tpu.memory_space<vmem>> -> memref<8x64xf32, #tpu.memory_space<vmem>>
      %dma_start3A_467 = tpu.memref_reshape %arg4 : memref<1000000x64xf32, #tpu.memory_space<hbm>> -> memref<125000x8x64xf32, #tpu.memory_space<hbm>>
      %dma_start3A_468 = arith.constant 0 : i32
      %dma_start3A_469 = arith.constant 0 : i32
      %dma_start3A_470 = tpu.memref_slice %dma_start3A_467[%squeeze3A_461, %dma_start3A_468, %dma_start3A_469] : memref<125000x8x64xf32, #tpu.memory_space<hbm>> -> memref<1x8x64xf32, #tpu.memory_space<hbm>>
      %dma_start3A_471 = tpu.memref_squeeze %dma_start3A_470 : memref<1x8x64xf32, #tpu.memory_space<hbm>> -> memref<8x64xf32, #tpu.memory_space<hbm>>
      %dma_start3A_472 = arith.constant 0 : i32
      %dma_start3A_473 = arith.constant 0 : i32
      %dma_start3A_474 = tpu.memref_slice %arg9[%dma_start3A_462, %dma_start3A_472, %dma_start3A_473] : memref<32x8x64xf32, #tpu.memory_space<vmem>> -> memref<1x8x64xf32, #tpu.memory_space<vmem>>
      %dma_start3A_475 = tpu.memref_squeeze %dma_start3A_474 : memref<1x8x64xf32, #tpu.memory_space<vmem>> -> memref<8x64xf32, #tpu.memory_space<vmem>>
      %dma_start3A_476 = tpu.memref_reshape %arg4 : memref<1000000x64xf32, #tpu.memory_space<hbm>> -> memref<125000x8x64xf32, #tpu.memory_space<hbm>>
      %dma_start3A_477 = arith.constant 0 : i32
      %dma_start3A_478 = arith.constant 0 : i32
      %dma_start3A_479 = tpu.memref_slice %dma_start3A_476[%squeeze3A_461, %dma_start3A_477, %dma_start3A_478] : memref<125000x8x64xf32, #tpu.memory_space<hbm>> -> memref<1x8x64xf32, #tpu.memory_space<hbm>>
      %dma_start3A_480 = tpu.memref_squeeze %dma_start3A_479 : memref<1x8x64xf32, #tpu.memory_space<hbm>> -> memref<8x64xf32, #tpu.memory_space<hbm>>
      tpu.enqueue_dma source(%dma_start3A_480 : memref<8x64xf32, #tpu.memory_space<hbm>>) target(%dma_start3A_475 : memref<8x64xf32, #tpu.memory_space<vmem>>) target_semaphore(%arg12 : memref<!tpu.dma_semaphore, #tpu.memory_space<semaphore_mem>>)
      %slice3A_481 = vector.extract_strided_slice %shift_right_logical3A_16 {offsets = [11], sizes = [1], strides = [1]} : vector<16xi32> to vector<1xi32>
      %squeeze3A_482 = vector.extract %slice3A_481[0] : i32 from vector<1xi32>
      %dma_start3A_483 = arith.constant 11 : i32
      %dma_start3A_484 = arith.constant 0 : i32
      %dma_start3A_485 = arith.constant 0 : i32
      %dma_start3A_486 = tpu.memref_slice %arg8[%dma_start3A_483, %dma_start3A_484, %dma_start3A_485] : memref<32x8x64xf32, #tpu.memory_space<vmem>> -> memref<1x8x64xf32, #tpu.memory_space<vmem>>
      %dma_start3A_487 = tpu.memref_squeeze %dma_start3A_486 : memref<1x8x64xf32, #tpu.memory_space<vmem>> -> memref<8x64xf32, #tpu.memory_space<vmem>>
      %dma_start3A_488 = tpu.memref_reshape %arg4 : memref<1000000x64xf32, #tpu.memory_space<hbm>> -> memref<125000x8x64xf32, #tpu.memory_space<hbm>>
      %dma_start3A_489 = arith.constant 0 : i32
      %dma_start3A_490 = arith.constant 0 : i32
      %dma_start3A_491 = tpu.memref_slice %dma_start3A_488[%squeeze3A_482, %dma_start3A_489, %dma_start3A_490] : memref<125000x8x64xf32, #tpu.memory_space<hbm>> -> memref<1x8x64xf32, #tpu.memory_space<hbm>>
      %dma_start3A_492 = tpu.memref_squeeze %dma_start3A_491 : memref<1x8x64xf32, #tpu.memory_space<hbm>> -> memref<8x64xf32, #tpu.memory_space<hbm>>
      %dma_start3A_493 = arith.constant 0 : i32
      %dma_start3A_494 = arith.constant 0 : i32
      %dma_start3A_495 = tpu.memref_slice %arg8[%dma_start3A_483, %dma_start3A_493, %dma_start3A_494] : memref<32x8x64xf32, #tpu.memory_space<vmem>> -> memref<1x8x64xf32, #tpu.memory_space<vmem>>
      %dma_start3A_496 = tpu.memref_squeeze %dma_start3A_495 : memref<1x8x64xf32, #tpu.memory_space<vmem>> -> memref<8x64xf32, #tpu.memory_space<vmem>>
      %dma_start3A_497 = tpu.memref_reshape %arg4 : memref<1000000x64xf32, #tpu.memory_space<hbm>> -> memref<125000x8x64xf32, #tpu.memory_space<hbm>>
      %dma_start3A_498 = arith.constant 0 : i32
      %dma_start3A_499 = arith.constant 0 : i32
      %dma_start3A_500 = tpu.memref_slice %dma_start3A_497[%squeeze3A_482, %dma_start3A_498, %dma_start3A_499] : memref<125000x8x64xf32, #tpu.memory_space<hbm>> -> memref<1x8x64xf32, #tpu.memory_space<hbm>>
      %dma_start3A_501 = tpu.memref_squeeze %dma_start3A_500 : memref<1x8x64xf32, #tpu.memory_space<hbm>> -> memref<8x64xf32, #tpu.memory_space<hbm>>
      tpu.enqueue_dma source(%dma_start3A_501 : memref<8x64xf32, #tpu.memory_space<hbm>>) target(%dma_start3A_496 : memref<8x64xf32, #tpu.memory_space<vmem>>) target_semaphore(%arg11 : memref<!tpu.dma_semaphore, #tpu.memory_space<semaphore_mem>>)
      %slice3A_502 = vector.extract_strided_slice %shift_right_logical3A_21 {offsets = [11], sizes = [1], strides = [1]} : vector<16xi32> to vector<1xi32>
      %squeeze3A_503 = vector.extract %slice3A_502[0] : i32 from vector<1xi32>
      %dma_start3A_504 = arith.constant 11 : i32
      %dma_start3A_505 = arith.constant 0 : i32
      %dma_start3A_506 = arith.constant 0 : i32
      %dma_start3A_507 = tpu.memref_slice %arg9[%dma_start3A_504, %dma_start3A_505, %dma_start3A_506] : memref<32x8x64xf32, #tpu.memory_space<vmem>> -> memref<1x8x64xf32, #tpu.memory_space<vmem>>
      %dma_start3A_508 = tpu.memref_squeeze %dma_start3A_507 : memref<1x8x64xf32, #tpu.memory_space<vmem>> -> memref<8x64xf32, #tpu.memory_space<vmem>>
      %dma_start3A_509 = tpu.memref_reshape %arg4 : memref<1000000x64xf32, #tpu.memory_space<hbm>> -> memref<125000x8x64xf32, #tpu.memory_space<hbm>>
      %dma_start3A_510 = arith.constant 0 : i32
      %dma_start3A_511 = arith.constant 0 : i32
      %dma_start3A_512 = tpu.memref_slice %dma_start3A_509[%squeeze3A_503, %dma_start3A_510, %dma_start3A_511] : memref<125000x8x64xf32, #tpu.memory_space<hbm>> -> memref<1x8x64xf32, #tpu.memory_space<hbm>>
      %dma_start3A_513 = tpu.memref_squeeze %dma_start3A_512 : memref<1x8x64xf32, #tpu.memory_space<hbm>> -> memref<8x64xf32, #tpu.memory_space<hbm>>
      %dma_start3A_514 = arith.constant 0 : i32
      %dma_start3A_515 = arith.constant 0 : i32
      %dma_start3A_516 = tpu.memref_slice %arg9[%dma_start3A_504, %dma_start3A_514, %dma_start3A_515] : memref<32x8x64xf32, #tpu.memory_space<vmem>> -> memref<1x8x64xf32, #tpu.memory_space<vmem>>
      %dma_start3A_517 = tpu.memref_squeeze %dma_start3A_516 : memref<1x8x64xf32, #tpu.memory_space<vmem>> -> memref<8x64xf32, #tpu.memory_space<vmem>>
      %dma_start3A_518 = tpu.memref_reshape %arg4 : memref<1000000x64xf32, #tpu.memory_space<hbm>> -> memref<125000x8x64xf32, #tpu.memory_space<hbm>>
      %dma_start3A_519 = arith.constant 0 : i32
      %dma_start3A_520 = arith.constant 0 : i32
      %dma_start3A_521 = tpu.memref_slice %dma_start3A_518[%squeeze3A_503, %dma_start3A_519, %dma_start3A_520] : memref<125000x8x64xf32, #tpu.memory_space<hbm>> -> memref<1x8x64xf32, #tpu.memory_space<hbm>>
      %dma_start3A_522 = tpu.memref_squeeze %dma_start3A_521 : memref<1x8x64xf32, #tpu.memory_space<hbm>> -> memref<8x64xf32, #tpu.memory_space<hbm>>
      tpu.enqueue_dma source(%dma_start3A_522 : memref<8x64xf32, #tpu.memory_space<hbm>>) target(%dma_start3A_517 : memref<8x64xf32, #tpu.memory_space<vmem>>) target_semaphore(%arg12 : memref<!tpu.dma_semaphore, #tpu.memory_space<semaphore_mem>>)
      %slice3A_523 = vector.extract_strided_slice %shift_right_logical3A_16 {offsets = [12], sizes = [1], strides = [1]} : vector<16xi32> to vector<1xi32>
      %squeeze3A_524 = vector.extract %slice3A_523[0] : i32 from vector<1xi32>
      %dma_start3A_525 = arith.constant 12 : i32
      %dma_start3A_526 = arith.constant 0 : i32
      %dma_start3A_527 = arith.constant 0 : i32
      %dma_start3A_528 = tpu.memref_slice %arg8[%dma_start3A_525, %dma_start3A_526, %dma_start3A_527] : memref<32x8x64xf32, #tpu.memory_space<vmem>> -> memref<1x8x64xf32, #tpu.memory_space<vmem>>
      %dma_start3A_529 = tpu.memref_squeeze %dma_start3A_528 : memref<1x8x64xf32, #tpu.memory_space<vmem>> -> memref<8x64xf32, #tpu.memory_space<vmem>>
      %dma_start3A_530 = tpu.memref_reshape %arg4 : memref<1000000x64xf32, #tpu.memory_space<hbm>> -> memref<125000x8x64xf32, #tpu.memory_space<hbm>>
      %dma_start3A_531 = arith.constant 0 : i32
      %dma_start3A_532 = arith.constant 0 : i32
      %dma_start3A_533 = tpu.memref_slice %dma_start3A_530[%squeeze3A_524, %dma_start3A_531, %dma_start3A_532] : memref<125000x8x64xf32, #tpu.memory_space<hbm>> -> memref<1x8x64xf32, #tpu.memory_space<hbm>>
      %dma_start3A_534 = tpu.memref_squeeze %dma_start3A_533 : memref<1x8x64xf32, #tpu.memory_space<hbm>> -> memref<8x64xf32, #tpu.memory_space<hbm>>
      %dma_start3A_535 = arith.constant 0 : i32
      %dma_start3A_536 = arith.constant 0 : i32
      %dma_start3A_537 = tpu.memref_slice %arg8[%dma_start3A_525, %dma_start3A_535, %dma_start3A_536] : memref<32x8x64xf32, #tpu.memory_space<vmem>> -> memref<1x8x64xf32, #tpu.memory_space<vmem>>
      %dma_start3A_538 = tpu.memref_squeeze %dma_start3A_537 : memref<1x8x64xf32, #tpu.memory_space<vmem>> -> memref<8x64xf32, #tpu.memory_space<vmem>>
      %dma_start3A_539 = tpu.memref_reshape %arg4 : memref<1000000x64xf32, #tpu.memory_space<hbm>> -> memref<125000x8x64xf32, #tpu.memory_space<hbm>>
      %dma_start3A_540 = arith.constant 0 : i32
      %dma_start3A_541 = arith.constant 0 : i32
      %dma_start3A_542 = tpu.memref_slice %dma_start3A_539[%squeeze3A_524, %dma_start3A_540, %dma_start3A_541] : memref<125000x8x64xf32, #tpu.memory_space<hbm>> -> memref<1x8x64xf32, #tpu.memory_space<hbm>>
      %dma_start3A_543 = tpu.memref_squeeze %dma_start3A_542 : memref<1x8x64xf32, #tpu.memory_space<hbm>> -> memref<8x64xf32, #tpu.memory_space<hbm>>
      tpu.enqueue_dma source(%dma_start3A_543 : memref<8x64xf32, #tpu.memory_space<hbm>>) target(%dma_start3A_538 : memref<8x64xf32, #tpu.memory_space<vmem>>) target_semaphore(%arg11 : memref<!tpu.dma_semaphore, #tpu.memory_space<semaphore_mem>>)
      %slice3A_544 = vector.extract_strided_slice %shift_right_logical3A_21 {offsets = [12], sizes = [1], strides = [1]} : vector<16xi32> to vector<1xi32>
      %squeeze3A_545 = vector.extract %slice3A_544[0] : i32 from vector<1xi32>
      %dma_start3A_546 = arith.constant 12 : i32
      %dma_start3A_547 = arith.constant 0 : i32
      %dma_start3A_548 = arith.constant 0 : i32
      %dma_start3A_549 = tpu.memref_slice %arg9[%dma_start3A_546, %dma_start3A_547, %dma_start3A_548] : memref<32x8x64xf32, #tpu.memory_space<vmem>> -> memref<1x8x64xf32, #tpu.memory_space<vmem>>
      %dma_start3A_550 = tpu.memref_squeeze %dma_start3A_549 : memref<1x8x64xf32, #tpu.memory_space<vmem>> -> memref<8x64xf32, #tpu.memory_space<vmem>>
      %dma_start3A_551 = tpu.memref_reshape %arg4 : memref<1000000x64xf32, #tpu.memory_space<hbm>> -> memref<125000x8x64xf32, #tpu.memory_space<hbm>>
      %dma_start3A_552 = arith.constant 0 : i32
      %dma_start3A_553 = arith.constant 0 : i32
      %dma_start3A_554 = tpu.memref_slice %dma_start3A_551[%squeeze3A_545, %dma_start3A_552, %dma_start3A_553] : memref<125000x8x64xf32, #tpu.memory_space<hbm>> -> memref<1x8x64xf32, #tpu.memory_space<hbm>>
      %dma_start3A_555 = tpu.memref_squeeze %dma_start3A_554 : memref<1x8x64xf32, #tpu.memory_space<hbm>> -> memref<8x64xf32, #tpu.memory_space<hbm>>
      %dma_start3A_556 = arith.constant 0 : i32
      %dma_start3A_557 = arith.constant 0 : i32
      %dma_start3A_558 = tpu.memref_slice %arg9[%dma_start3A_546, %dma_start3A_556, %dma_start3A_557] : memref<32x8x64xf32, #tpu.memory_space<vmem>> -> memref<1x8x64xf32, #tpu.memory_space<vmem>>
      %dma_start3A_559 = tpu.memref_squeeze %dma_start3A_558 : memref<1x8x64xf32, #tpu.memory_space<vmem>> -> memref<8x64xf32, #tpu.memory_space<vmem>>
      %dma_start3A_560 = tpu.memref_reshape %arg4 : memref<1000000x64xf32, #tpu.memory_space<hbm>> -> memref<125000x8x64xf32, #tpu.memory_space<hbm>>
      %dma_start3A_561 = arith.constant 0 : i32
      %dma_start3A_562 = arith.constant 0 : i32
      %dma_start3A_563 = tpu.memref_slice %dma_start3A_560[%squeeze3A_545, %dma_start3A_561, %dma_start3A_562] : memref<125000x8x64xf32, #tpu.memory_space<hbm>> -> memref<1x8x64xf32, #tpu.memory_space<hbm>>
      %dma_start3A_564 = tpu.memref_squeeze %dma_start3A_563 : memref<1x8x64xf32, #tpu.memory_space<hbm>> -> memref<8x64xf32, #tpu.memory_space<hbm>>
      tpu.enqueue_dma source(%dma_start3A_564 : memref<8x64xf32, #tpu.memory_space<hbm>>) target(%dma_start3A_559 : memref<8x64xf32, #tpu.memory_space<vmem>>) target_semaphore(%arg12 : memref<!tpu.dma_semaphore, #tpu.memory_space<semaphore_mem>>)
      %slice3A_565 = vector.extract_strided_slice %shift_right_logical3A_16 {offsets = [13], sizes = [1], strides = [1]} : vector<16xi32> to vector<1xi32>
      %squeeze3A_566 = vector.extract %slice3A_565[0] : i32 from vector<1xi32>
      %dma_start3A_567 = arith.constant 13 : i32
      %dma_start3A_568 = arith.constant 0 : i32
      %dma_start3A_569 = arith.constant 0 : i32
      %dma_start3A_570 = tpu.memref_slice %arg8[%dma_start3A_567, %dma_start3A_568, %dma_start3A_569] : memref<32x8x64xf32, #tpu.memory_space<vmem>> -> memref<1x8x64xf32, #tpu.memory_space<vmem>>
      %dma_start3A_571 = tpu.memref_squeeze %dma_start3A_570 : memref<1x8x64xf32, #tpu.memory_space<vmem>> -> memref<8x64xf32, #tpu.memory_space<vmem>>
      %dma_start3A_572 = tpu.memref_reshape %arg4 : memref<1000000x64xf32, #tpu.memory_space<hbm>> -> memref<125000x8x64xf32, #tpu.memory_space<hbm>>
      %dma_start3A_573 = arith.constant 0 : i32
      %dma_start3A_574 = arith.constant 0 : i32
      %dma_start3A_575 = tpu.memref_slice %dma_start3A_572[%squeeze3A_566, %dma_start3A_573, %dma_start3A_574] : memref<125000x8x64xf32, #tpu.memory_space<hbm>> -> memref<1x8x64xf32, #tpu.memory_space<hbm>>
      %dma_start3A_576 = tpu.memref_squeeze %dma_start3A_575 : memref<1x8x64xf32, #tpu.memory_space<hbm>> -> memref<8x64xf32, #tpu.memory_space<hbm>>
      %dma_start3A_577 = arith.constant 0 : i32
      %dma_start3A_578 = arith.constant 0 : i32
      %dma_start3A_579 = tpu.memref_slice %arg8[%dma_start3A_567, %dma_start3A_577, %dma_start3A_578] : memref<32x8x64xf32, #tpu.memory_space<vmem>> -> memref<1x8x64xf32, #tpu.memory_space<vmem>>
      %dma_start3A_580 = tpu.memref_squeeze %dma_start3A_579 : memref<1x8x64xf32, #tpu.memory_space<vmem>> -> memref<8x64xf32, #tpu.memory_space<vmem>>
      %dma_start3A_581 = tpu.memref_reshape %arg4 : memref<1000000x64xf32, #tpu.memory_space<hbm>> -> memref<125000x8x64xf32, #tpu.memory_space<hbm>>
      %dma_start3A_582 = arith.constant 0 : i32
      %dma_start3A_583 = arith.constant 0 : i32
      %dma_start3A_584 = tpu.memref_slice %dma_start3A_581[%squeeze3A_566, %dma_start3A_582, %dma_start3A_583] : memref<125000x8x64xf32, #tpu.memory_space<hbm>> -> memref<1x8x64xf32, #tpu.memory_space<hbm>>
      %dma_start3A_585 = tpu.memref_squeeze %dma_start3A_584 : memref<1x8x64xf32, #tpu.memory_space<hbm>> -> memref<8x64xf32, #tpu.memory_space<hbm>>
      tpu.enqueue_dma source(%dma_start3A_585 : memref<8x64xf32, #tpu.memory_space<hbm>>) target(%dma_start3A_580 : memref<8x64xf32, #tpu.memory_space<vmem>>) target_semaphore(%arg11 : memref<!tpu.dma_semaphore, #tpu.memory_space<semaphore_mem>>)
      %slice3A_586 = vector.extract_strided_slice %shift_right_logical3A_21 {offsets = [13], sizes = [1], strides = [1]} : vector<16xi32> to vector<1xi32>
      %squeeze3A_587 = vector.extract %slice3A_586[0] : i32 from vector<1xi32>
      %dma_start3A_588 = arith.constant 13 : i32
      %dma_start3A_589 = arith.constant 0 : i32
      %dma_start3A_590 = arith.constant 0 : i32
      %dma_start3A_591 = tpu.memref_slice %arg9[%dma_start3A_588, %dma_start3A_589, %dma_start3A_590] : memref<32x8x64xf32, #tpu.memory_space<vmem>> -> memref<1x8x64xf32, #tpu.memory_space<vmem>>
      %dma_start3A_592 = tpu.memref_squeeze %dma_start3A_591 : memref<1x8x64xf32, #tpu.memory_space<vmem>> -> memref<8x64xf32, #tpu.memory_space<vmem>>
      %dma_start3A_593 = tpu.memref_reshape %arg4 : memref<1000000x64xf32, #tpu.memory_space<hbm>> -> memref<125000x8x64xf32, #tpu.memory_space<hbm>>
      %dma_start3A_594 = arith.constant 0 : i32
      %dma_start3A_595 = arith.constant 0 : i32
      %dma_start3A_596 = tpu.memref_slice %dma_start3A_593[%squeeze3A_587, %dma_start3A_594, %dma_start3A_595] : memref<125000x8x64xf32, #tpu.memory_space<hbm>> -> memref<1x8x64xf32, #tpu.memory_space<hbm>>
      %dma_start3A_597 = tpu.memref_squeeze %dma_start3A_596 : memref<1x8x64xf32, #tpu.memory_space<hbm>> -> memref<8x64xf32, #tpu.memory_space<hbm>>
      %dma_start3A_598 = arith.constant 0 : i32
      %dma_start3A_599 = arith.constant 0 : i32
      %dma_start3A_600 = tpu.memref_slice %arg9[%dma_start3A_588, %dma_start3A_598, %dma_start3A_599] : memref<32x8x64xf32, #tpu.memory_space<vmem>> -> memref<1x8x64xf32, #tpu.memory_space<vmem>>
      %dma_start3A_601 = tpu.memref_squeeze %dma_start3A_600 : memref<1x8x64xf32, #tpu.memory_space<vmem>> -> memref<8x64xf32, #tpu.memory_space<vmem>>
      %dma_start3A_602 = tpu.memref_reshape %arg4 : memref<1000000x64xf32, #tpu.memory_space<hbm>> -> memref<125000x8x64xf32, #tpu.memory_space<hbm>>
      %dma_start3A_603 = arith.constant 0 : i32
      %dma_start3A_604 = arith.constant 0 : i32
      %dma_start3A_605 = tpu.memref_slice %dma_start3A_602[%squeeze3A_587, %dma_start3A_603, %dma_start3A_604] : memref<125000x8x64xf32, #tpu.memory_space<hbm>> -> memref<1x8x64xf32, #tpu.memory_space<hbm>>
      %dma_start3A_606 = tpu.memref_squeeze %dma_start3A_605 : memref<1x8x64xf32, #tpu.memory_space<hbm>> -> memref<8x64xf32, #tpu.memory_space<hbm>>
      tpu.enqueue_dma source(%dma_start3A_606 : memref<8x64xf32, #tpu.memory_space<hbm>>) target(%dma_start3A_601 : memref<8x64xf32, #tpu.memory_space<vmem>>) target_semaphore(%arg12 : memref<!tpu.dma_semaphore, #tpu.memory_space<semaphore_mem>>)
      %slice3A_607 = vector.extract_strided_slice %shift_right_logical3A_16 {offsets = [14], sizes = [1], strides = [1]} : vector<16xi32> to vector<1xi32>
      %squeeze3A_608 = vector.extract %slice3A_607[0] : i32 from vector<1xi32>
      %dma_start3A_609 = arith.constant 14 : i32
      %dma_start3A_610 = arith.constant 0 : i32
      %dma_start3A_611 = arith.constant 0 : i32
      %dma_start3A_612 = tpu.memref_slice %arg8[%dma_start3A_609, %dma_start3A_610, %dma_start3A_611] : memref<32x8x64xf32, #tpu.memory_space<vmem>> -> memref<1x8x64xf32, #tpu.memory_space<vmem>>
      %dma_start3A_613 = tpu.memref_squeeze %dma_start3A_612 : memref<1x8x64xf32, #tpu.memory_space<vmem>> -> memref<8x64xf32, #tpu.memory_space<vmem>>
      %dma_start3A_614 = tpu.memref_reshape %arg4 : memref<1000000x64xf32, #tpu.memory_space<hbm>> -> memref<125000x8x64xf32, #tpu.memory_space<hbm>>
      %dma_start3A_615 = arith.constant 0 : i32
      %dma_start3A_616 = arith.constant 0 : i32
      %dma_start3A_617 = tpu.memref_slice %dma_start3A_614[%squeeze3A_608, %dma_start3A_615, %dma_start3A_616] : memref<125000x8x64xf32, #tpu.memory_space<hbm>> -> memref<1x8x64xf32, #tpu.memory_space<hbm>>
      %dma_start3A_618 = tpu.memref_squeeze %dma_start3A_617 : memref<1x8x64xf32, #tpu.memory_space<hbm>> -> memref<8x64xf32, #tpu.memory_space<hbm>>
      %dma_start3A_619 = arith.constant 0 : i32
      %dma_start3A_620 = arith.constant 0 : i32
      %dma_start3A_621 = tpu.memref_slice %arg8[%dma_start3A_609, %dma_start3A_619, %dma_start3A_620] : memref<32x8x64xf32, #tpu.memory_space<vmem>> -> memref<1x8x64xf32, #tpu.memory_space<vmem>>
      %dma_start3A_622 = tpu.memref_squeeze %dma_start3A_621 : memref<1x8x64xf32, #tpu.memory_space<vmem>> -> memref<8x64xf32, #tpu.memory_space<vmem>>
      %dma_start3A_623 = tpu.memref_reshape %arg4 : memref<1000000x64xf32, #tpu.memory_space<hbm>> -> memref<125000x8x64xf32, #tpu.memory_space<hbm>>
      %dma_start3A_624 = arith.constant 0 : i32
      %dma_start3A_625 = arith.constant 0 : i32
      %dma_start3A_626 = tpu.memref_slice %dma_start3A_623[%squeeze3A_608, %dma_start3A_624, %dma_start3A_625] : memref<125000x8x64xf32, #tpu.memory_space<hbm>> -> memref<1x8x64xf32, #tpu.memory_space<hbm>>
      %dma_start3A_627 = tpu.memref_squeeze %dma_start3A_626 : memref<1x8x64xf32, #tpu.memory_space<hbm>> -> memref<8x64xf32, #tpu.memory_space<hbm>>
      tpu.enqueue_dma source(%dma_start3A_627 : memref<8x64xf32, #tpu.memory_space<hbm>>) target(%dma_start3A_622 : memref<8x64xf32, #tpu.memory_space<vmem>>) target_semaphore(%arg11 : memref<!tpu.dma_semaphore, #tpu.memory_space<semaphore_mem>>)
      %slice3A_628 = vector.extract_strided_slice %shift_right_logical3A_21 {offsets = [14], sizes = [1], strides = [1]} : vector<16xi32> to vector<1xi32>
      %squeeze3A_629 = vector.extract %slice3A_628[0] : i32 from vector<1xi32>
      %dma_start3A_630 = arith.constant 14 : i32
      %dma_start3A_631 = arith.constant 0 : i32
      %dma_start3A_632 = arith.constant 0 : i32
      %dma_start3A_633 = tpu.memref_slice %arg9[%dma_start3A_630, %dma_start3A_631, %dma_start3A_632] : memref<32x8x64xf32, #tpu.memory_space<vmem>> -> memref<1x8x64xf32, #tpu.memory_space<vmem>>
      %dma_start3A_634 = tpu.memref_squeeze %dma_start3A_633 : memref<1x8x64xf32, #tpu.memory_space<vmem>> -> memref<8x64xf32, #tpu.memory_space<vmem>>
      %dma_start3A_635 = tpu.memref_reshape %arg4 : memref<1000000x64xf32, #tpu.memory_space<hbm>> -> memref<125000x8x64xf32, #tpu.memory_space<hbm>>
      %dma_start3A_636 = arith.constant 0 : i32
      %dma_start3A_637 = arith.constant 0 : i32
      %dma_start3A_638 = tpu.memref_slice %dma_start3A_635[%squeeze3A_629, %dma_start3A_636, %dma_start3A_637] : memref<125000x8x64xf32, #tpu.memory_space<hbm>> -> memref<1x8x64xf32, #tpu.memory_space<hbm>>
      %dma_start3A_639 = tpu.memref_squeeze %dma_start3A_638 : memref<1x8x64xf32, #tpu.memory_space<hbm>> -> memref<8x64xf32, #tpu.memory_space<hbm>>
      %dma_start3A_640 = arith.constant 0 : i32
      %dma_start3A_641 = arith.constant 0 : i32
      %dma_start3A_642 = tpu.memref_slice %arg9[%dma_start3A_630, %dma_start3A_640, %dma_start3A_641] : memref<32x8x64xf32, #tpu.memory_space<vmem>> -> memref<1x8x64xf32, #tpu.memory_space<vmem>>
      %dma_start3A_643 = tpu.memref_squeeze %dma_start3A_642 : memref<1x8x64xf32, #tpu.memory_space<vmem>> -> memref<8x64xf32, #tpu.memory_space<vmem>>
      %dma_start3A_644 = tpu.memref_reshape %arg4 : memref<1000000x64xf32, #tpu.memory_space<hbm>> -> memref<125000x8x64xf32, #tpu.memory_space<hbm>>
      %dma_start3A_645 = arith.constant 0 : i32
      %dma_start3A_646 = arith.constant 0 : i32
      %dma_start3A_647 = tpu.memref_slice %dma_start3A_644[%squeeze3A_629, %dma_start3A_645, %dma_start3A_646] : memref<125000x8x64xf32, #tpu.memory_space<hbm>> -> memref<1x8x64xf32, #tpu.memory_space<hbm>>
      %dma_start3A_648 = tpu.memref_squeeze %dma_start3A_647 : memref<1x8x64xf32, #tpu.memory_space<hbm>> -> memref<8x64xf32, #tpu.memory_space<hbm>>
      tpu.enqueue_dma source(%dma_start3A_648 : memref<8x64xf32, #tpu.memory_space<hbm>>) target(%dma_start3A_643 : memref<8x64xf32, #tpu.memory_space<vmem>>) target_semaphore(%arg12 : memref<!tpu.dma_semaphore, #tpu.memory_space<semaphore_mem>>)
      %slice3A_649 = vector.extract_strided_slice %shift_right_logical3A_16 {offsets = [15], sizes = [1], strides = [1]} : vector<16xi32> to vector<1xi32>
      %squeeze3A_650 = vector.extract %slice3A_649[0] : i32 from vector<1xi32>
      %dma_start3A_651 = arith.constant 15 : i32
      %dma_start3A_652 = arith.constant 0 : i32
      %dma_start3A_653 = arith.constant 0 : i32
      %dma_start3A_654 = tpu.memref_slice %arg8[%dma_start3A_651, %dma_start3A_652, %dma_start3A_653] : memref<32x8x64xf32, #tpu.memory_space<vmem>> -> memref<1x8x64xf32, #tpu.memory_space<vmem>>
      %dma_start3A_655 = tpu.memref_squeeze %dma_start3A_654 : memref<1x8x64xf32, #tpu.memory_space<vmem>> -> memref<8x64xf32, #tpu.memory_space<vmem>>
      %dma_start3A_656 = tpu.memref_reshape %arg4 : memref<1000000x64xf32, #tpu.memory_space<hbm>> -> memref<125000x8x64xf32, #tpu.memory_space<hbm>>
      %dma_start3A_657 = arith.constant 0 : i32
      %dma_start3A_658 = arith.constant 0 : i32
      %dma_start3A_659 = tpu.memref_slice %dma_start3A_656[%squeeze3A_650, %dma_start3A_657, %dma_start3A_658] : memref<125000x8x64xf32, #tpu.memory_space<hbm>> -> memref<1x8x64xf32, #tpu.memory_space<hbm>>
      %dma_start3A_660 = tpu.memref_squeeze %dma_start3A_659 : memref<1x8x64xf32, #tpu.memory_space<hbm>> -> memref<8x64xf32, #tpu.memory_space<hbm>>
      %dma_start3A_661 = arith.constant 0 : i32
      %dma_start3A_662 = arith.constant 0 : i32
      %dma_start3A_663 = tpu.memref_slice %arg8[%dma_start3A_651, %dma_start3A_661, %dma_start3A_662] : memref<32x8x64xf32, #tpu.memory_space<vmem>> -> memref<1x8x64xf32, #tpu.memory_space<vmem>>
      %dma_start3A_664 = tpu.memref_squeeze %dma_start3A_663 : memref<1x8x64xf32, #tpu.memory_space<vmem>> -> memref<8x64xf32, #tpu.memory_space<vmem>>
      %dma_start3A_665 = tpu.memref_reshape %arg4 : memref<1000000x64xf32, #tpu.memory_space<hbm>> -> memref<125000x8x64xf32, #tpu.memory_space<hbm>>
      %dma_start3A_666 = arith.constant 0 : i32
      %dma_start3A_667 = arith.constant 0 : i32
      %dma_start3A_668 = tpu.memref_slice %dma_start3A_665[%squeeze3A_650, %dma_start3A_666, %dma_start3A_667] : memref<125000x8x64xf32, #tpu.memory_space<hbm>> -> memref<1x8x64xf32, #tpu.memory_space<hbm>>
      %dma_start3A_669 = tpu.memref_squeeze %dma_start3A_668 : memref<1x8x64xf32, #tpu.memory_space<hbm>> -> memref<8x64xf32, #tpu.memory_space<hbm>>
      tpu.enqueue_dma source(%dma_start3A_669 : memref<8x64xf32, #tpu.memory_space<hbm>>) target(%dma_start3A_664 : memref<8x64xf32, #tpu.memory_space<vmem>>) target_semaphore(%arg11 : memref<!tpu.dma_semaphore, #tpu.memory_space<semaphore_mem>>)
      %slice3A_670 = vector.extract_strided_slice %shift_right_logical3A_21 {offsets = [15], sizes = [1], strides = [1]} : vector<16xi32> to vector<1xi32>
      %squeeze3A_671 = vector.extract %slice3A_670[0] : i32 from vector<1xi32>
      %dma_start3A_672 = arith.constant 15 : i32
      %dma_start3A_673 = arith.constant 0 : i32
      %dma_start3A_674 = arith.constant 0 : i32
      %dma_start3A_675 = tpu.memref_slice %arg9[%dma_start3A_672, %dma_start3A_673, %dma_start3A_674] : memref<32x8x64xf32, #tpu.memory_space<vmem>> -> memref<1x8x64xf32, #tpu.memory_space<vmem>>
      %dma_start3A_676 = tpu.memref_squeeze %dma_start3A_675 : memref<1x8x64xf32, #tpu.memory_space<vmem>> -> memref<8x64xf32, #tpu.memory_space<vmem>>
      %dma_start3A_677 = tpu.memref_reshape %arg4 : memref<1000000x64xf32, #tpu.memory_space<hbm>> -> memref<125000x8x64xf32, #tpu.memory_space<hbm>>
      %dma_start3A_678 = arith.constant 0 : i32
      %dma_start3A_679 = arith.constant 0 : i32
      %dma_start3A_680 = tpu.memref_slice %dma_start3A_677[%squeeze3A_671, %dma_start3A_678, %dma_start3A_679] : memref<125000x8x64xf32, #tpu.memory_space<hbm>> -> memref<1x8x64xf32, #tpu.memory_space<hbm>>
      %dma_start3A_681 = tpu.memref_squeeze %dma_start3A_680 : memref<1x8x64xf32, #tpu.memory_space<hbm>> -> memref<8x64xf32, #tpu.memory_space<hbm>>
      %dma_start3A_682 = arith.constant 0 : i32
      %dma_start3A_683 = arith.constant 0 : i32
      %dma_start3A_684 = tpu.memref_slice %arg9[%dma_start3A_672, %dma_start3A_682, %dma_start3A_683] : memref<32x8x64xf32, #tpu.memory_space<vmem>> -> memref<1x8x64xf32, #tpu.memory_space<vmem>>
      %dma_start3A_685 = tpu.memref_squeeze %dma_start3A_684 : memref<1x8x64xf32, #tpu.memory_space<vmem>> -> memref<8x64xf32, #tpu.memory_space<vmem>>
      %dma_start3A_686 = tpu.memref_reshape %arg4 : memref<1000000x64xf32, #tpu.memory_space<hbm>> -> memref<125000x8x64xf32, #tpu.memory_space<hbm>>
      %dma_start3A_687 = arith.constant 0 : i32
      %dma_start3A_688 = arith.constant 0 : i32
      %dma_start3A_689 = tpu.memref_slice %dma_start3A_686[%squeeze3A_671, %dma_start3A_687, %dma_start3A_688] : memref<125000x8x64xf32, #tpu.memory_space<hbm>> -> memref<1x8x64xf32, #tpu.memory_space<hbm>>
      %dma_start3A_690 = tpu.memref_squeeze %dma_start3A_689 : memref<1x8x64xf32, #tpu.memory_space<hbm>> -> memref<8x64xf32, #tpu.memory_space<hbm>>
      tpu.enqueue_dma source(%dma_start3A_690 : memref<8x64xf32, #tpu.memory_space<hbm>>) target(%dma_start3A_685 : memref<8x64xf32, #tpu.memory_space<vmem>>) target_semaphore(%arg12 : memref<!tpu.dma_semaphore, #tpu.memory_space<semaphore_mem>>)
      %get3A_691 = arith.constant 16 : index
      %get3A_692 = tpu.vector_load %arg6[%get3A_691] {strides = array<i32>} : memref<32xi32, #tpu.memory_space<vmem>>, vector<16xi32>,
      %shift_right_logical3A_693 = arith.constant 3 : i32
      %shift_right_logical3A_694 = vector.broadcast %shift_right_logical3A_693 : i32 to vector<16xi32>
      %shift_right_logical3A_695 = arith.shrui %get3A_692, %shift_right_logical3A_694 : vector<16xi32>
      %get3A_696 = arith.constant 16 : index
      %get3A_697 = tpu.vector_load %arg7[%get3A_696] {strides = array<i32>} : memref<32xi32, #tpu.memory_space<vmem>>, vector<16xi32>,
      %shift_right_logical3A_698 = arith.constant 3 : i32
      %shift_right_logical3A_699 = vector.broadcast %shift_right_logical3A_698 : i32 to vector<16xi32>
      %shift_right_logical3A_700 = arith.shrui %get3A_697, %shift_right_logical3A_699 : vector<16xi32>
      %slice3A_701 = vector.extract_strided_slice %shift_right_logical3A_695 {offsets = [0], sizes = [1], strides = [1]} : vector<16xi32> to vector<1xi32>
      %squeeze3A_702 = vector.extract %slice3A_701[0] : i32 from vector<1xi32>
      %dma_start3A_703 = arith.constant 16 : i32
      %dma_start3A_704 = arith.constant 0 : i32
      %dma_start3A_705 = arith.constant 0 : i32
      %dma_start3A_706 = tpu.memref_slice %arg8[%dma_start3A_703, %dma_start3A_704, %dma_start3A_705] : memref<32x8x64xf32, #tpu.memory_space<vmem>> -> memref<1x8x64xf32, #tpu.memory_space<vmem>>
      %dma_start3A_707 = tpu.memref_squeeze %dma_start3A_706 : memref<1x8x64xf32, #tpu.memory_space<vmem>> -> memref<8x64xf32, #tpu.memory_space<vmem>>
      %dma_start3A_708 = tpu.memref_reshape %arg4 : memref<1000000x64xf32, #tpu.memory_space<hbm>> -> memref<125000x8x64xf32, #tpu.memory_space<hbm>>
      %dma_start3A_709 = arith.constant 0 : i32
      %dma_start3A_710 = arith.constant 0 : i32
      %dma_start3A_711 = tpu.memref_slice %dma_start3A_708[%squeeze3A_702, %dma_start3A_709, %dma_start3A_710] : memref<125000x8x64xf32, #tpu.memory_space<hbm>> -> memref<1x8x64xf32, #tpu.memory_space<hbm>>
      %dma_start3A_712 = tpu.memref_squeeze %dma_start3A_711 : memref<1x8x64xf32, #tpu.memory_space<hbm>> -> memref<8x64xf32, #tpu.memory_space<hbm>>
      %dma_start3A_713 = arith.constant 0 : i32
      %dma_start3A_714 = arith.constant 0 : i32
      %dma_start3A_715 = tpu.memref_slice %arg8[%dma_start3A_703, %dma_start3A_713, %dma_start3A_714] : memref<32x8x64xf32, #tpu.memory_space<vmem>> -> memref<1x8x64xf32, #tpu.memory_space<vmem>>
      %dma_start3A_716 = tpu.memref_squeeze %dma_start3A_715 : memref<1x8x64xf32, #tpu.memory_space<vmem>> -> memref<8x64xf32, #tpu.memory_space<vmem>>
      %dma_start3A_717 = tpu.memref_reshape %arg4 : memref<1000000x64xf32, #tpu.memory_space<hbm>> -> memref<125000x8x64xf32, #tpu.memory_space<hbm>>
      %dma_start3A_718 = arith.constant 0 : i32
      %dma_start3A_719 = arith.constant 0 : i32
      %dma_start3A_720 = tpu.memref_slice %dma_start3A_717[%squeeze3A_702, %dma_start3A_718, %dma_start3A_719] : memref<125000x8x64xf32, #tpu.memory_space<hbm>> -> memref<1x8x64xf32, #tpu.memory_space<hbm>>
      %dma_start3A_721 = tpu.memref_squeeze %dma_start3A_720 : memref<1x8x64xf32, #tpu.memory_space<hbm>> -> memref<8x64xf32, #tpu.memory_space<hbm>>
      tpu.enqueue_dma source(%dma_start3A_721 : memref<8x64xf32, #tpu.memory_space<hbm>>) target(%dma_start3A_716 : memref<8x64xf32, #tpu.memory_space<vmem>>) target_semaphore(%arg11 : memref<!tpu.dma_semaphore, #tpu.memory_space<semaphore_mem>>)
      %slice3A_722 = vector.extract_strided_slice %shift_right_logical3A_700 {offsets = [0], sizes = [1], strides = [1]} : vector<16xi32> to vector<1xi32>
      %squeeze3A_723 = vector.extract %slice3A_722[0] : i32 from vector<1xi32>
      %dma_start3A_724 = arith.constant 16 : i32
      %dma_start3A_725 = arith.constant 0 : i32
      %dma_start3A_726 = arith.constant 0 : i32
      %dma_start3A_727 = tpu.memref_slice %arg9[%dma_start3A_724, %dma_start3A_725, %dma_start3A_726] : memref<32x8x64xf32, #tpu.memory_space<vmem>> -> memref<1x8x64xf32, #tpu.memory_space<vmem>>
      %dma_start3A_728 = tpu.memref_squeeze %dma_start3A_727 : memref<1x8x64xf32, #tpu.memory_space<vmem>> -> memref<8x64xf32, #tpu.memory_space<vmem>>
      %dma_start3A_729 = tpu.memref_reshape %arg4 : memref<1000000x64xf32, #tpu.memory_space<hbm>> -> memref<125000x8x64xf32, #tpu.memory_space<hbm>>
      %dma_start3A_730 = arith.constant 0 : i32
      %dma_start3A_731 = arith.constant 0 : i32
      %dma_start3A_732 = tpu.memref_slice %dma_start3A_729[%squeeze3A_723, %dma_start3A_730, %dma_start3A_731] : memref<125000x8x64xf32, #tpu.memory_space<hbm>> -> memref<1x8x64xf32, #tpu.memory_space<hbm>>
      %dma_start3A_733 = tpu.memref_squeeze %dma_start3A_732 : memref<1x8x64xf32, #tpu.memory_space<hbm>> -> memref<8x64xf32, #tpu.memory_space<hbm>>
      %dma_start3A_734 = arith.constant 0 : i32
      %dma_start3A_735 = arith.constant 0 : i32
      %dma_start3A_736 = tpu.memref_slice %arg9[%dma_start3A_724, %dma_start3A_734, %dma_start3A_735] : memref<32x8x64xf32, #tpu.memory_space<vmem>> -> memref<1x8x64xf32, #tpu.memory_space<vmem>>
      %dma_start3A_737 = tpu.memref_squeeze %dma_start3A_736 : memref<1x8x64xf32, #tpu.memory_space<vmem>> -> memref<8x64xf32, #tpu.memory_space<vmem>>
      %dma_start3A_738 = tpu.memref_reshape %arg4 : memref<1000000x64xf32, #tpu.memory_space<hbm>> -> memref<125000x8x64xf32, #tpu.memory_space<hbm>>
      %dma_start3A_739 = arith.constant 0 : i32
      %dma_start3A_740 = arith.constant 0 : i32
      %dma_start3A_741 = tpu.memref_slice %dma_start3A_738[%squeeze3A_723, %dma_start3A_739, %dma_start3A_740] : memref<125000x8x64xf32, #tpu.memory_space<hbm>> -> memref<1x8x64xf32, #tpu.memory_space<hbm>>
      %dma_start3A_742 = tpu.memref_squeeze %dma_start3A_741 : memref<1x8x64xf32, #tpu.memory_space<hbm>> -> memref<8x64xf32, #tpu.memory_space<hbm>>
      tpu.enqueue_dma source(%dma_start3A_742 : memref<8x64xf32, #tpu.memory_space<hbm>>) target(%dma_start3A_737 : memref<8x64xf32, #tpu.memory_space<vmem>>) target_semaphore(%arg12 : memref<!tpu.dma_semaphore, #tpu.memory_space<semaphore_mem>>)
      %slice3A_743 = vector.extract_strided_slice %shift_right_logical3A_695 {offsets = [1], sizes = [1], strides = [1]} : vector<16xi32> to vector<1xi32>
      %squeeze3A_744 = vector.extract %slice3A_743[0] : i32 from vector<1xi32>
      %dma_start3A_745 = arith.constant 17 : i32
      %dma_start3A_746 = arith.constant 0 : i32
      %dma_start3A_747 = arith.constant 0 : i32
      %dma_start3A_748 = tpu.memref_slice %arg8[%dma_start3A_745, %dma_start3A_746, %dma_start3A_747] : memref<32x8x64xf32, #tpu.memory_space<vmem>> -> memref<1x8x64xf32, #tpu.memory_space<vmem>>
      %dma_start3A_749 = tpu.memref_squeeze %dma_start3A_748 : memref<1x8x64xf32, #tpu.memory_space<vmem>> -> memref<8x64xf32, #tpu.memory_space<vmem>>
      %dma_start3A_750 = tpu.memref_reshape %arg4 : memref<1000000x64xf32, #tpu.memory_space<hbm>> -> memref<125000x8x64xf32, #tpu.memory_space<hbm>>
      %dma_start3A_751 = arith.constant 0 : i32
      %dma_start3A_752 = arith.constant 0 : i32
      %dma_start3A_753 = tpu.memref_slice %dma_start3A_750[%squeeze3A_744, %dma_start3A_751, %dma_start3A_752] : memref<125000x8x64xf32, #tpu.memory_space<hbm>> -> memref<1x8x64xf32, #tpu.memory_space<hbm>>
      %dma_start3A_754 = tpu.memref_squeeze %dma_start3A_753 : memref<1x8x64xf32, #tpu.memory_space<hbm>> -> memref<8x64xf32, #tpu.memory_space<hbm>>
      %dma_start3A_755 = arith.constant 0 : i32
      %dma_start3A_756 = arith.constant 0 : i32
      %dma_start3A_757 = tpu.memref_slice %arg8[%dma_start3A_745, %dma_start3A_755, %dma_start3A_756] : memref<32x8x64xf32, #tpu.memory_space<vmem>> -> memref<1x8x64xf32, #tpu.memory_space<vmem>>
      %dma_start3A_758 = tpu.memref_squeeze %dma_start3A_757 : memref<1x8x64xf32, #tpu.memory_space<vmem>> -> memref<8x64xf32, #tpu.memory_space<vmem>>
      %dma_start3A_759 = tpu.memref_reshape %arg4 : memref<1000000x64xf32, #tpu.memory_space<hbm>> -> memref<125000x8x64xf32, #tpu.memory_space<hbm>>
      %dma_start3A_760 = arith.constant 0 : i32
      %dma_start3A_761 = arith.constant 0 : i32
      %dma_start3A_762 = tpu.memref_slice %dma_start3A_759[%squeeze3A_744, %dma_start3A_760, %dma_start3A_761] : memref<125000x8x64xf32, #tpu.memory_space<hbm>> -> memref<1x8x64xf32, #tpu.memory_space<hbm>>
      %dma_start3A_763 = tpu.memref_squeeze %dma_start3A_762 : memref<1x8x64xf32, #tpu.memory_space<hbm>> -> memref<8x64xf32, #tpu.memory_space<hbm>>
      tpu.enqueue_dma source(%dma_start3A_763 : memref<8x64xf32, #tpu.memory_space<hbm>>) target(%dma_start3A_758 : memref<8x64xf32, #tpu.memory_space<vmem>>) target_semaphore(%arg11 : memref<!tpu.dma_semaphore, #tpu.memory_space<semaphore_mem>>)
      %slice3A_764 = vector.extract_strided_slice %shift_right_logical3A_700 {offsets = [1], sizes = [1], strides = [1]} : vector<16xi32> to vector<1xi32>
      %squeeze3A_765 = vector.extract %slice3A_764[0] : i32 from vector<1xi32>
      %dma_start3A_766 = arith.constant 17 : i32
      %dma_start3A_767 = arith.constant 0 : i32
      %dma_start3A_768 = arith.constant 0 : i32
      %dma_start3A_769 = tpu.memref_slice %arg9[%dma_start3A_766, %dma_start3A_767, %dma_start3A_768] : memref<32x8x64xf32, #tpu.memory_space<vmem>> -> memref<1x8x64xf32, #tpu.memory_space<vmem>>
      %dma_start3A_770 = tpu.memref_squeeze %dma_start3A_769 : memref<1x8x64xf32, #tpu.memory_space<vmem>> -> memref<8x64xf32, #tpu.memory_space<vmem>>
      %dma_start3A_771 = tpu.memref_reshape %arg4 : memref<1000000x64xf32, #tpu.memory_space<hbm>> -> memref<125000x8x64xf32, #tpu.memory_space<hbm>>
      %dma_start3A_772 = arith.constant 0 : i32
      %dma_start3A_773 = arith.constant 0 : i32
      %dma_start3A_774 = tpu.memref_slice %dma_start3A_771[%squeeze3A_765, %dma_start3A_772, %dma_start3A_773] : memref<125000x8x64xf32, #tpu.memory_space<hbm>> -> memref<1x8x64xf32, #tpu.memory_space<hbm>>
      %dma_start3A_775 = tpu.memref_squeeze %dma_start3A_774 : memref<1x8x64xf32, #tpu.memory_space<hbm>> -> memref<8x64xf32, #tpu.memory_space<hbm>>
      %dma_start3A_776 = arith.constant 0 : i32
      %dma_start3A_777 = arith.constant 0 : i32
      %dma_start3A_778 = tpu.memref_slice %arg9[%dma_start3A_766, %dma_start3A_776, %dma_start3A_777] : memref<32x8x64xf32, #tpu.memory_space<vmem>> -> memref<1x8x64xf32, #tpu.memory_space<vmem>>
      %dma_start3A_779 = tpu.memref_squeeze %dma_start3A_778 : memref<1x8x64xf32, #tpu.memory_space<vmem>> -> memref<8x64xf32, #tpu.memory_space<vmem>>
      %dma_start3A_780 = tpu.memref_reshape %arg4 : memref<1000000x64xf32, #tpu.memory_space<hbm>> -> memref<125000x8x64xf32, #tpu.memory_space<hbm>>
      %dma_start3A_781 = arith.constant 0 : i32
      %dma_start3A_782 = arith.constant 0 : i32
      %dma_start3A_783 = tpu.memref_slice %dma_start3A_780[%squeeze3A_765, %dma_start3A_781, %dma_start3A_782] : memref<125000x8x64xf32, #tpu.memory_space<hbm>> -> memref<1x8x64xf32, #tpu.memory_space<hbm>>
      %dma_start3A_784 = tpu.memref_squeeze %dma_start3A_783 : memref<1x8x64xf32, #tpu.memory_space<hbm>> -> memref<8x64xf32, #tpu.memory_space<hbm>>
      tpu.enqueue_dma source(%dma_start3A_784 : memref<8x64xf32, #tpu.memory_space<hbm>>) target(%dma_start3A_779 : memref<8x64xf32, #tpu.memory_space<vmem>>) target_semaphore(%arg12 : memref<!tpu.dma_semaphore, #tpu.memory_space<semaphore_mem>>)
      %slice3A_785 = vector.extract_strided_slice %shift_right_logical3A_695 {offsets = [2], sizes = [1], strides = [1]} : vector<16xi32> to vector<1xi32>
      %squeeze3A_786 = vector.extract %slice3A_785[0] : i32 from vector<1xi32>
      %dma_start3A_787 = arith.constant 18 : i32
      %dma_start3A_788 = arith.constant 0 : i32
      %dma_start3A_789 = arith.constant 0 : i32
      %dma_start3A_790 = tpu.memref_slice %arg8[%dma_start3A_787, %dma_start3A_788, %dma_start3A_789] : memref<32x8x64xf32, #tpu.memory_space<vmem>> -> memref<1x8x64xf32, #tpu.memory_space<vmem>>
      %dma_start3A_791 = tpu.memref_squeeze %dma_start3A_790 : memref<1x8x64xf32, #tpu.memory_space<vmem>> -> memref<8x64xf32, #tpu.memory_space<vmem>>
      %dma_start3A_792 = tpu.memref_reshape %arg4 : memref<1000000x64xf32, #tpu.memory_space<hbm>> -> memref<125000x8x64xf32, #tpu.memory_space<hbm>>
      %dma_start3A_793 = arith.constant 0 : i32
      %dma_start3A_794 = arith.constant 0 : i32
      %dma_start3A_795 = tpu.memref_slice %dma_start3A_792[%squeeze3A_786, %dma_start3A_793, %dma_start3A_794] : memref<125000x8x64xf32, #tpu.memory_space<hbm>> -> memref<1x8x64xf32, #tpu.memory_space<hbm>>
      %dma_start3A_796 = tpu.memref_squeeze %dma_start3A_795 : memref<1x8x64xf32, #tpu.memory_space<hbm>> -> memref<8x64xf32, #tpu.memory_space<hbm>>
      %dma_start3A_797 = arith.constant 0 : i32
      %dma_start3A_798 = arith.constant 0 : i32
      %dma_start3A_799 = tpu.memref_slice %arg8[%dma_start3A_787, %dma_start3A_797, %dma_start3A_798] : memref<32x8x64xf32, #tpu.memory_space<vmem>> -> memref<1x8x64xf32, #tpu.memory_space<vmem>>
      %dma_start3A_800 = tpu.memref_squeeze %dma_start3A_799 : memref<1x8x64xf32, #tpu.memory_space<vmem>> -> memref<8x64xf32, #tpu.memory_space<vmem>>
      %dma_start3A_801 = tpu.memref_reshape %arg4 : memref<1000000x64xf32, #tpu.memory_space<hbm>> -> memref<125000x8x64xf32, #tpu.memory_space<hbm>>
      %dma_start3A_802 = arith.constant 0 : i32
      %dma_start3A_803 = arith.constant 0 : i32
      %dma_start3A_804 = tpu.memref_slice %dma_start3A_801[%squeeze3A_786, %dma_start3A_802, %dma_start3A_803] : memref<125000x8x64xf32, #tpu.memory_space<hbm>> -> memref<1x8x64xf32, #tpu.memory_space<hbm>>
      %dma_start3A_805 = tpu.memref_squeeze %dma_start3A_804 : memref<1x8x64xf32, #tpu.memory_space<hbm>> -> memref<8x64xf32, #tpu.memory_space<hbm>>
      tpu.enqueue_dma source(%dma_start3A_805 : memref<8x64xf32, #tpu.memory_space<hbm>>) target(%dma_start3A_800 : memref<8x64xf32, #tpu.memory_space<vmem>>) target_semaphore(%arg11 : memref<!tpu.dma_semaphore, #tpu.memory_space<semaphore_mem>>)
      %slice3A_806 = vector.extract_strided_slice %shift_right_logical3A_700 {offsets = [2], sizes = [1], strides = [1]} : vector<16xi32> to vector<1xi32>
      %squeeze3A_807 = vector.extract %slice3A_806[0] : i32 from vector<1xi32>
      %dma_start3A_808 = arith.constant 18 : i32
      %dma_start3A_809 = arith.constant 0 : i32
      %dma_start3A_810 = arith.constant 0 : i32
      %dma_start3A_811 = tpu.memref_slice %arg9[%dma_start3A_808, %dma_start3A_809, %dma_start3A_810] : memref<32x8x64xf32, #tpu.memory_space<vmem>> -> memref<1x8x64xf32, #tpu.memory_space<vmem>>
      %dma_start3A_812 = tpu.memref_squeeze %dma_start3A_811 : memref<1x8x64xf32, #tpu.memory_space<vmem>> -> memref<8x64xf32, #tpu.memory_space<vmem>>
      %dma_start3A_813 = tpu.memref_reshape %arg4 : memref<1000000x64xf32, #tpu.memory_space<hbm>> -> memref<125000x8x64xf32, #tpu.memory_space<hbm>>
      %dma_start3A_814 = arith.constant 0 : i32
      %dma_start3A_815 = arith.constant 0 : i32
      %dma_start3A_816 = tpu.memref_slice %dma_start3A_813[%squeeze3A_807, %dma_start3A_814, %dma_start3A_815] : memref<125000x8x64xf32, #tpu.memory_space<hbm>> -> memref<1x8x64xf32, #tpu.memory_space<hbm>>
      %dma_start3A_817 = tpu.memref_squeeze %dma_start3A_816 : memref<1x8x64xf32, #tpu.memory_space<hbm>> -> memref<8x64xf32, #tpu.memory_space<hbm>>
      %dma_start3A_818 = arith.constant 0 : i32
      %dma_start3A_819 = arith.constant 0 : i32
      %dma_start3A_820 = tpu.memref_slice %arg9[%dma_start3A_808, %dma_start3A_818, %dma_start3A_819] : memref<32x8x64xf32, #tpu.memory_space<vmem>> -> memref<1x8x64xf32, #tpu.memory_space<vmem>>
      %dma_start3A_821 = tpu.memref_squeeze %dma_start3A_820 : memref<1x8x64xf32, #tpu.memory_space<vmem>> -> memref<8x64xf32, #tpu.memory_space<vmem>>
      %dma_start3A_822 = tpu.memref_reshape %arg4 : memref<1000000x64xf32, #tpu.memory_space<hbm>> -> memref<125000x8x64xf32, #tpu.memory_space<hbm>>
      %dma_start3A_823 = arith.constant 0 : i32
      %dma_start3A_824 = arith.constant 0 : i32
      %dma_start3A_825 = tpu.memref_slice %dma_start3A_822[%squeeze3A_807, %dma_start3A_823, %dma_start3A_824] : memref<125000x8x64xf32, #tpu.memory_space<hbm>> -> memref<1x8x64xf32, #tpu.memory_space<hbm>>
      %dma_start3A_826 = tpu.memref_squeeze %dma_start3A_825 : memref<1x8x64xf32, #tpu.memory_space<hbm>> -> memref<8x64xf32, #tpu.memory_space<hbm>>
      tpu.enqueue_dma source(%dma_start3A_826 : memref<8x64xf32, #tpu.memory_space<hbm>>) target(%dma_start3A_821 : memref<8x64xf32, #tpu.memory_space<vmem>>) target_semaphore(%arg12 : memref<!tpu.dma_semaphore, #tpu.memory_space<semaphore_mem>>)
      %slice3A_827 = vector.extract_strided_slice %shift_right_logical3A_695 {offsets = [3], sizes = [1], strides = [1]} : vector<16xi32> to vector<1xi32>
      %squeeze3A_828 = vector.extract %slice3A_827[0] : i32 from vector<1xi32>
      %dma_start3A_829 = arith.constant 19 : i32
      %dma_start3A_830 = arith.constant 0 : i32
      %dma_start3A_831 = arith.constant 0 : i32
      %dma_start3A_832 = tpu.memref_slice %arg8[%dma_start3A_829, %dma_start3A_830, %dma_start3A_831] : memref<32x8x64xf32, #tpu.memory_space<vmem>> -> memref<1x8x64xf32, #tpu.memory_space<vmem>>
      %dma_start3A_833 = tpu.memref_squeeze %dma_start3A_832 : memref<1x8x64xf32, #tpu.memory_space<vmem>> -> memref<8x64xf32, #tpu.memory_space<vmem>>
      %dma_start3A_834 = tpu.memref_reshape %arg4 : memref<1000000x64xf32, #tpu.memory_space<hbm>> -> memref<125000x8x64xf32, #tpu.memory_space<hbm>>
      %dma_start3A_835 = arith.constant 0 : i32
      %dma_start3A_836 = arith.constant 0 : i32
      %dma_start3A_837 = tpu.memref_slice %dma_start3A_834[%squeeze3A_828, %dma_start3A_835, %dma_start3A_836] : memref<125000x8x64xf32, #tpu.memory_space<hbm>> -> memref<1x8x64xf32, #tpu.memory_space<hbm>>
      %dma_start3A_838 = tpu.memref_squeeze %dma_start3A_837 : memref<1x8x64xf32, #tpu.memory_space<hbm>> -> memref<8x64xf32, #tpu.memory_space<hbm>>
      %dma_start3A_839 = arith.constant 0 : i32
      %dma_start3A_840 = arith.constant 0 : i32
      %dma_start3A_841 = tpu.memref_slice %arg8[%dma_start3A_829, %dma_start3A_839, %dma_start3A_840] : memref<32x8x64xf32, #tpu.memory_space<vmem>> -> memref<1x8x64xf32, #tpu.memory_space<vmem>>
      %dma_start3A_842 = tpu.memref_squeeze %dma_start3A_841 : memref<1x8x64xf32, #tpu.memory_space<vmem>> -> memref<8x64xf32, #tpu.memory_space<vmem>>
      %dma_start3A_843 = tpu.memref_reshape %arg4 : memref<1000000x64xf32, #tpu.memory_space<hbm>> -> memref<125000x8x64xf32, #tpu.memory_space<hbm>>
      %dma_start3A_844 = arith.constant 0 : i32
      %dma_start3A_845 = arith.constant 0 : i32
      %dma_start3A_846 = tpu.memref_slice %dma_start3A_843[%squeeze3A_828, %dma_start3A_844, %dma_start3A_845] : memref<125000x8x64xf32, #tpu.memory_space<hbm>> -> memref<1x8x64xf32, #tpu.memory_space<hbm>>
      %dma_start3A_847 = tpu.memref_squeeze %dma_start3A_846 : memref<1x8x64xf32, #tpu.memory_space<hbm>> -> memref<8x64xf32, #tpu.memory_space<hbm>>
      tpu.enqueue_dma source(%dma_start3A_847 : memref<8x64xf32, #tpu.memory_space<hbm>>) target(%dma_start3A_842 : memref<8x64xf32, #tpu.memory_space<vmem>>) target_semaphore(%arg11 : memref<!tpu.dma_semaphore, #tpu.memory_space<semaphore_mem>>)
      %slice3A_848 = vector.extract_strided_slice %shift_right_logical3A_700 {offsets = [3], sizes = [1], strides = [1]} : vector<16xi32> to vector<1xi32>
      %squeeze3A_849 = vector.extract %slice3A_848[0] : i32 from vector<1xi32>
      %dma_start3A_850 = arith.constant 19 : i32
      %dma_start3A_851 = arith.constant 0 : i32
      %dma_start3A_852 = arith.constant 0 : i32
      %dma_start3A_853 = tpu.memref_slice %arg9[%dma_start3A_850, %dma_start3A_851, %dma_start3A_852] : memref<32x8x64xf32, #tpu.memory_space<vmem>> -> memref<1x8x64xf32, #tpu.memory_space<vmem>>
      %dma_start3A_854 = tpu.memref_squeeze %dma_start3A_853 : memref<1x8x64xf32, #tpu.memory_space<vmem>> -> memref<8x64xf32, #tpu.memory_space<vmem>>
      %dma_start3A_855 = tpu.memref_reshape %arg4 : memref<1000000x64xf32, #tpu.memory_space<hbm>> -> memref<125000x8x64xf32, #tpu.memory_space<hbm>>
      %dma_start3A_856 = arith.constant 0 : i32
      %dma_start3A_857 = arith.constant 0 : i32
      %dma_start3A_858 = tpu.memref_slice %dma_start3A_855[%squeeze3A_849, %dma_start3A_856, %dma_start3A_857] : memref<125000x8x64xf32, #tpu.memory_space<hbm>> -> memref<1x8x64xf32, #tpu.memory_space<hbm>>
      %dma_start3A_859 = tpu.memref_squeeze %dma_start3A_858 : memref<1x8x64xf32, #tpu.memory_space<hbm>> -> memref<8x64xf32, #tpu.memory_space<hbm>>
      %dma_start3A_860 = arith.constant 0 : i32
      %dma_start3A_861 = arith.constant 0 : i32
      %dma_start3A_862 = tpu.memref_slice %arg9[%dma_start3A_850, %dma_start3A_860, %dma_start3A_861] : memref<32x8x64xf32, #tpu.memory_space<vmem>> -> memref<1x8x64xf32, #tpu.memory_space<vmem>>
      %dma_start3A_863 = tpu.memref_squeeze %dma_start3A_862 : memref<1x8x64xf32, #tpu.memory_space<vmem>> -> memref<8x64xf32, #tpu.memory_space<vmem>>
      %dma_start3A_864 = tpu.memref_reshape %arg4 : memref<1000000x64xf32, #tpu.memory_space<hbm>> -> memref<125000x8x64xf32, #tpu.memory_space<hbm>>
      %dma_start3A_865 = arith.constant 0 : i32
      %dma_start3A_866 = arith.constant 0 : i32
      %dma_start3A_867 = tpu.memref_slice %dma_start3A_864[%squeeze3A_849, %dma_start3A_865, %dma_start3A_866] : memref<125000x8x64xf32, #tpu.memory_space<hbm>> -> memref<1x8x64xf32, #tpu.memory_space<hbm>>
      %dma_start3A_868 = tpu.memref_squeeze %dma_start3A_867 : memref<1x8x64xf32, #tpu.memory_space<hbm>> -> memref<8x64xf32, #tpu.memory_space<hbm>>
      tpu.enqueue_dma source(%dma_start3A_868 : memref<8x64xf32, #tpu.memory_space<hbm>>) target(%dma_start3A_863 : memref<8x64xf32, #tpu.memory_space<vmem>>) target_semaphore(%arg12 : memref<!tpu.dma_semaphore, #tpu.memory_space<semaphore_mem>>)
      %slice3A_869 = vector.extract_strided_slice %shift_right_logical3A_695 {offsets = [4], sizes = [1], strides = [1]} : vector<16xi32> to vector<1xi32>
      %squeeze3A_870 = vector.extract %slice3A_869[0] : i32 from vector<1xi32>
      %dma_start3A_871 = arith.constant 20 : i32
      %dma_start3A_872 = arith.constant 0 : i32
      %dma_start3A_873 = arith.constant 0 : i32
      %dma_start3A_874 = tpu.memref_slice %arg8[%dma_start3A_871, %dma_start3A_872, %dma_start3A_873] : memref<32x8x64xf32, #tpu.memory_space<vmem>> -> memref<1x8x64xf32, #tpu.memory_space<vmem>>
      %dma_start3A_875 = tpu.memref_squeeze %dma_start3A_874 : memref<1x8x64xf32, #tpu.memory_space<vmem>> -> memref<8x64xf32, #tpu.memory_space<vmem>>
      %dma_start3A_876 = tpu.memref_reshape %arg4 : memref<1000000x64xf32, #tpu.memory_space<hbm>> -> memref<125000x8x64xf32, #tpu.memory_space<hbm>>
      %dma_start3A_877 = arith.constant 0 : i32
      %dma_start3A_878 = arith.constant 0 : i32
      %dma_start3A_879 = tpu.memref_slice %dma_start3A_876[%squeeze3A_870, %dma_start3A_877, %dma_start3A_878] : memref<125000x8x64xf32, #tpu.memory_space<hbm>> -> memref<1x8x64xf32, #tpu.memory_space<hbm>>
      %dma_start3A_880 = tpu.memref_squeeze %dma_start3A_879 : memref<1x8x64xf32, #tpu.memory_space<hbm>> -> memref<8x64xf32, #tpu.memory_space<hbm>>
      %dma_start3A_881 = arith.constant 0 : i32
      %dma_start3A_882 = arith.constant 0 : i32
      %dma_start3A_883 = tpu.memref_slice %arg8[%dma_start3A_871, %dma_start3A_881, %dma_start3A_882] : memref<32x8x64xf32, #tpu.memory_space<vmem>> -> memref<1x8x64xf32, #tpu.memory_space<vmem>>
      %dma_start3A_884 = tpu.memref_squeeze %dma_start3A_883 : memref<1x8x64xf32, #tpu.memory_space<vmem>> -> memref<8x64xf32, #tpu.memory_space<vmem>>
      %dma_start3A_885 = tpu.memref_reshape %arg4 : memref<1000000x64xf32, #tpu.memory_space<hbm>> -> memref<125000x8x64xf32, #tpu.memory_space<hbm>>
      %dma_start3A_886 = arith.constant 0 : i32
      %dma_start3A_887 = arith.constant 0 : i32
      %dma_start3A_888 = tpu.memref_slice %dma_start3A_885[%squeeze3A_870, %dma_start3A_886, %dma_start3A_887] : memref<125000x8x64xf32, #tpu.memory_space<hbm>> -> memref<1x8x64xf32, #tpu.memory_space<hbm>>
      %dma_start3A_889 = tpu.memref_squeeze %dma_start3A_888 : memref<1x8x64xf32, #tpu.memory_space<hbm>> -> memref<8x64xf32, #tpu.memory_space<hbm>>
      tpu.enqueue_dma source(%dma_start3A_889 : memref<8x64xf32, #tpu.memory_space<hbm>>) target(%dma_start3A_884 : memref<8x64xf32, #tpu.memory_space<vmem>>) target_semaphore(%arg11 : memref<!tpu.dma_semaphore, #tpu.memory_space<semaphore_mem>>)
      %slice3A_890 = vector.extract_strided_slice %shift_right_logical3A_700 {offsets = [4], sizes = [1], strides = [1]} : vector<16xi32> to vector<1xi32>
      %squeeze3A_891 = vector.extract %slice3A_890[0] : i32 from vector<1xi32>
      %dma_start3A_892 = arith.constant 20 : i32
      %dma_start3A_893 = arith.constant 0 : i32
      %dma_start3A_894 = arith.constant 0 : i32
      %dma_start3A_895 = tpu.memref_slice %arg9[%dma_start3A_892, %dma_start3A_893, %dma_start3A_894] : memref<32x8x64xf32, #tpu.memory_space<vmem>> -> memref<1x8x64xf32, #tpu.memory_space<vmem>>
      %dma_start3A_896 = tpu.memref_squeeze %dma_start3A_895 : memref<1x8x64xf32, #tpu.memory_space<vmem>> -> memref<8x64xf32, #tpu.memory_space<vmem>>
      %dma_start3A_897 = tpu.memref_reshape %arg4 : memref<1000000x64xf32, #tpu.memory_space<hbm>> -> memref<125000x8x64xf32, #tpu.memory_space<hbm>>
      %dma_start3A_898 = arith.constant 0 : i32
      %dma_start3A_899 = arith.constant 0 : i32
      %dma_start3A_900 = tpu.memref_slice %dma_start3A_897[%squeeze3A_891, %dma_start3A_898, %dma_start3A_899] : memref<125000x8x64xf32, #tpu.memory_space<hbm>> -> memref<1x8x64xf32, #tpu.memory_space<hbm>>
      %dma_start3A_901 = tpu.memref_squeeze %dma_start3A_900 : memref<1x8x64xf32, #tpu.memory_space<hbm>> -> memref<8x64xf32, #tpu.memory_space<hbm>>
      %dma_start3A_902 = arith.constant 0 : i32
      %dma_start3A_903 = arith.constant 0 : i32
      %dma_start3A_904 = tpu.memref_slice %arg9[%dma_start3A_892, %dma_start3A_902, %dma_start3A_903] : memref<32x8x64xf32, #tpu.memory_space<vmem>> -> memref<1x8x64xf32, #tpu.memory_space<vmem>>
      %dma_start3A_905 = tpu.memref_squeeze %dma_start3A_904 : memref<1x8x64xf32, #tpu.memory_space<vmem>> -> memref<8x64xf32, #tpu.memory_space<vmem>>
      %dma_start3A_906 = tpu.memref_reshape %arg4 : memref<1000000x64xf32, #tpu.memory_space<hbm>> -> memref<125000x8x64xf32, #tpu.memory_space<hbm>>
      %dma_start3A_907 = arith.constant 0 : i32
      %dma_start3A_908 = arith.constant 0 : i32
      %dma_start3A_909 = tpu.memref_slice %dma_start3A_906[%squeeze3A_891, %dma_start3A_907, %dma_start3A_908] : memref<125000x8x64xf32, #tpu.memory_space<hbm>> -> memref<1x8x64xf32, #tpu.memory_space<hbm>>
      %dma_start3A_910 = tpu.memref_squeeze %dma_start3A_909 : memref<1x8x64xf32, #tpu.memory_space<hbm>> -> memref<8x64xf32, #tpu.memory_space<hbm>>
      tpu.enqueue_dma source(%dma_start3A_910 : memref<8x64xf32, #tpu.memory_space<hbm>>) target(%dma_start3A_905 : memref<8x64xf32, #tpu.memory_space<vmem>>) target_semaphore(%arg12 : memref<!tpu.dma_semaphore, #tpu.memory_space<semaphore_mem>>)
      %slice3A_911 = vector.extract_strided_slice %shift_right_logical3A_695 {offsets = [5], sizes = [1], strides = [1]} : vector<16xi32> to vector<1xi32>
      %squeeze3A_912 = vector.extract %slice3A_911[0] : i32 from vector<1xi32>
      %dma_start3A_913 = arith.constant 21 : i32
      %dma_start3A_914 = arith.constant 0 : i32
      %dma_start3A_915 = arith.constant 0 : i32
      %dma_start3A_916 = tpu.memref_slice %arg8[%dma_start3A_913, %dma_start3A_914, %dma_start3A_915] : memref<32x8x64xf32, #tpu.memory_space<vmem>> -> memref<1x8x64xf32, #tpu.memory_space<vmem>>
      %dma_start3A_917 = tpu.memref_squeeze %dma_start3A_916 : memref<1x8x64xf32, #tpu.memory_space<vmem>> -> memref<8x64xf32, #tpu.memory_space<vmem>>
      %dma_start3A_918 = tpu.memref_reshape %arg4 : memref<1000000x64xf32, #tpu.memory_space<hbm>> -> memref<125000x8x64xf32, #tpu.memory_space<hbm>>
      %dma_start3A_919 = arith.constant 0 : i32
      %dma_start3A_920 = arith.constant 0 : i32
      %dma_start3A_921 = tpu.memref_slice %dma_start3A_918[%squeeze3A_912, %dma_start3A_919, %dma_start3A_920] : memref<125000x8x64xf32, #tpu.memory_space<hbm>> -> memref<1x8x64xf32, #tpu.memory_space<hbm>>
      %dma_start3A_922 = tpu.memref_squeeze %dma_start3A_921 : memref<1x8x64xf32, #tpu.memory_space<hbm>> -> memref<8x64xf32, #tpu.memory_space<hbm>>
      %dma_start3A_923 = arith.constant 0 : i32
      %dma_start3A_924 = arith.constant 0 : i32
      %dma_start3A_925 = tpu.memref_slice %arg8[%dma_start3A_913, %dma_start3A_923, %dma_start3A_924] : memref<32x8x64xf32, #tpu.memory_space<vmem>> -> memref<1x8x64xf32, #tpu.memory_space<vmem>>
      %dma_start3A_926 = tpu.memref_squeeze %dma_start3A_925 : memref<1x8x64xf32, #tpu.memory_space<vmem>> -> memref<8x64xf32, #tpu.memory_space<vmem>>
      %dma_start3A_927 = tpu.memref_reshape %arg4 : memref<1000000x64xf32, #tpu.memory_space<hbm>> -> memref<125000x8x64xf32, #tpu.memory_space<hbm>>
      %dma_start3A_928 = arith.constant 0 : i32
      %dma_start3A_929 = arith.constant 0 : i32
      %dma_start3A_930 = tpu.memref_slice %dma_start3A_927[%squeeze3A_912, %dma_start3A_928, %dma_start3A_929] : memref<125000x8x64xf32, #tpu.memory_space<hbm>> -> memref<1x8x64xf32, #tpu.memory_space<hbm>>
      %dma_start3A_931 = tpu.memref_squeeze %dma_start3A_930 : memref<1x8x64xf32, #tpu.memory_space<hbm>> -> memref<8x64xf32, #tpu.memory_space<hbm>>
      tpu.enqueue_dma source(%dma_start3A_931 : memref<8x64xf32, #tpu.memory_space<hbm>>) target(%dma_start3A_926 : memref<8x64xf32, #tpu.memory_space<vmem>>) target_semaphore(%arg11 : memref<!tpu.dma_semaphore, #tpu.memory_space<semaphore_mem>>)
      %slice3A_932 = vector.extract_strided_slice %shift_right_logical3A_700 {offsets = [5], sizes = [1], strides = [1]} : vector<16xi32> to vector<1xi32>
      %squeeze3A_933 = vector.extract %slice3A_932[0] : i32 from vector<1xi32>
      %dma_start3A_934 = arith.constant 21 : i32
      %dma_start3A_935 = arith.constant 0 : i32
      %dma_start3A_936 = arith.constant 0 : i32
      %dma_start3A_937 = tpu.memref_slice %arg9[%dma_start3A_934, %dma_start3A_935, %dma_start3A_936] : memref<32x8x64xf32, #tpu.memory_space<vmem>> -> memref<1x8x64xf32, #tpu.memory_space<vmem>>
      %dma_start3A_938 = tpu.memref_squeeze %dma_start3A_937 : memref<1x8x64xf32, #tpu.memory_space<vmem>> -> memref<8x64xf32, #tpu.memory_space<vmem>>
      %dma_start3A_939 = tpu.memref_reshape %arg4 : memref<1000000x64xf32, #tpu.memory_space<hbm>> -> memref<125000x8x64xf32, #tpu.memory_space<hbm>>
      %dma_start3A_940 = arith.constant 0 : i32
      %dma_start3A_941 = arith.constant 0 : i32
      %dma_start3A_942 = tpu.memref_slice %dma_start3A_939[%squeeze3A_933, %dma_start3A_940, %dma_start3A_941] : memref<125000x8x64xf32, #tpu.memory_space<hbm>> -> memref<1x8x64xf32, #tpu.memory_space<hbm>>
      %dma_start3A_943 = tpu.memref_squeeze %dma_start3A_942 : memref<1x8x64xf32, #tpu.memory_space<hbm>> -> memref<8x64xf32, #tpu.memory_space<hbm>>
      %dma_start3A_944 = arith.constant 0 : i32
      %dma_start3A_945 = arith.constant 0 : i32
      %dma_start3A_946 = tpu.memref_slice %arg9[%dma_start3A_934, %dma_start3A_944, %dma_start3A_945] : memref<32x8x64xf32, #tpu.memory_space<vmem>> -> memref<1x8x64xf32, #tpu.memory_space<vmem>>
      %dma_start3A_947 = tpu.memref_squeeze %dma_start3A_946 : memref<1x8x64xf32, #tpu.memory_space<vmem>> -> memref<8x64xf32, #tpu.memory_space<vmem>>
      %dma_start3A_948 = tpu.memref_reshape %arg4 : memref<1000000x64xf32, #tpu.memory_space<hbm>> -> memref<125000x8x64xf32, #tpu.memory_space<hbm>>
      %dma_start3A_949 = arith.constant 0 : i32
      %dma_start3A_950 = arith.constant 0 : i32
      %dma_start3A_951 = tpu.memref_slice %dma_start3A_948[%squeeze3A_933, %dma_start3A_949, %dma_start3A_950] : memref<125000x8x64xf32, #tpu.memory_space<hbm>> -> memref<1x8x64xf32, #tpu.memory_space<hbm>>
      %dma_start3A_952 = tpu.memref_squeeze %dma_start3A_951 : memref<1x8x64xf32, #tpu.memory_space<hbm>> -> memref<8x64xf32, #tpu.memory_space<hbm>>
      tpu.enqueue_dma source(%dma_start3A_952 : memref<8x64xf32, #tpu.memory_space<hbm>>) target(%dma_start3A_947 : memref<8x64xf32, #tpu.memory_space<vmem>>) target_semaphore(%arg12 : memref<!tpu.dma_semaphore, #tpu.memory_space<semaphore_mem>>)
      %slice3A_953 = vector.extract_strided_slice %shift_right_logical3A_695 {offsets = [6], sizes = [1], strides = [1]} : vector<16xi32> to vector<1xi32>
      %squeeze3A_954 = vector.extract %slice3A_953[0] : i32 from vector<1xi32>
      %dma_start3A_955 = arith.constant 22 : i32
      %dma_start3A_956 = arith.constant 0 : i32
      %dma_start3A_957 = arith.constant 0 : i32
      %dma_start3A_958 = tpu.memref_slice %arg8[%dma_start3A_955, %dma_start3A_956, %dma_start3A_957] : memref<32x8x64xf32, #tpu.memory_space<vmem>> -> memref<1x8x64xf32, #tpu.memory_space<vmem>>
      %dma_start3A_959 = tpu.memref_squeeze %dma_start3A_958 : memref<1x8x64xf32, #tpu.memory_space<vmem>> -> memref<8x64xf32, #tpu.memory_space<vmem>>
      %dma_start3A_960 = tpu.memref_reshape %arg4 : memref<1000000x64xf32, #tpu.memory_space<hbm>> -> memref<125000x8x64xf32, #tpu.memory_space<hbm>>
      %dma_start3A_961 = arith.constant 0 : i32
      %dma_start3A_962 = arith.constant 0 : i32
      %dma_start3A_963 = tpu.memref_slice %dma_start3A_960[%squeeze3A_954, %dma_start3A_961, %dma_start3A_962] : memref<125000x8x64xf32, #tpu.memory_space<hbm>> -> memref<1x8x64xf32, #tpu.memory_space<hbm>>
      %dma_start3A_964 = tpu.memref_squeeze %dma_start3A_963 : memref<1x8x64xf32, #tpu.memory_space<hbm>> -> memref<8x64xf32, #tpu.memory_space<hbm>>
      %dma_start3A_965 = arith.constant 0 : i32
      %dma_start3A_966 = arith.constant 0 : i32
      %dma_start3A_967 = tpu.memref_slice %arg8[%dma_start3A_955, %dma_start3A_965, %dma_start3A_966] : memref<32x8x64xf32, #tpu.memory_space<vmem>> -> memref<1x8x64xf32, #tpu.memory_space<vmem>>
      %dma_start3A_968 = tpu.memref_squeeze %dma_start3A_967 : memref<1x8x64xf32, #tpu.memory_space<vmem>> -> memref<8x64xf32, #tpu.memory_space<vmem>>
      %dma_start3A_969 = tpu.memref_reshape %arg4 : memref<1000000x64xf32, #tpu.memory_space<hbm>> -> memref<125000x8x64xf32, #tpu.memory_space<hbm>>
      %dma_start3A_970 = arith.constant 0 : i32
      %dma_start3A_971 = arith.constant 0 : i32
      %dma_start3A_972 = tpu.memref_slice %dma_start3A_969[%squeeze3A_954, %dma_start3A_970, %dma_start3A_971] : memref<125000x8x64xf32, #tpu.memory_space<hbm>> -> memref<1x8x64xf32, #tpu.memory_space<hbm>>
      %dma_start3A_973 = tpu.memref_squeeze %dma_start3A_972 : memref<1x8x64xf32, #tpu.memory_space<hbm>> -> memref<8x64xf32, #tpu.memory_space<hbm>>
      tpu.enqueue_dma source(%dma_start3A_973 : memref<8x64xf32, #tpu.memory_space<hbm>>) target(%dma_start3A_968 : memref<8x64xf32, #tpu.memory_space<vmem>>) target_semaphore(%arg11 : memref<!tpu.dma_semaphore, #tpu.memory_space<semaphore_mem>>)
      %slice3A_974 = vector.extract_strided_slice %shift_right_logical3A_700 {offsets = [6], sizes = [1], strides = [1]} : vector<16xi32> to vector<1xi32>
      %squeeze3A_975 = vector.extract %slice3A_974[0] : i32 from vector<1xi32>
      %dma_start3A_976 = arith.constant 22 : i32
      %dma_start3A_977 = arith.constant 0 : i32
      %dma_start3A_978 = arith.constant 0 : i32
      %dma_start3A_979 = tpu.memref_slice %arg9[%dma_start3A_976, %dma_start3A_977, %dma_start3A_978] : memref<32x8x64xf32, #tpu.memory_space<vmem>> -> memref<1x8x64xf32, #tpu.memory_space<vmem>>
      %dma_start3A_980 = tpu.memref_squeeze %dma_start3A_979 : memref<1x8x64xf32, #tpu.memory_space<vmem>> -> memref<8x64xf32, #tpu.memory_space<vmem>>
      %dma_start3A_981 = tpu.memref_reshape %arg4 : memref<1000000x64xf32, #tpu.memory_space<hbm>> -> memref<125000x8x64xf32, #tpu.memory_space<hbm>>
      %dma_start3A_982 = arith.constant 0 : i32
      %dma_start3A_983 = arith.constant 0 : i32
      %dma_start3A_984 = tpu.memref_slice %dma_start3A_981[%squeeze3A_975, %dma_start3A_982, %dma_start3A_983] : memref<125000x8x64xf32, #tpu.memory_space<hbm>> -> memref<1x8x64xf32, #tpu.memory_space<hbm>>
      %dma_start3A_985 = tpu.memref_squeeze %dma_start3A_984 : memref<1x8x64xf32, #tpu.memory_space<hbm>> -> memref<8x64xf32, #tpu.memory_space<hbm>>
      %dma_start3A_986 = arith.constant 0 : i32
      %dma_start3A_987 = arith.constant 0 : i32
      %dma_start3A_988 = tpu.memref_slice %arg9[%dma_start3A_976, %dma_start3A_986, %dma_start3A_987] : memref<32x8x64xf32, #tpu.memory_space<vmem>> -> memref<1x8x64xf32, #tpu.memory_space<vmem>>
      %dma_start3A_989 = tpu.memref_squeeze %dma_start3A_988 : memref<1x8x64xf32, #tpu.memory_space<vmem>> -> memref<8x64xf32, #tpu.memory_space<vmem>>
      %dma_start3A_990 = tpu.memref_reshape %arg4 : memref<1000000x64xf32, #tpu.memory_space<hbm>> -> memref<125000x8x64xf32, #tpu.memory_space<hbm>>
      %dma_start3A_991 = arith.constant 0 : i32
      %dma_start3A_992 = arith.constant 0 : i32
      %dma_start3A_993 = tpu.memref_slice %dma_start3A_990[%squeeze3A_975, %dma_start3A_991, %dma_start3A_992] : memref<125000x8x64xf32, #tpu.memory_space<hbm>> -> memref<1x8x64xf32, #tpu.memory_space<hbm>>
      %dma_start3A_994 = tpu.memref_squeeze %dma_start3A_993 : memref<1x8x64xf32, #tpu.memory_space<hbm>> -> memref<8x64xf32, #tpu.memory_space<hbm>>
      tpu.enqueue_dma source(%dma_start3A_994 : memref<8x64xf32, #tpu.memory_space<hbm>>) target(%dma_start3A_989 : memref<8x64xf32, #tpu.memory_space<vmem>>) target_semaphore(%arg12 : memref<!tpu.dma_semaphore, #tpu.memory_space<semaphore_mem>>)
      %slice3A_995 = vector.extract_strided_slice %shift_right_logical3A_695 {offsets = [7], sizes = [1], strides = [1]} : vector<16xi32> to vector<1xi32>
      %squeeze3A_996 = vector.extract %slice3A_995[0] : i32 from vector<1xi32>
      %dma_start3A_997 = arith.constant 23 : i32
      %dma_start3A_998 = arith.constant 0 : i32
      %dma_start3A_999 = arith.constant 0 : i32
      %dma_start3A_1000 = tpu.memref_slice %arg8[%dma_start3A_997, %dma_start3A_998, %dma_start3A_999] : memref<32x8x64xf32, #tpu.memory_space<vmem>> -> memref<1x8x64xf32, #tpu.memory_space<vmem>>
      %dma_start3A_1001 = tpu.memref_squeeze %dma_start3A_1000 : memref<1x8x64xf32, #tpu.memory_space<vmem>> -> memref<8x64xf32, #tpu.memory_space<vmem>>
      %dma_start3A_1002 = tpu.memref_reshape %arg4 : memref<1000000x64xf32, #tpu.memory_space<hbm>> -> memref<125000x8x64xf32, #tpu.memory_space<hbm>>
      %dma_start3A_1003 = arith.constant 0 : i32
      %dma_start3A_1004 = arith.constant 0 : i32
      %dma_start3A_1005 = tpu.memref_slice %dma_start3A_1002[%squeeze3A_996, %dma_start3A_1003, %dma_start3A_1004] : memref<125000x8x64xf32, #tpu.memory_space<hbm>> -> memref<1x8x64xf32, #tpu.memory_space<hbm>>
      %dma_start3A_1006 = tpu.memref_squeeze %dma_start3A_1005 : memref<1x8x64xf32, #tpu.memory_space<hbm>> -> memref<8x64xf32, #tpu.memory_space<hbm>>
      %dma_start3A_1007 = arith.constant 0 : i32
      %dma_start3A_1008 = arith.constant 0 : i32
      %dma_start3A_1009 = tpu.memref_slice %arg8[%dma_start3A_997, %dma_start3A_1007, %dma_start3A_1008] : memref<32x8x64xf32, #tpu.memory_space<vmem>> -> memref<1x8x64xf32, #tpu.memory_space<vmem>>
      %dma_start3A_1010 = tpu.memref_squeeze %dma_start3A_1009 : memref<1x8x64xf32, #tpu.memory_space<vmem>> -> memref<8x64xf32, #tpu.memory_space<vmem>>
      %dma_start3A_1011 = tpu.memref_reshape %arg4 : memref<1000000x64xf32, #tpu.memory_space<hbm>> -> memref<125000x8x64xf32, #tpu.memory_space<hbm>>
      %dma_start3A_1012 = arith.constant 0 : i32
      %dma_start3A_1013 = arith.constant 0 : i32
      %dma_start3A_1014 = tpu.memref_slice %dma_start3A_1011[%squeeze3A_996, %dma_start3A_1012, %dma_start3A_1013] : memref<125000x8x64xf32, #tpu.memory_space<hbm>> -> memref<1x8x64xf32, #tpu.memory_space<hbm>>
      %dma_start3A_1015 = tpu.memref_squeeze %dma_start3A_1014 : memref<1x8x64xf32, #tpu.memory_space<hbm>> -> memref<8x64xf32, #tpu.memory_space<hbm>>
      tpu.enqueue_dma source(%dma_start3A_1015 : memref<8x64xf32, #tpu.memory_space<hbm>>) target(%dma_start3A_1010 : memref<8x64xf32, #tpu.memory_space<vmem>>) target_semaphore(%arg11 : memref<!tpu.dma_semaphore, #tpu.memory_space<semaphore_mem>>)
      %slice3A_1016 = vector.extract_strided_slice %shift_right_logical3A_700 {offsets = [7], sizes = [1], strides = [1]} : vector<16xi32> to vector<1xi32>
      %squeeze3A_1017 = vector.extract %slice3A_1016[0] : i32 from vector<1xi32>
      %dma_start3A_1018 = arith.constant 23 : i32
      %dma_start3A_1019 = arith.constant 0 : i32
      %dma_start3A_1020 = arith.constant 0 : i32
      %dma_start3A_1021 = tpu.memref_slice %arg9[%dma_start3A_1018, %dma_start3A_1019, %dma_start3A_1020] : memref<32x8x64xf32, #tpu.memory_space<vmem>> -> memref<1x8x64xf32, #tpu.memory_space<vmem>>
      %dma_start3A_1022 = tpu.memref_squeeze %dma_start3A_1021 : memref<1x8x64xf32, #tpu.memory_space<vmem>> -> memref<8x64xf32, #tpu.memory_space<vmem>>
      %dma_start3A_1023 = tpu.memref_reshape %arg4 : memref<1000000x64xf32, #tpu.memory_space<hbm>> -> memref<125000x8x64xf32, #tpu.memory_space<hbm>>
      %dma_start3A_1024 = arith.constant 0 : i32
      %dma_start3A_1025 = arith.constant 0 : i32
      %dma_start3A_1026 = tpu.memref_slice %dma_start3A_1023[%squeeze3A_1017, %dma_start3A_1024, %dma_start3A_1025] : memref<125000x8x64xf32, #tpu.memory_space<hbm>> -> memref<1x8x64xf32, #tpu.memory_space<hbm>>
      %dma_start3A_1027 = tpu.memref_squeeze %dma_start3A_1026 : memref<1x8x64xf32, #tpu.memory_space<hbm>> -> memref<8x64xf32, #tpu.memory_space<hbm>>
      %dma_start3A_1028 = arith.constant 0 : i32
      %dma_start3A_1029 = arith.constant 0 : i32
      %dma_start3A_1030 = tpu.memref_slice %arg9[%dma_start3A_1018, %dma_start3A_1028, %dma_start3A_1029] : memref<32x8x64xf32, #tpu.memory_space<vmem>> -> memref<1x8x64xf32, #tpu.memory_space<vmem>>
      %dma_start3A_1031 = tpu.memref_squeeze %dma_start3A_1030 : memref<1x8x64xf32, #tpu.memory_space<vmem>> -> memref<8x64xf32, #tpu.memory_space<vmem>>
      %dma_start3A_1032 = tpu.memref_reshape %arg4 : memref<1000000x64xf32, #tpu.memory_space<hbm>> -> memref<125000x8x64xf32, #tpu.memory_space<hbm>>
      %dma_start3A_1033 = arith.constant 0 : i32
      %dma_start3A_1034 = arith.constant 0 : i32
      %dma_start3A_1035 = tpu.memref_slice %dma_start3A_1032[%squeeze3A_1017, %dma_start3A_1033, %dma_start3A_1034] : memref<125000x8x64xf32, #tpu.memory_space<hbm>> -> memref<1x8x64xf32, #tpu.memory_space<hbm>>
      %dma_start3A_1036 = tpu.memref_squeeze %dma_start3A_1035 : memref<1x8x64xf32, #tpu.memory_space<hbm>> -> memref<8x64xf32, #tpu.memory_space<hbm>>
      tpu.enqueue_dma source(%dma_start3A_1036 : memref<8x64xf32, #tpu.memory_space<hbm>>) target(%dma_start3A_1031 : memref<8x64xf32, #tpu.memory_space<vmem>>) target_semaphore(%arg12 : memref<!tpu.dma_semaphore, #tpu.memory_space<semaphore_mem>>)
      %slice3A_1037 = vector.extract_strided_slice %shift_right_logical3A_695 {offsets = [8], sizes = [1], strides = [1]} : vector<16xi32> to vector<1xi32>
      %squeeze3A_1038 = vector.extract %slice3A_1037[0] : i32 from vector<1xi32>
      %dma_start3A_1039 = arith.constant 24 : i32
      %dma_start3A_1040 = arith.constant 0 : i32
      %dma_start3A_1041 = arith.constant 0 : i32
      %dma_start3A_1042 = tpu.memref_slice %arg8[%dma_start3A_1039, %dma_start3A_1040, %dma_start3A_1041] : memref<32x8x64xf32, #tpu.memory_space<vmem>> -> memref<1x8x64xf32, #tpu.memory_space<vmem>>
      %dma_start3A_1043 = tpu.memref_squeeze %dma_start3A_1042 : memref<1x8x64xf32, #tpu.memory_space<vmem>> -> memref<8x64xf32, #tpu.memory_space<vmem>>
      %dma_start3A_1044 = tpu.memref_reshape %arg4 : memref<1000000x64xf32, #tpu.memory_space<hbm>> -> memref<125000x8x64xf32, #tpu.memory_space<hbm>>
      %dma_start3A_1045 = arith.constant 0 : i32
      %dma_start3A_1046 = arith.constant 0 : i32
      %dma_start3A_1047 = tpu.memref_slice %dma_start3A_1044[%squeeze3A_1038, %dma_start3A_1045, %dma_start3A_1046] : memref<125000x8x64xf32, #tpu.memory_space<hbm>> -> memref<1x8x64xf32, #tpu.memory_space<hbm>>
      %dma_start3A_1048 = tpu.memref_squeeze %dma_start3A_1047 : memref<1x8x64xf32, #tpu.memory_space<hbm>> -> memref<8x64xf32, #tpu.memory_space<hbm>>
      %dma_start3A_1049 = arith.constant 0 : i32
      %dma_start3A_1050 = arith.constant 0 : i32
      %dma_start3A_1051 = tpu.memref_slice %arg8[%dma_start3A_1039, %dma_start3A_1049, %dma_start3A_1050] : memref<32x8x64xf32, #tpu.memory_space<vmem>> -> memref<1x8x64xf32, #tpu.memory_space<vmem>>
      %dma_start3A_1052 = tpu.memref_squeeze %dma_start3A_1051 : memref<1x8x64xf32, #tpu.memory_space<vmem>> -> memref<8x64xf32, #tpu.memory_space<vmem>>
      %dma_start3A_1053 = tpu.memref_reshape %arg4 : memref<1000000x64xf32, #tpu.memory_space<hbm>> -> memref<125000x8x64xf32, #tpu.memory_space<hbm>>
      %dma_start3A_1054 = arith.constant 0 : i32
      %dma_start3A_1055 = arith.constant 0 : i32
      %dma_start3A_1056 = tpu.memref_slice %dma_start3A_1053[%squeeze3A_1038, %dma_start3A_1054, %dma_start3A_1055] : memref<125000x8x64xf32, #tpu.memory_space<hbm>> -> memref<1x8x64xf32, #tpu.memory_space<hbm>>
      %dma_start3A_1057 = tpu.memref_squeeze %dma_start3A_1056 : memref<1x8x64xf32, #tpu.memory_space<hbm>> -> memref<8x64xf32, #tpu.memory_space<hbm>>
      tpu.enqueue_dma source(%dma_start3A_1057 : memref<8x64xf32, #tpu.memory_space<hbm>>) target(%dma_start3A_1052 : memref<8x64xf32, #tpu.memory_space<vmem>>) target_semaphore(%arg11 : memref<!tpu.dma_semaphore, #tpu.memory_space<semaphore_mem>>)
      %slice3A_1058 = vector.extract_strided_slice %shift_right_logical3A_700 {offsets = [8], sizes = [1], strides = [1]} : vector<16xi32> to vector<1xi32>
      %squeeze3A_1059 = vector.extract %slice3A_1058[0] : i32 from vector<1xi32>
      %dma_start3A_1060 = arith.constant 24 : i32
      %dma_start3A_1061 = arith.constant 0 : i32
      %dma_start3A_1062 = arith.constant 0 : i32
      %dma_start3A_1063 = tpu.memref_slice %arg9[%dma_start3A_1060, %dma_start3A_1061, %dma_start3A_1062] : memref<32x8x64xf32, #tpu.memory_space<vmem>> -> memref<1x8x64xf32, #tpu.memory_space<vmem>>
      %dma_start3A_1064 = tpu.memref_squeeze %dma_start3A_1063 : memref<1x8x64xf32, #tpu.memory_space<vmem>> -> memref<8x64xf32, #tpu.memory_space<vmem>>
      %dma_start3A_1065 = tpu.memref_reshape %arg4 : memref<1000000x64xf32, #tpu.memory_space<hbm>> -> memref<125000x8x64xf32, #tpu.memory_space<hbm>>
      %dma_start3A_1066 = arith.constant 0 : i32
      %dma_start3A_1067 = arith.constant 0 : i32
      %dma_start3A_1068 = tpu.memref_slice %dma_start3A_1065[%squeeze3A_1059, %dma_start3A_1066, %dma_start3A_1067] : memref<125000x8x64xf32, #tpu.memory_space<hbm>> -> memref<1x8x64xf32, #tpu.memory_space<hbm>>
      %dma_start3A_1069 = tpu.memref_squeeze %dma_start3A_1068 : memref<1x8x64xf32, #tpu.memory_space<hbm>> -> memref<8x64xf32, #tpu.memory_space<hbm>>
      %dma_start3A_1070 = arith.constant 0 : i32
      %dma_start3A_1071 = arith.constant 0 : i32
      %dma_start3A_1072 = tpu.memref_slice %arg9[%dma_start3A_1060, %dma_start3A_1070, %dma_start3A_1071] : memref<32x8x64xf32, #tpu.memory_space<vmem>> -> memref<1x8x64xf32, #tpu.memory_space<vmem>>
      %dma_start3A_1073 = tpu.memref_squeeze %dma_start3A_1072 : memref<1x8x64xf32, #tpu.memory_space<vmem>> -> memref<8x64xf32, #tpu.memory_space<vmem>>
      %dma_start3A_1074 = tpu.memref_reshape %arg4 : memref<1000000x64xf32, #tpu.memory_space<hbm>> -> memref<125000x8x64xf32, #tpu.memory_space<hbm>>
      %dma_start3A_1075 = arith.constant 0 : i32
      %dma_start3A_1076 = arith.constant 0 : i32
      %dma_start3A_1077 = tpu.memref_slice %dma_start3A_1074[%squeeze3A_1059, %dma_start3A_1075, %dma_start3A_1076] : memref<125000x8x64xf32, #tpu.memory_space<hbm>> -> memref<1x8x64xf32, #tpu.memory_space<hbm>>
      %dma_start3A_1078 = tpu.memref_squeeze %dma_start3A_1077 : memref<1x8x64xf32, #tpu.memory_space<hbm>> -> memref<8x64xf32, #tpu.memory_space<hbm>>
      tpu.enqueue_dma source(%dma_start3A_1078 : memref<8x64xf32, #tpu.memory_space<hbm>>) target(%dma_start3A_1073 : memref<8x64xf32, #tpu.memory_space<vmem>>) target_semaphore(%arg12 : memref<!tpu.dma_semaphore, #tpu.memory_space<semaphore_mem>>)
      %slice3A_1079 = vector.extract_strided_slice %shift_right_logical3A_695 {offsets = [9], sizes = [1], strides = [1]} : vector<16xi32> to vector<1xi32>
      %squeeze3A_1080 = vector.extract %slice3A_1079[0] : i32 from vector<1xi32>
      %dma_start3A_1081 = arith.constant 25 : i32
      %dma_start3A_1082 = arith.constant 0 : i32
      %dma_start3A_1083 = arith.constant 0 : i32
      %dma_start3A_1084 = tpu.memref_slice %arg8[%dma_start3A_1081, %dma_start3A_1082, %dma_start3A_1083] : memref<32x8x64xf32, #tpu.memory_space<vmem>> -> memref<1x8x64xf32, #tpu.memory_space<vmem>>
      %dma_start3A_1085 = tpu.memref_squeeze %dma_start3A_1084 : memref<1x8x64xf32, #tpu.memory_space<vmem>> -> memref<8x64xf32, #tpu.memory_space<vmem>>
      %dma_start3A_1086 = tpu.memref_reshape %arg4 : memref<1000000x64xf32, #tpu.memory_space<hbm>> -> memref<125000x8x64xf32, #tpu.memory_space<hbm>>
      %dma_start3A_1087 = arith.constant 0 : i32
      %dma_start3A_1088 = arith.constant 0 : i32
      %dma_start3A_1089 = tpu.memref_slice %dma_start3A_1086[%squeeze3A_1080, %dma_start3A_1087, %dma_start3A_1088] : memref<125000x8x64xf32, #tpu.memory_space<hbm>> -> memref<1x8x64xf32, #tpu.memory_space<hbm>>
      %dma_start3A_1090 = tpu.memref_squeeze %dma_start3A_1089 : memref<1x8x64xf32, #tpu.memory_space<hbm>> -> memref<8x64xf32, #tpu.memory_space<hbm>>
      %dma_start3A_1091 = arith.constant 0 : i32
      %dma_start3A_1092 = arith.constant 0 : i32
      %dma_start3A_1093 = tpu.memref_slice %arg8[%dma_start3A_1081, %dma_start3A_1091, %dma_start3A_1092] : memref<32x8x64xf32, #tpu.memory_space<vmem>> -> memref<1x8x64xf32, #tpu.memory_space<vmem>>
      %dma_start3A_1094 = tpu.memref_squeeze %dma_start3A_1093 : memref<1x8x64xf32, #tpu.memory_space<vmem>> -> memref<8x64xf32, #tpu.memory_space<vmem>>
      %dma_start3A_1095 = tpu.memref_reshape %arg4 : memref<1000000x64xf32, #tpu.memory_space<hbm>> -> memref<125000x8x64xf32, #tpu.memory_space<hbm>>
      %dma_start3A_1096 = arith.constant 0 : i32
      %dma_start3A_1097 = arith.constant 0 : i32
      %dma_start3A_1098 = tpu.memref_slice %dma_start3A_1095[%squeeze3A_1080, %dma_start3A_1096, %dma_start3A_1097] : memref<125000x8x64xf32, #tpu.memory_space<hbm>> -> memref<1x8x64xf32, #tpu.memory_space<hbm>>
      %dma_start3A_1099 = tpu.memref_squeeze %dma_start3A_1098 : memref<1x8x64xf32, #tpu.memory_space<hbm>> -> memref<8x64xf32, #tpu.memory_space<hbm>>
      tpu.enqueue_dma source(%dma_start3A_1099 : memref<8x64xf32, #tpu.memory_space<hbm>>) target(%dma_start3A_1094 : memref<8x64xf32, #tpu.memory_space<vmem>>) target_semaphore(%arg11 : memref<!tpu.dma_semaphore, #tpu.memory_space<semaphore_mem>>)
      %slice3A_1100 = vector.extract_strided_slice %shift_right_logical3A_700 {offsets = [9], sizes = [1], strides = [1]} : vector<16xi32> to vector<1xi32>
      %squeeze3A_1101 = vector.extract %slice3A_1100[0] : i32 from vector<1xi32>
      %dma_start3A_1102 = arith.constant 25 : i32
      %dma_start3A_1103 = arith.constant 0 : i32
      %dma_start3A_1104 = arith.constant 0 : i32
      %dma_start3A_1105 = tpu.memref_slice %arg9[%dma_start3A_1102, %dma_start3A_1103, %dma_start3A_1104] : memref<32x8x64xf32, #tpu.memory_space<vmem>> -> memref<1x8x64xf32, #tpu.memory_space<vmem>>
      %dma_start3A_1106 = tpu.memref_squeeze %dma_start3A_1105 : memref<1x8x64xf32, #tpu.memory_space<vmem>> -> memref<8x64xf32, #tpu.memory_space<vmem>>
      %dma_start3A_1107 = tpu.memref_reshape %arg4 : memref<1000000x64xf32, #tpu.memory_space<hbm>> -> memref<125000x8x64xf32, #tpu.memory_space<hbm>>
      %dma_start3A_1108 = arith.constant 0 : i32
      %dma_start3A_1109 = arith.constant 0 : i32
      %dma_start3A_1110 = tpu.memref_slice %dma_start3A_1107[%squeeze3A_1101, %dma_start3A_1108, %dma_start3A_1109] : memref<125000x8x64xf32, #tpu.memory_space<hbm>> -> memref<1x8x64xf32, #tpu.memory_space<hbm>>
      %dma_start3A_1111 = tpu.memref_squeeze %dma_start3A_1110 : memref<1x8x64xf32, #tpu.memory_space<hbm>> -> memref<8x64xf32, #tpu.memory_space<hbm>>
      %dma_start3A_1112 = arith.constant 0 : i32
      %dma_start3A_1113 = arith.constant 0 : i32
      %dma_start3A_1114 = tpu.memref_slice %arg9[%dma_start3A_1102, %dma_start3A_1112, %dma_start3A_1113] : memref<32x8x64xf32, #tpu.memory_space<vmem>> -> memref<1x8x64xf32, #tpu.memory_space<vmem>>
      %dma_start3A_1115 = tpu.memref_squeeze %dma_start3A_1114 : memref<1x8x64xf32, #tpu.memory_space<vmem>> -> memref<8x64xf32, #tpu.memory_space<vmem>>
      %dma_start3A_1116 = tpu.memref_reshape %arg4 : memref<1000000x64xf32, #tpu.memory_space<hbm>> -> memref<125000x8x64xf32, #tpu.memory_space<hbm>>
      %dma_start3A_1117 = arith.constant 0 : i32
      %dma_start3A_1118 = arith.constant 0 : i32
      %dma_start3A_1119 = tpu.memref_slice %dma_start3A_1116[%squeeze3A_1101, %dma_start3A_1117, %dma_start3A_1118] : memref<125000x8x64xf32, #tpu.memory_space<hbm>> -> memref<1x8x64xf32, #tpu.memory_space<hbm>>
      %dma_start3A_1120 = tpu.memref_squeeze %dma_start3A_1119 : memref<1x8x64xf32, #tpu.memory_space<hbm>> -> memref<8x64xf32, #tpu.memory_space<hbm>>
      tpu.enqueue_dma source(%dma_start3A_1120 : memref<8x64xf32, #tpu.memory_space<hbm>>) target(%dma_start3A_1115 : memref<8x64xf32, #tpu.memory_space<vmem>>) target_semaphore(%arg12 : memref<!tpu.dma_semaphore, #tpu.memory_space<semaphore_mem>>)
      %slice3A_1121 = vector.extract_strided_slice %shift_right_logical3A_695 {offsets = [10], sizes = [1], strides = [1]} : vector<16xi32> to vector<1xi32>
      %squeeze3A_1122 = vector.extract %slice3A_1121[0] : i32 from vector<1xi32>
      %dma_start3A_1123 = arith.constant 26 : i32
      %dma_start3A_1124 = arith.constant 0 : i32
      %dma_start3A_1125 = arith.constant 0 : i32
      %dma_start3A_1126 = tpu.memref_slice %arg8[%dma_start3A_1123, %dma_start3A_1124, %dma_start3A_1125] : memref<32x8x64xf32, #tpu.memory_space<vmem>> -> memref<1x8x64xf32, #tpu.memory_space<vmem>>
      %dma_start3A_1127 = tpu.memref_squeeze %dma_start3A_1126 : memref<1x8x64xf32, #tpu.memory_space<vmem>> -> memref<8x64xf32, #tpu.memory_space<vmem>>
      %dma_start3A_1128 = tpu.memref_reshape %arg4 : memref<1000000x64xf32, #tpu.memory_space<hbm>> -> memref<125000x8x64xf32, #tpu.memory_space<hbm>>
      %dma_start3A_1129 = arith.constant 0 : i32
      %dma_start3A_1130 = arith.constant 0 : i32
      %dma_start3A_1131 = tpu.memref_slice %dma_start3A_1128[%squeeze3A_1122, %dma_start3A_1129, %dma_start3A_1130] : memref<125000x8x64xf32, #tpu.memory_space<hbm>> -> memref<1x8x64xf32, #tpu.memory_space<hbm>>
      %dma_start3A_1132 = tpu.memref_squeeze %dma_start3A_1131 : memref<1x8x64xf32, #tpu.memory_space<hbm>> -> memref<8x64xf32, #tpu.memory_space<hbm>>
      %dma_start3A_1133 = arith.constant 0 : i32
      %dma_start3A_1134 = arith.constant 0 : i32
      %dma_start3A_1135 = tpu.memref_slice %arg8[%dma_start3A_1123, %dma_start3A_1133, %dma_start3A_1134] : memref<32x8x64xf32, #tpu.memory_space<vmem>> -> memref<1x8x64xf32, #tpu.memory_space<vmem>>
      %dma_start3A_1136 = tpu.memref_squeeze %dma_start3A_1135 : memref<1x8x64xf32, #tpu.memory_space<vmem>> -> memref<8x64xf32, #tpu.memory_space<vmem>>
      %dma_start3A_1137 = tpu.memref_reshape %arg4 : memref<1000000x64xf32, #tpu.memory_space<hbm>> -> memref<125000x8x64xf32, #tpu.memory_space<hbm>>
      %dma_start3A_1138 = arith.constant 0 : i32
      %dma_start3A_1139 = arith.constant 0 : i32
      %dma_start3A_1140 = tpu.memref_slice %dma_start3A_1137[%squeeze3A_1122, %dma_start3A_1138, %dma_start3A_1139] : memref<125000x8x64xf32, #tpu.memory_space<hbm>> -> memref<1x8x64xf32, #tpu.memory_space<hbm>>
      %dma_start3A_1141 = tpu.memref_squeeze %dma_start3A_1140 : memref<1x8x64xf32, #tpu.memory_space<hbm>> -> memref<8x64xf32, #tpu.memory_space<hbm>>
      tpu.enqueue_dma source(%dma_start3A_1141 : memref<8x64xf32, #tpu.memory_space<hbm>>) target(%dma_start3A_1136 : memref<8x64xf32, #tpu.memory_space<vmem>>) target_semaphore(%arg11 : memref<!tpu.dma_semaphore, #tpu.memory_space<semaphore_mem>>)
      %slice3A_1142 = vector.extract_strided_slice %shift_right_logical3A_700 {offsets = [10], sizes = [1], strides = [1]} : vector<16xi32> to vector<1xi32>
      %squeeze3A_1143 = vector.extract %slice3A_1142[0] : i32 from vector<1xi32>
      %dma_start3A_1144 = arith.constant 26 : i32
      %dma_start3A_1145 = arith.constant 0 : i32
      %dma_start3A_1146 = arith.constant 0 : i32
      %dma_start3A_1147 = tpu.memref_slice %arg9[%dma_start3A_1144, %dma_start3A_1145, %dma_start3A_1146] : memref<32x8x64xf32, #tpu.memory_space<vmem>> -> memref<1x8x64xf32, #tpu.memory_space<vmem>>
      %dma_start3A_1148 = tpu.memref_squeeze %dma_start3A_1147 : memref<1x8x64xf32, #tpu.memory_space<vmem>> -> memref<8x64xf32, #tpu.memory_space<vmem>>
      %dma_start3A_1149 = tpu.memref_reshape %arg4 : memref<1000000x64xf32, #tpu.memory_space<hbm>> -> memref<125000x8x64xf32, #tpu.memory_space<hbm>>
      %dma_start3A_1150 = arith.constant 0 : i32
      %dma_start3A_1151 = arith.constant 0 : i32
      %dma_start3A_1152 = tpu.memref_slice %dma_start3A_1149[%squeeze3A_1143, %dma_start3A_1150, %dma_start3A_1151] : memref<125000x8x64xf32, #tpu.memory_space<hbm>> -> memref<1x8x64xf32, #tpu.memory_space<hbm>>
      %dma_start3A_1153 = tpu.memref_squeeze %dma_start3A_1152 : memref<1x8x64xf32, #tpu.memory_space<hbm>> -> memref<8x64xf32, #tpu.memory_space<hbm>>
      %dma_start3A_1154 = arith.constant 0 : i32
      %dma_start3A_1155 = arith.constant 0 : i32
      %dma_start3A_1156 = tpu.memref_slice %arg9[%dma_start3A_1144, %dma_start3A_1154, %dma_start3A_1155] : memref<32x8x64xf32, #tpu.memory_space<vmem>> -> memref<1x8x64xf32, #tpu.memory_space<vmem>>
      %dma_start3A_1157 = tpu.memref_squeeze %dma_start3A_1156 : memref<1x8x64xf32, #tpu.memory_space<vmem>> -> memref<8x64xf32, #tpu.memory_space<vmem>>
      %dma_start3A_1158 = tpu.memref_reshape %arg4 : memref<1000000x64xf32, #tpu.memory_space<hbm>> -> memref<125000x8x64xf32, #tpu.memory_space<hbm>>
      %dma_start3A_1159 = arith.constant 0 : i32
      %dma_start3A_1160 = arith.constant 0 : i32
      %dma_start3A_1161 = tpu.memref_slice %dma_start3A_1158[%squeeze3A_1143, %dma_start3A_1159, %dma_start3A_1160] : memref<125000x8x64xf32, #tpu.memory_space<hbm>> -> memref<1x8x64xf32, #tpu.memory_space<hbm>>
      %dma_start3A_1162 = tpu.memref_squeeze %dma_start3A_1161 : memref<1x8x64xf32, #tpu.memory_space<hbm>> -> memref<8x64xf32, #tpu.memory_space<hbm>>
      tpu.enqueue_dma source(%dma_start3A_1162 : memref<8x64xf32, #tpu.memory_space<hbm>>) target(%dma_start3A_1157 : memref<8x64xf32, #tpu.memory_space<vmem>>) target_semaphore(%arg12 : memref<!tpu.dma_semaphore, #tpu.memory_space<semaphore_mem>>)
      %slice3A_1163 = vector.extract_strided_slice %shift_right_logical3A_695 {offsets = [11], sizes = [1], strides = [1]} : vector<16xi32> to vector<1xi32>
      %squeeze3A_1164 = vector.extract %slice3A_1163[0] : i32 from vector<1xi32>
      %dma_start3A_1165 = arith.constant 27 : i32
      %dma_start3A_1166 = arith.constant 0 : i32
      %dma_start3A_1167 = arith.constant 0 : i32
      %dma_start3A_1168 = tpu.memref_slice %arg8[%dma_start3A_1165, %dma_start3A_1166, %dma_start3A_1167] : memref<32x8x64xf32, #tpu.memory_space<vmem>> -> memref<1x8x64xf32, #tpu.memory_space<vmem>>
      %dma_start3A_1169 = tpu.memref_squeeze %dma_start3A_1168 : memref<1x8x64xf32, #tpu.memory_space<vmem>> -> memref<8x64xf32, #tpu.memory_space<vmem>>
      %dma_start3A_1170 = tpu.memref_reshape %arg4 : memref<1000000x64xf32, #tpu.memory_space<hbm>> -> memref<125000x8x64xf32, #tpu.memory_space<hbm>>
      %dma_start3A_1171 = arith.constant 0 : i32
      %dma_start3A_1172 = arith.constant 0 : i32
      %dma_start3A_1173 = tpu.memref_slice %dma_start3A_1170[%squeeze3A_1164, %dma_start3A_1171, %dma_start3A_1172] : memref<125000x8x64xf32, #tpu.memory_space<hbm>> -> memref<1x8x64xf32, #tpu.memory_space<hbm>>
      %dma_start3A_1174 = tpu.memref_squeeze %dma_start3A_1173 : memref<1x8x64xf32, #tpu.memory_space<hbm>> -> memref<8x64xf32, #tpu.memory_space<hbm>>
      %dma_start3A_1175 = arith.constant 0 : i32
      %dma_start3A_1176 = arith.constant 0 : i32
      %dma_start3A_1177 = tpu.memref_slice %arg8[%dma_start3A_1165, %dma_start3A_1175, %dma_start3A_1176] : memref<32x8x64xf32, #tpu.memory_space<vmem>> -> memref<1x8x64xf32, #tpu.memory_space<vmem>>
      %dma_start3A_1178 = tpu.memref_squeeze %dma_start3A_1177 : memref<1x8x64xf32, #tpu.memory_space<vmem>> -> memref<8x64xf32, #tpu.memory_space<vmem>>
      %dma_start3A_1179 = tpu.memref_reshape %arg4 : memref<1000000x64xf32, #tpu.memory_space<hbm>> -> memref<125000x8x64xf32, #tpu.memory_space<hbm>>
      %dma_start3A_1180 = arith.constant 0 : i32
      %dma_start3A_1181 = arith.constant 0 : i32
      %dma_start3A_1182 = tpu.memref_slice %dma_start3A_1179[%squeeze3A_1164, %dma_start3A_1180, %dma_start3A_1181] : memref<125000x8x64xf32, #tpu.memory_space<hbm>> -> memref<1x8x64xf32, #tpu.memory_space<hbm>>
      %dma_start3A_1183 = tpu.memref_squeeze %dma_start3A_1182 : memref<1x8x64xf32, #tpu.memory_space<hbm>> -> memref<8x64xf32, #tpu.memory_space<hbm>>
      tpu.enqueue_dma source(%dma_start3A_1183 : memref<8x64xf32, #tpu.memory_space<hbm>>) target(%dma_start3A_1178 : memref<8x64xf32, #tpu.memory_space<vmem>>) target_semaphore(%arg11 : memref<!tpu.dma_semaphore, #tpu.memory_space<semaphore_mem>>)
      %slice3A_1184 = vector.extract_strided_slice %shift_right_logical3A_700 {offsets = [11], sizes = [1], strides = [1]} : vector<16xi32> to vector<1xi32>
      %squeeze3A_1185 = vector.extract %slice3A_1184[0] : i32 from vector<1xi32>
      %dma_start3A_1186 = arith.constant 27 : i32
      %dma_start3A_1187 = arith.constant 0 : i32
      %dma_start3A_1188 = arith.constant 0 : i32
      %dma_start3A_1189 = tpu.memref_slice %arg9[%dma_start3A_1186, %dma_start3A_1187, %dma_start3A_1188] : memref<32x8x64xf32, #tpu.memory_space<vmem>> -> memref<1x8x64xf32, #tpu.memory_space<vmem>>
      %dma_start3A_1190 = tpu.memref_squeeze %dma_start3A_1189 : memref<1x8x64xf32, #tpu.memory_space<vmem>> -> memref<8x64xf32, #tpu.memory_space<vmem>>
      %dma_start3A_1191 = tpu.memref_reshape %arg4 : memref<1000000x64xf32, #tpu.memory_space<hbm>> -> memref<125000x8x64xf32, #tpu.memory_space<hbm>>
      %dma_start3A_1192 = arith.constant 0 : i32
      %dma_start3A_1193 = arith.constant 0 : i32
      %dma_start3A_1194 = tpu.memref_slice %dma_start3A_1191[%squeeze3A_1185, %dma_start3A_1192, %dma_start3A_1193] : memref<125000x8x64xf32, #tpu.memory_space<hbm>> -> memref<1x8x64xf32, #tpu.memory_space<hbm>>
      %dma_start3A_1195 = tpu.memref_squeeze %dma_start3A_1194 : memref<1x8x64xf32, #tpu.memory_space<hbm>> -> memref<8x64xf32, #tpu.memory_space<hbm>>
      %dma_start3A_1196 = arith.constant 0 : i32
      %dma_start3A_1197 = arith.constant 0 : i32
      %dma_start3A_1198 = tpu.memref_slice %arg9[%dma_start3A_1186, %dma_start3A_1196, %dma_start3A_1197] : memref<32x8x64xf32, #tpu.memory_space<vmem>> -> memref<1x8x64xf32, #tpu.memory_space<vmem>>
      %dma_start3A_1199 = tpu.memref_squeeze %dma_start3A_1198 : memref<1x8x64xf32, #tpu.memory_space<vmem>> -> memref<8x64xf32, #tpu.memory_space<vmem>>
      %dma_start3A_1200 = tpu.memref_reshape %arg4 : memref<1000000x64xf32, #tpu.memory_space<hbm>> -> memref<125000x8x64xf32, #tpu.memory_space<hbm>>
      %dma_start3A_1201 = arith.constant 0 : i32
      %dma_start3A_1202 = arith.constant 0 : i32
      %dma_start3A_1203 = tpu.memref_slice %dma_start3A_1200[%squeeze3A_1185, %dma_start3A_1201, %dma_start3A_1202] : memref<125000x8x64xf32, #tpu.memory_space<hbm>> -> memref<1x8x64xf32, #tpu.memory_space<hbm>>
      %dma_start3A_1204 = tpu.memref_squeeze %dma_start3A_1203 : memref<1x8x64xf32, #tpu.memory_space<hbm>> -> memref<8x64xf32, #tpu.memory_space<hbm>>
      tpu.enqueue_dma source(%dma_start3A_1204 : memref<8x64xf32, #tpu.memory_space<hbm>>) target(%dma_start3A_1199 : memref<8x64xf32, #tpu.memory_space<vmem>>) target_semaphore(%arg12 : memref<!tpu.dma_semaphore, #tpu.memory_space<semaphore_mem>>)
      %slice3A_1205 = vector.extract_strided_slice %shift_right_logical3A_695 {offsets = [12], sizes = [1], strides = [1]} : vector<16xi32> to vector<1xi32>
      %squeeze3A_1206 = vector.extract %slice3A_1205[0] : i32 from vector<1xi32>
      %dma_start3A_1207 = arith.constant 28 : i32
      %dma_start3A_1208 = arith.constant 0 : i32
      %dma_start3A_1209 = arith.constant 0 : i32
      %dma_start3A_1210 = tpu.memref_slice %arg8[%dma_start3A_1207, %dma_start3A_1208, %dma_start3A_1209] : memref<32x8x64xf32, #tpu.memory_space<vmem>> -> memref<1x8x64xf32, #tpu.memory_space<vmem>>
      %dma_start3A_1211 = tpu.memref_squeeze %dma_start3A_1210 : memref<1x8x64xf32, #tpu.memory_space<vmem>> -> memref<8x64xf32, #tpu.memory_space<vmem>>
      %dma_start3A_1212 = tpu.memref_reshape %arg4 : memref<1000000x64xf32, #tpu.memory_space<hbm>> -> memref<125000x8x64xf32, #tpu.memory_space<hbm>>
      %dma_start3A_1213 = arith.constant 0 : i32
      %dma_start3A_1214 = arith.constant 0 : i32
      %dma_start3A_1215 = tpu.memref_slice %dma_start3A_1212[%squeeze3A_1206, %dma_start3A_1213, %dma_start3A_1214] : memref<125000x8x64xf32, #tpu.memory_space<hbm>> -> memref<1x8x64xf32, #tpu.memory_space<hbm>>
      %dma_start3A_1216 = tpu.memref_squeeze %dma_start3A_1215 : memref<1x8x64xf32, #tpu.memory_space<hbm>> -> memref<8x64xf32, #tpu.memory_space<hbm>>
      %dma_start3A_1217 = arith.constant 0 : i32
      %dma_start3A_1218 = arith.constant 0 : i32
      %dma_start3A_1219 = tpu.memref_slice %arg8[%dma_start3A_1207, %dma_start3A_1217, %dma_start3A_1218] : memref<32x8x64xf32, #tpu.memory_space<vmem>> -> memref<1x8x64xf32, #tpu.memory_space<vmem>>
      %dma_start3A_1220 = tpu.memref_squeeze %dma_start3A_1219 : memref<1x8x64xf32, #tpu.memory_space<vmem>> -> memref<8x64xf32, #tpu.memory_space<vmem>>
      %dma_start3A_1221 = tpu.memref_reshape %arg4 : memref<1000000x64xf32, #tpu.memory_space<hbm>> -> memref<125000x8x64xf32, #tpu.memory_space<hbm>>
      %dma_start3A_1222 = arith.constant 0 : i32
      %dma_start3A_1223 = arith.constant 0 : i32
      %dma_start3A_1224 = tpu.memref_slice %dma_start3A_1221[%squeeze3A_1206, %dma_start3A_1222, %dma_start3A_1223] : memref<125000x8x64xf32, #tpu.memory_space<hbm>> -> memref<1x8x64xf32, #tpu.memory_space<hbm>>
      %dma_start3A_1225 = tpu.memref_squeeze %dma_start3A_1224 : memref<1x8x64xf32, #tpu.memory_space<hbm>> -> memref<8x64xf32, #tpu.memory_space<hbm>>
      tpu.enqueue_dma source(%dma_start3A_1225 : memref<8x64xf32, #tpu.memory_space<hbm>>) target(%dma_start3A_1220 : memref<8x64xf32, #tpu.memory_space<vmem>>) target_semaphore(%arg11 : memref<!tpu.dma_semaphore, #tpu.memory_space<semaphore_mem>>)
      %slice3A_1226 = vector.extract_strided_slice %shift_right_logical3A_700 {offsets = [12], sizes = [1], strides = [1]} : vector<16xi32> to vector<1xi32>
      %squeeze3A_1227 = vector.extract %slice3A_1226[0] : i32 from vector<1xi32>
      %dma_start3A_1228 = arith.constant 28 : i32
      %dma_start3A_1229 = arith.constant 0 : i32
      %dma_start3A_1230 = arith.constant 0 : i32
      %dma_start3A_1231 = tpu.memref_slice %arg9[%dma_start3A_1228, %dma_start3A_1229, %dma_start3A_1230] : memref<32x8x64xf32, #tpu.memory_space<vmem>> -> memref<1x8x64xf32, #tpu.memory_space<vmem>>
      %dma_start3A_1232 = tpu.memref_squeeze %dma_start3A_1231 : memref<1x8x64xf32, #tpu.memory_space<vmem>> -> memref<8x64xf32, #tpu.memory_space<vmem>>
      %dma_start3A_1233 = tpu.memref_reshape %arg4 : memref<1000000x64xf32, #tpu.memory_space<hbm>> -> memref<125000x8x64xf32, #tpu.memory_space<hbm>>
      %dma_start3A_1234 = arith.constant 0 : i32
      %dma_start3A_1235 = arith.constant 0 : i32
      %dma_start3A_1236 = tpu.memref_slice %dma_start3A_1233[%squeeze3A_1227, %dma_start3A_1234, %dma_start3A_1235] : memref<125000x8x64xf32, #tpu.memory_space<hbm>> -> memref<1x8x64xf32, #tpu.memory_space<hbm>>
      %dma_start3A_1237 = tpu.memref_squeeze %dma_start3A_1236 : memref<1x8x64xf32, #tpu.memory_space<hbm>> -> memref<8x64xf32, #tpu.memory_space<hbm>>
      %dma_start3A_1238 = arith.constant 0 : i32
      %dma_start3A_1239 = arith.constant 0 : i32
      %dma_start3A_1240 = tpu.memref_slice %arg9[%dma_start3A_1228, %dma_start3A_1238, %dma_start3A_1239] : memref<32x8x64xf32, #tpu.memory_space<vmem>> -> memref<1x8x64xf32, #tpu.memory_space<vmem>>
      %dma_start3A_1241 = tpu.memref_squeeze %dma_start3A_1240 : memref<1x8x64xf32, #tpu.memory_space<vmem>> -> memref<8x64xf32, #tpu.memory_space<vmem>>
      %dma_start3A_1242 = tpu.memref_reshape %arg4 : memref<1000000x64xf32, #tpu.memory_space<hbm>> -> memref<125000x8x64xf32, #tpu.memory_space<hbm>>
      %dma_start3A_1243 = arith.constant 0 : i32
      %dma_start3A_1244 = arith.constant 0 : i32
      %dma_start3A_1245 = tpu.memref_slice %dma_start3A_1242[%squeeze3A_1227, %dma_start3A_1243, %dma_start3A_1244] : memref<125000x8x64xf32, #tpu.memory_space<hbm>> -> memref<1x8x64xf32, #tpu.memory_space<hbm>>
      %dma_start3A_1246 = tpu.memref_squeeze %dma_start3A_1245 : memref<1x8x64xf32, #tpu.memory_space<hbm>> -> memref<8x64xf32, #tpu.memory_space<hbm>>
      tpu.enqueue_dma source(%dma_start3A_1246 : memref<8x64xf32, #tpu.memory_space<hbm>>) target(%dma_start3A_1241 : memref<8x64xf32, #tpu.memory_space<vmem>>) target_semaphore(%arg12 : memref<!tpu.dma_semaphore, #tpu.memory_space<semaphore_mem>>)
      %slice3A_1247 = vector.extract_strided_slice %shift_right_logical3A_695 {offsets = [13], sizes = [1], strides = [1]} : vector<16xi32> to vector<1xi32>
      %squeeze3A_1248 = vector.extract %slice3A_1247[0] : i32 from vector<1xi32>
      %dma_start3A_1249 = arith.constant 29 : i32
      %dma_start3A_1250 = arith.constant 0 : i32
      %dma_start3A_1251 = arith.constant 0 : i32
      %dma_start3A_1252 = tpu.memref_slice %arg8[%dma_start3A_1249, %dma_start3A_1250, %dma_start3A_1251] : memref<32x8x64xf32, #tpu.memory_space<vmem>> -> memref<1x8x64xf32, #tpu.memory_space<vmem>>
      %dma_start3A_1253 = tpu.memref_squeeze %dma_start3A_1252 : memref<1x8x64xf32, #tpu.memory_space<vmem>> -> memref<8x64xf32, #tpu.memory_space<vmem>>
      %dma_start3A_1254 = tpu.memref_reshape %arg4 : memref<1000000x64xf32, #tpu.memory_space<hbm>> -> memref<125000x8x64xf32, #tpu.memory_space<hbm>>
      %dma_start3A_1255 = arith.constant 0 : i32
      %dma_start3A_1256 = arith.constant 0 : i32
      %dma_start3A_1257 = tpu.memref_slice %dma_start3A_1254[%squeeze3A_1248, %dma_start3A_1255, %dma_start3A_1256] : memref<125000x8x64xf32, #tpu.memory_space<hbm>> -> memref<1x8x64xf32, #tpu.memory_space<hbm>>
      %dma_start3A_1258 = tpu.memref_squeeze %dma_start3A_1257 : memref<1x8x64xf32, #tpu.memory_space<hbm>> -> memref<8x64xf32, #tpu.memory_space<hbm>>
      %dma_start3A_1259 = arith.constant 0 : i32
      %dma_start3A_1260 = arith.constant 0 : i32
      %dma_start3A_1261 = tpu.memref_slice %arg8[%dma_start3A_1249, %dma_start3A_1259, %dma_start3A_1260] : memref<32x8x64xf32, #tpu.memory_space<vmem>> -> memref<1x8x64xf32, #tpu.memory_space<vmem>>
      %dma_start3A_1262 = tpu.memref_squeeze %dma_start3A_1261 : memref<1x8x64xf32, #tpu.memory_space<vmem>> -> memref<8x64xf32, #tpu.memory_space<vmem>>
      %dma_start3A_1263 = tpu.memref_reshape %arg4 : memref<1000000x64xf32, #tpu.memory_space<hbm>> -> memref<125000x8x64xf32, #tpu.memory_space<hbm>>
      %dma_start3A_1264 = arith.constant 0 : i32
      %dma_start3A_1265 = arith.constant 0 : i32
      %dma_start3A_1266 = tpu.memref_slice %dma_start3A_1263[%squeeze3A_1248, %dma_start3A_1264, %dma_start3A_1265] : memref<125000x8x64xf32, #tpu.memory_space<hbm>> -> memref<1x8x64xf32, #tpu.memory_space<hbm>>
      %dma_start3A_1267 = tpu.memref_squeeze %dma_start3A_1266 : memref<1x8x64xf32, #tpu.memory_space<hbm>> -> memref<8x64xf32, #tpu.memory_space<hbm>>
      tpu.enqueue_dma source(%dma_start3A_1267 : memref<8x64xf32, #tpu.memory_space<hbm>>) target(%dma_start3A_1262 : memref<8x64xf32, #tpu.memory_space<vmem>>) target_semaphore(%arg11 : memref<!tpu.dma_semaphore, #tpu.memory_space<semaphore_mem>>)
      %slice3A_1268 = vector.extract_strided_slice %shift_right_logical3A_700 {offsets = [13], sizes = [1], strides = [1]} : vector<16xi32> to vector<1xi32>
      %squeeze3A_1269 = vector.extract %slice3A_1268[0] : i32 from vector<1xi32>
      %dma_start3A_1270 = arith.constant 29 : i32
      %dma_start3A_1271 = arith.constant 0 : i32
      %dma_start3A_1272 = arith.constant 0 : i32
      %dma_start3A_1273 = tpu.memref_slice %arg9[%dma_start3A_1270, %dma_start3A_1271, %dma_start3A_1272] : memref<32x8x64xf32, #tpu.memory_space<vmem>> -> memref<1x8x64xf32, #tpu.memory_space<vmem>>
      %dma_start3A_1274 = tpu.memref_squeeze %dma_start3A_1273 : memref<1x8x64xf32, #tpu.memory_space<vmem>> -> memref<8x64xf32, #tpu.memory_space<vmem>>
      %dma_start3A_1275 = tpu.memref_reshape %arg4 : memref<1000000x64xf32, #tpu.memory_space<hbm>> -> memref<125000x8x64xf32, #tpu.memory_space<hbm>>
      %dma_start3A_1276 = arith.constant 0 : i32
      %dma_start3A_1277 = arith.constant 0 : i32
      %dma_start3A_1278 = tpu.memref_slice %dma_start3A_1275[%squeeze3A_1269, %dma_start3A_1276, %dma_start3A_1277] : memref<125000x8x64xf32, #tpu.memory_space<hbm>> -> memref<1x8x64xf32, #tpu.memory_space<hbm>>
      %dma_start3A_1279 = tpu.memref_squeeze %dma_start3A_1278 : memref<1x8x64xf32, #tpu.memory_space<hbm>> -> memref<8x64xf32, #tpu.memory_space<hbm>>
      %dma_start3A_1280 = arith.constant 0 : i32
      %dma_start3A_1281 = arith.constant 0 : i32
      %dma_start3A_1282 = tpu.memref_slice %arg9[%dma_start3A_1270, %dma_start3A_1280, %dma_start3A_1281] : memref<32x8x64xf32, #tpu.memory_space<vmem>> -> memref<1x8x64xf32, #tpu.memory_space<vmem>>
      %dma_start3A_1283 = tpu.memref_squeeze %dma_start3A_1282 : memref<1x8x64xf32, #tpu.memory_space<vmem>> -> memref<8x64xf32, #tpu.memory_space<vmem>>
      %dma_start3A_1284 = tpu.memref_reshape %arg4 : memref<1000000x64xf32, #tpu.memory_space<hbm>> -> memref<125000x8x64xf32, #tpu.memory_space<hbm>>
      %dma_start3A_1285 = arith.constant 0 : i32
      %dma_start3A_1286 = arith.constant 0 : i32
      %dma_start3A_1287 = tpu.memref_slice %dma_start3A_1284[%squeeze3A_1269, %dma_start3A_1285, %dma_start3A_1286] : memref<125000x8x64xf32, #tpu.memory_space<hbm>> -> memref<1x8x64xf32, #tpu.memory_space<hbm>>
      %dma_start3A_1288 = tpu.memref_squeeze %dma_start3A_1287 : memref<1x8x64xf32, #tpu.memory_space<hbm>> -> memref<8x64xf32, #tpu.memory_space<hbm>>
      tpu.enqueue_dma source(%dma_start3A_1288 : memref<8x64xf32, #tpu.memory_space<hbm>>) target(%dma_start3A_1283 : memref<8x64xf32, #tpu.memory_space<vmem>>) target_semaphore(%arg12 : memref<!tpu.dma_semaphore, #tpu.memory_space<semaphore_mem>>)
      %slice3A_1289 = vector.extract_strided_slice %shift_right_logical3A_695 {offsets = [14], sizes = [1], strides = [1]} : vector<16xi32> to vector<1xi32>
      %squeeze3A_1290 = vector.extract %slice3A_1289[0] : i32 from vector<1xi32>
      %dma_start3A_1291 = arith.constant 30 : i32
      %dma_start3A_1292 = arith.constant 0 : i32
      %dma_start3A_1293 = arith.constant 0 : i32
      %dma_start3A_1294 = tpu.memref_slice %arg8[%dma_start3A_1291, %dma_start3A_1292, %dma_start3A_1293] : memref<32x8x64xf32, #tpu.memory_space<vmem>> -> memref<1x8x64xf32, #tpu.memory_space<vmem>>
      %dma_start3A_1295 = tpu.memref_squeeze %dma_start3A_1294 : memref<1x8x64xf32, #tpu.memory_space<vmem>> -> memref<8x64xf32, #tpu.memory_space<vmem>>
      %dma_start3A_1296 = tpu.memref_reshape %arg4 : memref<1000000x64xf32, #tpu.memory_space<hbm>> -> memref<125000x8x64xf32, #tpu.memory_space<hbm>>
      %dma_start3A_1297 = arith.constant 0 : i32
      %dma_start3A_1298 = arith.constant 0 : i32
      %dma_start3A_1299 = tpu.memref_slice %dma_start3A_1296[%squeeze3A_1290, %dma_start3A_1297, %dma_start3A_1298] : memref<125000x8x64xf32, #tpu.memory_space<hbm>> -> memref<1x8x64xf32, #tpu.memory_space<hbm>>
      %dma_start3A_1300 = tpu.memref_squeeze %dma_start3A_1299 : memref<1x8x64xf32, #tpu.memory_space<hbm>> -> memref<8x64xf32, #tpu.memory_space<hbm>>
      %dma_start3A_1301 = arith.constant 0 : i32
      %dma_start3A_1302 = arith.constant 0 : i32
      %dma_start3A_1303 = tpu.memref_slice %arg8[%dma_start3A_1291, %dma_start3A_1301, %dma_start3A_1302] : memref<32x8x64xf32, #tpu.memory_space<vmem>> -> memref<1x8x64xf32, #tpu.memory_space<vmem>>
      %dma_start3A_1304 = tpu.memref_squeeze %dma_start3A_1303 : memref<1x8x64xf32, #tpu.memory_space<vmem>> -> memref<8x64xf32, #tpu.memory_space<vmem>>
      %dma_start3A_1305 = tpu.memref_reshape %arg4 : memref<1000000x64xf32, #tpu.memory_space<hbm>> -> memref<125000x8x64xf32, #tpu.memory_space<hbm>>
      %dma_start3A_1306 = arith.constant 0 : i32
      %dma_start3A_1307 = arith.constant 0 : i32
      %dma_start3A_1308 = tpu.memref_slice %dma_start3A_1305[%squeeze3A_1290, %dma_start3A_1306, %dma_start3A_1307] : memref<125000x8x64xf32, #tpu.memory_space<hbm>> -> memref<1x8x64xf32, #tpu.memory_space<hbm>>
      %dma_start3A_1309 = tpu.memref_squeeze %dma_start3A_1308 : memref<1x8x64xf32, #tpu.memory_space<hbm>> -> memref<8x64xf32, #tpu.memory_space<hbm>>
      tpu.enqueue_dma source(%dma_start3A_1309 : memref<8x64xf32, #tpu.memory_space<hbm>>) target(%dma_start3A_1304 : memref<8x64xf32, #tpu.memory_space<vmem>>) target_semaphore(%arg11 : memref<!tpu.dma_semaphore, #tpu.memory_space<semaphore_mem>>)
      %slice3A_1310 = vector.extract_strided_slice %shift_right_logical3A_700 {offsets = [14], sizes = [1], strides = [1]} : vector<16xi32> to vector<1xi32>
      %squeeze3A_1311 = vector.extract %slice3A_1310[0] : i32 from vector<1xi32>
      %dma_start3A_1312 = arith.constant 30 : i32
      %dma_start3A_1313 = arith.constant 0 : i32
      %dma_start3A_1314 = arith.constant 0 : i32
      %dma_start3A_1315 = tpu.memref_slice %arg9[%dma_start3A_1312, %dma_start3A_1313, %dma_start3A_1314] : memref<32x8x64xf32, #tpu.memory_space<vmem>> -> memref<1x8x64xf32, #tpu.memory_space<vmem>>
      %dma_start3A_1316 = tpu.memref_squeeze %dma_start3A_1315 : memref<1x8x64xf32, #tpu.memory_space<vmem>> -> memref<8x64xf32, #tpu.memory_space<vmem>>
      %dma_start3A_1317 = tpu.memref_reshape %arg4 : memref<1000000x64xf32, #tpu.memory_space<hbm>> -> memref<125000x8x64xf32, #tpu.memory_space<hbm>>
      %dma_start3A_1318 = arith.constant 0 : i32
      %dma_start3A_1319 = arith.constant 0 : i32
      %dma_start3A_1320 = tpu.memref_slice %dma_start3A_1317[%squeeze3A_1311, %dma_start3A_1318, %dma_start3A_1319] : memref<125000x8x64xf32, #tpu.memory_space<hbm>> -> memref<1x8x64xf32, #tpu.memory_space<hbm>>
      %dma_start3A_1321 = tpu.memref_squeeze %dma_start3A_1320 : memref<1x8x64xf32, #tpu.memory_space<hbm>> -> memref<8x64xf32, #tpu.memory_space<hbm>>
      %dma_start3A_1322 = arith.constant 0 : i32
      %dma_start3A_1323 = arith.constant 0 : i32
      %dma_start3A_1324 = tpu.memref_slice %arg9[%dma_start3A_1312, %dma_start3A_1322, %dma_start3A_1323] : memref<32x8x64xf32, #tpu.memory_space<vmem>> -> memref<1x8x64xf32, #tpu.memory_space<vmem>>
      %dma_start3A_1325 = tpu.memref_squeeze %dma_start3A_1324 : memref<1x8x64xf32, #tpu.memory_space<vmem>> -> memref<8x64xf32, #tpu.memory_space<vmem>>
      %dma_start3A_1326 = tpu.memref_reshape %arg4 : memref<1000000x64xf32, #tpu.memory_space<hbm>> -> memref<125000x8x64xf32, #tpu.memory_space<hbm>>
      %dma_start3A_1327 = arith.constant 0 : i32
      %dma_start3A_1328 = arith.constant 0 : i32
      %dma_start3A_1329 = tpu.memref_slice %dma_start3A_1326[%squeeze3A_1311, %dma_start3A_1327, %dma_start3A_1328] : memref<125000x8x64xf32, #tpu.memory_space<hbm>> -> memref<1x8x64xf32, #tpu.memory_space<hbm>>
      %dma_start3A_1330 = tpu.memref_squeeze %dma_start3A_1329 : memref<1x8x64xf32, #tpu.memory_space<hbm>> -> memref<8x64xf32, #tpu.memory_space<hbm>>
      tpu.enqueue_dma source(%dma_start3A_1330 : memref<8x64xf32, #tpu.memory_space<hbm>>) target(%dma_start3A_1325 : memref<8x64xf32, #tpu.memory_space<vmem>>) target_semaphore(%arg12 : memref<!tpu.dma_semaphore, #tpu.memory_space<semaphore_mem>>)
      %slice3A_1331 = vector.extract_strided_slice %shift_right_logical3A_695 {offsets = [15], sizes = [1], strides = [1]} : vector<16xi32> to vector<1xi32>
      %squeeze3A_1332 = vector.extract %slice3A_1331[0] : i32 from vector<1xi32>
      %dma_start3A_1333 = arith.constant 31 : i32
      %dma_start3A_1334 = arith.constant 0 : i32
      %dma_start3A_1335 = arith.constant 0 : i32
      %dma_start3A_1336 = tpu.memref_slice %arg8[%dma_start3A_1333, %dma_start3A_1334, %dma_start3A_1335] : memref<32x8x64xf32, #tpu.memory_space<vmem>> -> memref<1x8x64xf32, #tpu.memory_space<vmem>>
      %dma_start3A_1337 = tpu.memref_squeeze %dma_start3A_1336 : memref<1x8x64xf32, #tpu.memory_space<vmem>> -> memref<8x64xf32, #tpu.memory_space<vmem>>
      %dma_start3A_1338 = tpu.memref_reshape %arg4 : memref<1000000x64xf32, #tpu.memory_space<hbm>> -> memref<125000x8x64xf32, #tpu.memory_space<hbm>>
      %dma_start3A_1339 = arith.constant 0 : i32
      %dma_start3A_1340 = arith.constant 0 : i32
      %dma_start3A_1341 = tpu.memref_slice %dma_start3A_1338[%squeeze3A_1332, %dma_start3A_1339, %dma_start3A_1340] : memref<125000x8x64xf32, #tpu.memory_space<hbm>> -> memref<1x8x64xf32, #tpu.memory_space<hbm>>
      %dma_start3A_1342 = tpu.memref_squeeze %dma_start3A_1341 : memref<1x8x64xf32, #tpu.memory_space<hbm>> -> memref<8x64xf32, #tpu.memory_space<hbm>>
      %dma_start3A_1343 = arith.constant 0 : i32
      %dma_start3A_1344 = arith.constant 0 : i32
      %dma_start3A_1345 = tpu.memref_slice %arg8[%dma_start3A_1333, %dma_start3A_1343, %dma_start3A_1344] : memref<32x8x64xf32, #tpu.memory_space<vmem>> -> memref<1x8x64xf32, #tpu.memory_space<vmem>>
      %dma_start3A_1346 = tpu.memref_squeeze %dma_start3A_1345 : memref<1x8x64xf32, #tpu.memory_space<vmem>> -> memref<8x64xf32, #tpu.memory_space<vmem>>
      %dma_start3A_1347 = tpu.memref_reshape %arg4 : memref<1000000x64xf32, #tpu.memory_space<hbm>> -> memref<125000x8x64xf32, #tpu.memory_space<hbm>>
      %dma_start3A_1348 = arith.constant 0 : i32
      %dma_start3A_1349 = arith.constant 0 : i32
      %dma_start3A_1350 = tpu.memref_slice %dma_start3A_1347[%squeeze3A_1332, %dma_start3A_1348, %dma_start3A_1349] : memref<125000x8x64xf32, #tpu.memory_space<hbm>> -> memref<1x8x64xf32, #tpu.memory_space<hbm>>
      %dma_start3A_1351 = tpu.memref_squeeze %dma_start3A_1350 : memref<1x8x64xf32, #tpu.memory_space<hbm>> -> memref<8x64xf32, #tpu.memory_space<hbm>>
      tpu.enqueue_dma source(%dma_start3A_1351 : memref<8x64xf32, #tpu.memory_space<hbm>>) target(%dma_start3A_1346 : memref<8x64xf32, #tpu.memory_space<vmem>>) target_semaphore(%arg11 : memref<!tpu.dma_semaphore, #tpu.memory_space<semaphore_mem>>)
      %slice3A_1352 = vector.extract_strided_slice %shift_right_logical3A_700 {offsets = [15], sizes = [1], strides = [1]} : vector<16xi32> to vector<1xi32>
      %squeeze3A_1353 = vector.extract %slice3A_1352[0] : i32 from vector<1xi32>
      %dma_start3A_1354 = arith.constant 31 : i32
      %dma_start3A_1355 = arith.constant 0 : i32
      %dma_start3A_1356 = arith.constant 0 : i32
      %dma_start3A_1357 = tpu.memref_slice %arg9[%dma_start3A_1354, %dma_start3A_1355, %dma_start3A_1356] : memref<32x8x64xf32, #tpu.memory_space<vmem>> -> memref<1x8x64xf32, #tpu.memory_space<vmem>>
      %dma_start3A_1358 = tpu.memref_squeeze %dma_start3A_1357 : memref<1x8x64xf32, #tpu.memory_space<vmem>> -> memref<8x64xf32, #tpu.memory_space<vmem>>
      %dma_start3A_1359 = tpu.memref_reshape %arg4 : memref<1000000x64xf32, #tpu.memory_space<hbm>> -> memref<125000x8x64xf32, #tpu.memory_space<hbm>>
      %dma_start3A_1360 = arith.constant 0 : i32
      %dma_start3A_1361 = arith.constant 0 : i32
      %dma_start3A_1362 = tpu.memref_slice %dma_start3A_1359[%squeeze3A_1353, %dma_start3A_1360, %dma_start3A_1361] : memref<125000x8x64xf32, #tpu.memory_space<hbm>> -> memref<1x8x64xf32, #tpu.memory_space<hbm>>
      %dma_start3A_1363 = tpu.memref_squeeze %dma_start3A_1362 : memref<1x8x64xf32, #tpu.memory_space<hbm>> -> memref<8x64xf32, #tpu.memory_space<hbm>>
      %dma_start3A_1364 = arith.constant 0 : i32
      %dma_start3A_1365 = arith.constant 0 : i32
      %dma_start3A_1366 = tpu.memref_slice %arg9[%dma_start3A_1354, %dma_start3A_1364, %dma_start3A_1365] : memref<32x8x64xf32, #tpu.memory_space<vmem>> -> memref<1x8x64xf32, #tpu.memory_space<vmem>>
      %dma_start3A_1367 = tpu.memref_squeeze %dma_start3A_1366 : memref<1x8x64xf32, #tpu.memory_space<vmem>> -> memref<8x64xf32, #tpu.memory_space<vmem>>
      %dma_start3A_1368 = tpu.memref_reshape %arg4 : memref<1000000x64xf32, #tpu.memory_space<hbm>> -> memref<125000x8x64xf32, #tpu.memory_space<hbm>>
      %dma_start3A_1369 = arith.constant 0 : i32
      %dma_start3A_1370 = arith.constant 0 : i32
      %dma_start3A_1371 = tpu.memref_slice %dma_start3A_1368[%squeeze3A_1353, %dma_start3A_1369, %dma_start3A_1370] : memref<125000x8x64xf32, #tpu.memory_space<hbm>> -> memref<1x8x64xf32, #tpu.memory_space<hbm>>
      %dma_start3A_1372 = tpu.memref_squeeze %dma_start3A_1371 : memref<1x8x64xf32, #tpu.memory_space<hbm>> -> memref<8x64xf32, #tpu.memory_space<hbm>>
      tpu.enqueue_dma source(%dma_start3A_1372 : memref<8x64xf32, #tpu.memory_space<hbm>>) target(%dma_start3A_1367 : memref<8x64xf32, #tpu.memory_space<vmem>>) target_semaphore(%arg12 : memref<!tpu.dma_semaphore, #tpu.memory_space<semaphore_mem>>)
      %dma_wait3A = arith.constant 0 : i32
      %dma_wait3A_1373 = arith.constant 0 : i32
      %dma_wait3A_1374 = arith.constant 0 : i32
      %dma_wait3A_1375 = tpu.memref_slice %arg8[%dma_wait3A, %dma_wait3A_1373, %dma_wait3A_1374] : memref<32x8x64xf32, #tpu.memory_space<vmem>> -> memref<1x8x64xf32, #tpu.memory_space<vmem>>
      %dma_wait3A_1376 = tpu.memref_squeeze %dma_wait3A_1375 : memref<1x8x64xf32, #tpu.memory_space<vmem>> -> memref<8x64xf32, #tpu.memory_space<vmem>>
      %dma_wait3A_1377 = tpu.memref_reshape %arg4 : memref<1000000x64xf32, #tpu.memory_space<hbm>> -> memref<125000x8x64xf32, #tpu.memory_space<hbm>>
      %dma_wait3A_1378 = arith.constant 0 : i32
      %dma_wait3A_1379 = arith.constant 0 : i32
      %dma_wait3A_1380 = tpu.memref_slice %dma_wait3A_1377[%squeeze3A, %dma_wait3A_1378, %dma_wait3A_1379] : memref<125000x8x64xf32, #tpu.memory_space<hbm>> -> memref<1x8x64xf32, #tpu.memory_space<hbm>>
      %dma_wait3A_1381 = tpu.memref_squeeze %dma_wait3A_1380 : memref<1x8x64xf32, #tpu.memory_space<hbm>> -> memref<8x64xf32, #tpu.memory_space<hbm>>
      %dma_wait3A_1382 = arith.constant 0 : i32
      %dma_wait3A_1383 = arith.constant 0 : i32
      %dma_wait3A_1384 = tpu.memref_slice %arg8[%dma_wait3A, %dma_wait3A_1382, %dma_wait3A_1383] : memref<32x8x64xf32, #tpu.memory_space<vmem>> -> memref<1x8x64xf32, #tpu.memory_space<vmem>>
      %dma_wait3A_1385 = tpu.memref_squeeze %dma_wait3A_1384 : memref<1x8x64xf32, #tpu.memory_space<vmem>> -> memref<8x64xf32, #tpu.memory_space<vmem>>
      %dma_wait3A_1386 = tpu.memref_reshape %arg4 : memref<1000000x64xf32, #tpu.memory_space<hbm>> -> memref<125000x8x64xf32, #tpu.memory_space<hbm>>
      %dma_wait3A_1387 = arith.constant 0 : i32
      %dma_wait3A_1388 = arith.constant 0 : i32
      %dma_wait3A_1389 = tpu.memref_slice %dma_wait3A_1386[%squeeze3A, %dma_wait3A_1387, %dma_wait3A_1388] : memref<125000x8x64xf32, #tpu.memory_space<hbm>> -> memref<1x8x64xf32, #tpu.memory_space<hbm>>
      %dma_wait3A_1390 = tpu.memref_squeeze %dma_wait3A_1389 : memref<1x8x64xf32, #tpu.memory_space<hbm>> -> memref<8x64xf32, #tpu.memory_space<hbm>>
      tpu.wait_dma2 semaphore(%arg11 : memref<!tpu.dma_semaphore, #tpu.memory_space<semaphore_mem>>) src(%dma_wait3A_1390 : memref<8x64xf32, #tpu.memory_space<hbm>>) dst(%dma_wait3A_1385 : memref<8x64xf32, #tpu.memory_space<vmem>>)
      %dma_wait3A_1391 = arith.constant 0 : i32
      %dma_wait3A_1392 = arith.constant 0 : i32
      %dma_wait3A_1393 = arith.constant 0 : i32
      %dma_wait3A_1394 = tpu.memref_slice %arg9[%dma_wait3A_1391, %dma_wait3A_1392, %dma_wait3A_1393] : memref<32x8x64xf32, #tpu.memory_space<vmem>> -> memref<1x8x64xf32, #tpu.memory_space<vmem>>
      %dma_wait3A_1395 = tpu.memref_squeeze %dma_wait3A_1394 : memref<1x8x64xf32, #tpu.memory_space<vmem>> -> memref<8x64xf32, #tpu.memory_space<vmem>>
      %dma_wait3A_1396 = tpu.memref_reshape %arg4 : memref<1000000x64xf32, #tpu.memory_space<hbm>> -> memref<125000x8x64xf32, #tpu.memory_space<hbm>>
      %dma_wait3A_1397 = arith.constant 0 : i32
      %dma_wait3A_1398 = arith.constant 0 : i32
      %dma_wait3A_1399 = tpu.memref_slice %dma_wait3A_1396[%squeeze3A_41, %dma_wait3A_1397, %dma_wait3A_1398] : memref<125000x8x64xf32, #tpu.memory_space<hbm>> -> memref<1x8x64xf32, #tpu.memory_space<hbm>>
      %dma_wait3A_1400 = tpu.memref_squeeze %dma_wait3A_1399 : memref<1x8x64xf32, #tpu.memory_space<hbm>> -> memref<8x64xf32, #tpu.memory_space<hbm>>
      %dma_wait3A_1401 = arith.constant 0 : i32
      %dma_wait3A_1402 = arith.constant 0 : i32
      %dma_wait3A_1403 = tpu.memref_slice %arg9[%dma_wait3A_1391, %dma_wait3A_1401, %dma_wait3A_1402] : memref<32x8x64xf32, #tpu.memory_space<vmem>> -> memref<1x8x64xf32, #tpu.memory_space<vmem>>
      %dma_wait3A_1404 = tpu.memref_squeeze %dma_wait3A_1403 : memref<1x8x64xf32, #tpu.memory_space<vmem>> -> memref<8x64xf32, #tpu.memory_space<vmem>>
      %dma_wait3A_1405 = tpu.memref_reshape %arg4 : memref<1000000x64xf32, #tpu.memory_space<hbm>> -> memref<125000x8x64xf32, #tpu.memory_space<hbm>>
      %dma_wait3A_1406 = arith.constant 0 : i32
      %dma_wait3A_1407 = arith.constant 0 : i32
      %dma_wait3A_1408 = tpu.memref_slice %dma_wait3A_1405[%squeeze3A_41, %dma_wait3A_1406, %dma_wait3A_1407] : memref<125000x8x64xf32, #tpu.memory_space<hbm>> -> memref<1x8x64xf32, #tpu.memory_space<hbm>>
      %dma_wait3A_1409 = tpu.memref_squeeze %dma_wait3A_1408 : memref<1x8x64xf32, #tpu.memory_space<hbm>> -> memref<8x64xf32, #tpu.memory_space<hbm>>
      tpu.wait_dma2 semaphore(%arg12 : memref<!tpu.dma_semaphore, #tpu.memory_space<semaphore_mem>>) src(%dma_wait3A_1409 : memref<8x64xf32, #tpu.memory_space<hbm>>) dst(%dma_wait3A_1404 : memref<8x64xf32, #tpu.memory_space<vmem>>)
      %dma_wait3A_1410 = arith.constant 1 : i32
      %dma_wait3A_1411 = arith.constant 0 : i32
      %dma_wait3A_1412 = arith.constant 0 : i32
      %dma_wait3A_1413 = tpu.memref_slice %arg8[%dma_wait3A_1410, %dma_wait3A_1411, %dma_wait3A_1412] : memref<32x8x64xf32, #tpu.memory_space<vmem>> -> memref<1x8x64xf32, #tpu.memory_space<vmem>>
      %dma_wait3A_1414 = tpu.memref_squeeze %dma_wait3A_1413 : memref<1x8x64xf32, #tpu.memory_space<vmem>> -> memref<8x64xf32, #tpu.memory_space<vmem>>
      %dma_wait3A_1415 = tpu.memref_reshape %arg4 : memref<1000000x64xf32, #tpu.memory_space<hbm>> -> memref<125000x8x64xf32, #tpu.memory_space<hbm>>
      %dma_wait3A_1416 = arith.constant 0 : i32
      %dma_wait3A_1417 = arith.constant 0 : i32
      %dma_wait3A_1418 = tpu.memref_slice %dma_wait3A_1415[%squeeze3A_62, %dma_wait3A_1416, %dma_wait3A_1417] : memref<125000x8x64xf32, #tpu.memory_space<hbm>> -> memref<1x8x64xf32, #tpu.memory_space<hbm>>
      %dma_wait3A_1419 = tpu.memref_squeeze %dma_wait3A_1418 : memref<1x8x64xf32, #tpu.memory_space<hbm>> -> memref<8x64xf32, #tpu.memory_space<hbm>>
      %dma_wait3A_1420 = arith.constant 0 : i32
      %dma_wait3A_1421 = arith.constant 0 : i32
      %dma_wait3A_1422 = tpu.memref_slice %arg8[%dma_wait3A_1410, %dma_wait3A_1420, %dma_wait3A_1421] : memref<32x8x64xf32, #tpu.memory_space<vmem>> -> memref<1x8x64xf32, #tpu.memory_space<vmem>>
      %dma_wait3A_1423 = tpu.memref_squeeze %dma_wait3A_1422 : memref<1x8x64xf32, #tpu.memory_space<vmem>> -> memref<8x64xf32, #tpu.memory_space<vmem>>
      %dma_wait3A_1424 = tpu.memref_reshape %arg4 : memref<1000000x64xf32, #tpu.memory_space<hbm>> -> memref<125000x8x64xf32, #tpu.memory_space<hbm>>
      %dma_wait3A_1425 = arith.constant 0 : i32
      %dma_wait3A_1426 = arith.constant 0 : i32
      %dma_wait3A_1427 = tpu.memref_slice %dma_wait3A_1424[%squeeze3A_62, %dma_wait3A_1425, %dma_wait3A_1426] : memref<125000x8x64xf32, #tpu.memory_space<hbm>> -> memref<1x8x64xf32, #tpu.memory_space<hbm>>
      %dma_wait3A_1428 = tpu.memref_squeeze %dma_wait3A_1427 : memref<1x8x64xf32, #tpu.memory_space<hbm>> -> memref<8x64xf32, #tpu.memory_space<hbm>>
      tpu.wait_dma2 semaphore(%arg11 : memref<!tpu.dma_semaphore, #tpu.memory_space<semaphore_mem>>) src(%dma_wait3A_1428 : memref<8x64xf32, #tpu.memory_space<hbm>>) dst(%dma_wait3A_1423 : memref<8x64xf32, #tpu.memory_space<vmem>>)
      %dma_wait3A_1429 = arith.constant 1 : i32
      %dma_wait3A_1430 = arith.constant 0 : i32
      %dma_wait3A_1431 = arith.constant 0 : i32
      %dma_wait3A_1432 = tpu.memref_slice %arg9[%dma_wait3A_1429, %dma_wait3A_1430, %dma_wait3A_1431] : memref<32x8x64xf32, #tpu.memory_space<vmem>> -> memref<1x8x64xf32, #tpu.memory_space<vmem>>
      %dma_wait3A_1433 = tpu.memref_squeeze %dma_wait3A_1432 : memref<1x8x64xf32, #tpu.memory_space<vmem>> -> memref<8x64xf32, #tpu.memory_space<vmem>>
      %dma_wait3A_1434 = tpu.memref_reshape %arg4 : memref<1000000x64xf32, #tpu.memory_space<hbm>> -> memref<125000x8x64xf32, #tpu.memory_space<hbm>>
      %dma_wait3A_1435 = arith.constant 0 : i32
      %dma_wait3A_1436 = arith.constant 0 : i32
      %dma_wait3A_1437 = tpu.memref_slice %dma_wait3A_1434[%squeeze3A_83, %dma_wait3A_1435, %dma_wait3A_1436] : memref<125000x8x64xf32, #tpu.memory_space<hbm>> -> memref<1x8x64xf32, #tpu.memory_space<hbm>>
      %dma_wait3A_1438 = tpu.memref_squeeze %dma_wait3A_1437 : memref<1x8x64xf32, #tpu.memory_space<hbm>> -> memref<8x64xf32, #tpu.memory_space<hbm>>
      %dma_wait3A_1439 = arith.constant 0 : i32
      %dma_wait3A_1440 = arith.constant 0 : i32
      %dma_wait3A_1441 = tpu.memref_slice %arg9[%dma_wait3A_1429, %dma_wait3A_1439, %dma_wait3A_1440] : memref<32x8x64xf32, #tpu.memory_space<vmem>> -> memref<1x8x64xf32, #tpu.memory_space<vmem>>
      %dma_wait3A_1442 = tpu.memref_squeeze %dma_wait3A_1441 : memref<1x8x64xf32, #tpu.memory_space<vmem>> -> memref<8x64xf32, #tpu.memory_space<vmem>>
      %dma_wait3A_1443 = tpu.memref_reshape %arg4 : memref<1000000x64xf32, #tpu.memory_space<hbm>> -> memref<125000x8x64xf32, #tpu.memory_space<hbm>>
      %dma_wait3A_1444 = arith.constant 0 : i32
      %dma_wait3A_1445 = arith.constant 0 : i32
      %dma_wait3A_1446 = tpu.memref_slice %dma_wait3A_1443[%squeeze3A_83, %dma_wait3A_1444, %dma_wait3A_1445] : memref<125000x8x64xf32, #tpu.memory_space<hbm>> -> memref<1x8x64xf32, #tpu.memory_space<hbm>>
      %dma_wait3A_1447 = tpu.memref_squeeze %dma_wait3A_1446 : memref<1x8x64xf32, #tpu.memory_space<hbm>> -> memref<8x64xf32, #tpu.memory_space<hbm>>
      tpu.wait_dma2 semaphore(%arg12 : memref<!tpu.dma_semaphore, #tpu.memory_space<semaphore_mem>>) src(%dma_wait3A_1447 : memref<8x64xf32, #tpu.memory_space<hbm>>) dst(%dma_wait3A_1442 : memref<8x64xf32, #tpu.memory_space<vmem>>)
      %dma_wait3A_1448 = arith.constant 2 : i32
      %dma_wait3A_1449 = arith.constant 0 : i32
      %dma_wait3A_1450 = arith.constant 0 : i32
      %dma_wait3A_1451 = tpu.memref_slice %arg8[%dma_wait3A_1448, %dma_wait3A_1449, %dma_wait3A_1450] : memref<32x8x64xf32, #tpu.memory_space<vmem>> -> memref<1x8x64xf32, #tpu.memory_space<vmem>>
      %dma_wait3A_1452 = tpu.memref_squeeze %dma_wait3A_1451 : memref<1x8x64xf32, #tpu.memory_space<vmem>> -> memref<8x64xf32, #tpu.memory_space<vmem>>
      %dma_wait3A_1453 = tpu.memref_reshape %arg4 : memref<1000000x64xf32, #tpu.memory_space<hbm>> -> memref<125000x8x64xf32, #tpu.memory_space<hbm>>
      %dma_wait3A_1454 = arith.constant 0 : i32
      %dma_wait3A_1455 = arith.constant 0 : i32
      %dma_wait3A_1456 = tpu.memref_slice %dma_wait3A_1453[%squeeze3A_104, %dma_wait3A_1454, %dma_wait3A_1455] : memref<125000x8x64xf32, #tpu.memory_space<hbm>> -> memref<1x8x64xf32, #tpu.memory_space<hbm>>
      %dma_wait3A_1457 = tpu.memref_squeeze %dma_wait3A_1456 : memref<1x8x64xf32, #tpu.memory_space<hbm>> -> memref<8x64xf32, #tpu.memory_space<hbm>>
      %dma_wait3A_1458 = arith.constant 0 : i32
      %dma_wait3A_1459 = arith.constant 0 : i32
      %dma_wait3A_1460 = tpu.memref_slice %arg8[%dma_wait3A_1448, %dma_wait3A_1458, %dma_wait3A_1459] : memref<32x8x64xf32, #tpu.memory_space<vmem>> -> memref<1x8x64xf32, #tpu.memory_space<vmem>>
      %dma_wait3A_1461 = tpu.memref_squeeze %dma_wait3A_1460 : memref<1x8x64xf32, #tpu.memory_space<vmem>> -> memref<8x64xf32, #tpu.memory_space<vmem>>
      %dma_wait3A_1462 = tpu.memref_reshape %arg4 : memref<1000000x64xf32, #tpu.memory_space<hbm>> -> memref<125000x8x64xf32, #tpu.memory_space<hbm>>
      %dma_wait3A_1463 = arith.constant 0 : i32
      %dma_wait3A_1464 = arith.constant 0 : i32
      %dma_wait3A_1465 = tpu.memref_slice %dma_wait3A_1462[%squeeze3A_104, %dma_wait3A_1463, %dma_wait3A_1464] : memref<125000x8x64xf32, #tpu.memory_space<hbm>> -> memref<1x8x64xf32, #tpu.memory_space<hbm>>
      %dma_wait3A_1466 = tpu.memref_squeeze %dma_wait3A_1465 : memref<1x8x64xf32, #tpu.memory_space<hbm>> -> memref<8x64xf32, #tpu.memory_space<hbm>>
      tpu.wait_dma2 semaphore(%arg11 : memref<!tpu.dma_semaphore, #tpu.memory_space<semaphore_mem>>) src(%dma_wait3A_1466 : memref<8x64xf32, #tpu.memory_space<hbm>>) dst(%dma_wait3A_1461 : memref<8x64xf32, #tpu.memory_space<vmem>>)
      %dma_wait3A_1467 = arith.constant 2 : i32
      %dma_wait3A_1468 = arith.constant 0 : i32
      %dma_wait3A_1469 = arith.constant 0 : i32
      %dma_wait3A_1470 = tpu.memref_slice %arg9[%dma_wait3A_1467, %dma_wait3A_1468, %dma_wait3A_1469] : memref<32x8x64xf32, #tpu.memory_space<vmem>> -> memref<1x8x64xf32, #tpu.memory_space<vmem>>
      %dma_wait3A_1471 = tpu.memref_squeeze %dma_wait3A_1470 : memref<1x8x64xf32, #tpu.memory_space<vmem>> -> memref<8x64xf32, #tpu.memory_space<vmem>>
      %dma_wait3A_1472 = tpu.memref_reshape %arg4 : memref<1000000x64xf32, #tpu.memory_space<hbm>> -> memref<125000x8x64xf32, #tpu.memory_space<hbm>>
      %dma_wait3A_1473 = arith.constant 0 : i32
      %dma_wait3A_1474 = arith.constant 0 : i32
      %dma_wait3A_1475 = tpu.memref_slice %dma_wait3A_1472[%squeeze3A_125, %dma_wait3A_1473, %dma_wait3A_1474] : memref<125000x8x64xf32, #tpu.memory_space<hbm>> -> memref<1x8x64xf32, #tpu.memory_space<hbm>>
      %dma_wait3A_1476 = tpu.memref_squeeze %dma_wait3A_1475 : memref<1x8x64xf32, #tpu.memory_space<hbm>> -> memref<8x64xf32, #tpu.memory_space<hbm>>
      %dma_wait3A_1477 = arith.constant 0 : i32
      %dma_wait3A_1478 = arith.constant 0 : i32
      %dma_wait3A_1479 = tpu.memref_slice %arg9[%dma_wait3A_1467, %dma_wait3A_1477, %dma_wait3A_1478] : memref<32x8x64xf32, #tpu.memory_space<vmem>> -> memref<1x8x64xf32, #tpu.memory_space<vmem>>
      %dma_wait3A_1480 = tpu.memref_squeeze %dma_wait3A_1479 : memref<1x8x64xf32, #tpu.memory_space<vmem>> -> memref<8x64xf32, #tpu.memory_space<vmem>>
      %dma_wait3A_1481 = tpu.memref_reshape %arg4 : memref<1000000x64xf32, #tpu.memory_space<hbm>> -> memref<125000x8x64xf32, #tpu.memory_space<hbm>>
      %dma_wait3A_1482 = arith.constant 0 : i32
      %dma_wait3A_1483 = arith.constant 0 : i32
      %dma_wait3A_1484 = tpu.memref_slice %dma_wait3A_1481[%squeeze3A_125, %dma_wait3A_1482, %dma_wait3A_1483] : memref<125000x8x64xf32, #tpu.memory_space<hbm>> -> memref<1x8x64xf32, #tpu.memory_space<hbm>>
      %dma_wait3A_1485 = tpu.memref_squeeze %dma_wait3A_1484 : memref<1x8x64xf32, #tpu.memory_space<hbm>> -> memref<8x64xf32, #tpu.memory_space<hbm>>
      tpu.wait_dma2 semaphore(%arg12 : memref<!tpu.dma_semaphore, #tpu.memory_space<semaphore_mem>>) src(%dma_wait3A_1485 : memref<8x64xf32, #tpu.memory_space<hbm>>) dst(%dma_wait3A_1480 : memref<8x64xf32, #tpu.memory_space<vmem>>)
      %dma_wait3A_1486 = arith.constant 3 : i32
      %dma_wait3A_1487 = arith.constant 0 : i32
      %dma_wait3A_1488 = arith.constant 0 : i32
      %dma_wait3A_1489 = tpu.memref_slice %arg8[%dma_wait3A_1486, %dma_wait3A_1487, %dma_wait3A_1488] : memref<32x8x64xf32, #tpu.memory_space<vmem>> -> memref<1x8x64xf32, #tpu.memory_space<vmem>>
      %dma_wait3A_1490 = tpu.memref_squeeze %dma_wait3A_1489 : memref<1x8x64xf32, #tpu.memory_space<vmem>> -> memref<8x64xf32, #tpu.memory_space<vmem>>
      %dma_wait3A_1491 = tpu.memref_reshape %arg4 : memref<1000000x64xf32, #tpu.memory_space<hbm>> -> memref<125000x8x64xf32, #tpu.memory_space<hbm>>
      %dma_wait3A_1492 = arith.constant 0 : i32
      %dma_wait3A_1493 = arith.constant 0 : i32
      %dma_wait3A_1494 = tpu.memref_slice %dma_wait3A_1491[%squeeze3A_146, %dma_wait3A_1492, %dma_wait3A_1493] : memref<125000x8x64xf32, #tpu.memory_space<hbm>> -> memref<1x8x64xf32, #tpu.memory_space<hbm>>
      %dma_wait3A_1495 = tpu.memref_squeeze %dma_wait3A_1494 : memref<1x8x64xf32, #tpu.memory_space<hbm>> -> memref<8x64xf32, #tpu.memory_space<hbm>>
      %dma_wait3A_1496 = arith.constant 0 : i32
      %dma_wait3A_1497 = arith.constant 0 : i32
      %dma_wait3A_1498 = tpu.memref_slice %arg8[%dma_wait3A_1486, %dma_wait3A_1496, %dma_wait3A_1497] : memref<32x8x64xf32, #tpu.memory_space<vmem>> -> memref<1x8x64xf32, #tpu.memory_space<vmem>>
      %dma_wait3A_1499 = tpu.memref_squeeze %dma_wait3A_1498 : memref<1x8x64xf32, #tpu.memory_space<vmem>> -> memref<8x64xf32, #tpu.memory_space<vmem>>
      %dma_wait3A_1500 = tpu.memref_reshape %arg4 : memref<1000000x64xf32, #tpu.memory_space<hbm>> -> memref<125000x8x64xf32, #tpu.memory_space<hbm>>
      %dma_wait3A_1501 = arith.constant 0 : i32
      %dma_wait3A_1502 = arith.constant 0 : i32
      %dma_wait3A_1503 = tpu.memref_slice %dma_wait3A_1500[%squeeze3A_146, %dma_wait3A_1501, %dma_wait3A_1502] : memref<125000x8x64xf32, #tpu.memory_space<hbm>> -> memref<1x8x64xf32, #tpu.memory_space<hbm>>
      %dma_wait3A_1504 = tpu.memref_squeeze %dma_wait3A_1503 : memref<1x8x64xf32, #tpu.memory_space<hbm>> -> memref<8x64xf32, #tpu.memory_space<hbm>>
      tpu.wait_dma2 semaphore(%arg11 : memref<!tpu.dma_semaphore, #tpu.memory_space<semaphore_mem>>) src(%dma_wait3A_1504 : memref<8x64xf32, #tpu.memory_space<hbm>>) dst(%dma_wait3A_1499 : memref<8x64xf32, #tpu.memory_space<vmem>>)
      %dma_wait3A_1505 = arith.constant 3 : i32
      %dma_wait3A_1506 = arith.constant 0 : i32
      %dma_wait3A_1507 = arith.constant 0 : i32
      %dma_wait3A_1508 = tpu.memref_slice %arg9[%dma_wait3A_1505, %dma_wait3A_1506, %dma_wait3A_1507] : memref<32x8x64xf32, #tpu.memory_space<vmem>> -> memref<1x8x64xf32, #tpu.memory_space<vmem>>
      %dma_wait3A_1509 = tpu.memref_squeeze %dma_wait3A_1508 : memref<1x8x64xf32, #tpu.memory_space<vmem>> -> memref<8x64xf32, #tpu.memory_space<vmem>>
      %dma_wait3A_1510 = tpu.memref_reshape %arg4 : memref<1000000x64xf32, #tpu.memory_space<hbm>> -> memref<125000x8x64xf32, #tpu.memory_space<hbm>>
      %dma_wait3A_1511 = arith.constant 0 : i32
      %dma_wait3A_1512 = arith.constant 0 : i32
      %dma_wait3A_1513 = tpu.memref_slice %dma_wait3A_1510[%squeeze3A_167, %dma_wait3A_1511, %dma_wait3A_1512] : memref<125000x8x64xf32, #tpu.memory_space<hbm>> -> memref<1x8x64xf32, #tpu.memory_space<hbm>>
      %dma_wait3A_1514 = tpu.memref_squeeze %dma_wait3A_1513 : memref<1x8x64xf32, #tpu.memory_space<hbm>> -> memref<8x64xf32, #tpu.memory_space<hbm>>
      %dma_wait3A_1515 = arith.constant 0 : i32
      %dma_wait3A_1516 = arith.constant 0 : i32
      %dma_wait3A_1517 = tpu.memref_slice %arg9[%dma_wait3A_1505, %dma_wait3A_1515, %dma_wait3A_1516] : memref<32x8x64xf32, #tpu.memory_space<vmem>> -> memref<1x8x64xf32, #tpu.memory_space<vmem>>
      %dma_wait3A_1518 = tpu.memref_squeeze %dma_wait3A_1517 : memref<1x8x64xf32, #tpu.memory_space<vmem>> -> memref<8x64xf32, #tpu.memory_space<vmem>>
      %dma_wait3A_1519 = tpu.memref_reshape %arg4 : memref<1000000x64xf32, #tpu.memory_space<hbm>> -> memref<125000x8x64xf32, #tpu.memory_space<hbm>>
      %dma_wait3A_1520 = arith.constant 0 : i32
      %dma_wait3A_1521 = arith.constant 0 : i32
      %dma_wait3A_1522 = tpu.memref_slice %dma_wait3A_1519[%squeeze3A_167, %dma_wait3A_1520, %dma_wait3A_1521] : memref<125000x8x64xf32, #tpu.memory_space<hbm>> -> memref<1x8x64xf32, #tpu.memory_space<hbm>>
      %dma_wait3A_1523 = tpu.memref_squeeze %dma_wait3A_1522 : memref<1x8x64xf32, #tpu.memory_space<hbm>> -> memref<8x64xf32, #tpu.memory_space<hbm>>
      tpu.wait_dma2 semaphore(%arg12 : memref<!tpu.dma_semaphore, #tpu.memory_space<semaphore_mem>>) src(%dma_wait3A_1523 : memref<8x64xf32, #tpu.memory_space<hbm>>) dst(%dma_wait3A_1518 : memref<8x64xf32, #tpu.memory_space<vmem>>)
      %dma_wait3A_1524 = arith.constant 4 : i32
      %dma_wait3A_1525 = arith.constant 0 : i32
      %dma_wait3A_1526 = arith.constant 0 : i32
      %dma_wait3A_1527 = tpu.memref_slice %arg8[%dma_wait3A_1524, %dma_wait3A_1525, %dma_wait3A_1526] : memref<32x8x64xf32, #tpu.memory_space<vmem>> -> memref<1x8x64xf32, #tpu.memory_space<vmem>>
      %dma_wait3A_1528 = tpu.memref_squeeze %dma_wait3A_1527 : memref<1x8x64xf32, #tpu.memory_space<vmem>> -> memref<8x64xf32, #tpu.memory_space<vmem>>
      %dma_wait3A_1529 = tpu.memref_reshape %arg4 : memref<1000000x64xf32, #tpu.memory_space<hbm>> -> memref<125000x8x64xf32, #tpu.memory_space<hbm>>
      %dma_wait3A_1530 = arith.constant 0 : i32
      %dma_wait3A_1531 = arith.constant 0 : i32
      %dma_wait3A_1532 = tpu.memref_slice %dma_wait3A_1529[%squeeze3A_188, %dma_wait3A_1530, %dma_wait3A_1531] : memref<125000x8x64xf32, #tpu.memory_space<hbm>> -> memref<1x8x64xf32, #tpu.memory_space<hbm>>
      %dma_wait3A_1533 = tpu.memref_squeeze %dma_wait3A_1532 : memref<1x8x64xf32, #tpu.memory_space<hbm>> -> memref<8x64xf32, #tpu.memory_space<hbm>>
      %dma_wait3A_1534 = arith.constant 0 : i32
      %dma_wait3A_1535 = arith.constant 0 : i32
      %dma_wait3A_1536 = tpu.memref_slice %arg8[%dma_wait3A_1524, %dma_wait3A_1534, %dma_wait3A_1535] : memref<32x8x64xf32, #tpu.memory_space<vmem>> -> memref<1x8x64xf32, #tpu.memory_space<vmem>>
      %dma_wait3A_1537 = tpu.memref_squeeze %dma_wait3A_1536 : memref<1x8x64xf32, #tpu.memory_space<vmem>> -> memref<8x64xf32, #tpu.memory_space<vmem>>
      %dma_wait3A_1538 = tpu.memref_reshape %arg4 : memref<1000000x64xf32, #tpu.memory_space<hbm>> -> memref<125000x8x64xf32, #tpu.memory_space<hbm>>
      %dma_wait3A_1539 = arith.constant 0 : i32
      %dma_wait3A_1540 = arith.constant 0 : i32
      %dma_wait3A_1541 = tpu.memref_slice %dma_wait3A_1538[%squeeze3A_188, %dma_wait3A_1539, %dma_wait3A_1540] : memref<125000x8x64xf32, #tpu.memory_space<hbm>> -> memref<1x8x64xf32, #tpu.memory_space<hbm>>
      %dma_wait3A_1542 = tpu.memref_squeeze %dma_wait3A_1541 : memref<1x8x64xf32, #tpu.memory_space<hbm>> -> memref<8x64xf32, #tpu.memory_space<hbm>>
      tpu.wait_dma2 semaphore(%arg11 : memref<!tpu.dma_semaphore, #tpu.memory_space<semaphore_mem>>) src(%dma_wait3A_1542 : memref<8x64xf32, #tpu.memory_space<hbm>>) dst(%dma_wait3A_1537 : memref<8x64xf32, #tpu.memory_space<vmem>>)
      %dma_wait3A_1543 = arith.constant 4 : i32
      %dma_wait3A_1544 = arith.constant 0 : i32
      %dma_wait3A_1545 = arith.constant 0 : i32
      %dma_wait3A_1546 = tpu.memref_slice %arg9[%dma_wait3A_1543, %dma_wait3A_1544, %dma_wait3A_1545] : memref<32x8x64xf32, #tpu.memory_space<vmem>> -> memref<1x8x64xf32, #tpu.memory_space<vmem>>
      %dma_wait3A_1547 = tpu.memref_squeeze %dma_wait3A_1546 : memref<1x8x64xf32, #tpu.memory_space<vmem>> -> memref<8x64xf32, #tpu.memory_space<vmem>>
      %dma_wait3A_1548 = tpu.memref_reshape %arg4 : memref<1000000x64xf32, #tpu.memory_space<hbm>> -> memref<125000x8x64xf32, #tpu.memory_space<hbm>>
      %dma_wait3A_1549 = arith.constant 0 : i32
      %dma_wait3A_1550 = arith.constant 0 : i32
      %dma_wait3A_1551 = tpu.memref_slice %dma_wait3A_1548[%squeeze3A_209, %dma_wait3A_1549, %dma_wait3A_1550] : memref<125000x8x64xf32, #tpu.memory_space<hbm>> -> memref<1x8x64xf32, #tpu.memory_space<hbm>>
      %dma_wait3A_1552 = tpu.memref_squeeze %dma_wait3A_1551 : memref<1x8x64xf32, #tpu.memory_space<hbm>> -> memref<8x64xf32, #tpu.memory_space<hbm>>
      %dma_wait3A_1553 = arith.constant 0 : i32
      %dma_wait3A_1554 = arith.constant 0 : i32
      %dma_wait3A_1555 = tpu.memref_slice %arg9[%dma_wait3A_1543, %dma_wait3A_1553, %dma_wait3A_1554] : memref<32x8x64xf32, #tpu.memory_space<vmem>> -> memref<1x8x64xf32, #tpu.memory_space<vmem>>
      %dma_wait3A_1556 = tpu.memref_squeeze %dma_wait3A_1555 : memref<1x8x64xf32, #tpu.memory_space<vmem>> -> memref<8x64xf32, #tpu.memory_space<vmem>>
      %dma_wait3A_1557 = tpu.memref_reshape %arg4 : memref<1000000x64xf32, #tpu.memory_space<hbm>> -> memref<125000x8x64xf32, #tpu.memory_space<hbm>>
      %dma_wait3A_1558 = arith.constant 0 : i32
      %dma_wait3A_1559 = arith.constant 0 : i32
      %dma_wait3A_1560 = tpu.memref_slice %dma_wait3A_1557[%squeeze3A_209, %dma_wait3A_1558, %dma_wait3A_1559] : memref<125000x8x64xf32, #tpu.memory_space<hbm>> -> memref<1x8x64xf32, #tpu.memory_space<hbm>>
      %dma_wait3A_1561 = tpu.memref_squeeze %dma_wait3A_1560 : memref<1x8x64xf32, #tpu.memory_space<hbm>> -> memref<8x64xf32, #tpu.memory_space<hbm>>
      tpu.wait_dma2 semaphore(%arg12 : memref<!tpu.dma_semaphore, #tpu.memory_space<semaphore_mem>>) src(%dma_wait3A_1561 : memref<8x64xf32, #tpu.memory_space<hbm>>) dst(%dma_wait3A_1556 : memref<8x64xf32, #tpu.memory_space<vmem>>)
      %dma_wait3A_1562 = arith.constant 5 : i32
      %dma_wait3A_1563 = arith.constant 0 : i32
      %dma_wait3A_1564 = arith.constant 0 : i32
      %dma_wait3A_1565 = tpu.memref_slice %arg8[%dma_wait3A_1562, %dma_wait3A_1563, %dma_wait3A_1564] : memref<32x8x64xf32, #tpu.memory_space<vmem>> -> memref<1x8x64xf32, #tpu.memory_space<vmem>>
      %dma_wait3A_1566 = tpu.memref_squeeze %dma_wait3A_1565 : memref<1x8x64xf32, #tpu.memory_space<vmem>> -> memref<8x64xf32, #tpu.memory_space<vmem>>
      %dma_wait3A_1567 = tpu.memref_reshape %arg4 : memref<1000000x64xf32, #tpu.memory_space<hbm>> -> memref<125000x8x64xf32, #tpu.memory_space<hbm>>
      %dma_wait3A_1568 = arith.constant 0 : i32
      %dma_wait3A_1569 = arith.constant 0 : i32
      %dma_wait3A_1570 = tpu.memref_slice %dma_wait3A_1567[%squeeze3A_230, %dma_wait3A_1568, %dma_wait3A_1569] : memref<125000x8x64xf32, #tpu.memory_space<hbm>> -> memref<1x8x64xf32, #tpu.memory_space<hbm>>
      %dma_wait3A_1571 = tpu.memref_squeeze %dma_wait3A_1570 : memref<1x8x64xf32, #tpu.memory_space<hbm>> -> memref<8x64xf32, #tpu.memory_space<hbm>>
      %dma_wait3A_1572 = arith.constant 0 : i32
      %dma_wait3A_1573 = arith.constant 0 : i32
      %dma_wait3A_1574 = tpu.memref_slice %arg8[%dma_wait3A_1562, %dma_wait3A_1572, %dma_wait3A_1573] : memref<32x8x64xf32, #tpu.memory_space<vmem>> -> memref<1x8x64xf32, #tpu.memory_space<vmem>>
      %dma_wait3A_1575 = tpu.memref_squeeze %dma_wait3A_1574 : memref<1x8x64xf32, #tpu.memory_space<vmem>> -> memref<8x64xf32, #tpu.memory_space<vmem>>
      %dma_wait3A_1576 = tpu.memref_reshape %arg4 : memref<1000000x64xf32, #tpu.memory_space<hbm>> -> memref<125000x8x64xf32, #tpu.memory_space<hbm>>
      %dma_wait3A_1577 = arith.constant 0 : i32
      %dma_wait3A_1578 = arith.constant 0 : i32
      %dma_wait3A_1579 = tpu.memref_slice %dma_wait3A_1576[%squeeze3A_230, %dma_wait3A_1577, %dma_wait3A_1578] : memref<125000x8x64xf32, #tpu.memory_space<hbm>> -> memref<1x8x64xf32, #tpu.memory_space<hbm>>
      %dma_wait3A_1580 = tpu.memref_squeeze %dma_wait3A_1579 : memref<1x8x64xf32, #tpu.memory_space<hbm>> -> memref<8x64xf32, #tpu.memory_space<hbm>>
      tpu.wait_dma2 semaphore(%arg11 : memref<!tpu.dma_semaphore, #tpu.memory_space<semaphore_mem>>) src(%dma_wait3A_1580 : memref<8x64xf32, #tpu.memory_space<hbm>>) dst(%dma_wait3A_1575 : memref<8x64xf32, #tpu.memory_space<vmem>>)
      %dma_wait3A_1581 = arith.constant 5 : i32
      %dma_wait3A_1582 = arith.constant 0 : i32
      %dma_wait3A_1583 = arith.constant 0 : i32
      %dma_wait3A_1584 = tpu.memref_slice %arg9[%dma_wait3A_1581, %dma_wait3A_1582, %dma_wait3A_1583] : memref<32x8x64xf32, #tpu.memory_space<vmem>> -> memref<1x8x64xf32, #tpu.memory_space<vmem>>
      %dma_wait3A_1585 = tpu.memref_squeeze %dma_wait3A_1584 : memref<1x8x64xf32, #tpu.memory_space<vmem>> -> memref<8x64xf32, #tpu.memory_space<vmem>>
      %dma_wait3A_1586 = tpu.memref_reshape %arg4 : memref<1000000x64xf32, #tpu.memory_space<hbm>> -> memref<125000x8x64xf32, #tpu.memory_space<hbm>>
      %dma_wait3A_1587 = arith.constant 0 : i32
      %dma_wait3A_1588 = arith.constant 0 : i32
      %dma_wait3A_1589 = tpu.memref_slice %dma_wait3A_1586[%squeeze3A_251, %dma_wait3A_1587, %dma_wait3A_1588] : memref<125000x8x64xf32, #tpu.memory_space<hbm>> -> memref<1x8x64xf32, #tpu.memory_space<hbm>>
      %dma_wait3A_1590 = tpu.memref_squeeze %dma_wait3A_1589 : memref<1x8x64xf32, #tpu.memory_space<hbm>> -> memref<8x64xf32, #tpu.memory_space<hbm>>
      %dma_wait3A_1591 = arith.constant 0 : i32
      %dma_wait3A_1592 = arith.constant 0 : i32
      %dma_wait3A_1593 = tpu.memref_slice %arg9[%dma_wait3A_1581, %dma_wait3A_1591, %dma_wait3A_1592] : memref<32x8x64xf32, #tpu.memory_space<vmem>> -> memref<1x8x64xf32, #tpu.memory_space<vmem>>
      %dma_wait3A_1594 = tpu.memref_squeeze %dma_wait3A_1593 : memref<1x8x64xf32, #tpu.memory_space<vmem>> -> memref<8x64xf32, #tpu.memory_space<vmem>>
      %dma_wait3A_1595 = tpu.memref_reshape %arg4 : memref<1000000x64xf32, #tpu.memory_space<hbm>> -> memref<125000x8x64xf32, #tpu.memory_space<hbm>>
      %dma_wait3A_1596 = arith.constant 0 : i32
      %dma_wait3A_1597 = arith.constant 0 : i32
      %dma_wait3A_1598 = tpu.memref_slice %dma_wait3A_1595[%squeeze3A_251, %dma_wait3A_1596, %dma_wait3A_1597] : memref<125000x8x64xf32, #tpu.memory_space<hbm>> -> memref<1x8x64xf32, #tpu.memory_space<hbm>>
      %dma_wait3A_1599 = tpu.memref_squeeze %dma_wait3A_1598 : memref<1x8x64xf32, #tpu.memory_space<hbm>> -> memref<8x64xf32, #tpu.memory_space<hbm>>
      tpu.wait_dma2 semaphore(%arg12 : memref<!tpu.dma_semaphore, #tpu.memory_space<semaphore_mem>>) src(%dma_wait3A_1599 : memref<8x64xf32, #tpu.memory_space<hbm>>) dst(%dma_wait3A_1594 : memref<8x64xf32, #tpu.memory_space<vmem>>)
      %dma_wait3A_1600 = arith.constant 6 : i32
      %dma_wait3A_1601 = arith.constant 0 : i32
      %dma_wait3A_1602 = arith.constant 0 : i32
      %dma_wait3A_1603 = tpu.memref_slice %arg8[%dma_wait3A_1600, %dma_wait3A_1601, %dma_wait3A_1602] : memref<32x8x64xf32, #tpu.memory_space<vmem>> -> memref<1x8x64xf32, #tpu.memory_space<vmem>>
      %dma_wait3A_1604 = tpu.memref_squeeze %dma_wait3A_1603 : memref<1x8x64xf32, #tpu.memory_space<vmem>> -> memref<8x64xf32, #tpu.memory_space<vmem>>
      %dma_wait3A_1605 = tpu.memref_reshape %arg4 : memref<1000000x64xf32, #tpu.memory_space<hbm>> -> memref<125000x8x64xf32, #tpu.memory_space<hbm>>
      %dma_wait3A_1606 = arith.constant 0 : i32
      %dma_wait3A_1607 = arith.constant 0 : i32
      %dma_wait3A_1608 = tpu.memref_slice %dma_wait3A_1605[%squeeze3A_272, %dma_wait3A_1606, %dma_wait3A_1607] : memref<125000x8x64xf32, #tpu.memory_space<hbm>> -> memref<1x8x64xf32, #tpu.memory_space<hbm>>
      %dma_wait3A_1609 = tpu.memref_squeeze %dma_wait3A_1608 : memref<1x8x64xf32, #tpu.memory_space<hbm>> -> memref<8x64xf32, #tpu.memory_space<hbm>>
      %dma_wait3A_1610 = arith.constant 0 : i32
      %dma_wait3A_1611 = arith.constant 0 : i32
      %dma_wait3A_1612 = tpu.memref_slice %arg8[%dma_wait3A_1600, %dma_wait3A_1610, %dma_wait3A_1611] : memref<32x8x64xf32, #tpu.memory_space<vmem>> -> memref<1x8x64xf32, #tpu.memory_space<vmem>>
      %dma_wait3A_1613 = tpu.memref_squeeze %dma_wait3A_1612 : memref<1x8x64xf32, #tpu.memory_space<vmem>> -> memref<8x64xf32, #tpu.memory_space<vmem>>
      %dma_wait3A_1614 = tpu.memref_reshape %arg4 : memref<1000000x64xf32, #tpu.memory_space<hbm>> -> memref<125000x8x64xf32, #tpu.memory_space<hbm>>
      %dma_wait3A_1615 = arith.constant 0 : i32
      %dma_wait3A_1616 = arith.constant 0 : i32
      %dma_wait3A_1617 = tpu.memref_slice %dma_wait3A_1614[%squeeze3A_272, %dma_wait3A_1615, %dma_wait3A_1616] : memref<125000x8x64xf32, #tpu.memory_space<hbm>> -> memref<1x8x64xf32, #tpu.memory_space<hbm>>
      %dma_wait3A_1618 = tpu.memref_squeeze %dma_wait3A_1617 : memref<1x8x64xf32, #tpu.memory_space<hbm>> -> memref<8x64xf32, #tpu.memory_space<hbm>>
      tpu.wait_dma2 semaphore(%arg11 : memref<!tpu.dma_semaphore, #tpu.memory_space<semaphore_mem>>) src(%dma_wait3A_1618 : memref<8x64xf32, #tpu.memory_space<hbm>>) dst(%dma_wait3A_1613 : memref<8x64xf32, #tpu.memory_space<vmem>>)
      %dma_wait3A_1619 = arith.constant 6 : i32
      %dma_wait3A_1620 = arith.constant 0 : i32
      %dma_wait3A_1621 = arith.constant 0 : i32
      %dma_wait3A_1622 = tpu.memref_slice %arg9[%dma_wait3A_1619, %dma_wait3A_1620, %dma_wait3A_1621] : memref<32x8x64xf32, #tpu.memory_space<vmem>> -> memref<1x8x64xf32, #tpu.memory_space<vmem>>
      %dma_wait3A_1623 = tpu.memref_squeeze %dma_wait3A_1622 : memref<1x8x64xf32, #tpu.memory_space<vmem>> -> memref<8x64xf32, #tpu.memory_space<vmem>>
      %dma_wait3A_1624 = tpu.memref_reshape %arg4 : memref<1000000x64xf32, #tpu.memory_space<hbm>> -> memref<125000x8x64xf32, #tpu.memory_space<hbm>>
      %dma_wait3A_1625 = arith.constant 0 : i32
      %dma_wait3A_1626 = arith.constant 0 : i32
      %dma_wait3A_1627 = tpu.memref_slice %dma_wait3A_1624[%squeeze3A_293, %dma_wait3A_1625, %dma_wait3A_1626] : memref<125000x8x64xf32, #tpu.memory_space<hbm>> -> memref<1x8x64xf32, #tpu.memory_space<hbm>>
      %dma_wait3A_1628 = tpu.memref_squeeze %dma_wait3A_1627 : memref<1x8x64xf32, #tpu.memory_space<hbm>> -> memref<8x64xf32, #tpu.memory_space<hbm>>
      %dma_wait3A_1629 = arith.constant 0 : i32
      %dma_wait3A_1630 = arith.constant 0 : i32
      %dma_wait3A_1631 = tpu.memref_slice %arg9[%dma_wait3A_1619, %dma_wait3A_1629, %dma_wait3A_1630] : memref<32x8x64xf32, #tpu.memory_space<vmem>> -> memref<1x8x64xf32, #tpu.memory_space<vmem>>
      %dma_wait3A_1632 = tpu.memref_squeeze %dma_wait3A_1631 : memref<1x8x64xf32, #tpu.memory_space<vmem>> -> memref<8x64xf32, #tpu.memory_space<vmem>>
      %dma_wait3A_1633 = tpu.memref_reshape %arg4 : memref<1000000x64xf32, #tpu.memory_space<hbm>> -> memref<125000x8x64xf32, #tpu.memory_space<hbm>>
      %dma_wait3A_1634 = arith.constant 0 : i32
      %dma_wait3A_1635 = arith.constant 0 : i32
      %dma_wait3A_1636 = tpu.memref_slice %dma_wait3A_1633[%squeeze3A_293, %dma_wait3A_1634, %dma_wait3A_1635] : memref<125000x8x64xf32, #tpu.memory_space<hbm>> -> memref<1x8x64xf32, #tpu.memory_space<hbm>>
      %dma_wait3A_1637 = tpu.memref_squeeze %dma_wait3A_1636 : memref<1x8x64xf32, #tpu.memory_space<hbm>> -> memref<8x64xf32, #tpu.memory_space<hbm>>
      tpu.wait_dma2 semaphore(%arg12 : memref<!tpu.dma_semaphore, #tpu.memory_space<semaphore_mem>>) src(%dma_wait3A_1637 : memref<8x64xf32, #tpu.memory_space<hbm>>) dst(%dma_wait3A_1632 : memref<8x64xf32, #tpu.memory_space<vmem>>)
      %dma_wait3A_1638 = arith.constant 7 : i32
      %dma_wait3A_1639 = arith.constant 0 : i32
      %dma_wait3A_1640 = arith.constant 0 : i32
      %dma_wait3A_1641 = tpu.memref_slice %arg8[%dma_wait3A_1638, %dma_wait3A_1639, %dma_wait3A_1640] : memref<32x8x64xf32, #tpu.memory_space<vmem>> -> memref<1x8x64xf32, #tpu.memory_space<vmem>>
      %dma_wait3A_1642 = tpu.memref_squeeze %dma_wait3A_1641 : memref<1x8x64xf32, #tpu.memory_space<vmem>> -> memref<8x64xf32, #tpu.memory_space<vmem>>
      %dma_wait3A_1643 = tpu.memref_reshape %arg4 : memref<1000000x64xf32, #tpu.memory_space<hbm>> -> memref<125000x8x64xf32, #tpu.memory_space<hbm>>
      %dma_wait3A_1644 = arith.constant 0 : i32
      %dma_wait3A_1645 = arith.constant 0 : i32
      %dma_wait3A_1646 = tpu.memref_slice %dma_wait3A_1643[%squeeze3A_314, %dma_wait3A_1644, %dma_wait3A_1645] : memref<125000x8x64xf32, #tpu.memory_space<hbm>> -> memref<1x8x64xf32, #tpu.memory_space<hbm>>
      %dma_wait3A_1647 = tpu.memref_squeeze %dma_wait3A_1646 : memref<1x8x64xf32, #tpu.memory_space<hbm>> -> memref<8x64xf32, #tpu.memory_space<hbm>>
      %dma_wait3A_1648 = arith.constant 0 : i32
      %dma_wait3A_1649 = arith.constant 0 : i32
      %dma_wait3A_1650 = tpu.memref_slice %arg8[%dma_wait3A_1638, %dma_wait3A_1648, %dma_wait3A_1649] : memref<32x8x64xf32, #tpu.memory_space<vmem>> -> memref<1x8x64xf32, #tpu.memory_space<vmem>>
      %dma_wait3A_1651 = tpu.memref_squeeze %dma_wait3A_1650 : memref<1x8x64xf32, #tpu.memory_space<vmem>> -> memref<8x64xf32, #tpu.memory_space<vmem>>
      %dma_wait3A_1652 = tpu.memref_reshape %arg4 : memref<1000000x64xf32, #tpu.memory_space<hbm>> -> memref<125000x8x64xf32, #tpu.memory_space<hbm>>
      %dma_wait3A_1653 = arith.constant 0 : i32
      %dma_wait3A_1654 = arith.constant 0 : i32
      %dma_wait3A_1655 = tpu.memref_slice %dma_wait3A_1652[%squeeze3A_314, %dma_wait3A_1653, %dma_wait3A_1654] : memref<125000x8x64xf32, #tpu.memory_space<hbm>> -> memref<1x8x64xf32, #tpu.memory_space<hbm>>
      %dma_wait3A_1656 = tpu.memref_squeeze %dma_wait3A_1655 : memref<1x8x64xf32, #tpu.memory_space<hbm>> -> memref<8x64xf32, #tpu.memory_space<hbm>>
      tpu.wait_dma2 semaphore(%arg11 : memref<!tpu.dma_semaphore, #tpu.memory_space<semaphore_mem>>) src(%dma_wait3A_1656 : memref<8x64xf32, #tpu.memory_space<hbm>>) dst(%dma_wait3A_1651 : memref<8x64xf32, #tpu.memory_space<vmem>>)
      %dma_wait3A_1657 = arith.constant 7 : i32
      %dma_wait3A_1658 = arith.constant 0 : i32
      %dma_wait3A_1659 = arith.constant 0 : i32
      %dma_wait3A_1660 = tpu.memref_slice %arg9[%dma_wait3A_1657, %dma_wait3A_1658, %dma_wait3A_1659] : memref<32x8x64xf32, #tpu.memory_space<vmem>> -> memref<1x8x64xf32, #tpu.memory_space<vmem>>
      %dma_wait3A_1661 = tpu.memref_squeeze %dma_wait3A_1660 : memref<1x8x64xf32, #tpu.memory_space<vmem>> -> memref<8x64xf32, #tpu.memory_space<vmem>>
      %dma_wait3A_1662 = tpu.memref_reshape %arg4 : memref<1000000x64xf32, #tpu.memory_space<hbm>> -> memref<125000x8x64xf32, #tpu.memory_space<hbm>>
      %dma_wait3A_1663 = arith.constant 0 : i32
      %dma_wait3A_1664 = arith.constant 0 : i32
      %dma_wait3A_1665 = tpu.memref_slice %dma_wait3A_1662[%squeeze3A_335, %dma_wait3A_1663, %dma_wait3A_1664] : memref<125000x8x64xf32, #tpu.memory_space<hbm>> -> memref<1x8x64xf32, #tpu.memory_space<hbm>>
      %dma_wait3A_1666 = tpu.memref_squeeze %dma_wait3A_1665 : memref<1x8x64xf32, #tpu.memory_space<hbm>> -> memref<8x64xf32, #tpu.memory_space<hbm>>
      %dma_wait3A_1667 = arith.constant 0 : i32
      %dma_wait3A_1668 = arith.constant 0 : i32
      %dma_wait3A_1669 = tpu.memref_slice %arg9[%dma_wait3A_1657, %dma_wait3A_1667, %dma_wait3A_1668] : memref<32x8x64xf32, #tpu.memory_space<vmem>> -> memref<1x8x64xf32, #tpu.memory_space<vmem>>
      %dma_wait3A_1670 = tpu.memref_squeeze %dma_wait3A_1669 : memref<1x8x64xf32, #tpu.memory_space<vmem>> -> memref<8x64xf32, #tpu.memory_space<vmem>>
      %dma_wait3A_1671 = tpu.memref_reshape %arg4 : memref<1000000x64xf32, #tpu.memory_space<hbm>> -> memref<125000x8x64xf32, #tpu.memory_space<hbm>>
      %dma_wait3A_1672 = arith.constant 0 : i32
      %dma_wait3A_1673 = arith.constant 0 : i32
      %dma_wait3A_1674 = tpu.memref_slice %dma_wait3A_1671[%squeeze3A_335, %dma_wait3A_1672, %dma_wait3A_1673] : memref<125000x8x64xf32, #tpu.memory_space<hbm>> -> memref<1x8x64xf32, #tpu.memory_space<hbm>>
      %dma_wait3A_1675 = tpu.memref_squeeze %dma_wait3A_1674 : memref<1x8x64xf32, #tpu.memory_space<hbm>> -> memref<8x64xf32, #tpu.memory_space<hbm>>
      tpu.wait_dma2 semaphore(%arg12 : memref<!tpu.dma_semaphore, #tpu.memory_space<semaphore_mem>>) src(%dma_wait3A_1675 : memref<8x64xf32, #tpu.memory_space<hbm>>) dst(%dma_wait3A_1670 : memref<8x64xf32, #tpu.memory_space<vmem>>)
      %dma_wait3A_1676 = arith.constant 8 : i32
      %dma_wait3A_1677 = arith.constant 0 : i32
      %dma_wait3A_1678 = arith.constant 0 : i32
      %dma_wait3A_1679 = tpu.memref_slice %arg8[%dma_wait3A_1676, %dma_wait3A_1677, %dma_wait3A_1678] : memref<32x8x64xf32, #tpu.memory_space<vmem>> -> memref<1x8x64xf32, #tpu.memory_space<vmem>>
      %dma_wait3A_1680 = tpu.memref_squeeze %dma_wait3A_1679 : memref<1x8x64xf32, #tpu.memory_space<vmem>> -> memref<8x64xf32, #tpu.memory_space<vmem>>
      %dma_wait3A_1681 = tpu.memref_reshape %arg4 : memref<1000000x64xf32, #tpu.memory_space<hbm>> -> memref<125000x8x64xf32, #tpu.memory_space<hbm>>
      %dma_wait3A_1682 = arith.constant 0 : i32
      %dma_wait3A_1683 = arith.constant 0 : i32
      %dma_wait3A_1684 = tpu.memref_slice %dma_wait3A_1681[%squeeze3A_356, %dma_wait3A_1682, %dma_wait3A_1683] : memref<125000x8x64xf32, #tpu.memory_space<hbm>> -> memref<1x8x64xf32, #tpu.memory_space<hbm>>
      %dma_wait3A_1685 = tpu.memref_squeeze %dma_wait3A_1684 : memref<1x8x64xf32, #tpu.memory_space<hbm>> -> memref<8x64xf32, #tpu.memory_space<hbm>>
      %dma_wait3A_1686 = arith.constant 0 : i32
      %dma_wait3A_1687 = arith.constant 0 : i32
      %dma_wait3A_1688 = tpu.memref_slice %arg8[%dma_wait3A_1676, %dma_wait3A_1686, %dma_wait3A_1687] : memref<32x8x64xf32, #tpu.memory_space<vmem>> -> memref<1x8x64xf32, #tpu.memory_space<vmem>>
      %dma_wait3A_1689 = tpu.memref_squeeze %dma_wait3A_1688 : memref<1x8x64xf32, #tpu.memory_space<vmem>> -> memref<8x64xf32, #tpu.memory_space<vmem>>
      %dma_wait3A_1690 = tpu.memref_reshape %arg4 : memref<1000000x64xf32, #tpu.memory_space<hbm>> -> memref<125000x8x64xf32, #tpu.memory_space<hbm>>
      %dma_wait3A_1691 = arith.constant 0 : i32
      %dma_wait3A_1692 = arith.constant 0 : i32
      %dma_wait3A_1693 = tpu.memref_slice %dma_wait3A_1690[%squeeze3A_356, %dma_wait3A_1691, %dma_wait3A_1692] : memref<125000x8x64xf32, #tpu.memory_space<hbm>> -> memref<1x8x64xf32, #tpu.memory_space<hbm>>
      %dma_wait3A_1694 = tpu.memref_squeeze %dma_wait3A_1693 : memref<1x8x64xf32, #tpu.memory_space<hbm>> -> memref<8x64xf32, #tpu.memory_space<hbm>>
      tpu.wait_dma2 semaphore(%arg11 : memref<!tpu.dma_semaphore, #tpu.memory_space<semaphore_mem>>) src(%dma_wait3A_1694 : memref<8x64xf32, #tpu.memory_space<hbm>>) dst(%dma_wait3A_1689 : memref<8x64xf32, #tpu.memory_space<vmem>>)
      %dma_wait3A_1695 = arith.constant 8 : i32
      %dma_wait3A_1696 = arith.constant 0 : i32
      %dma_wait3A_1697 = arith.constant 0 : i32
      %dma_wait3A_1698 = tpu.memref_slice %arg9[%dma_wait3A_1695, %dma_wait3A_1696, %dma_wait3A_1697] : memref<32x8x64xf32, #tpu.memory_space<vmem>> -> memref<1x8x64xf32, #tpu.memory_space<vmem>>
      %dma_wait3A_1699 = tpu.memref_squeeze %dma_wait3A_1698 : memref<1x8x64xf32, #tpu.memory_space<vmem>> -> memref<8x64xf32, #tpu.memory_space<vmem>>
      %dma_wait3A_1700 = tpu.memref_reshape %arg4 : memref<1000000x64xf32, #tpu.memory_space<hbm>> -> memref<125000x8x64xf32, #tpu.memory_space<hbm>>
      %dma_wait3A_1701 = arith.constant 0 : i32
      %dma_wait3A_1702 = arith.constant 0 : i32
      %dma_wait3A_1703 = tpu.memref_slice %dma_wait3A_1700[%squeeze3A_377, %dma_wait3A_1701, %dma_wait3A_1702] : memref<125000x8x64xf32, #tpu.memory_space<hbm>> -> memref<1x8x64xf32, #tpu.memory_space<hbm>>
      %dma_wait3A_1704 = tpu.memref_squeeze %dma_wait3A_1703 : memref<1x8x64xf32, #tpu.memory_space<hbm>> -> memref<8x64xf32, #tpu.memory_space<hbm>>
      %dma_wait3A_1705 = arith.constant 0 : i32
      %dma_wait3A_1706 = arith.constant 0 : i32
      %dma_wait3A_1707 = tpu.memref_slice %arg9[%dma_wait3A_1695, %dma_wait3A_1705, %dma_wait3A_1706] : memref<32x8x64xf32, #tpu.memory_space<vmem>> -> memref<1x8x64xf32, #tpu.memory_space<vmem>>
      %dma_wait3A_1708 = tpu.memref_squeeze %dma_wait3A_1707 : memref<1x8x64xf32, #tpu.memory_space<vmem>> -> memref<8x64xf32, #tpu.memory_space<vmem>>
      %dma_wait3A_1709 = tpu.memref_reshape %arg4 : memref<1000000x64xf32, #tpu.memory_space<hbm>> -> memref<125000x8x64xf32, #tpu.memory_space<hbm>>
      %dma_wait3A_1710 = arith.constant 0 : i32
      %dma_wait3A_1711 = arith.constant 0 : i32
      %dma_wait3A_1712 = tpu.memref_slice %dma_wait3A_1709[%squeeze3A_377, %dma_wait3A_1710, %dma_wait3A_1711] : memref<125000x8x64xf32, #tpu.memory_space<hbm>> -> memref<1x8x64xf32, #tpu.memory_space<hbm>>
      %dma_wait3A_1713 = tpu.memref_squeeze %dma_wait3A_1712 : memref<1x8x64xf32, #tpu.memory_space<hbm>> -> memref<8x64xf32, #tpu.memory_space<hbm>>
      tpu.wait_dma2 semaphore(%arg12 : memref<!tpu.dma_semaphore, #tpu.memory_space<semaphore_mem>>) src(%dma_wait3A_1713 : memref<8x64xf32, #tpu.memory_space<hbm>>) dst(%dma_wait3A_1708 : memref<8x64xf32, #tpu.memory_space<vmem>>)
      %dma_wait3A_1714 = arith.constant 9 : i32
      %dma_wait3A_1715 = arith.constant 0 : i32
      %dma_wait3A_1716 = arith.constant 0 : i32
      %dma_wait3A_1717 = tpu.memref_slice %arg8[%dma_wait3A_1714, %dma_wait3A_1715, %dma_wait3A_1716] : memref<32x8x64xf32, #tpu.memory_space<vmem>> -> memref<1x8x64xf32, #tpu.memory_space<vmem>>
      %dma_wait3A_1718 = tpu.memref_squeeze %dma_wait3A_1717 : memref<1x8x64xf32, #tpu.memory_space<vmem>> -> memref<8x64xf32, #tpu.memory_space<vmem>>
      %dma_wait3A_1719 = tpu.memref_reshape %arg4 : memref<1000000x64xf32, #tpu.memory_space<hbm>> -> memref<125000x8x64xf32, #tpu.memory_space<hbm>>
      %dma_wait3A_1720 = arith.constant 0 : i32
      %dma_wait3A_1721 = arith.constant 0 : i32
      %dma_wait3A_1722 = tpu.memref_slice %dma_wait3A_1719[%squeeze3A_398, %dma_wait3A_1720, %dma_wait3A_1721] : memref<125000x8x64xf32, #tpu.memory_space<hbm>> -> memref<1x8x64xf32, #tpu.memory_space<hbm>>
      %dma_wait3A_1723 = tpu.memref_squeeze %dma_wait3A_1722 : memref<1x8x64xf32, #tpu.memory_space<hbm>> -> memref<8x64xf32, #tpu.memory_space<hbm>>
      %dma_wait3A_1724 = arith.constant 0 : i32
      %dma_wait3A_1725 = arith.constant 0 : i32
      %dma_wait3A_1726 = tpu.memref_slice %arg8[%dma_wait3A_1714, %dma_wait3A_1724, %dma_wait3A_1725] : memref<32x8x64xf32, #tpu.memory_space<vmem>> -> memref<1x8x64xf32, #tpu.memory_space<vmem>>
      %dma_wait3A_1727 = tpu.memref_squeeze %dma_wait3A_1726 : memref<1x8x64xf32, #tpu.memory_space<vmem>> -> memref<8x64xf32, #tpu.memory_space<vmem>>
      %dma_wait3A_1728 = tpu.memref_reshape %arg4 : memref<1000000x64xf32, #tpu.memory_space<hbm>> -> memref<125000x8x64xf32, #tpu.memory_space<hbm>>
      %dma_wait3A_1729 = arith.constant 0 : i32
      %dma_wait3A_1730 = arith.constant 0 : i32
      %dma_wait3A_1731 = tpu.memref_slice %dma_wait3A_1728[%squeeze3A_398, %dma_wait3A_1729, %dma_wait3A_1730] : memref<125000x8x64xf32, #tpu.memory_space<hbm>> -> memref<1x8x64xf32, #tpu.memory_space<hbm>>
      %dma_wait3A_1732 = tpu.memref_squeeze %dma_wait3A_1731 : memref<1x8x64xf32, #tpu.memory_space<hbm>> -> memref<8x64xf32, #tpu.memory_space<hbm>>
      tpu.wait_dma2 semaphore(%arg11 : memref<!tpu.dma_semaphore, #tpu.memory_space<semaphore_mem>>) src(%dma_wait3A_1732 : memref<8x64xf32, #tpu.memory_space<hbm>>) dst(%dma_wait3A_1727 : memref<8x64xf32, #tpu.memory_space<vmem>>)
      %dma_wait3A_1733 = arith.constant 9 : i32
      %dma_wait3A_1734 = arith.constant 0 : i32
      %dma_wait3A_1735 = arith.constant 0 : i32
      %dma_wait3A_1736 = tpu.memref_slice %arg9[%dma_wait3A_1733, %dma_wait3A_1734, %dma_wait3A_1735] : memref<32x8x64xf32, #tpu.memory_space<vmem>> -> memref<1x8x64xf32, #tpu.memory_space<vmem>>
      %dma_wait3A_1737 = tpu.memref_squeeze %dma_wait3A_1736 : memref<1x8x64xf32, #tpu.memory_space<vmem>> -> memref<8x64xf32, #tpu.memory_space<vmem>>
      %dma_wait3A_1738 = tpu.memref_reshape %arg4 : memref<1000000x64xf32, #tpu.memory_space<hbm>> -> memref<125000x8x64xf32, #tpu.memory_space<hbm>>
      %dma_wait3A_1739 = arith.constant 0 : i32
      %dma_wait3A_1740 = arith.constant 0 : i32
      %dma_wait3A_1741 = tpu.memref_slice %dma_wait3A_1738[%squeeze3A_419, %dma_wait3A_1739, %dma_wait3A_1740] : memref<125000x8x64xf32, #tpu.memory_space<hbm>> -> memref<1x8x64xf32, #tpu.memory_space<hbm>>
      %dma_wait3A_1742 = tpu.memref_squeeze %dma_wait3A_1741 : memref<1x8x64xf32, #tpu.memory_space<hbm>> -> memref<8x64xf32, #tpu.memory_space<hbm>>
      %dma_wait3A_1743 = arith.constant 0 : i32
      %dma_wait3A_1744 = arith.constant 0 : i32
      %dma_wait3A_1745 = tpu.memref_slice %arg9[%dma_wait3A_1733, %dma_wait3A_1743, %dma_wait3A_1744] : memref<32x8x64xf32, #tpu.memory_space<vmem>> -> memref<1x8x64xf32, #tpu.memory_space<vmem>>
      %dma_wait3A_1746 = tpu.memref_squeeze %dma_wait3A_1745 : memref<1x8x64xf32, #tpu.memory_space<vmem>> -> memref<8x64xf32, #tpu.memory_space<vmem>>
      %dma_wait3A_1747 = tpu.memref_reshape %arg4 : memref<1000000x64xf32, #tpu.memory_space<hbm>> -> memref<125000x8x64xf32, #tpu.memory_space<hbm>>
      %dma_wait3A_1748 = arith.constant 0 : i32
      %dma_wait3A_1749 = arith.constant 0 : i32
      %dma_wait3A_1750 = tpu.memref_slice %dma_wait3A_1747[%squeeze3A_419, %dma_wait3A_1748, %dma_wait3A_1749] : memref<125000x8x64xf32, #tpu.memory_space<hbm>> -> memref<1x8x64xf32, #tpu.memory_space<hbm>>
      %dma_wait3A_1751 = tpu.memref_squeeze %dma_wait3A_1750 : memref<1x8x64xf32, #tpu.memory_space<hbm>> -> memref<8x64xf32, #tpu.memory_space<hbm>>
      tpu.wait_dma2 semaphore(%arg12 : memref<!tpu.dma_semaphore, #tpu.memory_space<semaphore_mem>>) src(%dma_wait3A_1751 : memref<8x64xf32, #tpu.memory_space<hbm>>) dst(%dma_wait3A_1746 : memref<8x64xf32, #tpu.memory_space<vmem>>)
      %dma_wait3A_1752 = arith.constant 10 : i32
      %dma_wait3A_1753 = arith.constant 0 : i32
      %dma_wait3A_1754 = arith.constant 0 : i32
      %dma_wait3A_1755 = tpu.memref_slice %arg8[%dma_wait3A_1752, %dma_wait3A_1753, %dma_wait3A_1754] : memref<32x8x64xf32, #tpu.memory_space<vmem>> -> memref<1x8x64xf32, #tpu.memory_space<vmem>>
      %dma_wait3A_1756 = tpu.memref_squeeze %dma_wait3A_1755 : memref<1x8x64xf32, #tpu.memory_space<vmem>> -> memref<8x64xf32, #tpu.memory_space<vmem>>
      %dma_wait3A_1757 = tpu.memref_reshape %arg4 : memref<1000000x64xf32, #tpu.memory_space<hbm>> -> memref<125000x8x64xf32, #tpu.memory_space<hbm>>
      %dma_wait3A_1758 = arith.constant 0 : i32
      %dma_wait3A_1759 = arith.constant 0 : i32
      %dma_wait3A_1760 = tpu.memref_slice %dma_wait3A_1757[%squeeze3A_440, %dma_wait3A_1758, %dma_wait3A_1759] : memref<125000x8x64xf32, #tpu.memory_space<hbm>> -> memref<1x8x64xf32, #tpu.memory_space<hbm>>
      %dma_wait3A_1761 = tpu.memref_squeeze %dma_wait3A_1760 : memref<1x8x64xf32, #tpu.memory_space<hbm>> -> memref<8x64xf32, #tpu.memory_space<hbm>>
      %dma_wait3A_1762 = arith.constant 0 : i32
      %dma_wait3A_1763 = arith.constant 0 : i32
      %dma_wait3A_1764 = tpu.memref_slice %arg8[%dma_wait3A_1752, %dma_wait3A_1762, %dma_wait3A_1763] : memref<32x8x64xf32, #tpu.memory_space<vmem>> -> memref<1x8x64xf32, #tpu.memory_space<vmem>>
      %dma_wait3A_1765 = tpu.memref_squeeze %dma_wait3A_1764 : memref<1x8x64xf32, #tpu.memory_space<vmem>> -> memref<8x64xf32, #tpu.memory_space<vmem>>
      %dma_wait3A_1766 = tpu.memref_reshape %arg4 : memref<1000000x64xf32, #tpu.memory_space<hbm>> -> memref<125000x8x64xf32, #tpu.memory_space<hbm>>
      %dma_wait3A_1767 = arith.constant 0 : i32
      %dma_wait3A_1768 = arith.constant 0 : i32
      %dma_wait3A_1769 = tpu.memref_slice %dma_wait3A_1766[%squeeze3A_440, %dma_wait3A_1767, %dma_wait3A_1768] : memref<125000x8x64xf32, #tpu.memory_space<hbm>> -> memref<1x8x64xf32, #tpu.memory_space<hbm>>
      %dma_wait3A_1770 = tpu.memref_squeeze %dma_wait3A_1769 : memref<1x8x64xf32, #tpu.memory_space<hbm>> -> memref<8x64xf32, #tpu.memory_space<hbm>>
      tpu.wait_dma2 semaphore(%arg11 : memref<!tpu.dma_semaphore, #tpu.memory_space<semaphore_mem>>) src(%dma_wait3A_1770 : memref<8x64xf32, #tpu.memory_space<hbm>>) dst(%dma_wait3A_1765 : memref<8x64xf32, #tpu.memory_space<vmem>>)
      %dma_wait3A_1771 = arith.constant 10 : i32
      %dma_wait3A_1772 = arith.constant 0 : i32
      %dma_wait3A_1773 = arith.constant 0 : i32
      %dma_wait3A_1774 = tpu.memref_slice %arg9[%dma_wait3A_1771, %dma_wait3A_1772, %dma_wait3A_1773] : memref<32x8x64xf32, #tpu.memory_space<vmem>> -> memref<1x8x64xf32, #tpu.memory_space<vmem>>
      %dma_wait3A_1775 = tpu.memref_squeeze %dma_wait3A_1774 : memref<1x8x64xf32, #tpu.memory_space<vmem>> -> memref<8x64xf32, #tpu.memory_space<vmem>>
      %dma_wait3A_1776 = tpu.memref_reshape %arg4 : memref<1000000x64xf32, #tpu.memory_space<hbm>> -> memref<125000x8x64xf32, #tpu.memory_space<hbm>>
      %dma_wait3A_1777 = arith.constant 0 : i32
      %dma_wait3A_1778 = arith.constant 0 : i32
      %dma_wait3A_1779 = tpu.memref_slice %dma_wait3A_1776[%squeeze3A_461, %dma_wait3A_1777, %dma_wait3A_1778] : memref<125000x8x64xf32, #tpu.memory_space<hbm>> -> memref<1x8x64xf32, #tpu.memory_space<hbm>>
      %dma_wait3A_1780 = tpu.memref_squeeze %dma_wait3A_1779 : memref<1x8x64xf32, #tpu.memory_space<hbm>> -> memref<8x64xf32, #tpu.memory_space<hbm>>
      %dma_wait3A_1781 = arith.constant 0 : i32
      %dma_wait3A_1782 = arith.constant 0 : i32
      %dma_wait3A_1783 = tpu.memref_slice %arg9[%dma_wait3A_1771, %dma_wait3A_1781, %dma_wait3A_1782] : memref<32x8x64xf32, #tpu.memory_space<vmem>> -> memref<1x8x64xf32, #tpu.memory_space<vmem>>
      %dma_wait3A_1784 = tpu.memref_squeeze %dma_wait3A_1783 : memref<1x8x64xf32, #tpu.memory_space<vmem>> -> memref<8x64xf32, #tpu.memory_space<vmem>>
      %dma_wait3A_1785 = tpu.memref_reshape %arg4 : memref<1000000x64xf32, #tpu.memory_space<hbm>> -> memref<125000x8x64xf32, #tpu.memory_space<hbm>>
      %dma_wait3A_1786 = arith.constant 0 : i32
      %dma_wait3A_1787 = arith.constant 0 : i32
      %dma_wait3A_1788 = tpu.memref_slice %dma_wait3A_1785[%squeeze3A_461, %dma_wait3A_1786, %dma_wait3A_1787] : memref<125000x8x64xf32, #tpu.memory_space<hbm>> -> memref<1x8x64xf32, #tpu.memory_space<hbm>>
      %dma_wait3A_1789 = tpu.memref_squeeze %dma_wait3A_1788 : memref<1x8x64xf32, #tpu.memory_space<hbm>> -> memref<8x64xf32, #tpu.memory_space<hbm>>
      tpu.wait_dma2 semaphore(%arg12 : memref<!tpu.dma_semaphore, #tpu.memory_space<semaphore_mem>>) src(%dma_wait3A_1789 : memref<8x64xf32, #tpu.memory_space<hbm>>) dst(%dma_wait3A_1784 : memref<8x64xf32, #tpu.memory_space<vmem>>)
      %dma_wait3A_1790 = arith.constant 11 : i32
      %dma_wait3A_1791 = arith.constant 0 : i32
      %dma_wait3A_1792 = arith.constant 0 : i32
      %dma_wait3A_1793 = tpu.memref_slice %arg8[%dma_wait3A_1790, %dma_wait3A_1791, %dma_wait3A_1792] : memref<32x8x64xf32, #tpu.memory_space<vmem>> -> memref<1x8x64xf32, #tpu.memory_space<vmem>>
      %dma_wait3A_1794 = tpu.memref_squeeze %dma_wait3A_1793 : memref<1x8x64xf32, #tpu.memory_space<vmem>> -> memref<8x64xf32, #tpu.memory_space<vmem>>
      %dma_wait3A_1795 = tpu.memref_reshape %arg4 : memref<1000000x64xf32, #tpu.memory_space<hbm>> -> memref<125000x8x64xf32, #tpu.memory_space<hbm>>
      %dma_wait3A_1796 = arith.constant 0 : i32
      %dma_wait3A_1797 = arith.constant 0 : i32
      %dma_wait3A_1798 = tpu.memref_slice %dma_wait3A_1795[%squeeze3A_482, %dma_wait3A_1796, %dma_wait3A_1797] : memref<125000x8x64xf32, #tpu.memory_space<hbm>> -> memref<1x8x64xf32, #tpu.memory_space<hbm>>
      %dma_wait3A_1799 = tpu.memref_squeeze %dma_wait3A_1798 : memref<1x8x64xf32, #tpu.memory_space<hbm>> -> memref<8x64xf32, #tpu.memory_space<hbm>>
      %dma_wait3A_1800 = arith.constant 0 : i32
      %dma_wait3A_1801 = arith.constant 0 : i32
      %dma_wait3A_1802 = tpu.memref_slice %arg8[%dma_wait3A_1790, %dma_wait3A_1800, %dma_wait3A_1801] : memref<32x8x64xf32, #tpu.memory_space<vmem>> -> memref<1x8x64xf32, #tpu.memory_space<vmem>>
      %dma_wait3A_1803 = tpu.memref_squeeze %dma_wait3A_1802 : memref<1x8x64xf32, #tpu.memory_space<vmem>> -> memref<8x64xf32, #tpu.memory_space<vmem>>
      %dma_wait3A_1804 = tpu.memref_reshape %arg4 : memref<1000000x64xf32, #tpu.memory_space<hbm>> -> memref<125000x8x64xf32, #tpu.memory_space<hbm>>
      %dma_wait3A_1805 = arith.constant 0 : i32
      %dma_wait3A_1806 = arith.constant 0 : i32
      %dma_wait3A_1807 = tpu.memref_slice %dma_wait3A_1804[%squeeze3A_482, %dma_wait3A_1805, %dma_wait3A_1806] : memref<125000x8x64xf32, #tpu.memory_space<hbm>> -> memref<1x8x64xf32, #tpu.memory_space<hbm>>
      %dma_wait3A_1808 = tpu.memref_squeeze %dma_wait3A_1807 : memref<1x8x64xf32, #tpu.memory_space<hbm>> -> memref<8x64xf32, #tpu.memory_space<hbm>>
      tpu.wait_dma2 semaphore(%arg11 : memref<!tpu.dma_semaphore, #tpu.memory_space<semaphore_mem>>) src(%dma_wait3A_1808 : memref<8x64xf32, #tpu.memory_space<hbm>>) dst(%dma_wait3A_1803 : memref<8x64xf32, #tpu.memory_space<vmem>>)
      %dma_wait3A_1809 = arith.constant 11 : i32
      %dma_wait3A_1810 = arith.constant 0 : i32
      %dma_wait3A_1811 = arith.constant 0 : i32
      %dma_wait3A_1812 = tpu.memref_slice %arg9[%dma_wait3A_1809, %dma_wait3A_1810, %dma_wait3A_1811] : memref<32x8x64xf32, #tpu.memory_space<vmem>> -> memref<1x8x64xf32, #tpu.memory_space<vmem>>
      %dma_wait3A_1813 = tpu.memref_squeeze %dma_wait3A_1812 : memref<1x8x64xf32, #tpu.memory_space<vmem>> -> memref<8x64xf32, #tpu.memory_space<vmem>>
      %dma_wait3A_1814 = tpu.memref_reshape %arg4 : memref<1000000x64xf32, #tpu.memory_space<hbm>> -> memref<125000x8x64xf32, #tpu.memory_space<hbm>>
      %dma_wait3A_1815 = arith.constant 0 : i32
      %dma_wait3A_1816 = arith.constant 0 : i32
      %dma_wait3A_1817 = tpu.memref_slice %dma_wait3A_1814[%squeeze3A_503, %dma_wait3A_1815, %dma_wait3A_1816] : memref<125000x8x64xf32, #tpu.memory_space<hbm>> -> memref<1x8x64xf32, #tpu.memory_space<hbm>>
      %dma_wait3A_1818 = tpu.memref_squeeze %dma_wait3A_1817 : memref<1x8x64xf32, #tpu.memory_space<hbm>> -> memref<8x64xf32, #tpu.memory_space<hbm>>
      %dma_wait3A_1819 = arith.constant 0 : i32
      %dma_wait3A_1820 = arith.constant 0 : i32
      %dma_wait3A_1821 = tpu.memref_slice %arg9[%dma_wait3A_1809, %dma_wait3A_1819, %dma_wait3A_1820] : memref<32x8x64xf32, #tpu.memory_space<vmem>> -> memref<1x8x64xf32, #tpu.memory_space<vmem>>
      %dma_wait3A_1822 = tpu.memref_squeeze %dma_wait3A_1821 : memref<1x8x64xf32, #tpu.memory_space<vmem>> -> memref<8x64xf32, #tpu.memory_space<vmem>>
      %dma_wait3A_1823 = tpu.memref_reshape %arg4 : memref<1000000x64xf32, #tpu.memory_space<hbm>> -> memref<125000x8x64xf32, #tpu.memory_space<hbm>>
      %dma_wait3A_1824 = arith.constant 0 : i32
      %dma_wait3A_1825 = arith.constant 0 : i32
      %dma_wait3A_1826 = tpu.memref_slice %dma_wait3A_1823[%squeeze3A_503, %dma_wait3A_1824, %dma_wait3A_1825] : memref<125000x8x64xf32, #tpu.memory_space<hbm>> -> memref<1x8x64xf32, #tpu.memory_space<hbm>>
      %dma_wait3A_1827 = tpu.memref_squeeze %dma_wait3A_1826 : memref<1x8x64xf32, #tpu.memory_space<hbm>> -> memref<8x64xf32, #tpu.memory_space<hbm>>
      tpu.wait_dma2 semaphore(%arg12 : memref<!tpu.dma_semaphore, #tpu.memory_space<semaphore_mem>>) src(%dma_wait3A_1827 : memref<8x64xf32, #tpu.memory_space<hbm>>) dst(%dma_wait3A_1822 : memref<8x64xf32, #tpu.memory_space<vmem>>)
      %dma_wait3A_1828 = arith.constant 12 : i32
      %dma_wait3A_1829 = arith.constant 0 : i32
      %dma_wait3A_1830 = arith.constant 0 : i32
      %dma_wait3A_1831 = tpu.memref_slice %arg8[%dma_wait3A_1828, %dma_wait3A_1829, %dma_wait3A_1830] : memref<32x8x64xf32, #tpu.memory_space<vmem>> -> memref<1x8x64xf32, #tpu.memory_space<vmem>>
      %dma_wait3A_1832 = tpu.memref_squeeze %dma_wait3A_1831 : memref<1x8x64xf32, #tpu.memory_space<vmem>> -> memref<8x64xf32, #tpu.memory_space<vmem>>
      %dma_wait3A_1833 = tpu.memref_reshape %arg4 : memref<1000000x64xf32, #tpu.memory_space<hbm>> -> memref<125000x8x64xf32, #tpu.memory_space<hbm>>
      %dma_wait3A_1834 = arith.constant 0 : i32
      %dma_wait3A_1835 = arith.constant 0 : i32
      %dma_wait3A_1836 = tpu.memref_slice %dma_wait3A_1833[%squeeze3A_524, %dma_wait3A_1834, %dma_wait3A_1835] : memref<125000x8x64xf32, #tpu.memory_space<hbm>> -> memref<1x8x64xf32, #tpu.memory_space<hbm>>
      %dma_wait3A_1837 = tpu.memref_squeeze %dma_wait3A_1836 : memref<1x8x64xf32, #tpu.memory_space<hbm>> -> memref<8x64xf32, #tpu.memory_space<hbm>>
      %dma_wait3A_1838 = arith.constant 0 : i32
      %dma_wait3A_1839 = arith.constant 0 : i32
      %dma_wait3A_1840 = tpu.memref_slice %arg8[%dma_wait3A_1828, %dma_wait3A_1838, %dma_wait3A_1839] : memref<32x8x64xf32, #tpu.memory_space<vmem>> -> memref<1x8x64xf32, #tpu.memory_space<vmem>>
      %dma_wait3A_1841 = tpu.memref_squeeze %dma_wait3A_1840 : memref<1x8x64xf32, #tpu.memory_space<vmem>> -> memref<8x64xf32, #tpu.memory_space<vmem>>
      %dma_wait3A_1842 = tpu.memref_reshape %arg4 : memref<1000000x64xf32, #tpu.memory_space<hbm>> -> memref<125000x8x64xf32, #tpu.memory_space<hbm>>
      %dma_wait3A_1843 = arith.constant 0 : i32
      %dma_wait3A_1844 = arith.constant 0 : i32
      %dma_wait3A_1845 = tpu.memref_slice %dma_wait3A_1842[%squeeze3A_524, %dma_wait3A_1843, %dma_wait3A_1844] : memref<125000x8x64xf32, #tpu.memory_space<hbm>> -> memref<1x8x64xf32, #tpu.memory_space<hbm>>
      %dma_wait3A_1846 = tpu.memref_squeeze %dma_wait3A_1845 : memref<1x8x64xf32, #tpu.memory_space<hbm>> -> memref<8x64xf32, #tpu.memory_space<hbm>>
      tpu.wait_dma2 semaphore(%arg11 : memref<!tpu.dma_semaphore, #tpu.memory_space<semaphore_mem>>) src(%dma_wait3A_1846 : memref<8x64xf32, #tpu.memory_space<hbm>>) dst(%dma_wait3A_1841 : memref<8x64xf32, #tpu.memory_space<vmem>>)
      %dma_wait3A_1847 = arith.constant 12 : i32
      %dma_wait3A_1848 = arith.constant 0 : i32
      %dma_wait3A_1849 = arith.constant 0 : i32
      %dma_wait3A_1850 = tpu.memref_slice %arg9[%dma_wait3A_1847, %dma_wait3A_1848, %dma_wait3A_1849] : memref<32x8x64xf32, #tpu.memory_space<vmem>> -> memref<1x8x64xf32, #tpu.memory_space<vmem>>
      %dma_wait3A_1851 = tpu.memref_squeeze %dma_wait3A_1850 : memref<1x8x64xf32, #tpu.memory_space<vmem>> -> memref<8x64xf32, #tpu.memory_space<vmem>>
      %dma_wait3A_1852 = tpu.memref_reshape %arg4 : memref<1000000x64xf32, #tpu.memory_space<hbm>> -> memref<125000x8x64xf32, #tpu.memory_space<hbm>>
      %dma_wait3A_1853 = arith.constant 0 : i32
      %dma_wait3A_1854 = arith.constant 0 : i32
      %dma_wait3A_1855 = tpu.memref_slice %dma_wait3A_1852[%squeeze3A_545, %dma_wait3A_1853, %dma_wait3A_1854] : memref<125000x8x64xf32, #tpu.memory_space<hbm>> -> memref<1x8x64xf32, #tpu.memory_space<hbm>>
      %dma_wait3A_1856 = tpu.memref_squeeze %dma_wait3A_1855 : memref<1x8x64xf32, #tpu.memory_space<hbm>> -> memref<8x64xf32, #tpu.memory_space<hbm>>
      %dma_wait3A_1857 = arith.constant 0 : i32
      %dma_wait3A_1858 = arith.constant 0 : i32
      %dma_wait3A_1859 = tpu.memref_slice %arg9[%dma_wait3A_1847, %dma_wait3A_1857, %dma_wait3A_1858] : memref<32x8x64xf32, #tpu.memory_space<vmem>> -> memref<1x8x64xf32, #tpu.memory_space<vmem>>
      %dma_wait3A_1860 = tpu.memref_squeeze %dma_wait3A_1859 : memref<1x8x64xf32, #tpu.memory_space<vmem>> -> memref<8x64xf32, #tpu.memory_space<vmem>>
      %dma_wait3A_1861 = tpu.memref_reshape %arg4 : memref<1000000x64xf32, #tpu.memory_space<hbm>> -> memref<125000x8x64xf32, #tpu.memory_space<hbm>>
      %dma_wait3A_1862 = arith.constant 0 : i32
      %dma_wait3A_1863 = arith.constant 0 : i32
      %dma_wait3A_1864 = tpu.memref_slice %dma_wait3A_1861[%squeeze3A_545, %dma_wait3A_1862, %dma_wait3A_1863] : memref<125000x8x64xf32, #tpu.memory_space<hbm>> -> memref<1x8x64xf32, #tpu.memory_space<hbm>>
      %dma_wait3A_1865 = tpu.memref_squeeze %dma_wait3A_1864 : memref<1x8x64xf32, #tpu.memory_space<hbm>> -> memref<8x64xf32, #tpu.memory_space<hbm>>
      tpu.wait_dma2 semaphore(%arg12 : memref<!tpu.dma_semaphore, #tpu.memory_space<semaphore_mem>>) src(%dma_wait3A_1865 : memref<8x64xf32, #tpu.memory_space<hbm>>) dst(%dma_wait3A_1860 : memref<8x64xf32, #tpu.memory_space<vmem>>)
      %dma_wait3A_1866 = arith.constant 13 : i32
      %dma_wait3A_1867 = arith.constant 0 : i32
      %dma_wait3A_1868 = arith.constant 0 : i32
      %dma_wait3A_1869 = tpu.memref_slice %arg8[%dma_wait3A_1866, %dma_wait3A_1867, %dma_wait3A_1868] : memref<32x8x64xf32, #tpu.memory_space<vmem>> -> memref<1x8x64xf32, #tpu.memory_space<vmem>>
      %dma_wait3A_1870 = tpu.memref_squeeze %dma_wait3A_1869 : memref<1x8x64xf32, #tpu.memory_space<vmem>> -> memref<8x64xf32, #tpu.memory_space<vmem>>
      %dma_wait3A_1871 = tpu.memref_reshape %arg4 : memref<1000000x64xf32, #tpu.memory_space<hbm>> -> memref<125000x8x64xf32, #tpu.memory_space<hbm>>
      %dma_wait3A_1872 = arith.constant 0 : i32
      %dma_wait3A_1873 = arith.constant 0 : i32
      %dma_wait3A_1874 = tpu.memref_slice %dma_wait3A_1871[%squeeze3A_566, %dma_wait3A_1872, %dma_wait3A_1873] : memref<125000x8x64xf32, #tpu.memory_space<hbm>> -> memref<1x8x64xf32, #tpu.memory_space<hbm>>
      %dma_wait3A_1875 = tpu.memref_squeeze %dma_wait3A_1874 : memref<1x8x64xf32, #tpu.memory_space<hbm>> -> memref<8x64xf32, #tpu.memory_space<hbm>>
      %dma_wait3A_1876 = arith.constant 0 : i32
      %dma_wait3A_1877 = arith.constant 0 : i32
      %dma_wait3A_1878 = tpu.memref_slice %arg8[%dma_wait3A_1866, %dma_wait3A_1876, %dma_wait3A_1877] : memref<32x8x64xf32, #tpu.memory_space<vmem>> -> memref<1x8x64xf32, #tpu.memory_space<vmem>>
      %dma_wait3A_1879 = tpu.memref_squeeze %dma_wait3A_1878 : memref<1x8x64xf32, #tpu.memory_space<vmem>> -> memref<8x64xf32, #tpu.memory_space<vmem>>
      %dma_wait3A_1880 = tpu.memref_reshape %arg4 : memref<1000000x64xf32, #tpu.memory_space<hbm>> -> memref<125000x8x64xf32, #tpu.memory_space<hbm>>
      %dma_wait3A_1881 = arith.constant 0 : i32
      %dma_wait3A_1882 = arith.constant 0 : i32
      %dma_wait3A_1883 = tpu.memref_slice %dma_wait3A_1880[%squeeze3A_566, %dma_wait3A_1881, %dma_wait3A_1882] : memref<125000x8x64xf32, #tpu.memory_space<hbm>> -> memref<1x8x64xf32, #tpu.memory_space<hbm>>
      %dma_wait3A_1884 = tpu.memref_squeeze %dma_wait3A_1883 : memref<1x8x64xf32, #tpu.memory_space<hbm>> -> memref<8x64xf32, #tpu.memory_space<hbm>>
      tpu.wait_dma2 semaphore(%arg11 : memref<!tpu.dma_semaphore, #tpu.memory_space<semaphore_mem>>) src(%dma_wait3A_1884 : memref<8x64xf32, #tpu.memory_space<hbm>>) dst(%dma_wait3A_1879 : memref<8x64xf32, #tpu.memory_space<vmem>>)
      %dma_wait3A_1885 = arith.constant 13 : i32
      %dma_wait3A_1886 = arith.constant 0 : i32
      %dma_wait3A_1887 = arith.constant 0 : i32
      %dma_wait3A_1888 = tpu.memref_slice %arg9[%dma_wait3A_1885, %dma_wait3A_1886, %dma_wait3A_1887] : memref<32x8x64xf32, #tpu.memory_space<vmem>> -> memref<1x8x64xf32, #tpu.memory_space<vmem>>
      %dma_wait3A_1889 = tpu.memref_squeeze %dma_wait3A_1888 : memref<1x8x64xf32, #tpu.memory_space<vmem>> -> memref<8x64xf32, #tpu.memory_space<vmem>>
      %dma_wait3A_1890 = tpu.memref_reshape %arg4 : memref<1000000x64xf32, #tpu.memory_space<hbm>> -> memref<125000x8x64xf32, #tpu.memory_space<hbm>>
      %dma_wait3A_1891 = arith.constant 0 : i32
      %dma_wait3A_1892 = arith.constant 0 : i32
      %dma_wait3A_1893 = tpu.memref_slice %dma_wait3A_1890[%squeeze3A_587, %dma_wait3A_1891, %dma_wait3A_1892] : memref<125000x8x64xf32, #tpu.memory_space<hbm>> -> memref<1x8x64xf32, #tpu.memory_space<hbm>>
      %dma_wait3A_1894 = tpu.memref_squeeze %dma_wait3A_1893 : memref<1x8x64xf32, #tpu.memory_space<hbm>> -> memref<8x64xf32, #tpu.memory_space<hbm>>
      %dma_wait3A_1895 = arith.constant 0 : i32
      %dma_wait3A_1896 = arith.constant 0 : i32
      %dma_wait3A_1897 = tpu.memref_slice %arg9[%dma_wait3A_1885, %dma_wait3A_1895, %dma_wait3A_1896] : memref<32x8x64xf32, #tpu.memory_space<vmem>> -> memref<1x8x64xf32, #tpu.memory_space<vmem>>
      %dma_wait3A_1898 = tpu.memref_squeeze %dma_wait3A_1897 : memref<1x8x64xf32, #tpu.memory_space<vmem>> -> memref<8x64xf32, #tpu.memory_space<vmem>>
      %dma_wait3A_1899 = tpu.memref_reshape %arg4 : memref<1000000x64xf32, #tpu.memory_space<hbm>> -> memref<125000x8x64xf32, #tpu.memory_space<hbm>>
      %dma_wait3A_1900 = arith.constant 0 : i32
      %dma_wait3A_1901 = arith.constant 0 : i32
      %dma_wait3A_1902 = tpu.memref_slice %dma_wait3A_1899[%squeeze3A_587, %dma_wait3A_1900, %dma_wait3A_1901] : memref<125000x8x64xf32, #tpu.memory_space<hbm>> -> memref<1x8x64xf32, #tpu.memory_space<hbm>>
      %dma_wait3A_1903 = tpu.memref_squeeze %dma_wait3A_1902 : memref<1x8x64xf32, #tpu.memory_space<hbm>> -> memref<8x64xf32, #tpu.memory_space<hbm>>
      tpu.wait_dma2 semaphore(%arg12 : memref<!tpu.dma_semaphore, #tpu.memory_space<semaphore_mem>>) src(%dma_wait3A_1903 : memref<8x64xf32, #tpu.memory_space<hbm>>) dst(%dma_wait3A_1898 : memref<8x64xf32, #tpu.memory_space<vmem>>)
      %dma_wait3A_1904 = arith.constant 14 : i32
      %dma_wait3A_1905 = arith.constant 0 : i32
      %dma_wait3A_1906 = arith.constant 0 : i32
      %dma_wait3A_1907 = tpu.memref_slice %arg8[%dma_wait3A_1904, %dma_wait3A_1905, %dma_wait3A_1906] : memref<32x8x64xf32, #tpu.memory_space<vmem>> -> memref<1x8x64xf32, #tpu.memory_space<vmem>>
      %dma_wait3A_1908 = tpu.memref_squeeze %dma_wait3A_1907 : memref<1x8x64xf32, #tpu.memory_space<vmem>> -> memref<8x64xf32, #tpu.memory_space<vmem>>
      %dma_wait3A_1909 = tpu.memref_reshape %arg4 : memref<1000000x64xf32, #tpu.memory_space<hbm>> -> memref<125000x8x64xf32, #tpu.memory_space<hbm>>
      %dma_wait3A_1910 = arith.constant 0 : i32
      %dma_wait3A_1911 = arith.constant 0 : i32
      %dma_wait3A_1912 = tpu.memref_slice %dma_wait3A_1909[%squeeze3A_608, %dma_wait3A_1910, %dma_wait3A_1911] : memref<125000x8x64xf32, #tpu.memory_space<hbm>> -> memref<1x8x64xf32, #tpu.memory_space<hbm>>
      %dma_wait3A_1913 = tpu.memref_squeeze %dma_wait3A_1912 : memref<1x8x64xf32, #tpu.memory_space<hbm>> -> memref<8x64xf32, #tpu.memory_space<hbm>>
      %dma_wait3A_1914 = arith.constant 0 : i32
      %dma_wait3A_1915 = arith.constant 0 : i32
      %dma_wait3A_1916 = tpu.memref_slice %arg8[%dma_wait3A_1904, %dma_wait3A_1914, %dma_wait3A_1915] : memref<32x8x64xf32, #tpu.memory_space<vmem>> -> memref<1x8x64xf32, #tpu.memory_space<vmem>>
      %dma_wait3A_1917 = tpu.memref_squeeze %dma_wait3A_1916 : memref<1x8x64xf32, #tpu.memory_space<vmem>> -> memref<8x64xf32, #tpu.memory_space<vmem>>
      %dma_wait3A_1918 = tpu.memref_reshape %arg4 : memref<1000000x64xf32, #tpu.memory_space<hbm>> -> memref<125000x8x64xf32, #tpu.memory_space<hbm>>
      %dma_wait3A_1919 = arith.constant 0 : i32
      %dma_wait3A_1920 = arith.constant 0 : i32
      %dma_wait3A_1921 = tpu.memref_slice %dma_wait3A_1918[%squeeze3A_608, %dma_wait3A_1919, %dma_wait3A_1920] : memref<125000x8x64xf32, #tpu.memory_space<hbm>> -> memref<1x8x64xf32, #tpu.memory_space<hbm>>
      %dma_wait3A_1922 = tpu.memref_squeeze %dma_wait3A_1921 : memref<1x8x64xf32, #tpu.memory_space<hbm>> -> memref<8x64xf32, #tpu.memory_space<hbm>>
      tpu.wait_dma2 semaphore(%arg11 : memref<!tpu.dma_semaphore, #tpu.memory_space<semaphore_mem>>) src(%dma_wait3A_1922 : memref<8x64xf32, #tpu.memory_space<hbm>>) dst(%dma_wait3A_1917 : memref<8x64xf32, #tpu.memory_space<vmem>>)
      %dma_wait3A_1923 = arith.constant 14 : i32
      %dma_wait3A_1924 = arith.constant 0 : i32
      %dma_wait3A_1925 = arith.constant 0 : i32
      %dma_wait3A_1926 = tpu.memref_slice %arg9[%dma_wait3A_1923, %dma_wait3A_1924, %dma_wait3A_1925] : memref<32x8x64xf32, #tpu.memory_space<vmem>> -> memref<1x8x64xf32, #tpu.memory_space<vmem>>
      %dma_wait3A_1927 = tpu.memref_squeeze %dma_wait3A_1926 : memref<1x8x64xf32, #tpu.memory_space<vmem>> -> memref<8x64xf32, #tpu.memory_space<vmem>>
      %dma_wait3A_1928 = tpu.memref_reshape %arg4 : memref<1000000x64xf32, #tpu.memory_space<hbm>> -> memref<125000x8x64xf32, #tpu.memory_space<hbm>>
      %dma_wait3A_1929 = arith.constant 0 : i32
      %dma_wait3A_1930 = arith.constant 0 : i32
      %dma_wait3A_1931 = tpu.memref_slice %dma_wait3A_1928[%squeeze3A_629, %dma_wait3A_1929, %dma_wait3A_1930] : memref<125000x8x64xf32, #tpu.memory_space<hbm>> -> memref<1x8x64xf32, #tpu.memory_space<hbm>>
      %dma_wait3A_1932 = tpu.memref_squeeze %dma_wait3A_1931 : memref<1x8x64xf32, #tpu.memory_space<hbm>> -> memref<8x64xf32, #tpu.memory_space<hbm>>
      %dma_wait3A_1933 = arith.constant 0 : i32
      %dma_wait3A_1934 = arith.constant 0 : i32
      %dma_wait3A_1935 = tpu.memref_slice %arg9[%dma_wait3A_1923, %dma_wait3A_1933, %dma_wait3A_1934] : memref<32x8x64xf32, #tpu.memory_space<vmem>> -> memref<1x8x64xf32, #tpu.memory_space<vmem>>
      %dma_wait3A_1936 = tpu.memref_squeeze %dma_wait3A_1935 : memref<1x8x64xf32, #tpu.memory_space<vmem>> -> memref<8x64xf32, #tpu.memory_space<vmem>>
      %dma_wait3A_1937 = tpu.memref_reshape %arg4 : memref<1000000x64xf32, #tpu.memory_space<hbm>> -> memref<125000x8x64xf32, #tpu.memory_space<hbm>>
      %dma_wait3A_1938 = arith.constant 0 : i32
      %dma_wait3A_1939 = arith.constant 0 : i32
      %dma_wait3A_1940 = tpu.memref_slice %dma_wait3A_1937[%squeeze3A_629, %dma_wait3A_1938, %dma_wait3A_1939] : memref<125000x8x64xf32, #tpu.memory_space<hbm>> -> memref<1x8x64xf32, #tpu.memory_space<hbm>>
      %dma_wait3A_1941 = tpu.memref_squeeze %dma_wait3A_1940 : memref<1x8x64xf32, #tpu.memory_space<hbm>> -> memref<8x64xf32, #tpu.memory_space<hbm>>
      tpu.wait_dma2 semaphore(%arg12 : memref<!tpu.dma_semaphore, #tpu.memory_space<semaphore_mem>>) src(%dma_wait3A_1941 : memref<8x64xf32, #tpu.memory_space<hbm>>) dst(%dma_wait3A_1936 : memref<8x64xf32, #tpu.memory_space<vmem>>)
      %dma_wait3A_1942 = arith.constant 15 : i32
      %dma_wait3A_1943 = arith.constant 0 : i32
      %dma_wait3A_1944 = arith.constant 0 : i32
      %dma_wait3A_1945 = tpu.memref_slice %arg8[%dma_wait3A_1942, %dma_wait3A_1943, %dma_wait3A_1944] : memref<32x8x64xf32, #tpu.memory_space<vmem>> -> memref<1x8x64xf32, #tpu.memory_space<vmem>>
      %dma_wait3A_1946 = tpu.memref_squeeze %dma_wait3A_1945 : memref<1x8x64xf32, #tpu.memory_space<vmem>> -> memref<8x64xf32, #tpu.memory_space<vmem>>
      %dma_wait3A_1947 = tpu.memref_reshape %arg4 : memref<1000000x64xf32, #tpu.memory_space<hbm>> -> memref<125000x8x64xf32, #tpu.memory_space<hbm>>
      %dma_wait3A_1948 = arith.constant 0 : i32
      %dma_wait3A_1949 = arith.constant 0 : i32
      %dma_wait3A_1950 = tpu.memref_slice %dma_wait3A_1947[%squeeze3A_650, %dma_wait3A_1948, %dma_wait3A_1949] : memref<125000x8x64xf32, #tpu.memory_space<hbm>> -> memref<1x8x64xf32, #tpu.memory_space<hbm>>
      %dma_wait3A_1951 = tpu.memref_squeeze %dma_wait3A_1950 : memref<1x8x64xf32, #tpu.memory_space<hbm>> -> memref<8x64xf32, #tpu.memory_space<hbm>>
      %dma_wait3A_1952 = arith.constant 0 : i32
      %dma_wait3A_1953 = arith.constant 0 : i32
      %dma_wait3A_1954 = tpu.memref_slice %arg8[%dma_wait3A_1942, %dma_wait3A_1952, %dma_wait3A_1953] : memref<32x8x64xf32, #tpu.memory_space<vmem>> -> memref<1x8x64xf32, #tpu.memory_space<vmem>>
      %dma_wait3A_1955 = tpu.memref_squeeze %dma_wait3A_1954 : memref<1x8x64xf32, #tpu.memory_space<vmem>> -> memref<8x64xf32, #tpu.memory_space<vmem>>
      %dma_wait3A_1956 = tpu.memref_reshape %arg4 : memref<1000000x64xf32, #tpu.memory_space<hbm>> -> memref<125000x8x64xf32, #tpu.memory_space<hbm>>
      %dma_wait3A_1957 = arith.constant 0 : i32
      %dma_wait3A_1958 = arith.constant 0 : i32
      %dma_wait3A_1959 = tpu.memref_slice %dma_wait3A_1956[%squeeze3A_650, %dma_wait3A_1957, %dma_wait3A_1958] : memref<125000x8x64xf32, #tpu.memory_space<hbm>> -> memref<1x8x64xf32, #tpu.memory_space<hbm>>
      %dma_wait3A_1960 = tpu.memref_squeeze %dma_wait3A_1959 : memref<1x8x64xf32, #tpu.memory_space<hbm>> -> memref<8x64xf32, #tpu.memory_space<hbm>>
      tpu.wait_dma2 semaphore(%arg11 : memref<!tpu.dma_semaphore, #tpu.memory_space<semaphore_mem>>) src(%dma_wait3A_1960 : memref<8x64xf32, #tpu.memory_space<hbm>>) dst(%dma_wait3A_1955 : memref<8x64xf32, #tpu.memory_space<vmem>>)
      %dma_wait3A_1961 = arith.constant 15 : i32
      %dma_wait3A_1962 = arith.constant 0 : i32
      %dma_wait3A_1963 = arith.constant 0 : i32
      %dma_wait3A_1964 = tpu.memref_slice %arg9[%dma_wait3A_1961, %dma_wait3A_1962, %dma_wait3A_1963] : memref<32x8x64xf32, #tpu.memory_space<vmem>> -> memref<1x8x64xf32, #tpu.memory_space<vmem>>
      %dma_wait3A_1965 = tpu.memref_squeeze %dma_wait3A_1964 : memref<1x8x64xf32, #tpu.memory_space<vmem>> -> memref<8x64xf32, #tpu.memory_space<vmem>>
      %dma_wait3A_1966 = tpu.memref_reshape %arg4 : memref<1000000x64xf32, #tpu.memory_space<hbm>> -> memref<125000x8x64xf32, #tpu.memory_space<hbm>>
      %dma_wait3A_1967 = arith.constant 0 : i32
      %dma_wait3A_1968 = arith.constant 0 : i32
      %dma_wait3A_1969 = tpu.memref_slice %dma_wait3A_1966[%squeeze3A_671, %dma_wait3A_1967, %dma_wait3A_1968] : memref<125000x8x64xf32, #tpu.memory_space<hbm>> -> memref<1x8x64xf32, #tpu.memory_space<hbm>>
      %dma_wait3A_1970 = tpu.memref_squeeze %dma_wait3A_1969 : memref<1x8x64xf32, #tpu.memory_space<hbm>> -> memref<8x64xf32, #tpu.memory_space<hbm>>
      %dma_wait3A_1971 = arith.constant 0 : i32
      %dma_wait3A_1972 = arith.constant 0 : i32
      %dma_wait3A_1973 = tpu.memref_slice %arg9[%dma_wait3A_1961, %dma_wait3A_1971, %dma_wait3A_1972] : memref<32x8x64xf32, #tpu.memory_space<vmem>> -> memref<1x8x64xf32, #tpu.memory_space<vmem>>
      %dma_wait3A_1974 = tpu.memref_squeeze %dma_wait3A_1973 : memref<1x8x64xf32, #tpu.memory_space<vmem>> -> memref<8x64xf32, #tpu.memory_space<vmem>>
      %dma_wait3A_1975 = tpu.memref_reshape %arg4 : memref<1000000x64xf32, #tpu.memory_space<hbm>> -> memref<125000x8x64xf32, #tpu.memory_space<hbm>>
      %dma_wait3A_1976 = arith.constant 0 : i32
      %dma_wait3A_1977 = arith.constant 0 : i32
      %dma_wait3A_1978 = tpu.memref_slice %dma_wait3A_1975[%squeeze3A_671, %dma_wait3A_1976, %dma_wait3A_1977] : memref<125000x8x64xf32, #tpu.memory_space<hbm>> -> memref<1x8x64xf32, #tpu.memory_space<hbm>>
      %dma_wait3A_1979 = tpu.memref_squeeze %dma_wait3A_1978 : memref<1x8x64xf32, #tpu.memory_space<hbm>> -> memref<8x64xf32, #tpu.memory_space<hbm>>
      tpu.wait_dma2 semaphore(%arg12 : memref<!tpu.dma_semaphore, #tpu.memory_space<semaphore_mem>>) src(%dma_wait3A_1979 : memref<8x64xf32, #tpu.memory_space<hbm>>) dst(%dma_wait3A_1974 : memref<8x64xf32, #tpu.memory_space<vmem>>)
      %dma_wait3A_1980 = arith.constant 16 : i32
      %dma_wait3A_1981 = arith.constant 0 : i32
      %dma_wait3A_1982 = arith.constant 0 : i32
      %dma_wait3A_1983 = tpu.memref_slice %arg8[%dma_wait3A_1980, %dma_wait3A_1981, %dma_wait3A_1982] : memref<32x8x64xf32, #tpu.memory_space<vmem>> -> memref<1x8x64xf32, #tpu.memory_space<vmem>>
      %dma_wait3A_1984 = tpu.memref_squeeze %dma_wait3A_1983 : memref<1x8x64xf32, #tpu.memory_space<vmem>> -> memref<8x64xf32, #tpu.memory_space<vmem>>
      %dma_wait3A_1985 = tpu.memref_reshape %arg4 : memref<1000000x64xf32, #tpu.memory_space<hbm>> -> memref<125000x8x64xf32, #tpu.memory_space<hbm>>
      %dma_wait3A_1986 = arith.constant 0 : i32
      %dma_wait3A_1987 = arith.constant 0 : i32
      %dma_wait3A_1988 = tpu.memref_slice %dma_wait3A_1985[%squeeze3A_702, %dma_wait3A_1986, %dma_wait3A_1987] : memref<125000x8x64xf32, #tpu.memory_space<hbm>> -> memref<1x8x64xf32, #tpu.memory_space<hbm>>
      %dma_wait3A_1989 = tpu.memref_squeeze %dma_wait3A_1988 : memref<1x8x64xf32, #tpu.memory_space<hbm>> -> memref<8x64xf32, #tpu.memory_space<hbm>>
      %dma_wait3A_1990 = arith.constant 0 : i32
      %dma_wait3A_1991 = arith.constant 0 : i32
      %dma_wait3A_1992 = tpu.memref_slice %arg8[%dma_wait3A_1980, %dma_wait3A_1990, %dma_wait3A_1991] : memref<32x8x64xf32, #tpu.memory_space<vmem>> -> memref<1x8x64xf32, #tpu.memory_space<vmem>>
      %dma_wait3A_1993 = tpu.memref_squeeze %dma_wait3A_1992 : memref<1x8x64xf32, #tpu.memory_space<vmem>> -> memref<8x64xf32, #tpu.memory_space<vmem>>
      %dma_wait3A_1994 = tpu.memref_reshape %arg4 : memref<1000000x64xf32, #tpu.memory_space<hbm>> -> memref<125000x8x64xf32, #tpu.memory_space<hbm>>
      %dma_wait3A_1995 = arith.constant 0 : i32
      %dma_wait3A_1996 = arith.constant 0 : i32
      %dma_wait3A_1997 = tpu.memref_slice %dma_wait3A_1994[%squeeze3A_702, %dma_wait3A_1995, %dma_wait3A_1996] : memref<125000x8x64xf32, #tpu.memory_space<hbm>> -> memref<1x8x64xf32, #tpu.memory_space<hbm>>
      %dma_wait3A_1998 = tpu.memref_squeeze %dma_wait3A_1997 : memref<1x8x64xf32, #tpu.memory_space<hbm>> -> memref<8x64xf32, #tpu.memory_space<hbm>>
      tpu.wait_dma2 semaphore(%arg11 : memref<!tpu.dma_semaphore, #tpu.memory_space<semaphore_mem>>) src(%dma_wait3A_1998 : memref<8x64xf32, #tpu.memory_space<hbm>>) dst(%dma_wait3A_1993 : memref<8x64xf32, #tpu.memory_space<vmem>>)
      %dma_wait3A_1999 = arith.constant 16 : i32
      %dma_wait3A_2000 = arith.constant 0 : i32
      %dma_wait3A_2001 = arith.constant 0 : i32
      %dma_wait3A_2002 = tpu.memref_slice %arg9[%dma_wait3A_1999, %dma_wait3A_2000, %dma_wait3A_2001] : memref<32x8x64xf32, #tpu.memory_space<vmem>> -> memref<1x8x64xf32, #tpu.memory_space<vmem>>
      %dma_wait3A_2003 = tpu.memref_squeeze %dma_wait3A_2002 : memref<1x8x64xf32, #tpu.memory_space<vmem>> -> memref<8x64xf32, #tpu.memory_space<vmem>>
      %dma_wait3A_2004 = tpu.memref_reshape %arg4 : memref<1000000x64xf32, #tpu.memory_space<hbm>> -> memref<125000x8x64xf32, #tpu.memory_space<hbm>>
      %dma_wait3A_2005 = arith.constant 0 : i32
      %dma_wait3A_2006 = arith.constant 0 : i32
      %dma_wait3A_2007 = tpu.memref_slice %dma_wait3A_2004[%squeeze3A_723, %dma_wait3A_2005, %dma_wait3A_2006] : memref<125000x8x64xf32, #tpu.memory_space<hbm>> -> memref<1x8x64xf32, #tpu.memory_space<hbm>>
      %dma_wait3A_2008 = tpu.memref_squeeze %dma_wait3A_2007 : memref<1x8x64xf32, #tpu.memory_space<hbm>> -> memref<8x64xf32, #tpu.memory_space<hbm>>
      %dma_wait3A_2009 = arith.constant 0 : i32
      %dma_wait3A_2010 = arith.constant 0 : i32
      %dma_wait3A_2011 = tpu.memref_slice %arg9[%dma_wait3A_1999, %dma_wait3A_2009, %dma_wait3A_2010] : memref<32x8x64xf32, #tpu.memory_space<vmem>> -> memref<1x8x64xf32, #tpu.memory_space<vmem>>
      %dma_wait3A_2012 = tpu.memref_squeeze %dma_wait3A_2011 : memref<1x8x64xf32, #tpu.memory_space<vmem>> -> memref<8x64xf32, #tpu.memory_space<vmem>>
      %dma_wait3A_2013 = tpu.memref_reshape %arg4 : memref<1000000x64xf32, #tpu.memory_space<hbm>> -> memref<125000x8x64xf32, #tpu.memory_space<hbm>>
      %dma_wait3A_2014 = arith.constant 0 : i32
      %dma_wait3A_2015 = arith.constant 0 : i32
      %dma_wait3A_2016 = tpu.memref_slice %dma_wait3A_2013[%squeeze3A_723, %dma_wait3A_2014, %dma_wait3A_2015] : memref<125000x8x64xf32, #tpu.memory_space<hbm>> -> memref<1x8x64xf32, #tpu.memory_space<hbm>>
      %dma_wait3A_2017 = tpu.memref_squeeze %dma_wait3A_2016 : memref<1x8x64xf32, #tpu.memory_space<hbm>> -> memref<8x64xf32, #tpu.memory_space<hbm>>
      tpu.wait_dma2 semaphore(%arg12 : memref<!tpu.dma_semaphore, #tpu.memory_space<semaphore_mem>>) src(%dma_wait3A_2017 : memref<8x64xf32, #tpu.memory_space<hbm>>) dst(%dma_wait3A_2012 : memref<8x64xf32, #tpu.memory_space<vmem>>)
      %dma_wait3A_2018 = arith.constant 17 : i32
      %dma_wait3A_2019 = arith.constant 0 : i32
      %dma_wait3A_2020 = arith.constant 0 : i32
      %dma_wait3A_2021 = tpu.memref_slice %arg8[%dma_wait3A_2018, %dma_wait3A_2019, %dma_wait3A_2020] : memref<32x8x64xf32, #tpu.memory_space<vmem>> -> memref<1x8x64xf32, #tpu.memory_space<vmem>>
      %dma_wait3A_2022 = tpu.memref_squeeze %dma_wait3A_2021 : memref<1x8x64xf32, #tpu.memory_space<vmem>> -> memref<8x64xf32, #tpu.memory_space<vmem>>
      %dma_wait3A_2023 = tpu.memref_reshape %arg4 : memref<1000000x64xf32, #tpu.memory_space<hbm>> -> memref<125000x8x64xf32, #tpu.memory_space<hbm>>
      %dma_wait3A_2024 = arith.constant 0 : i32
      %dma_wait3A_2025 = arith.constant 0 : i32
      %dma_wait3A_2026 = tpu.memref_slice %dma_wait3A_2023[%squeeze3A_744, %dma_wait3A_2024, %dma_wait3A_2025] : memref<125000x8x64xf32, #tpu.memory_space<hbm>> -> memref<1x8x64xf32, #tpu.memory_space<hbm>>
      %dma_wait3A_2027 = tpu.memref_squeeze %dma_wait3A_2026 : memref<1x8x64xf32, #tpu.memory_space<hbm>> -> memref<8x64xf32, #tpu.memory_space<hbm>>
      %dma_wait3A_2028 = arith.constant 0 : i32
      %dma_wait3A_2029 = arith.constant 0 : i32
      %dma_wait3A_2030 = tpu.memref_slice %arg8[%dma_wait3A_2018, %dma_wait3A_2028, %dma_wait3A_2029] : memref<32x8x64xf32, #tpu.memory_space<vmem>> -> memref<1x8x64xf32, #tpu.memory_space<vmem>>
      %dma_wait3A_2031 = tpu.memref_squeeze %dma_wait3A_2030 : memref<1x8x64xf32, #tpu.memory_space<vmem>> -> memref<8x64xf32, #tpu.memory_space<vmem>>
      %dma_wait3A_2032 = tpu.memref_reshape %arg4 : memref<1000000x64xf32, #tpu.memory_space<hbm>> -> memref<125000x8x64xf32, #tpu.memory_space<hbm>>
      %dma_wait3A_2033 = arith.constant 0 : i32
      %dma_wait3A_2034 = arith.constant 0 : i32
      %dma_wait3A_2035 = tpu.memref_slice %dma_wait3A_2032[%squeeze3A_744, %dma_wait3A_2033, %dma_wait3A_2034] : memref<125000x8x64xf32, #tpu.memory_space<hbm>> -> memref<1x8x64xf32, #tpu.memory_space<hbm>>
      %dma_wait3A_2036 = tpu.memref_squeeze %dma_wait3A_2035 : memref<1x8x64xf32, #tpu.memory_space<hbm>> -> memref<8x64xf32, #tpu.memory_space<hbm>>
      tpu.wait_dma2 semaphore(%arg11 : memref<!tpu.dma_semaphore, #tpu.memory_space<semaphore_mem>>) src(%dma_wait3A_2036 : memref<8x64xf32, #tpu.memory_space<hbm>>) dst(%dma_wait3A_2031 : memref<8x64xf32, #tpu.memory_space<vmem>>)
      %dma_wait3A_2037 = arith.constant 17 : i32
      %dma_wait3A_2038 = arith.constant 0 : i32
      %dma_wait3A_2039 = arith.constant 0 : i32
      %dma_wait3A_2040 = tpu.memref_slice %arg9[%dma_wait3A_2037, %dma_wait3A_2038, %dma_wait3A_2039] : memref<32x8x64xf32, #tpu.memory_space<vmem>> -> memref<1x8x64xf32, #tpu.memory_space<vmem>>
      %dma_wait3A_2041 = tpu.memref_squeeze %dma_wait3A_2040 : memref<1x8x64xf32, #tpu.memory_space<vmem>> -> memref<8x64xf32, #tpu.memory_space<vmem>>
      %dma_wait3A_2042 = tpu.memref_reshape %arg4 : memref<1000000x64xf32, #tpu.memory_space<hbm>> -> memref<125000x8x64xf32, #tpu.memory_space<hbm>>
      %dma_wait3A_2043 = arith.constant 0 : i32
      %dma_wait3A_2044 = arith.constant 0 : i32
      %dma_wait3A_2045 = tpu.memref_slice %dma_wait3A_2042[%squeeze3A_765, %dma_wait3A_2043, %dma_wait3A_2044] : memref<125000x8x64xf32, #tpu.memory_space<hbm>> -> memref<1x8x64xf32, #tpu.memory_space<hbm>>
      %dma_wait3A_2046 = tpu.memref_squeeze %dma_wait3A_2045 : memref<1x8x64xf32, #tpu.memory_space<hbm>> -> memref<8x64xf32, #tpu.memory_space<hbm>>
      %dma_wait3A_2047 = arith.constant 0 : i32
      %dma_wait3A_2048 = arith.constant 0 : i32
      %dma_wait3A_2049 = tpu.memref_slice %arg9[%dma_wait3A_2037, %dma_wait3A_2047, %dma_wait3A_2048] : memref<32x8x64xf32, #tpu.memory_space<vmem>> -> memref<1x8x64xf32, #tpu.memory_space<vmem>>
      %dma_wait3A_2050 = tpu.memref_squeeze %dma_wait3A_2049 : memref<1x8x64xf32, #tpu.memory_space<vmem>> -> memref<8x64xf32, #tpu.memory_space<vmem>>
      %dma_wait3A_2051 = tpu.memref_reshape %arg4 : memref<1000000x64xf32, #tpu.memory_space<hbm>> -> memref<125000x8x64xf32, #tpu.memory_space<hbm>>
      %dma_wait3A_2052 = arith.constant 0 : i32
      %dma_wait3A_2053 = arith.constant 0 : i32
      %dma_wait3A_2054 = tpu.memref_slice %dma_wait3A_2051[%squeeze3A_765, %dma_wait3A_2052, %dma_wait3A_2053] : memref<125000x8x64xf32, #tpu.memory_space<hbm>> -> memref<1x8x64xf32, #tpu.memory_space<hbm>>
      %dma_wait3A_2055 = tpu.memref_squeeze %dma_wait3A_2054 : memref<1x8x64xf32, #tpu.memory_space<hbm>> -> memref<8x64xf32, #tpu.memory_space<hbm>>
      tpu.wait_dma2 semaphore(%arg12 : memref<!tpu.dma_semaphore, #tpu.memory_space<semaphore_mem>>) src(%dma_wait3A_2055 : memref<8x64xf32, #tpu.memory_space<hbm>>) dst(%dma_wait3A_2050 : memref<8x64xf32, #tpu.memory_space<vmem>>)
      %dma_wait3A_2056 = arith.constant 18 : i32
      %dma_wait3A_2057 = arith.constant 0 : i32
      %dma_wait3A_2058 = arith.constant 0 : i32
      %dma_wait3A_2059 = tpu.memref_slice %arg8[%dma_wait3A_2056, %dma_wait3A_2057, %dma_wait3A_2058] : memref<32x8x64xf32, #tpu.memory_space<vmem>> -> memref<1x8x64xf32, #tpu.memory_space<vmem>>
      %dma_wait3A_2060 = tpu.memref_squeeze %dma_wait3A_2059 : memref<1x8x64xf32, #tpu.memory_space<vmem>> -> memref<8x64xf32, #tpu.memory_space<vmem>>
      %dma_wait3A_2061 = tpu.memref_reshape %arg4 : memref<1000000x64xf32, #tpu.memory_space<hbm>> -> memref<125000x8x64xf32, #tpu.memory_space<hbm>>
      %dma_wait3A_2062 = arith.constant 0 : i32
      %dma_wait3A_2063 = arith.constant 0 : i32
      %dma_wait3A_2064 = tpu.memref_slice %dma_wait3A_2061[%squeeze3A_786, %dma_wait3A_2062, %dma_wait3A_2063] : memref<125000x8x64xf32, #tpu.memory_space<hbm>> -> memref<1x8x64xf32, #tpu.memory_space<hbm>>
      %dma_wait3A_2065 = tpu.memref_squeeze %dma_wait3A_2064 : memref<1x8x64xf32, #tpu.memory_space<hbm>> -> memref<8x64xf32, #tpu.memory_space<hbm>>
      %dma_wait3A_2066 = arith.constant 0 : i32
      %dma_wait3A_2067 = arith.constant 0 : i32
      %dma_wait3A_2068 = tpu.memref_slice %arg8[%dma_wait3A_2056, %dma_wait3A_2066, %dma_wait3A_2067] : memref<32x8x64xf32, #tpu.memory_space<vmem>> -> memref<1x8x64xf32, #tpu.memory_space<vmem>>
      %dma_wait3A_2069 = tpu.memref_squeeze %dma_wait3A_2068 : memref<1x8x64xf32, #tpu.memory_space<vmem>> -> memref<8x64xf32, #tpu.memory_space<vmem>>
      %dma_wait3A_2070 = tpu.memref_reshape %arg4 : memref<1000000x64xf32, #tpu.memory_space<hbm>> -> memref<125000x8x64xf32, #tpu.memory_space<hbm>>
      %dma_wait3A_2071 = arith.constant 0 : i32
      %dma_wait3A_2072 = arith.constant 0 : i32
      %dma_wait3A_2073 = tpu.memref_slice %dma_wait3A_2070[%squeeze3A_786, %dma_wait3A_2071, %dma_wait3A_2072] : memref<125000x8x64xf32, #tpu.memory_space<hbm>> -> memref<1x8x64xf32, #tpu.memory_space<hbm>>
      %dma_wait3A_2074 = tpu.memref_squeeze %dma_wait3A_2073 : memref<1x8x64xf32, #tpu.memory_space<hbm>> -> memref<8x64xf32, #tpu.memory_space<hbm>>
      tpu.wait_dma2 semaphore(%arg11 : memref<!tpu.dma_semaphore, #tpu.memory_space<semaphore_mem>>) src(%dma_wait3A_2074 : memref<8x64xf32, #tpu.memory_space<hbm>>) dst(%dma_wait3A_2069 : memref<8x64xf32, #tpu.memory_space<vmem>>)
      %dma_wait3A_2075 = arith.constant 18 : i32
      %dma_wait3A_2076 = arith.constant 0 : i32
      %dma_wait3A_2077 = arith.constant 0 : i32
      %dma_wait3A_2078 = tpu.memref_slice %arg9[%dma_wait3A_2075, %dma_wait3A_2076, %dma_wait3A_2077] : memref<32x8x64xf32, #tpu.memory_space<vmem>> -> memref<1x8x64xf32, #tpu.memory_space<vmem>>
      %dma_wait3A_2079 = tpu.memref_squeeze %dma_wait3A_2078 : memref<1x8x64xf32, #tpu.memory_space<vmem>> -> memref<8x64xf32, #tpu.memory_space<vmem>>
      %dma_wait3A_2080 = tpu.memref_reshape %arg4 : memref<1000000x64xf32, #tpu.memory_space<hbm>> -> memref<125000x8x64xf32, #tpu.memory_space<hbm>>
      %dma_wait3A_2081 = arith.constant 0 : i32
      %dma_wait3A_2082 = arith.constant 0 : i32
      %dma_wait3A_2083 = tpu.memref_slice %dma_wait3A_2080[%squeeze3A_807, %dma_wait3A_2081, %dma_wait3A_2082] : memref<125000x8x64xf32, #tpu.memory_space<hbm>> -> memref<1x8x64xf32, #tpu.memory_space<hbm>>
      %dma_wait3A_2084 = tpu.memref_squeeze %dma_wait3A_2083 : memref<1x8x64xf32, #tpu.memory_space<hbm>> -> memref<8x64xf32, #tpu.memory_space<hbm>>
      %dma_wait3A_2085 = arith.constant 0 : i32
      %dma_wait3A_2086 = arith.constant 0 : i32
      %dma_wait3A_2087 = tpu.memref_slice %arg9[%dma_wait3A_2075, %dma_wait3A_2085, %dma_wait3A_2086] : memref<32x8x64xf32, #tpu.memory_space<vmem>> -> memref<1x8x64xf32, #tpu.memory_space<vmem>>
      %dma_wait3A_2088 = tpu.memref_squeeze %dma_wait3A_2087 : memref<1x8x64xf32, #tpu.memory_space<vmem>> -> memref<8x64xf32, #tpu.memory_space<vmem>>
      %dma_wait3A_2089 = tpu.memref_reshape %arg4 : memref<1000000x64xf32, #tpu.memory_space<hbm>> -> memref<125000x8x64xf32, #tpu.memory_space<hbm>>
      %dma_wait3A_2090 = arith.constant 0 : i32
      %dma_wait3A_2091 = arith.constant 0 : i32
      %dma_wait3A_2092 = tpu.memref_slice %dma_wait3A_2089[%squeeze3A_807, %dma_wait3A_2090, %dma_wait3A_2091] : memref<125000x8x64xf32, #tpu.memory_space<hbm>> -> memref<1x8x64xf32, #tpu.memory_space<hbm>>
      %dma_wait3A_2093 = tpu.memref_squeeze %dma_wait3A_2092 : memref<1x8x64xf32, #tpu.memory_space<hbm>> -> memref<8x64xf32, #tpu.memory_space<hbm>>
      tpu.wait_dma2 semaphore(%arg12 : memref<!tpu.dma_semaphore, #tpu.memory_space<semaphore_mem>>) src(%dma_wait3A_2093 : memref<8x64xf32, #tpu.memory_space<hbm>>) dst(%dma_wait3A_2088 : memref<8x64xf32, #tpu.memory_space<vmem>>)
      %dma_wait3A_2094 = arith.constant 19 : i32
      %dma_wait3A_2095 = arith.constant 0 : i32
      %dma_wait3A_2096 = arith.constant 0 : i32
      %dma_wait3A_2097 = tpu.memref_slice %arg8[%dma_wait3A_2094, %dma_wait3A_2095, %dma_wait3A_2096] : memref<32x8x64xf32, #tpu.memory_space<vmem>> -> memref<1x8x64xf32, #tpu.memory_space<vmem>>
      %dma_wait3A_2098 = tpu.memref_squeeze %dma_wait3A_2097 : memref<1x8x64xf32, #tpu.memory_space<vmem>> -> memref<8x64xf32, #tpu.memory_space<vmem>>
      %dma_wait3A_2099 = tpu.memref_reshape %arg4 : memref<1000000x64xf32, #tpu.memory_space<hbm>> -> memref<125000x8x64xf32, #tpu.memory_space<hbm>>
      %dma_wait3A_2100 = arith.constant 0 : i32
      %dma_wait3A_2101 = arith.constant 0 : i32
      %dma_wait3A_2102 = tpu.memref_slice %dma_wait3A_2099[%squeeze3A_828, %dma_wait3A_2100, %dma_wait3A_2101] : memref<125000x8x64xf32, #tpu.memory_space<hbm>> -> memref<1x8x64xf32, #tpu.memory_space<hbm>>
      %dma_wait3A_2103 = tpu.memref_squeeze %dma_wait3A_2102 : memref<1x8x64xf32, #tpu.memory_space<hbm>> -> memref<8x64xf32, #tpu.memory_space<hbm>>
      %dma_wait3A_2104 = arith.constant 0 : i32
      %dma_wait3A_2105 = arith.constant 0 : i32
      %dma_wait3A_2106 = tpu.memref_slice %arg8[%dma_wait3A_2094, %dma_wait3A_2104, %dma_wait3A_2105] : memref<32x8x64xf32, #tpu.memory_space<vmem>> -> memref<1x8x64xf32, #tpu.memory_space<vmem>>
      %dma_wait3A_2107 = tpu.memref_squeeze %dma_wait3A_2106 : memref<1x8x64xf32, #tpu.memory_space<vmem>> -> memref<8x64xf32, #tpu.memory_space<vmem>>
      %dma_wait3A_2108 = tpu.memref_reshape %arg4 : memref<1000000x64xf32, #tpu.memory_space<hbm>> -> memref<125000x8x64xf32, #tpu.memory_space<hbm>>
      %dma_wait3A_2109 = arith.constant 0 : i32
      %dma_wait3A_2110 = arith.constant 0 : i32
      %dma_wait3A_2111 = tpu.memref_slice %dma_wait3A_2108[%squeeze3A_828, %dma_wait3A_2109, %dma_wait3A_2110] : memref<125000x8x64xf32, #tpu.memory_space<hbm>> -> memref<1x8x64xf32, #tpu.memory_space<hbm>>
      %dma_wait3A_2112 = tpu.memref_squeeze %dma_wait3A_2111 : memref<1x8x64xf32, #tpu.memory_space<hbm>> -> memref<8x64xf32, #tpu.memory_space<hbm>>
      tpu.wait_dma2 semaphore(%arg11 : memref<!tpu.dma_semaphore, #tpu.memory_space<semaphore_mem>>) src(%dma_wait3A_2112 : memref<8x64xf32, #tpu.memory_space<hbm>>) dst(%dma_wait3A_2107 : memref<8x64xf32, #tpu.memory_space<vmem>>)
      %dma_wait3A_2113 = arith.constant 19 : i32
      %dma_wait3A_2114 = arith.constant 0 : i32
      %dma_wait3A_2115 = arith.constant 0 : i32
      %dma_wait3A_2116 = tpu.memref_slice %arg9[%dma_wait3A_2113, %dma_wait3A_2114, %dma_wait3A_2115] : memref<32x8x64xf32, #tpu.memory_space<vmem>> -> memref<1x8x64xf32, #tpu.memory_space<vmem>>
      %dma_wait3A_2117 = tpu.memref_squeeze %dma_wait3A_2116 : memref<1x8x64xf32, #tpu.memory_space<vmem>> -> memref<8x64xf32, #tpu.memory_space<vmem>>
      %dma_wait3A_2118 = tpu.memref_reshape %arg4 : memref<1000000x64xf32, #tpu.memory_space<hbm>> -> memref<125000x8x64xf32, #tpu.memory_space<hbm>>
      %dma_wait3A_2119 = arith.constant 0 : i32
      %dma_wait3A_2120 = arith.constant 0 : i32
      %dma_wait3A_2121 = tpu.memref_slice %dma_wait3A_2118[%squeeze3A_849, %dma_wait3A_2119, %dma_wait3A_2120] : memref<125000x8x64xf32, #tpu.memory_space<hbm>> -> memref<1x8x64xf32, #tpu.memory_space<hbm>>
      %dma_wait3A_2122 = tpu.memref_squeeze %dma_wait3A_2121 : memref<1x8x64xf32, #tpu.memory_space<hbm>> -> memref<8x64xf32, #tpu.memory_space<hbm>>
      %dma_wait3A_2123 = arith.constant 0 : i32
      %dma_wait3A_2124 = arith.constant 0 : i32
      %dma_wait3A_2125 = tpu.memref_slice %arg9[%dma_wait3A_2113, %dma_wait3A_2123, %dma_wait3A_2124] : memref<32x8x64xf32, #tpu.memory_space<vmem>> -> memref<1x8x64xf32, #tpu.memory_space<vmem>>
      %dma_wait3A_2126 = tpu.memref_squeeze %dma_wait3A_2125 : memref<1x8x64xf32, #tpu.memory_space<vmem>> -> memref<8x64xf32, #tpu.memory_space<vmem>>
      %dma_wait3A_2127 = tpu.memref_reshape %arg4 : memref<1000000x64xf32, #tpu.memory_space<hbm>> -> memref<125000x8x64xf32, #tpu.memory_space<hbm>>
      %dma_wait3A_2128 = arith.constant 0 : i32
      %dma_wait3A_2129 = arith.constant 0 : i32
      %dma_wait3A_2130 = tpu.memref_slice %dma_wait3A_2127[%squeeze3A_849, %dma_wait3A_2128, %dma_wait3A_2129] : memref<125000x8x64xf32, #tpu.memory_space<hbm>> -> memref<1x8x64xf32, #tpu.memory_space<hbm>>
      %dma_wait3A_2131 = tpu.memref_squeeze %dma_wait3A_2130 : memref<1x8x64xf32, #tpu.memory_space<hbm>> -> memref<8x64xf32, #tpu.memory_space<hbm>>
      tpu.wait_dma2 semaphore(%arg12 : memref<!tpu.dma_semaphore, #tpu.memory_space<semaphore_mem>>) src(%dma_wait3A_2131 : memref<8x64xf32, #tpu.memory_space<hbm>>) dst(%dma_wait3A_2126 : memref<8x64xf32, #tpu.memory_space<vmem>>)
      %dma_wait3A_2132 = arith.constant 20 : i32
      %dma_wait3A_2133 = arith.constant 0 : i32
      %dma_wait3A_2134 = arith.constant 0 : i32
      %dma_wait3A_2135 = tpu.memref_slice %arg8[%dma_wait3A_2132, %dma_wait3A_2133, %dma_wait3A_2134] : memref<32x8x64xf32, #tpu.memory_space<vmem>> -> memref<1x8x64xf32, #tpu.memory_space<vmem>>
      %dma_wait3A_2136 = tpu.memref_squeeze %dma_wait3A_2135 : memref<1x8x64xf32, #tpu.memory_space<vmem>> -> memref<8x64xf32, #tpu.memory_space<vmem>>
      %dma_wait3A_2137 = tpu.memref_reshape %arg4 : memref<1000000x64xf32, #tpu.memory_space<hbm>> -> memref<125000x8x64xf32, #tpu.memory_space<hbm>>
      %dma_wait3A_2138 = arith.constant 0 : i32
      %dma_wait3A_2139 = arith.constant 0 : i32
      %dma_wait3A_2140 = tpu.memref_slice %dma_wait3A_2137[%squeeze3A_870, %dma_wait3A_2138, %dma_wait3A_2139] : memref<125000x8x64xf32, #tpu.memory_space<hbm>> -> memref<1x8x64xf32, #tpu.memory_space<hbm>>
      %dma_wait3A_2141 = tpu.memref_squeeze %dma_wait3A_2140 : memref<1x8x64xf32, #tpu.memory_space<hbm>> -> memref<8x64xf32, #tpu.memory_space<hbm>>
      %dma_wait3A_2142 = arith.constant 0 : i32
      %dma_wait3A_2143 = arith.constant 0 : i32
      %dma_wait3A_2144 = tpu.memref_slice %arg8[%dma_wait3A_2132, %dma_wait3A_2142, %dma_wait3A_2143] : memref<32x8x64xf32, #tpu.memory_space<vmem>> -> memref<1x8x64xf32, #tpu.memory_space<vmem>>
      %dma_wait3A_2145 = tpu.memref_squeeze %dma_wait3A_2144 : memref<1x8x64xf32, #tpu.memory_space<vmem>> -> memref<8x64xf32, #tpu.memory_space<vmem>>
      %dma_wait3A_2146 = tpu.memref_reshape %arg4 : memref<1000000x64xf32, #tpu.memory_space<hbm>> -> memref<125000x8x64xf32, #tpu.memory_space<hbm>>
      %dma_wait3A_2147 = arith.constant 0 : i32
      %dma_wait3A_2148 = arith.constant 0 : i32
      %dma_wait3A_2149 = tpu.memref_slice %dma_wait3A_2146[%squeeze3A_870, %dma_wait3A_2147, %dma_wait3A_2148] : memref<125000x8x64xf32, #tpu.memory_space<hbm>> -> memref<1x8x64xf32, #tpu.memory_space<hbm>>
      %dma_wait3A_2150 = tpu.memref_squeeze %dma_wait3A_2149 : memref<1x8x64xf32, #tpu.memory_space<hbm>> -> memref<8x64xf32, #tpu.memory_space<hbm>>
      tpu.wait_dma2 semaphore(%arg11 : memref<!tpu.dma_semaphore, #tpu.memory_space<semaphore_mem>>) src(%dma_wait3A_2150 : memref<8x64xf32, #tpu.memory_space<hbm>>) dst(%dma_wait3A_2145 : memref<8x64xf32, #tpu.memory_space<vmem>>)
      %dma_wait3A_2151 = arith.constant 20 : i32
      %dma_wait3A_2152 = arith.constant 0 : i32
      %dma_wait3A_2153 = arith.constant 0 : i32
      %dma_wait3A_2154 = tpu.memref_slice %arg9[%dma_wait3A_2151, %dma_wait3A_2152, %dma_wait3A_2153] : memref<32x8x64xf32, #tpu.memory_space<vmem>> -> memref<1x8x64xf32, #tpu.memory_space<vmem>>
      %dma_wait3A_2155 = tpu.memref_squeeze %dma_wait3A_2154 : memref<1x8x64xf32, #tpu.memory_space<vmem>> -> memref<8x64xf32, #tpu.memory_space<vmem>>
      %dma_wait3A_2156 = tpu.memref_reshape %arg4 : memref<1000000x64xf32, #tpu.memory_space<hbm>> -> memref<125000x8x64xf32, #tpu.memory_space<hbm>>
      %dma_wait3A_2157 = arith.constant 0 : i32
      %dma_wait3A_2158 = arith.constant 0 : i32
      %dma_wait3A_2159 = tpu.memref_slice %dma_wait3A_2156[%squeeze3A_891, %dma_wait3A_2157, %dma_wait3A_2158] : memref<125000x8x64xf32, #tpu.memory_space<hbm>> -> memref<1x8x64xf32, #tpu.memory_space<hbm>>
      %dma_wait3A_2160 = tpu.memref_squeeze %dma_wait3A_2159 : memref<1x8x64xf32, #tpu.memory_space<hbm>> -> memref<8x64xf32, #tpu.memory_space<hbm>>
      %dma_wait3A_2161 = arith.constant 0 : i32
      %dma_wait3A_2162 = arith.constant 0 : i32
      %dma_wait3A_2163 = tpu.memref_slice %arg9[%dma_wait3A_2151, %dma_wait3A_2161, %dma_wait3A_2162] : memref<32x8x64xf32, #tpu.memory_space<vmem>> -> memref<1x8x64xf32, #tpu.memory_space<vmem>>
      %dma_wait3A_2164 = tpu.memref_squeeze %dma_wait3A_2163 : memref<1x8x64xf32, #tpu.memory_space<vmem>> -> memref<8x64xf32, #tpu.memory_space<vmem>>
      %dma_wait3A_2165 = tpu.memref_reshape %arg4 : memref<1000000x64xf32, #tpu.memory_space<hbm>> -> memref<125000x8x64xf32, #tpu.memory_space<hbm>>
      %dma_wait3A_2166 = arith.constant 0 : i32
      %dma_wait3A_2167 = arith.constant 0 : i32
      %dma_wait3A_2168 = tpu.memref_slice %dma_wait3A_2165[%squeeze3A_891, %dma_wait3A_2166, %dma_wait3A_2167] : memref<125000x8x64xf32, #tpu.memory_space<hbm>> -> memref<1x8x64xf32, #tpu.memory_space<hbm>>
      %dma_wait3A_2169 = tpu.memref_squeeze %dma_wait3A_2168 : memref<1x8x64xf32, #tpu.memory_space<hbm>> -> memref<8x64xf32, #tpu.memory_space<hbm>>
      tpu.wait_dma2 semaphore(%arg12 : memref<!tpu.dma_semaphore, #tpu.memory_space<semaphore_mem>>) src(%dma_wait3A_2169 : memref<8x64xf32, #tpu.memory_space<hbm>>) dst(%dma_wait3A_2164 : memref<8x64xf32, #tpu.memory_space<vmem>>)
      %dma_wait3A_2170 = arith.constant 21 : i32
      %dma_wait3A_2171 = arith.constant 0 : i32
      %dma_wait3A_2172 = arith.constant 0 : i32
      %dma_wait3A_2173 = tpu.memref_slice %arg8[%dma_wait3A_2170, %dma_wait3A_2171, %dma_wait3A_2172] : memref<32x8x64xf32, #tpu.memory_space<vmem>> -> memref<1x8x64xf32, #tpu.memory_space<vmem>>
      %dma_wait3A_2174 = tpu.memref_squeeze %dma_wait3A_2173 : memref<1x8x64xf32, #tpu.memory_space<vmem>> -> memref<8x64xf32, #tpu.memory_space<vmem>>
      %dma_wait3A_2175 = tpu.memref_reshape %arg4 : memref<1000000x64xf32, #tpu.memory_space<hbm>> -> memref<125000x8x64xf32, #tpu.memory_space<hbm>>
      %dma_wait3A_2176 = arith.constant 0 : i32
      %dma_wait3A_2177 = arith.constant 0 : i32
      %dma_wait3A_2178 = tpu.memref_slice %dma_wait3A_2175[%squeeze3A_912, %dma_wait3A_2176, %dma_wait3A_2177] : memref<125000x8x64xf32, #tpu.memory_space<hbm>> -> memref<1x8x64xf32, #tpu.memory_space<hbm>>
      %dma_wait3A_2179 = tpu.memref_squeeze %dma_wait3A_2178 : memref<1x8x64xf32, #tpu.memory_space<hbm>> -> memref<8x64xf32, #tpu.memory_space<hbm>>
      %dma_wait3A_2180 = arith.constant 0 : i32
      %dma_wait3A_2181 = arith.constant 0 : i32
      %dma_wait3A_2182 = tpu.memref_slice %arg8[%dma_wait3A_2170, %dma_wait3A_2180, %dma_wait3A_2181] : memref<32x8x64xf32, #tpu.memory_space<vmem>> -> memref<1x8x64xf32, #tpu.memory_space<vmem>>
      %dma_wait3A_2183 = tpu.memref_squeeze %dma_wait3A_2182 : memref<1x8x64xf32, #tpu.memory_space<vmem>> -> memref<8x64xf32, #tpu.memory_space<vmem>>
      %dma_wait3A_2184 = tpu.memref_reshape %arg4 : memref<1000000x64xf32, #tpu.memory_space<hbm>> -> memref<125000x8x64xf32, #tpu.memory_space<hbm>>
      %dma_wait3A_2185 = arith.constant 0 : i32
      %dma_wait3A_2186 = arith.constant 0 : i32
      %dma_wait3A_2187 = tpu.memref_slice %dma_wait3A_2184[%squeeze3A_912, %dma_wait3A_2185, %dma_wait3A_2186] : memref<125000x8x64xf32, #tpu.memory_space<hbm>> -> memref<1x8x64xf32, #tpu.memory_space<hbm>>
      %dma_wait3A_2188 = tpu.memref_squeeze %dma_wait3A_2187 : memref<1x8x64xf32, #tpu.memory_space<hbm>> -> memref<8x64xf32, #tpu.memory_space<hbm>>
      tpu.wait_dma2 semaphore(%arg11 : memref<!tpu.dma_semaphore, #tpu.memory_space<semaphore_mem>>) src(%dma_wait3A_2188 : memref<8x64xf32, #tpu.memory_space<hbm>>) dst(%dma_wait3A_2183 : memref<8x64xf32, #tpu.memory_space<vmem>>)
      %dma_wait3A_2189 = arith.constant 21 : i32
      %dma_wait3A_2190 = arith.constant 0 : i32
      %dma_wait3A_2191 = arith.constant 0 : i32
      %dma_wait3A_2192 = tpu.memref_slice %arg9[%dma_wait3A_2189, %dma_wait3A_2190, %dma_wait3A_2191] : memref<32x8x64xf32, #tpu.memory_space<vmem>> -> memref<1x8x64xf32, #tpu.memory_space<vmem>>
      %dma_wait3A_2193 = tpu.memref_squeeze %dma_wait3A_2192 : memref<1x8x64xf32, #tpu.memory_space<vmem>> -> memref<8x64xf32, #tpu.memory_space<vmem>>
      %dma_wait3A_2194 = tpu.memref_reshape %arg4 : memref<1000000x64xf32, #tpu.memory_space<hbm>> -> memref<125000x8x64xf32, #tpu.memory_space<hbm>>
      %dma_wait3A_2195 = arith.constant 0 : i32
      %dma_wait3A_2196 = arith.constant 0 : i32
      %dma_wait3A_2197 = tpu.memref_slice %dma_wait3A_2194[%squeeze3A_933, %dma_wait3A_2195, %dma_wait3A_2196] : memref<125000x8x64xf32, #tpu.memory_space<hbm>> -> memref<1x8x64xf32, #tpu.memory_space<hbm>>
      %dma_wait3A_2198 = tpu.memref_squeeze %dma_wait3A_2197 : memref<1x8x64xf32, #tpu.memory_space<hbm>> -> memref<8x64xf32, #tpu.memory_space<hbm>>
      %dma_wait3A_2199 = arith.constant 0 : i32
      %dma_wait3A_2200 = arith.constant 0 : i32
      %dma_wait3A_2201 = tpu.memref_slice %arg9[%dma_wait3A_2189, %dma_wait3A_2199, %dma_wait3A_2200] : memref<32x8x64xf32, #tpu.memory_space<vmem>> -> memref<1x8x64xf32, #tpu.memory_space<vmem>>
      %dma_wait3A_2202 = tpu.memref_squeeze %dma_wait3A_2201 : memref<1x8x64xf32, #tpu.memory_space<vmem>> -> memref<8x64xf32, #tpu.memory_space<vmem>>
      %dma_wait3A_2203 = tpu.memref_reshape %arg4 : memref<1000000x64xf32, #tpu.memory_space<hbm>> -> memref<125000x8x64xf32, #tpu.memory_space<hbm>>
      %dma_wait3A_2204 = arith.constant 0 : i32
      %dma_wait3A_2205 = arith.constant 0 : i32
      %dma_wait3A_2206 = tpu.memref_slice %dma_wait3A_2203[%squeeze3A_933, %dma_wait3A_2204, %dma_wait3A_2205] : memref<125000x8x64xf32, #tpu.memory_space<hbm>> -> memref<1x8x64xf32, #tpu.memory_space<hbm>>
      %dma_wait3A_2207 = tpu.memref_squeeze %dma_wait3A_2206 : memref<1x8x64xf32, #tpu.memory_space<hbm>> -> memref<8x64xf32, #tpu.memory_space<hbm>>
      tpu.wait_dma2 semaphore(%arg12 : memref<!tpu.dma_semaphore, #tpu.memory_space<semaphore_mem>>) src(%dma_wait3A_2207 : memref<8x64xf32, #tpu.memory_space<hbm>>) dst(%dma_wait3A_2202 : memref<8x64xf32, #tpu.memory_space<vmem>>)
      %dma_wait3A_2208 = arith.constant 22 : i32
      %dma_wait3A_2209 = arith.constant 0 : i32
      %dma_wait3A_2210 = arith.constant 0 : i32
      %dma_wait3A_2211 = tpu.memref_slice %arg8[%dma_wait3A_2208, %dma_wait3A_2209, %dma_wait3A_2210] : memref<32x8x64xf32, #tpu.memory_space<vmem>> -> memref<1x8x64xf32, #tpu.memory_space<vmem>>
      %dma_wait3A_2212 = tpu.memref_squeeze %dma_wait3A_2211 : memref<1x8x64xf32, #tpu.memory_space<vmem>> -> memref<8x64xf32, #tpu.memory_space<vmem>>
      %dma_wait3A_2213 = tpu.memref_reshape %arg4 : memref<1000000x64xf32, #tpu.memory_space<hbm>> -> memref<125000x8x64xf32, #tpu.memory_space<hbm>>
      %dma_wait3A_2214 = arith.constant 0 : i32
      %dma_wait3A_2215 = arith.constant 0 : i32
      %dma_wait3A_2216 = tpu.memref_slice %dma_wait3A_2213[%squeeze3A_954, %dma_wait3A_2214, %dma_wait3A_2215] : memref<125000x8x64xf32, #tpu.memory_space<hbm>> -> memref<1x8x64xf32, #tpu.memory_space<hbm>>
      %dma_wait3A_2217 = tpu.memref_squeeze %dma_wait3A_2216 : memref<1x8x64xf32, #tpu.memory_space<hbm>> -> memref<8x64xf32, #tpu.memory_space<hbm>>
      %dma_wait3A_2218 = arith.constant 0 : i32
      %dma_wait3A_2219 = arith.constant 0 : i32
      %dma_wait3A_2220 = tpu.memref_slice %arg8[%dma_wait3A_2208, %dma_wait3A_2218, %dma_wait3A_2219] : memref<32x8x64xf32, #tpu.memory_space<vmem>> -> memref<1x8x64xf32, #tpu.memory_space<vmem>>
      %dma_wait3A_2221 = tpu.memref_squeeze %dma_wait3A_2220 : memref<1x8x64xf32, #tpu.memory_space<vmem>> -> memref<8x64xf32, #tpu.memory_space<vmem>>
      %dma_wait3A_2222 = tpu.memref_reshape %arg4 : memref<1000000x64xf32, #tpu.memory_space<hbm>> -> memref<125000x8x64xf32, #tpu.memory_space<hbm>>
      %dma_wait3A_2223 = arith.constant 0 : i32
      %dma_wait3A_2224 = arith.constant 0 : i32
      %dma_wait3A_2225 = tpu.memref_slice %dma_wait3A_2222[%squeeze3A_954, %dma_wait3A_2223, %dma_wait3A_2224] : memref<125000x8x64xf32, #tpu.memory_space<hbm>> -> memref<1x8x64xf32, #tpu.memory_space<hbm>>
      %dma_wait3A_2226 = tpu.memref_squeeze %dma_wait3A_2225 : memref<1x8x64xf32, #tpu.memory_space<hbm>> -> memref<8x64xf32, #tpu.memory_space<hbm>>
      tpu.wait_dma2 semaphore(%arg11 : memref<!tpu.dma_semaphore, #tpu.memory_space<semaphore_mem>>) src(%dma_wait3A_2226 : memref<8x64xf32, #tpu.memory_space<hbm>>) dst(%dma_wait3A_2221 : memref<8x64xf32, #tpu.memory_space<vmem>>)
      %dma_wait3A_2227 = arith.constant 22 : i32
      %dma_wait3A_2228 = arith.constant 0 : i32
      %dma_wait3A_2229 = arith.constant 0 : i32
      %dma_wait3A_2230 = tpu.memref_slice %arg9[%dma_wait3A_2227, %dma_wait3A_2228, %dma_wait3A_2229] : memref<32x8x64xf32, #tpu.memory_space<vmem>> -> memref<1x8x64xf32, #tpu.memory_space<vmem>>
      %dma_wait3A_2231 = tpu.memref_squeeze %dma_wait3A_2230 : memref<1x8x64xf32, #tpu.memory_space<vmem>> -> memref<8x64xf32, #tpu.memory_space<vmem>>
      %dma_wait3A_2232 = tpu.memref_reshape %arg4 : memref<1000000x64xf32, #tpu.memory_space<hbm>> -> memref<125000x8x64xf32, #tpu.memory_space<hbm>>
      %dma_wait3A_2233 = arith.constant 0 : i32
      %dma_wait3A_2234 = arith.constant 0 : i32
      %dma_wait3A_2235 = tpu.memref_slice %dma_wait3A_2232[%squeeze3A_975, %dma_wait3A_2233, %dma_wait3A_2234] : memref<125000x8x64xf32, #tpu.memory_space<hbm>> -> memref<1x8x64xf32, #tpu.memory_space<hbm>>
      %dma_wait3A_2236 = tpu.memref_squeeze %dma_wait3A_2235 : memref<1x8x64xf32, #tpu.memory_space<hbm>> -> memref<8x64xf32, #tpu.memory_space<hbm>>
      %dma_wait3A_2237 = arith.constant 0 : i32
      %dma_wait3A_2238 = arith.constant 0 : i32
      %dma_wait3A_2239 = tpu.memref_slice %arg9[%dma_wait3A_2227, %dma_wait3A_2237, %dma_wait3A_2238] : memref<32x8x64xf32, #tpu.memory_space<vmem>> -> memref<1x8x64xf32, #tpu.memory_space<vmem>>
      %dma_wait3A_2240 = tpu.memref_squeeze %dma_wait3A_2239 : memref<1x8x64xf32, #tpu.memory_space<vmem>> -> memref<8x64xf32, #tpu.memory_space<vmem>>
      %dma_wait3A_2241 = tpu.memref_reshape %arg4 : memref<1000000x64xf32, #tpu.memory_space<hbm>> -> memref<125000x8x64xf32, #tpu.memory_space<hbm>>
      %dma_wait3A_2242 = arith.constant 0 : i32
      %dma_wait3A_2243 = arith.constant 0 : i32
      %dma_wait3A_2244 = tpu.memref_slice %dma_wait3A_2241[%squeeze3A_975, %dma_wait3A_2242, %dma_wait3A_2243] : memref<125000x8x64xf32, #tpu.memory_space<hbm>> -> memref<1x8x64xf32, #tpu.memory_space<hbm>>
      %dma_wait3A_2245 = tpu.memref_squeeze %dma_wait3A_2244 : memref<1x8x64xf32, #tpu.memory_space<hbm>> -> memref<8x64xf32, #tpu.memory_space<hbm>>
      tpu.wait_dma2 semaphore(%arg12 : memref<!tpu.dma_semaphore, #tpu.memory_space<semaphore_mem>>) src(%dma_wait3A_2245 : memref<8x64xf32, #tpu.memory_space<hbm>>) dst(%dma_wait3A_2240 : memref<8x64xf32, #tpu.memory_space<vmem>>)
      %dma_wait3A_2246 = arith.constant 23 : i32
      %dma_wait3A_2247 = arith.constant 0 : i32
      %dma_wait3A_2248 = arith.constant 0 : i32
      %dma_wait3A_2249 = tpu.memref_slice %arg8[%dma_wait3A_2246, %dma_wait3A_2247, %dma_wait3A_2248] : memref<32x8x64xf32, #tpu.memory_space<vmem>> -> memref<1x8x64xf32, #tpu.memory_space<vmem>>
      %dma_wait3A_2250 = tpu.memref_squeeze %dma_wait3A_2249 : memref<1x8x64xf32, #tpu.memory_space<vmem>> -> memref<8x64xf32, #tpu.memory_space<vmem>>
      %dma_wait3A_2251 = tpu.memref_reshape %arg4 : memref<1000000x64xf32, #tpu.memory_space<hbm>> -> memref<125000x8x64xf32, #tpu.memory_space<hbm>>
      %dma_wait3A_2252 = arith.constant 0 : i32
      %dma_wait3A_2253 = arith.constant 0 : i32
      %dma_wait3A_2254 = tpu.memref_slice %dma_wait3A_2251[%squeeze3A_996, %dma_wait3A_2252, %dma_wait3A_2253] : memref<125000x8x64xf32, #tpu.memory_space<hbm>> -> memref<1x8x64xf32, #tpu.memory_space<hbm>>
      %dma_wait3A_2255 = tpu.memref_squeeze %dma_wait3A_2254 : memref<1x8x64xf32, #tpu.memory_space<hbm>> -> memref<8x64xf32, #tpu.memory_space<hbm>>
      %dma_wait3A_2256 = arith.constant 0 : i32
      %dma_wait3A_2257 = arith.constant 0 : i32
      %dma_wait3A_2258 = tpu.memref_slice %arg8[%dma_wait3A_2246, %dma_wait3A_2256, %dma_wait3A_2257] : memref<32x8x64xf32, #tpu.memory_space<vmem>> -> memref<1x8x64xf32, #tpu.memory_space<vmem>>
      %dma_wait3A_2259 = tpu.memref_squeeze %dma_wait3A_2258 : memref<1x8x64xf32, #tpu.memory_space<vmem>> -> memref<8x64xf32, #tpu.memory_space<vmem>>
      %dma_wait3A_2260 = tpu.memref_reshape %arg4 : memref<1000000x64xf32, #tpu.memory_space<hbm>> -> memref<125000x8x64xf32, #tpu.memory_space<hbm>>
      %dma_wait3A_2261 = arith.constant 0 : i32
      %dma_wait3A_2262 = arith.constant 0 : i32
      %dma_wait3A_2263 = tpu.memref_slice %dma_wait3A_2260[%squeeze3A_996, %dma_wait3A_2261, %dma_wait3A_2262] : memref<125000x8x64xf32, #tpu.memory_space<hbm>> -> memref<1x8x64xf32, #tpu.memory_space<hbm>>
      %dma_wait3A_2264 = tpu.memref_squeeze %dma_wait3A_2263 : memref<1x8x64xf32, #tpu.memory_space<hbm>> -> memref<8x64xf32, #tpu.memory_space<hbm>>
      tpu.wait_dma2 semaphore(%arg11 : memref<!tpu.dma_semaphore, #tpu.memory_space<semaphore_mem>>) src(%dma_wait3A_2264 : memref<8x64xf32, #tpu.memory_space<hbm>>) dst(%dma_wait3A_2259 : memref<8x64xf32, #tpu.memory_space<vmem>>)
      %dma_wait3A_2265 = arith.constant 23 : i32
      %dma_wait3A_2266 = arith.constant 0 : i32
      %dma_wait3A_2267 = arith.constant 0 : i32
      %dma_wait3A_2268 = tpu.memref_slice %arg9[%dma_wait3A_2265, %dma_wait3A_2266, %dma_wait3A_2267] : memref<32x8x64xf32, #tpu.memory_space<vmem>> -> memref<1x8x64xf32, #tpu.memory_space<vmem>>
      %dma_wait3A_2269 = tpu.memref_squeeze %dma_wait3A_2268 : memref<1x8x64xf32, #tpu.memory_space<vmem>> -> memref<8x64xf32, #tpu.memory_space<vmem>>
      %dma_wait3A_2270 = tpu.memref_reshape %arg4 : memref<1000000x64xf32, #tpu.memory_space<hbm>> -> memref<125000x8x64xf32, #tpu.memory_space<hbm>>
      %dma_wait3A_2271 = arith.constant 0 : i32
      %dma_wait3A_2272 = arith.constant 0 : i32
      %dma_wait3A_2273 = tpu.memref_slice %dma_wait3A_2270[%squeeze3A_1017, %dma_wait3A_2271, %dma_wait3A_2272] : memref<125000x8x64xf32, #tpu.memory_space<hbm>> -> memref<1x8x64xf32, #tpu.memory_space<hbm>>
      %dma_wait3A_2274 = tpu.memref_squeeze %dma_wait3A_2273 : memref<1x8x64xf32, #tpu.memory_space<hbm>> -> memref<8x64xf32, #tpu.memory_space<hbm>>
      %dma_wait3A_2275 = arith.constant 0 : i32
      %dma_wait3A_2276 = arith.constant 0 : i32
      %dma_wait3A_2277 = tpu.memref_slice %arg9[%dma_wait3A_2265, %dma_wait3A_2275, %dma_wait3A_2276] : memref<32x8x64xf32, #tpu.memory_space<vmem>> -> memref<1x8x64xf32, #tpu.memory_space<vmem>>
      %dma_wait3A_2278 = tpu.memref_squeeze %dma_wait3A_2277 : memref<1x8x64xf32, #tpu.memory_space<vmem>> -> memref<8x64xf32, #tpu.memory_space<vmem>>
      %dma_wait3A_2279 = tpu.memref_reshape %arg4 : memref<1000000x64xf32, #tpu.memory_space<hbm>> -> memref<125000x8x64xf32, #tpu.memory_space<hbm>>
      %dma_wait3A_2280 = arith.constant 0 : i32
      %dma_wait3A_2281 = arith.constant 0 : i32
      %dma_wait3A_2282 = tpu.memref_slice %dma_wait3A_2279[%squeeze3A_1017, %dma_wait3A_2280, %dma_wait3A_2281] : memref<125000x8x64xf32, #tpu.memory_space<hbm>> -> memref<1x8x64xf32, #tpu.memory_space<hbm>>
      %dma_wait3A_2283 = tpu.memref_squeeze %dma_wait3A_2282 : memref<1x8x64xf32, #tpu.memory_space<hbm>> -> memref<8x64xf32, #tpu.memory_space<hbm>>
      tpu.wait_dma2 semaphore(%arg12 : memref<!tpu.dma_semaphore, #tpu.memory_space<semaphore_mem>>) src(%dma_wait3A_2283 : memref<8x64xf32, #tpu.memory_space<hbm>>) dst(%dma_wait3A_2278 : memref<8x64xf32, #tpu.memory_space<vmem>>)
      %dma_wait3A_2284 = arith.constant 24 : i32
      %dma_wait3A_2285 = arith.constant 0 : i32
      %dma_wait3A_2286 = arith.constant 0 : i32
      %dma_wait3A_2287 = tpu.memref_slice %arg8[%dma_wait3A_2284, %dma_wait3A_2285, %dma_wait3A_2286] : memref<32x8x64xf32, #tpu.memory_space<vmem>> -> memref<1x8x64xf32, #tpu.memory_space<vmem>>
      %dma_wait3A_2288 = tpu.memref_squeeze %dma_wait3A_2287 : memref<1x8x64xf32, #tpu.memory_space<vmem>> -> memref<8x64xf32, #tpu.memory_space<vmem>>
      %dma_wait3A_2289 = tpu.memref_reshape %arg4 : memref<1000000x64xf32, #tpu.memory_space<hbm>> -> memref<125000x8x64xf32, #tpu.memory_space<hbm>>
      %dma_wait3A_2290 = arith.constant 0 : i32
      %dma_wait3A_2291 = arith.constant 0 : i32
      %dma_wait3A_2292 = tpu.memref_slice %dma_wait3A_2289[%squeeze3A_1038, %dma_wait3A_2290, %dma_wait3A_2291] : memref<125000x8x64xf32, #tpu.memory_space<hbm>> -> memref<1x8x64xf32, #tpu.memory_space<hbm>>
      %dma_wait3A_2293 = tpu.memref_squeeze %dma_wait3A_2292 : memref<1x8x64xf32, #tpu.memory_space<hbm>> -> memref<8x64xf32, #tpu.memory_space<hbm>>
      %dma_wait3A_2294 = arith.constant 0 : i32
      %dma_wait3A_2295 = arith.constant 0 : i32
      %dma_wait3A_2296 = tpu.memref_slice %arg8[%dma_wait3A_2284, %dma_wait3A_2294, %dma_wait3A_2295] : memref<32x8x64xf32, #tpu.memory_space<vmem>> -> memref<1x8x64xf32, #tpu.memory_space<vmem>>
      %dma_wait3A_2297 = tpu.memref_squeeze %dma_wait3A_2296 : memref<1x8x64xf32, #tpu.memory_space<vmem>> -> memref<8x64xf32, #tpu.memory_space<vmem>>
      %dma_wait3A_2298 = tpu.memref_reshape %arg4 : memref<1000000x64xf32, #tpu.memory_space<hbm>> -> memref<125000x8x64xf32, #tpu.memory_space<hbm>>
      %dma_wait3A_2299 = arith.constant 0 : i32
      %dma_wait3A_2300 = arith.constant 0 : i32
      %dma_wait3A_2301 = tpu.memref_slice %dma_wait3A_2298[%squeeze3A_1038, %dma_wait3A_2299, %dma_wait3A_2300] : memref<125000x8x64xf32, #tpu.memory_space<hbm>> -> memref<1x8x64xf32, #tpu.memory_space<hbm>>
      %dma_wait3A_2302 = tpu.memref_squeeze %dma_wait3A_2301 : memref<1x8x64xf32, #tpu.memory_space<hbm>> -> memref<8x64xf32, #tpu.memory_space<hbm>>
      tpu.wait_dma2 semaphore(%arg11 : memref<!tpu.dma_semaphore, #tpu.memory_space<semaphore_mem>>) src(%dma_wait3A_2302 : memref<8x64xf32, #tpu.memory_space<hbm>>) dst(%dma_wait3A_2297 : memref<8x64xf32, #tpu.memory_space<vmem>>)
      %dma_wait3A_2303 = arith.constant 24 : i32
      %dma_wait3A_2304 = arith.constant 0 : i32
      %dma_wait3A_2305 = arith.constant 0 : i32
      %dma_wait3A_2306 = tpu.memref_slice %arg9[%dma_wait3A_2303, %dma_wait3A_2304, %dma_wait3A_2305] : memref<32x8x64xf32, #tpu.memory_space<vmem>> -> memref<1x8x64xf32, #tpu.memory_space<vmem>>
      %dma_wait3A_2307 = tpu.memref_squeeze %dma_wait3A_2306 : memref<1x8x64xf32, #tpu.memory_space<vmem>> -> memref<8x64xf32, #tpu.memory_space<vmem>>
      %dma_wait3A_2308 = tpu.memref_reshape %arg4 : memref<1000000x64xf32, #tpu.memory_space<hbm>> -> memref<125000x8x64xf32, #tpu.memory_space<hbm>>
      %dma_wait3A_2309 = arith.constant 0 : i32
      %dma_wait3A_2310 = arith.constant 0 : i32
      %dma_wait3A_2311 = tpu.memref_slice %dma_wait3A_2308[%squeeze3A_1059, %dma_wait3A_2309, %dma_wait3A_2310] : memref<125000x8x64xf32, #tpu.memory_space<hbm>> -> memref<1x8x64xf32, #tpu.memory_space<hbm>>
      %dma_wait3A_2312 = tpu.memref_squeeze %dma_wait3A_2311 : memref<1x8x64xf32, #tpu.memory_space<hbm>> -> memref<8x64xf32, #tpu.memory_space<hbm>>
      %dma_wait3A_2313 = arith.constant 0 : i32
      %dma_wait3A_2314 = arith.constant 0 : i32
      %dma_wait3A_2315 = tpu.memref_slice %arg9[%dma_wait3A_2303, %dma_wait3A_2313, %dma_wait3A_2314] : memref<32x8x64xf32, #tpu.memory_space<vmem>> -> memref<1x8x64xf32, #tpu.memory_space<vmem>>
      %dma_wait3A_2316 = tpu.memref_squeeze %dma_wait3A_2315 : memref<1x8x64xf32, #tpu.memory_space<vmem>> -> memref<8x64xf32, #tpu.memory_space<vmem>>
      %dma_wait3A_2317 = tpu.memref_reshape %arg4 : memref<1000000x64xf32, #tpu.memory_space<hbm>> -> memref<125000x8x64xf32, #tpu.memory_space<hbm>>
      %dma_wait3A_2318 = arith.constant 0 : i32
      %dma_wait3A_2319 = arith.constant 0 : i32
      %dma_wait3A_2320 = tpu.memref_slice %dma_wait3A_2317[%squeeze3A_1059, %dma_wait3A_2318, %dma_wait3A_2319] : memref<125000x8x64xf32, #tpu.memory_space<hbm>> -> memref<1x8x64xf32, #tpu.memory_space<hbm>>
      %dma_wait3A_2321 = tpu.memref_squeeze %dma_wait3A_2320 : memref<1x8x64xf32, #tpu.memory_space<hbm>> -> memref<8x64xf32, #tpu.memory_space<hbm>>
      tpu.wait_dma2 semaphore(%arg12 : memref<!tpu.dma_semaphore, #tpu.memory_space<semaphore_mem>>) src(%dma_wait3A_2321 : memref<8x64xf32, #tpu.memory_space<hbm>>) dst(%dma_wait3A_2316 : memref<8x64xf32, #tpu.memory_space<vmem>>)
      %dma_wait3A_2322 = arith.constant 25 : i32
      %dma_wait3A_2323 = arith.constant 0 : i32
      %dma_wait3A_2324 = arith.constant 0 : i32
      %dma_wait3A_2325 = tpu.memref_slice %arg8[%dma_wait3A_2322, %dma_wait3A_2323, %dma_wait3A_2324] : memref<32x8x64xf32, #tpu.memory_space<vmem>> -> memref<1x8x64xf32, #tpu.memory_space<vmem>>
      %dma_wait3A_2326 = tpu.memref_squeeze %dma_wait3A_2325 : memref<1x8x64xf32, #tpu.memory_space<vmem>> -> memref<8x64xf32, #tpu.memory_space<vmem>>
      %dma_wait3A_2327 = tpu.memref_reshape %arg4 : memref<1000000x64xf32, #tpu.memory_space<hbm>> -> memref<125000x8x64xf32, #tpu.memory_space<hbm>>
      %dma_wait3A_2328 = arith.constant 0 : i32
      %dma_wait3A_2329 = arith.constant 0 : i32
      %dma_wait3A_2330 = tpu.memref_slice %dma_wait3A_2327[%squeeze3A_1080, %dma_wait3A_2328, %dma_wait3A_2329] : memref<125000x8x64xf32, #tpu.memory_space<hbm>> -> memref<1x8x64xf32, #tpu.memory_space<hbm>>
      %dma_wait3A_2331 = tpu.memref_squeeze %dma_wait3A_2330 : memref<1x8x64xf32, #tpu.memory_space<hbm>> -> memref<8x64xf32, #tpu.memory_space<hbm>>
      %dma_wait3A_2332 = arith.constant 0 : i32
      %dma_wait3A_2333 = arith.constant 0 : i32
      %dma_wait3A_2334 = tpu.memref_slice %arg8[%dma_wait3A_2322, %dma_wait3A_2332, %dma_wait3A_2333] : memref<32x8x64xf32, #tpu.memory_space<vmem>> -> memref<1x8x64xf32, #tpu.memory_space<vmem>>
      %dma_wait3A_2335 = tpu.memref_squeeze %dma_wait3A_2334 : memref<1x8x64xf32, #tpu.memory_space<vmem>> -> memref<8x64xf32, #tpu.memory_space<vmem>>
      %dma_wait3A_2336 = tpu.memref_reshape %arg4 : memref<1000000x64xf32, #tpu.memory_space<hbm>> -> memref<125000x8x64xf32, #tpu.memory_space<hbm>>
      %dma_wait3A_2337 = arith.constant 0 : i32
      %dma_wait3A_2338 = arith.constant 0 : i32
      %dma_wait3A_2339 = tpu.memref_slice %dma_wait3A_2336[%squeeze3A_1080, %dma_wait3A_2337, %dma_wait3A_2338] : memref<125000x8x64xf32, #tpu.memory_space<hbm>> -> memref<1x8x64xf32, #tpu.memory_space<hbm>>
      %dma_wait3A_2340 = tpu.memref_squeeze %dma_wait3A_2339 : memref<1x8x64xf32, #tpu.memory_space<hbm>> -> memref<8x64xf32, #tpu.memory_space<hbm>>
      tpu.wait_dma2 semaphore(%arg11 : memref<!tpu.dma_semaphore, #tpu.memory_space<semaphore_mem>>) src(%dma_wait3A_2340 : memref<8x64xf32, #tpu.memory_space<hbm>>) dst(%dma_wait3A_2335 : memref<8x64xf32, #tpu.memory_space<vmem>>)
      %dma_wait3A_2341 = arith.constant 25 : i32
      %dma_wait3A_2342 = arith.constant 0 : i32
      %dma_wait3A_2343 = arith.constant 0 : i32
      %dma_wait3A_2344 = tpu.memref_slice %arg9[%dma_wait3A_2341, %dma_wait3A_2342, %dma_wait3A_2343] : memref<32x8x64xf32, #tpu.memory_space<vmem>> -> memref<1x8x64xf32, #tpu.memory_space<vmem>>
      %dma_wait3A_2345 = tpu.memref_squeeze %dma_wait3A_2344 : memref<1x8x64xf32, #tpu.memory_space<vmem>> -> memref<8x64xf32, #tpu.memory_space<vmem>>
      %dma_wait3A_2346 = tpu.memref_reshape %arg4 : memref<1000000x64xf32, #tpu.memory_space<hbm>> -> memref<125000x8x64xf32, #tpu.memory_space<hbm>>
      %dma_wait3A_2347 = arith.constant 0 : i32
      %dma_wait3A_2348 = arith.constant 0 : i32
      %dma_wait3A_2349 = tpu.memref_slice %dma_wait3A_2346[%squeeze3A_1101, %dma_wait3A_2347, %dma_wait3A_2348] : memref<125000x8x64xf32, #tpu.memory_space<hbm>> -> memref<1x8x64xf32, #tpu.memory_space<hbm>>
      %dma_wait3A_2350 = tpu.memref_squeeze %dma_wait3A_2349 : memref<1x8x64xf32, #tpu.memory_space<hbm>> -> memref<8x64xf32, #tpu.memory_space<hbm>>
      %dma_wait3A_2351 = arith.constant 0 : i32
      %dma_wait3A_2352 = arith.constant 0 : i32
      %dma_wait3A_2353 = tpu.memref_slice %arg9[%dma_wait3A_2341, %dma_wait3A_2351, %dma_wait3A_2352] : memref<32x8x64xf32, #tpu.memory_space<vmem>> -> memref<1x8x64xf32, #tpu.memory_space<vmem>>
      %dma_wait3A_2354 = tpu.memref_squeeze %dma_wait3A_2353 : memref<1x8x64xf32, #tpu.memory_space<vmem>> -> memref<8x64xf32, #tpu.memory_space<vmem>>
      %dma_wait3A_2355 = tpu.memref_reshape %arg4 : memref<1000000x64xf32, #tpu.memory_space<hbm>> -> memref<125000x8x64xf32, #tpu.memory_space<hbm>>
      %dma_wait3A_2356 = arith.constant 0 : i32
      %dma_wait3A_2357 = arith.constant 0 : i32
      %dma_wait3A_2358 = tpu.memref_slice %dma_wait3A_2355[%squeeze3A_1101, %dma_wait3A_2356, %dma_wait3A_2357] : memref<125000x8x64xf32, #tpu.memory_space<hbm>> -> memref<1x8x64xf32, #tpu.memory_space<hbm>>
      %dma_wait3A_2359 = tpu.memref_squeeze %dma_wait3A_2358 : memref<1x8x64xf32, #tpu.memory_space<hbm>> -> memref<8x64xf32, #tpu.memory_space<hbm>>
      tpu.wait_dma2 semaphore(%arg12 : memref<!tpu.dma_semaphore, #tpu.memory_space<semaphore_mem>>) src(%dma_wait3A_2359 : memref<8x64xf32, #tpu.memory_space<hbm>>) dst(%dma_wait3A_2354 : memref<8x64xf32, #tpu.memory_space<vmem>>)
      %dma_wait3A_2360 = arith.constant 26 : i32
      %dma_wait3A_2361 = arith.constant 0 : i32
      %dma_wait3A_2362 = arith.constant 0 : i32
      %dma_wait3A_2363 = tpu.memref_slice %arg8[%dma_wait3A_2360, %dma_wait3A_2361, %dma_wait3A_2362] : memref<32x8x64xf32, #tpu.memory_space<vmem>> -> memref<1x8x64xf32, #tpu.memory_space<vmem>>
      %dma_wait3A_2364 = tpu.memref_squeeze %dma_wait3A_2363 : memref<1x8x64xf32, #tpu.memory_space<vmem>> -> memref<8x64xf32, #tpu.memory_space<vmem>>
      %dma_wait3A_2365 = tpu.memref_reshape %arg4 : memref<1000000x64xf32, #tpu.memory_space<hbm>> -> memref<125000x8x64xf32, #tpu.memory_space<hbm>>
      %dma_wait3A_2366 = arith.constant 0 : i32
      %dma_wait3A_2367 = arith.constant 0 : i32
      %dma_wait3A_2368 = tpu.memref_slice %dma_wait3A_2365[%squeeze3A_1122, %dma_wait3A_2366, %dma_wait3A_2367] : memref<125000x8x64xf32, #tpu.memory_space<hbm>> -> memref<1x8x64xf32, #tpu.memory_space<hbm>>
      %dma_wait3A_2369 = tpu.memref_squeeze %dma_wait3A_2368 : memref<1x8x64xf32, #tpu.memory_space<hbm>> -> memref<8x64xf32, #tpu.memory_space<hbm>>
      %dma_wait3A_2370 = arith.constant 0 : i32
      %dma_wait3A_2371 = arith.constant 0 : i32
      %dma_wait3A_2372 = tpu.memref_slice %arg8[%dma_wait3A_2360, %dma_wait3A_2370, %dma_wait3A_2371] : memref<32x8x64xf32, #tpu.memory_space<vmem>> -> memref<1x8x64xf32, #tpu.memory_space<vmem>>
      %dma_wait3A_2373 = tpu.memref_squeeze %dma_wait3A_2372 : memref<1x8x64xf32, #tpu.memory_space<vmem>> -> memref<8x64xf32, #tpu.memory_space<vmem>>
      %dma_wait3A_2374 = tpu.memref_reshape %arg4 : memref<1000000x64xf32, #tpu.memory_space<hbm>> -> memref<125000x8x64xf32, #tpu.memory_space<hbm>>
      %dma_wait3A_2375 = arith.constant 0 : i32
      %dma_wait3A_2376 = arith.constant 0 : i32
      %dma_wait3A_2377 = tpu.memref_slice %dma_wait3A_2374[%squeeze3A_1122, %dma_wait3A_2375, %dma_wait3A_2376] : memref<125000x8x64xf32, #tpu.memory_space<hbm>> -> memref<1x8x64xf32, #tpu.memory_space<hbm>>
      %dma_wait3A_2378 = tpu.memref_squeeze %dma_wait3A_2377 : memref<1x8x64xf32, #tpu.memory_space<hbm>> -> memref<8x64xf32, #tpu.memory_space<hbm>>
      tpu.wait_dma2 semaphore(%arg11 : memref<!tpu.dma_semaphore, #tpu.memory_space<semaphore_mem>>) src(%dma_wait3A_2378 : memref<8x64xf32, #tpu.memory_space<hbm>>) dst(%dma_wait3A_2373 : memref<8x64xf32, #tpu.memory_space<vmem>>)
      %dma_wait3A_2379 = arith.constant 26 : i32
      %dma_wait3A_2380 = arith.constant 0 : i32
      %dma_wait3A_2381 = arith.constant 0 : i32
      %dma_wait3A_2382 = tpu.memref_slice %arg9[%dma_wait3A_2379, %dma_wait3A_2380, %dma_wait3A_2381] : memref<32x8x64xf32, #tpu.memory_space<vmem>> -> memref<1x8x64xf32, #tpu.memory_space<vmem>>
      %dma_wait3A_2383 = tpu.memref_squeeze %dma_wait3A_2382 : memref<1x8x64xf32, #tpu.memory_space<vmem>> -> memref<8x64xf32, #tpu.memory_space<vmem>>
      %dma_wait3A_2384 = tpu.memref_reshape %arg4 : memref<1000000x64xf32, #tpu.memory_space<hbm>> -> memref<125000x8x64xf32, #tpu.memory_space<hbm>>
      %dma_wait3A_2385 = arith.constant 0 : i32
      %dma_wait3A_2386 = arith.constant 0 : i32
      %dma_wait3A_2387 = tpu.memref_slice %dma_wait3A_2384[%squeeze3A_1143, %dma_wait3A_2385, %dma_wait3A_2386] : memref<125000x8x64xf32, #tpu.memory_space<hbm>> -> memref<1x8x64xf32, #tpu.memory_space<hbm>>
      %dma_wait3A_2388 = tpu.memref_squeeze %dma_wait3A_2387 : memref<1x8x64xf32, #tpu.memory_space<hbm>> -> memref<8x64xf32, #tpu.memory_space<hbm>>
      %dma_wait3A_2389 = arith.constant 0 : i32
      %dma_wait3A_2390 = arith.constant 0 : i32
      %dma_wait3A_2391 = tpu.memref_slice %arg9[%dma_wait3A_2379, %dma_wait3A_2389, %dma_wait3A_2390] : memref<32x8x64xf32, #tpu.memory_space<vmem>> -> memref<1x8x64xf32, #tpu.memory_space<vmem>>
      %dma_wait3A_2392 = tpu.memref_squeeze %dma_wait3A_2391 : memref<1x8x64xf32, #tpu.memory_space<vmem>> -> memref<8x64xf32, #tpu.memory_space<vmem>>
      %dma_wait3A_2393 = tpu.memref_reshape %arg4 : memref<1000000x64xf32, #tpu.memory_space<hbm>> -> memref<125000x8x64xf32, #tpu.memory_space<hbm>>
      %dma_wait3A_2394 = arith.constant 0 : i32
      %dma_wait3A_2395 = arith.constant 0 : i32
      %dma_wait3A_2396 = tpu.memref_slice %dma_wait3A_2393[%squeeze3A_1143, %dma_wait3A_2394, %dma_wait3A_2395] : memref<125000x8x64xf32, #tpu.memory_space<hbm>> -> memref<1x8x64xf32, #tpu.memory_space<hbm>>
      %dma_wait3A_2397 = tpu.memref_squeeze %dma_wait3A_2396 : memref<1x8x64xf32, #tpu.memory_space<hbm>> -> memref<8x64xf32, #tpu.memory_space<hbm>>
      tpu.wait_dma2 semaphore(%arg12 : memref<!tpu.dma_semaphore, #tpu.memory_space<semaphore_mem>>) src(%dma_wait3A_2397 : memref<8x64xf32, #tpu.memory_space<hbm>>) dst(%dma_wait3A_2392 : memref<8x64xf32, #tpu.memory_space<vmem>>)
      %dma_wait3A_2398 = arith.constant 27 : i32
      %dma_wait3A_2399 = arith.constant 0 : i32
      %dma_wait3A_2400 = arith.constant 0 : i32
      %dma_wait3A_2401 = tpu.memref_slice %arg8[%dma_wait3A_2398, %dma_wait3A_2399, %dma_wait3A_2400] : memref<32x8x64xf32, #tpu.memory_space<vmem>> -> memref<1x8x64xf32, #tpu.memory_space<vmem>>
      %dma_wait3A_2402 = tpu.memref_squeeze %dma_wait3A_2401 : memref<1x8x64xf32, #tpu.memory_space<vmem>> -> memref<8x64xf32, #tpu.memory_space<vmem>>
      %dma_wait3A_2403 = tpu.memref_reshape %arg4 : memref<1000000x64xf32, #tpu.memory_space<hbm>> -> memref<125000x8x64xf32, #tpu.memory_space<hbm>>
      %dma_wait3A_2404 = arith.constant 0 : i32
      %dma_wait3A_2405 = arith.constant 0 : i32
      %dma_wait3A_2406 = tpu.memref_slice %dma_wait3A_2403[%squeeze3A_1164, %dma_wait3A_2404, %dma_wait3A_2405] : memref<125000x8x64xf32, #tpu.memory_space<hbm>> -> memref<1x8x64xf32, #tpu.memory_space<hbm>>
      %dma_wait3A_2407 = tpu.memref_squeeze %dma_wait3A_2406 : memref<1x8x64xf32, #tpu.memory_space<hbm>> -> memref<8x64xf32, #tpu.memory_space<hbm>>
      %dma_wait3A_2408 = arith.constant 0 : i32
      %dma_wait3A_2409 = arith.constant 0 : i32
      %dma_wait3A_2410 = tpu.memref_slice %arg8[%dma_wait3A_2398, %dma_wait3A_2408, %dma_wait3A_2409] : memref<32x8x64xf32, #tpu.memory_space<vmem>> -> memref<1x8x64xf32, #tpu.memory_space<vmem>>
      %dma_wait3A_2411 = tpu.memref_squeeze %dma_wait3A_2410 : memref<1x8x64xf32, #tpu.memory_space<vmem>> -> memref<8x64xf32, #tpu.memory_space<vmem>>
      %dma_wait3A_2412 = tpu.memref_reshape %arg4 : memref<1000000x64xf32, #tpu.memory_space<hbm>> -> memref<125000x8x64xf32, #tpu.memory_space<hbm>>
      %dma_wait3A_2413 = arith.constant 0 : i32
      %dma_wait3A_2414 = arith.constant 0 : i32
      %dma_wait3A_2415 = tpu.memref_slice %dma_wait3A_2412[%squeeze3A_1164, %dma_wait3A_2413, %dma_wait3A_2414] : memref<125000x8x64xf32, #tpu.memory_space<hbm>> -> memref<1x8x64xf32, #tpu.memory_space<hbm>>
      %dma_wait3A_2416 = tpu.memref_squeeze %dma_wait3A_2415 : memref<1x8x64xf32, #tpu.memory_space<hbm>> -> memref<8x64xf32, #tpu.memory_space<hbm>>
      tpu.wait_dma2 semaphore(%arg11 : memref<!tpu.dma_semaphore, #tpu.memory_space<semaphore_mem>>) src(%dma_wait3A_2416 : memref<8x64xf32, #tpu.memory_space<hbm>>) dst(%dma_wait3A_2411 : memref<8x64xf32, #tpu.memory_space<vmem>>)
      %dma_wait3A_2417 = arith.constant 27 : i32
      %dma_wait3A_2418 = arith.constant 0 : i32
      %dma_wait3A_2419 = arith.constant 0 : i32
      %dma_wait3A_2420 = tpu.memref_slice %arg9[%dma_wait3A_2417, %dma_wait3A_2418, %dma_wait3A_2419] : memref<32x8x64xf32, #tpu.memory_space<vmem>> -> memref<1x8x64xf32, #tpu.memory_space<vmem>>
      %dma_wait3A_2421 = tpu.memref_squeeze %dma_wait3A_2420 : memref<1x8x64xf32, #tpu.memory_space<vmem>> -> memref<8x64xf32, #tpu.memory_space<vmem>>
      %dma_wait3A_2422 = tpu.memref_reshape %arg4 : memref<1000000x64xf32, #tpu.memory_space<hbm>> -> memref<125000x8x64xf32, #tpu.memory_space<hbm>>
      %dma_wait3A_2423 = arith.constant 0 : i32
      %dma_wait3A_2424 = arith.constant 0 : i32
      %dma_wait3A_2425 = tpu.memref_slice %dma_wait3A_2422[%squeeze3A_1185, %dma_wait3A_2423, %dma_wait3A_2424] : memref<125000x8x64xf32, #tpu.memory_space<hbm>> -> memref<1x8x64xf32, #tpu.memory_space<hbm>>
      %dma_wait3A_2426 = tpu.memref_squeeze %dma_wait3A_2425 : memref<1x8x64xf32, #tpu.memory_space<hbm>> -> memref<8x64xf32, #tpu.memory_space<hbm>>
      %dma_wait3A_2427 = arith.constant 0 : i32
      %dma_wait3A_2428 = arith.constant 0 : i32
      %dma_wait3A_2429 = tpu.memref_slice %arg9[%dma_wait3A_2417, %dma_wait3A_2427, %dma_wait3A_2428] : memref<32x8x64xf32, #tpu.memory_space<vmem>> -> memref<1x8x64xf32, #tpu.memory_space<vmem>>
      %dma_wait3A_2430 = tpu.memref_squeeze %dma_wait3A_2429 : memref<1x8x64xf32, #tpu.memory_space<vmem>> -> memref<8x64xf32, #tpu.memory_space<vmem>>
      %dma_wait3A_2431 = tpu.memref_reshape %arg4 : memref<1000000x64xf32, #tpu.memory_space<hbm>> -> memref<125000x8x64xf32, #tpu.memory_space<hbm>>
      %dma_wait3A_2432 = arith.constant 0 : i32
      %dma_wait3A_2433 = arith.constant 0 : i32
      %dma_wait3A_2434 = tpu.memref_slice %dma_wait3A_2431[%squeeze3A_1185, %dma_wait3A_2432, %dma_wait3A_2433] : memref<125000x8x64xf32, #tpu.memory_space<hbm>> -> memref<1x8x64xf32, #tpu.memory_space<hbm>>
      %dma_wait3A_2435 = tpu.memref_squeeze %dma_wait3A_2434 : memref<1x8x64xf32, #tpu.memory_space<hbm>> -> memref<8x64xf32, #tpu.memory_space<hbm>>
      tpu.wait_dma2 semaphore(%arg12 : memref<!tpu.dma_semaphore, #tpu.memory_space<semaphore_mem>>) src(%dma_wait3A_2435 : memref<8x64xf32, #tpu.memory_space<hbm>>) dst(%dma_wait3A_2430 : memref<8x64xf32, #tpu.memory_space<vmem>>)
      %dma_wait3A_2436 = arith.constant 28 : i32
      %dma_wait3A_2437 = arith.constant 0 : i32
      %dma_wait3A_2438 = arith.constant 0 : i32
      %dma_wait3A_2439 = tpu.memref_slice %arg8[%dma_wait3A_2436, %dma_wait3A_2437, %dma_wait3A_2438] : memref<32x8x64xf32, #tpu.memory_space<vmem>> -> memref<1x8x64xf32, #tpu.memory_space<vmem>>
      %dma_wait3A_2440 = tpu.memref_squeeze %dma_wait3A_2439 : memref<1x8x64xf32, #tpu.memory_space<vmem>> -> memref<8x64xf32, #tpu.memory_space<vmem>>
      %dma_wait3A_2441 = tpu.memref_reshape %arg4 : memref<1000000x64xf32, #tpu.memory_space<hbm>> -> memref<125000x8x64xf32, #tpu.memory_space<hbm>>
      %dma_wait3A_2442 = arith.constant 0 : i32
      %dma_wait3A_2443 = arith.constant 0 : i32
      %dma_wait3A_2444 = tpu.memref_slice %dma_wait3A_2441[%squeeze3A_1206, %dma_wait3A_2442, %dma_wait3A_2443] : memref<125000x8x64xf32, #tpu.memory_space<hbm>> -> memref<1x8x64xf32, #tpu.memory_space<hbm>>
      %dma_wait3A_2445 = tpu.memref_squeeze %dma_wait3A_2444 : memref<1x8x64xf32, #tpu.memory_space<hbm>> -> memref<8x64xf32, #tpu.memory_space<hbm>>
      %dma_wait3A_2446 = arith.constant 0 : i32
      %dma_wait3A_2447 = arith.constant 0 : i32
      %dma_wait3A_2448 = tpu.memref_slice %arg8[%dma_wait3A_2436, %dma_wait3A_2446, %dma_wait3A_2447] : memref<32x8x64xf32, #tpu.memory_space<vmem>> -> memref<1x8x64xf32, #tpu.memory_space<vmem>>
      %dma_wait3A_2449 = tpu.memref_squeeze %dma_wait3A_2448 : memref<1x8x64xf32, #tpu.memory_space<vmem>> -> memref<8x64xf32, #tpu.memory_space<vmem>>
      %dma_wait3A_2450 = tpu.memref_reshape %arg4 : memref<1000000x64xf32, #tpu.memory_space<hbm>> -> memref<125000x8x64xf32, #tpu.memory_space<hbm>>
      %dma_wait3A_2451 = arith.constant 0 : i32
      %dma_wait3A_2452 = arith.constant 0 : i32
      %dma_wait3A_2453 = tpu.memref_slice %dma_wait3A_2450[%squeeze3A_1206, %dma_wait3A_2451, %dma_wait3A_2452] : memref<125000x8x64xf32, #tpu.memory_space<hbm>> -> memref<1x8x64xf32, #tpu.memory_space<hbm>>
      %dma_wait3A_2454 = tpu.memref_squeeze %dma_wait3A_2453 : memref<1x8x64xf32, #tpu.memory_space<hbm>> -> memref<8x64xf32, #tpu.memory_space<hbm>>
      tpu.wait_dma2 semaphore(%arg11 : memref<!tpu.dma_semaphore, #tpu.memory_space<semaphore_mem>>) src(%dma_wait3A_2454 : memref<8x64xf32, #tpu.memory_space<hbm>>) dst(%dma_wait3A_2449 : memref<8x64xf32, #tpu.memory_space<vmem>>)
      %dma_wait3A_2455 = arith.constant 28 : i32
      %dma_wait3A_2456 = arith.constant 0 : i32
      %dma_wait3A_2457 = arith.constant 0 : i32
      %dma_wait3A_2458 = tpu.memref_slice %arg9[%dma_wait3A_2455, %dma_wait3A_2456, %dma_wait3A_2457] : memref<32x8x64xf32, #tpu.memory_space<vmem>> -> memref<1x8x64xf32, #tpu.memory_space<vmem>>
      %dma_wait3A_2459 = tpu.memref_squeeze %dma_wait3A_2458 : memref<1x8x64xf32, #tpu.memory_space<vmem>> -> memref<8x64xf32, #tpu.memory_space<vmem>>
      %dma_wait3A_2460 = tpu.memref_reshape %arg4 : memref<1000000x64xf32, #tpu.memory_space<hbm>> -> memref<125000x8x64xf32, #tpu.memory_space<hbm>>
      %dma_wait3A_2461 = arith.constant 0 : i32
      %dma_wait3A_2462 = arith.constant 0 : i32
      %dma_wait3A_2463 = tpu.memref_slice %dma_wait3A_2460[%squeeze3A_1227, %dma_wait3A_2461, %dma_wait3A_2462] : memref<125000x8x64xf32, #tpu.memory_space<hbm>> -> memref<1x8x64xf32, #tpu.memory_space<hbm>>
      %dma_wait3A_2464 = tpu.memref_squeeze %dma_wait3A_2463 : memref<1x8x64xf32, #tpu.memory_space<hbm>> -> memref<8x64xf32, #tpu.memory_space<hbm>>
      %dma_wait3A_2465 = arith.constant 0 : i32
      %dma_wait3A_2466 = arith.constant 0 : i32
      %dma_wait3A_2467 = tpu.memref_slice %arg9[%dma_wait3A_2455, %dma_wait3A_2465, %dma_wait3A_2466] : memref<32x8x64xf32, #tpu.memory_space<vmem>> -> memref<1x8x64xf32, #tpu.memory_space<vmem>>
      %dma_wait3A_2468 = tpu.memref_squeeze %dma_wait3A_2467 : memref<1x8x64xf32, #tpu.memory_space<vmem>> -> memref<8x64xf32, #tpu.memory_space<vmem>>
      %dma_wait3A_2469 = tpu.memref_reshape %arg4 : memref<1000000x64xf32, #tpu.memory_space<hbm>> -> memref<125000x8x64xf32, #tpu.memory_space<hbm>>
      %dma_wait3A_2470 = arith.constant 0 : i32
      %dma_wait3A_2471 = arith.constant 0 : i32
      %dma_wait3A_2472 = tpu.memref_slice %dma_wait3A_2469[%squeeze3A_1227, %dma_wait3A_2470, %dma_wait3A_2471] : memref<125000x8x64xf32, #tpu.memory_space<hbm>> -> memref<1x8x64xf32, #tpu.memory_space<hbm>>
      %dma_wait3A_2473 = tpu.memref_squeeze %dma_wait3A_2472 : memref<1x8x64xf32, #tpu.memory_space<hbm>> -> memref<8x64xf32, #tpu.memory_space<hbm>>
      tpu.wait_dma2 semaphore(%arg12 : memref<!tpu.dma_semaphore, #tpu.memory_space<semaphore_mem>>) src(%dma_wait3A_2473 : memref<8x64xf32, #tpu.memory_space<hbm>>) dst(%dma_wait3A_2468 : memref<8x64xf32, #tpu.memory_space<vmem>>)
      %dma_wait3A_2474 = arith.constant 29 : i32
      %dma_wait3A_2475 = arith.constant 0 : i32
      %dma_wait3A_2476 = arith.constant 0 : i32
      %dma_wait3A_2477 = tpu.memref_slice %arg8[%dma_wait3A_2474, %dma_wait3A_2475, %dma_wait3A_2476] : memref<32x8x64xf32, #tpu.memory_space<vmem>> -> memref<1x8x64xf32, #tpu.memory_space<vmem>>
      %dma_wait3A_2478 = tpu.memref_squeeze %dma_wait3A_2477 : memref<1x8x64xf32, #tpu.memory_space<vmem>> -> memref<8x64xf32, #tpu.memory_space<vmem>>
      %dma_wait3A_2479 = tpu.memref_reshape %arg4 : memref<1000000x64xf32, #tpu.memory_space<hbm>> -> memref<125000x8x64xf32, #tpu.memory_space<hbm>>
      %dma_wait3A_2480 = arith.constant 0 : i32
      %dma_wait3A_2481 = arith.constant 0 : i32
      %dma_wait3A_2482 = tpu.memref_slice %dma_wait3A_2479[%squeeze3A_1248, %dma_wait3A_2480, %dma_wait3A_2481] : memref<125000x8x64xf32, #tpu.memory_space<hbm>> -> memref<1x8x64xf32, #tpu.memory_space<hbm>>
      %dma_wait3A_2483 = tpu.memref_squeeze %dma_wait3A_2482 : memref<1x8x64xf32, #tpu.memory_space<hbm>> -> memref<8x64xf32, #tpu.memory_space<hbm>>
      %dma_wait3A_2484 = arith.constant 0 : i32
      %dma_wait3A_2485 = arith.constant 0 : i32
      %dma_wait3A_2486 = tpu.memref_slice %arg8[%dma_wait3A_2474, %dma_wait3A_2484, %dma_wait3A_2485] : memref<32x8x64xf32, #tpu.memory_space<vmem>> -> memref<1x8x64xf32, #tpu.memory_space<vmem>>
      %dma_wait3A_2487 = tpu.memref_squeeze %dma_wait3A_2486 : memref<1x8x64xf32, #tpu.memory_space<vmem>> -> memref<8x64xf32, #tpu.memory_space<vmem>>
      %dma_wait3A_2488 = tpu.memref_reshape %arg4 : memref<1000000x64xf32, #tpu.memory_space<hbm>> -> memref<125000x8x64xf32, #tpu.memory_space<hbm>>
      %dma_wait3A_2489 = arith.constant 0 : i32
      %dma_wait3A_2490 = arith.constant 0 : i32
      %dma_wait3A_2491 = tpu.memref_slice %dma_wait3A_2488[%squeeze3A_1248, %dma_wait3A_2489, %dma_wait3A_2490] : memref<125000x8x64xf32, #tpu.memory_space<hbm>> -> memref<1x8x64xf32, #tpu.memory_space<hbm>>
      %dma_wait3A_2492 = tpu.memref_squeeze %dma_wait3A_2491 : memref<1x8x64xf32, #tpu.memory_space<hbm>> -> memref<8x64xf32, #tpu.memory_space<hbm>>
      tpu.wait_dma2 semaphore(%arg11 : memref<!tpu.dma_semaphore, #tpu.memory_space<semaphore_mem>>) src(%dma_wait3A_2492 : memref<8x64xf32, #tpu.memory_space<hbm>>) dst(%dma_wait3A_2487 : memref<8x64xf32, #tpu.memory_space<vmem>>)
      %dma_wait3A_2493 = arith.constant 29 : i32
      %dma_wait3A_2494 = arith.constant 0 : i32
      %dma_wait3A_2495 = arith.constant 0 : i32
      %dma_wait3A_2496 = tpu.memref_slice %arg9[%dma_wait3A_2493, %dma_wait3A_2494, %dma_wait3A_2495] : memref<32x8x64xf32, #tpu.memory_space<vmem>> -> memref<1x8x64xf32, #tpu.memory_space<vmem>>
      %dma_wait3A_2497 = tpu.memref_squeeze %dma_wait3A_2496 : memref<1x8x64xf32, #tpu.memory_space<vmem>> -> memref<8x64xf32, #tpu.memory_space<vmem>>
      %dma_wait3A_2498 = tpu.memref_reshape %arg4 : memref<1000000x64xf32, #tpu.memory_space<hbm>> -> memref<125000x8x64xf32, #tpu.memory_space<hbm>>
      %dma_wait3A_2499 = arith.constant 0 : i32
      %dma_wait3A_2500 = arith.constant 0 : i32
      %dma_wait3A_2501 = tpu.memref_slice %dma_wait3A_2498[%squeeze3A_1269, %dma_wait3A_2499, %dma_wait3A_2500] : memref<125000x8x64xf32, #tpu.memory_space<hbm>> -> memref<1x8x64xf32, #tpu.memory_space<hbm>>
      %dma_wait3A_2502 = tpu.memref_squeeze %dma_wait3A_2501 : memref<1x8x64xf32, #tpu.memory_space<hbm>> -> memref<8x64xf32, #tpu.memory_space<hbm>>
      %dma_wait3A_2503 = arith.constant 0 : i32
      %dma_wait3A_2504 = arith.constant 0 : i32
      %dma_wait3A_2505 = tpu.memref_slice %arg9[%dma_wait3A_2493, %dma_wait3A_2503, %dma_wait3A_2504] : memref<32x8x64xf32, #tpu.memory_space<vmem>> -> memref<1x8x64xf32, #tpu.memory_space<vmem>>
      %dma_wait3A_2506 = tpu.memref_squeeze %dma_wait3A_2505 : memref<1x8x64xf32, #tpu.memory_space<vmem>> -> memref<8x64xf32, #tpu.memory_space<vmem>>
      %dma_wait3A_2507 = tpu.memref_reshape %arg4 : memref<1000000x64xf32, #tpu.memory_space<hbm>> -> memref<125000x8x64xf32, #tpu.memory_space<hbm>>
      %dma_wait3A_2508 = arith.constant 0 : i32
      %dma_wait3A_2509 = arith.constant 0 : i32
      %dma_wait3A_2510 = tpu.memref_slice %dma_wait3A_2507[%squeeze3A_1269, %dma_wait3A_2508, %dma_wait3A_2509] : memref<125000x8x64xf32, #tpu.memory_space<hbm>> -> memref<1x8x64xf32, #tpu.memory_space<hbm>>
      %dma_wait3A_2511 = tpu.memref_squeeze %dma_wait3A_2510 : memref<1x8x64xf32, #tpu.memory_space<hbm>> -> memref<8x64xf32, #tpu.memory_space<hbm>>
      tpu.wait_dma2 semaphore(%arg12 : memref<!tpu.dma_semaphore, #tpu.memory_space<semaphore_mem>>) src(%dma_wait3A_2511 : memref<8x64xf32, #tpu.memory_space<hbm>>) dst(%dma_wait3A_2506 : memref<8x64xf32, #tpu.memory_space<vmem>>)
      %dma_wait3A_2512 = arith.constant 30 : i32
      %dma_wait3A_2513 = arith.constant 0 : i32
      %dma_wait3A_2514 = arith.constant 0 : i32
      %dma_wait3A_2515 = tpu.memref_slice %arg8[%dma_wait3A_2512, %dma_wait3A_2513, %dma_wait3A_2514] : memref<32x8x64xf32, #tpu.memory_space<vmem>> -> memref<1x8x64xf32, #tpu.memory_space<vmem>>
      %dma_wait3A_2516 = tpu.memref_squeeze %dma_wait3A_2515 : memref<1x8x64xf32, #tpu.memory_space<vmem>> -> memref<8x64xf32, #tpu.memory_space<vmem>>
      %dma_wait3A_2517 = tpu.memref_reshape %arg4 : memref<1000000x64xf32, #tpu.memory_space<hbm>> -> memref<125000x8x64xf32, #tpu.memory_space<hbm>>
      %dma_wait3A_2518 = arith.constant 0 : i32
      %dma_wait3A_2519 = arith.constant 0 : i32
      %dma_wait3A_2520 = tpu.memref_slice %dma_wait3A_2517[%squeeze3A_1290, %dma_wait3A_2518, %dma_wait3A_2519] : memref<125000x8x64xf32, #tpu.memory_space<hbm>> -> memref<1x8x64xf32, #tpu.memory_space<hbm>>
      %dma_wait3A_2521 = tpu.memref_squeeze %dma_wait3A_2520 : memref<1x8x64xf32, #tpu.memory_space<hbm>> -> memref<8x64xf32, #tpu.memory_space<hbm>>
      %dma_wait3A_2522 = arith.constant 0 : i32
      %dma_wait3A_2523 = arith.constant 0 : i32
      %dma_wait3A_2524 = tpu.memref_slice %arg8[%dma_wait3A_2512, %dma_wait3A_2522, %dma_wait3A_2523] : memref<32x8x64xf32, #tpu.memory_space<vmem>> -> memref<1x8x64xf32, #tpu.memory_space<vmem>>
      %dma_wait3A_2525 = tpu.memref_squeeze %dma_wait3A_2524 : memref<1x8x64xf32, #tpu.memory_space<vmem>> -> memref<8x64xf32, #tpu.memory_space<vmem>>
      %dma_wait3A_2526 = tpu.memref_reshape %arg4 : memref<1000000x64xf32, #tpu.memory_space<hbm>> -> memref<125000x8x64xf32, #tpu.memory_space<hbm>>
      %dma_wait3A_2527 = arith.constant 0 : i32
      %dma_wait3A_2528 = arith.constant 0 : i32
      %dma_wait3A_2529 = tpu.memref_slice %dma_wait3A_2526[%squeeze3A_1290, %dma_wait3A_2527, %dma_wait3A_2528] : memref<125000x8x64xf32, #tpu.memory_space<hbm>> -> memref<1x8x64xf32, #tpu.memory_space<hbm>>
      %dma_wait3A_2530 = tpu.memref_squeeze %dma_wait3A_2529 : memref<1x8x64xf32, #tpu.memory_space<hbm>> -> memref<8x64xf32, #tpu.memory_space<hbm>>
      tpu.wait_dma2 semaphore(%arg11 : memref<!tpu.dma_semaphore, #tpu.memory_space<semaphore_mem>>) src(%dma_wait3A_2530 : memref<8x64xf32, #tpu.memory_space<hbm>>) dst(%dma_wait3A_2525 : memref<8x64xf32, #tpu.memory_space<vmem>>)
      %dma_wait3A_2531 = arith.constant 30 : i32
      %dma_wait3A_2532 = arith.constant 0 : i32
      %dma_wait3A_2533 = arith.constant 0 : i32
      %dma_wait3A_2534 = tpu.memref_slice %arg9[%dma_wait3A_2531, %dma_wait3A_2532, %dma_wait3A_2533] : memref<32x8x64xf32, #tpu.memory_space<vmem>> -> memref<1x8x64xf32, #tpu.memory_space<vmem>>
      %dma_wait3A_2535 = tpu.memref_squeeze %dma_wait3A_2534 : memref<1x8x64xf32, #tpu.memory_space<vmem>> -> memref<8x64xf32, #tpu.memory_space<vmem>>
      %dma_wait3A_2536 = tpu.memref_reshape %arg4 : memref<1000000x64xf32, #tpu.memory_space<hbm>> -> memref<125000x8x64xf32, #tpu.memory_space<hbm>>
      %dma_wait3A_2537 = arith.constant 0 : i32
      %dma_wait3A_2538 = arith.constant 0 : i32
      %dma_wait3A_2539 = tpu.memref_slice %dma_wait3A_2536[%squeeze3A_1311, %dma_wait3A_2537, %dma_wait3A_2538] : memref<125000x8x64xf32, #tpu.memory_space<hbm>> -> memref<1x8x64xf32, #tpu.memory_space<hbm>>
      %dma_wait3A_2540 = tpu.memref_squeeze %dma_wait3A_2539 : memref<1x8x64xf32, #tpu.memory_space<hbm>> -> memref<8x64xf32, #tpu.memory_space<hbm>>
      %dma_wait3A_2541 = arith.constant 0 : i32
      %dma_wait3A_2542 = arith.constant 0 : i32
      %dma_wait3A_2543 = tpu.memref_slice %arg9[%dma_wait3A_2531, %dma_wait3A_2541, %dma_wait3A_2542] : memref<32x8x64xf32, #tpu.memory_space<vmem>> -> memref<1x8x64xf32, #tpu.memory_space<vmem>>
      %dma_wait3A_2544 = tpu.memref_squeeze %dma_wait3A_2543 : memref<1x8x64xf32, #tpu.memory_space<vmem>> -> memref<8x64xf32, #tpu.memory_space<vmem>>
      %dma_wait3A_2545 = tpu.memref_reshape %arg4 : memref<1000000x64xf32, #tpu.memory_space<hbm>> -> memref<125000x8x64xf32, #tpu.memory_space<hbm>>
      %dma_wait3A_2546 = arith.constant 0 : i32
      %dma_wait3A_2547 = arith.constant 0 : i32
      %dma_wait3A_2548 = tpu.memref_slice %dma_wait3A_2545[%squeeze3A_1311, %dma_wait3A_2546, %dma_wait3A_2547] : memref<125000x8x64xf32, #tpu.memory_space<hbm>> -> memref<1x8x64xf32, #tpu.memory_space<hbm>>
      %dma_wait3A_2549 = tpu.memref_squeeze %dma_wait3A_2548 : memref<1x8x64xf32, #tpu.memory_space<hbm>> -> memref<8x64xf32, #tpu.memory_space<hbm>>
      tpu.wait_dma2 semaphore(%arg12 : memref<!tpu.dma_semaphore, #tpu.memory_space<semaphore_mem>>) src(%dma_wait3A_2549 : memref<8x64xf32, #tpu.memory_space<hbm>>) dst(%dma_wait3A_2544 : memref<8x64xf32, #tpu.memory_space<vmem>>)
      %dma_wait3A_2550 = arith.constant 31 : i32
      %dma_wait3A_2551 = arith.constant 0 : i32
      %dma_wait3A_2552 = arith.constant 0 : i32
      %dma_wait3A_2553 = tpu.memref_slice %arg8[%dma_wait3A_2550, %dma_wait3A_2551, %dma_wait3A_2552] : memref<32x8x64xf32, #tpu.memory_space<vmem>> -> memref<1x8x64xf32, #tpu.memory_space<vmem>>
      %dma_wait3A_2554 = tpu.memref_squeeze %dma_wait3A_2553 : memref<1x8x64xf32, #tpu.memory_space<vmem>> -> memref<8x64xf32, #tpu.memory_space<vmem>>
      %dma_wait3A_2555 = tpu.memref_reshape %arg4 : memref<1000000x64xf32, #tpu.memory_space<hbm>> -> memref<125000x8x64xf32, #tpu.memory_space<hbm>>
      %dma_wait3A_2556 = arith.constant 0 : i32
      %dma_wait3A_2557 = arith.constant 0 : i32
      %dma_wait3A_2558 = tpu.memref_slice %dma_wait3A_2555[%squeeze3A_1332, %dma_wait3A_2556, %dma_wait3A_2557] : memref<125000x8x64xf32, #tpu.memory_space<hbm>> -> memref<1x8x64xf32, #tpu.memory_space<hbm>>
      %dma_wait3A_2559 = tpu.memref_squeeze %dma_wait3A_2558 : memref<1x8x64xf32, #tpu.memory_space<hbm>> -> memref<8x64xf32, #tpu.memory_space<hbm>>
      %dma_wait3A_2560 = arith.constant 0 : i32
      %dma_wait3A_2561 = arith.constant 0 : i32
      %dma_wait3A_2562 = tpu.memref_slice %arg8[%dma_wait3A_2550, %dma_wait3A_2560, %dma_wait3A_2561] : memref<32x8x64xf32, #tpu.memory_space<vmem>> -> memref<1x8x64xf32, #tpu.memory_space<vmem>>
      %dma_wait3A_2563 = tpu.memref_squeeze %dma_wait3A_2562 : memref<1x8x64xf32, #tpu.memory_space<vmem>> -> memref<8x64xf32, #tpu.memory_space<vmem>>
      %dma_wait3A_2564 = tpu.memref_reshape %arg4 : memref<1000000x64xf32, #tpu.memory_space<hbm>> -> memref<125000x8x64xf32, #tpu.memory_space<hbm>>
      %dma_wait3A_2565 = arith.constant 0 : i32
      %dma_wait3A_2566 = arith.constant 0 : i32
      %dma_wait3A_2567 = tpu.memref_slice %dma_wait3A_2564[%squeeze3A_1332, %dma_wait3A_2565, %dma_wait3A_2566] : memref<125000x8x64xf32, #tpu.memory_space<hbm>> -> memref<1x8x64xf32, #tpu.memory_space<hbm>>
      %dma_wait3A_2568 = tpu.memref_squeeze %dma_wait3A_2567 : memref<1x8x64xf32, #tpu.memory_space<hbm>> -> memref<8x64xf32, #tpu.memory_space<hbm>>
      tpu.wait_dma2 semaphore(%arg11 : memref<!tpu.dma_semaphore, #tpu.memory_space<semaphore_mem>>) src(%dma_wait3A_2568 : memref<8x64xf32, #tpu.memory_space<hbm>>) dst(%dma_wait3A_2563 : memref<8x64xf32, #tpu.memory_space<vmem>>)
      %dma_wait3A_2569 = arith.constant 31 : i32
      %dma_wait3A_2570 = arith.constant 0 : i32
      %dma_wait3A_2571 = arith.constant 0 : i32
      %dma_wait3A_2572 = tpu.memref_slice %arg9[%dma_wait3A_2569, %dma_wait3A_2570, %dma_wait3A_2571] : memref<32x8x64xf32, #tpu.memory_space<vmem>> -> memref<1x8x64xf32, #tpu.memory_space<vmem>>
      %dma_wait3A_2573 = tpu.memref_squeeze %dma_wait3A_2572 : memref<1x8x64xf32, #tpu.memory_space<vmem>> -> memref<8x64xf32, #tpu.memory_space<vmem>>
      %dma_wait3A_2574 = tpu.memref_reshape %arg4 : memref<1000000x64xf32, #tpu.memory_space<hbm>> -> memref<125000x8x64xf32, #tpu.memory_space<hbm>>
      %dma_wait3A_2575 = arith.constant 0 : i32
      %dma_wait3A_2576 = arith.constant 0 : i32
      %dma_wait3A_2577 = tpu.memref_slice %dma_wait3A_2574[%squeeze3A_1353, %dma_wait3A_2575, %dma_wait3A_2576] : memref<125000x8x64xf32, #tpu.memory_space<hbm>> -> memref<1x8x64xf32, #tpu.memory_space<hbm>>
      %dma_wait3A_2578 = tpu.memref_squeeze %dma_wait3A_2577 : memref<1x8x64xf32, #tpu.memory_space<hbm>> -> memref<8x64xf32, #tpu.memory_space<hbm>>
      %dma_wait3A_2579 = arith.constant 0 : i32
      %dma_wait3A_2580 = arith.constant 0 : i32
      %dma_wait3A_2581 = tpu.memref_slice %arg9[%dma_wait3A_2569, %dma_wait3A_2579, %dma_wait3A_2580] : memref<32x8x64xf32, #tpu.memory_space<vmem>> -> memref<1x8x64xf32, #tpu.memory_space<vmem>>
      %dma_wait3A_2582 = tpu.memref_squeeze %dma_wait3A_2581 : memref<1x8x64xf32, #tpu.memory_space<vmem>> -> memref<8x64xf32, #tpu.memory_space<vmem>>
      %dma_wait3A_2583 = tpu.memref_reshape %arg4 : memref<1000000x64xf32, #tpu.memory_space<hbm>> -> memref<125000x8x64xf32, #tpu.memory_space<hbm>>
      %dma_wait3A_2584 = arith.constant 0 : i32
      %dma_wait3A_2585 = arith.constant 0 : i32
      %dma_wait3A_2586 = tpu.memref_slice %dma_wait3A_2583[%squeeze3A_1353, %dma_wait3A_2584, %dma_wait3A_2585] : memref<125000x8x64xf32, #tpu.memory_space<hbm>> -> memref<1x8x64xf32, #tpu.memory_space<hbm>>
      %dma_wait3A_2587 = tpu.memref_squeeze %dma_wait3A_2586 : memref<1x8x64xf32, #tpu.memory_space<hbm>> -> memref<8x64xf32, #tpu.memory_space<hbm>>
      tpu.wait_dma2 semaphore(%arg12 : memref<!tpu.dma_semaphore, #tpu.memory_space<semaphore_mem>>) src(%dma_wait3A_2587 : memref<8x64xf32, #tpu.memory_space<hbm>>) dst(%dma_wait3A_2582 : memref<8x64xf32, #tpu.memory_space<vmem>>)
      %broadcast_in_dim3A = arith.constant 0 : i32
      %broadcast_in_dim3A_2588 = vector.broadcast %broadcast_in_dim3A : i32 to vector<16xi32>
      %add3A_2589 = arith.addi %broadcast_in_dim3A_2588, %iota3A : vector<16xi32>
      %get3A_2590 = arith.constant 0 : index
      %get3A_2591 = tpu.vector_load %arg6[%get3A_2590] {strides = array<i32>} : memref<32xi32, #tpu.memory_space<vmem>>, vector<16xi32>,
      %and3A = arith.constant 7 : i32
      %and3A_2592 = vector.broadcast %and3A : i32 to vector<16xi32>
      %and3A_2593 = arith.andi %get3A_2591, %and3A_2592 : vector<16xi32>
      %get3A_2594 = arith.constant 0 : index
      %get3A_2595 = tpu.vector_load %arg7[%get3A_2594] {strides = array<i32>} : memref<32xi32, #tpu.memory_space<vmem>>, vector<16xi32>,
      %and3A_2596 = arith.constant 7 : i32
      %and3A_2597 = vector.broadcast %and3A_2596 : i32 to vector<16xi32>
      %and3A_2598 = arith.andi %get3A_2595, %and3A_2597 : vector<16xi32>
      %broadcast_in_dim3A_2599 = arith.constant 0.000000e+00 : f32
      %broadcast_in_dim3A_2600 = vector.broadcast %broadcast_in_dim3A_2599 : f32 to vector<16xf32>
      %scan3A_2601 = arith.constant 0 : i32
      %scan3A_2602 = arith.constant 8 : i32
      %scan3A_2603 = arith.addi %scan3A_2601, %scan3A_2602 : i32
      %scan3A_2604 = arith.constant 1 : i32
      %scan3A_2605 = scf.for %scan3A_2657 = %scan3A_2601 to %scan3A_2603 step %scan3A_2604 iter_args(%scan3A_2658 = %broadcast_in_dim3A_2600) -> (vector<16xf32>)  : i32 {
        %mul3A_2659 = arith.constant 8 : i32
        %mul3A_2660 = arith.muli %scan3A_2657, %mul3A_2659 : i32
        %add3A_2661 = arith.constant 0 : i32
        %add3A_2662 = arith.addi %mul3A_2660, %add3A_2661 : i32
        %broadcast_in_dim3A_2663 = vector.broadcast %add3A_2662 : i32 to vector<16xi32>
        %gather3A = tpu.vector_load_idx %arg8[%add3A_2589, %and3A_2593, %broadcast_in_dim3A_2663] : memref<32x8x64xf32, #tpu.memory_space<vmem>>[vector<16xi32>, vector<16xi32>, vector<16xi32>], vector<16xf32>,
        %gather3A_2664 = tpu.vector_load_idx %arg9[%add3A_2589, %and3A_2598, %broadcast_in_dim3A_2663] : memref<32x8x64xf32, #tpu.memory_space<vmem>>[vector<16xi32>, vector<16xi32>, vector<16xi32>], vector<16xf32>,
        %mul3A_2665 = arith.mulf %gather3A, %gather3A_2664 : vector<16xf32>
        %add3A_2666 = arith.addf %scan3A_2658, %mul3A_2665 : vector<16xf32>
        %mul3A_2667 = arith.constant 8 : i32
        %mul3A_2668 = arith.muli %scan3A_2657, %mul3A_2667 : i32
        %add3A_2669 = arith.constant 1 : i32
        %add3A_2670 = arith.addi %mul3A_2668, %add3A_2669 : i32
        %broadcast_in_dim3A_2671 = vector.broadcast %add3A_2670 : i32 to vector<16xi32>
        %gather3A_2672 = tpu.vector_load_idx %arg8[%add3A_2589, %and3A_2593, %broadcast_in_dim3A_2671] : memref<32x8x64xf32, #tpu.memory_space<vmem>>[vector<16xi32>, vector<16xi32>, vector<16xi32>], vector<16xf32>,
        %gather3A_2673 = tpu.vector_load_idx %arg9[%add3A_2589, %and3A_2598, %broadcast_in_dim3A_2671] : memref<32x8x64xf32, #tpu.memory_space<vmem>>[vector<16xi32>, vector<16xi32>, vector<16xi32>], vector<16xf32>,
        %mul3A_2674 = arith.mulf %gather3A_2672, %gather3A_2673 : vector<16xf32>
        %add3A_2675 = arith.addf %add3A_2666, %mul3A_2674 : vector<16xf32>
        %mul3A_2676 = arith.constant 8 : i32
        %mul3A_2677 = arith.muli %scan3A_2657, %mul3A_2676 : i32
        %add3A_2678 = arith.constant 2 : i32
        %add3A_2679 = arith.addi %mul3A_2677, %add3A_2678 : i32
        %broadcast_in_dim3A_2680 = vector.broadcast %add3A_2679 : i32 to vector<16xi32>
        %gather3A_2681 = tpu.vector_load_idx %arg8[%add3A_2589, %and3A_2593, %broadcast_in_dim3A_2680] : memref<32x8x64xf32, #tpu.memory_space<vmem>>[vector<16xi32>, vector<16xi32>, vector<16xi32>], vector<16xf32>,
        %gather3A_2682 = tpu.vector_load_idx %arg9[%add3A_2589, %and3A_2598, %broadcast_in_dim3A_2680] : memref<32x8x64xf32, #tpu.memory_space<vmem>>[vector<16xi32>, vector<16xi32>, vector<16xi32>], vector<16xf32>,
        %mul3A_2683 = arith.mulf %gather3A_2681, %gather3A_2682 : vector<16xf32>
        %add3A_2684 = arith.addf %add3A_2675, %mul3A_2683 : vector<16xf32>
        %mul3A_2685 = arith.constant 8 : i32
        %mul3A_2686 = arith.muli %scan3A_2657, %mul3A_2685 : i32
        %add3A_2687 = arith.constant 3 : i32
        %add3A_2688 = arith.addi %mul3A_2686, %add3A_2687 : i32
        %broadcast_in_dim3A_2689 = vector.broadcast %add3A_2688 : i32 to vector<16xi32>
        %gather3A_2690 = tpu.vector_load_idx %arg8[%add3A_2589, %and3A_2593, %broadcast_in_dim3A_2689] : memref<32x8x64xf32, #tpu.memory_space<vmem>>[vector<16xi32>, vector<16xi32>, vector<16xi32>], vector<16xf32>,
        %gather3A_2691 = tpu.vector_load_idx %arg9[%add3A_2589, %and3A_2598, %broadcast_in_dim3A_2689] : memref<32x8x64xf32, #tpu.memory_space<vmem>>[vector<16xi32>, vector<16xi32>, vector<16xi32>], vector<16xf32>,
        %mul3A_2692 = arith.mulf %gather3A_2690, %gather3A_2691 : vector<16xf32>
        %add3A_2693 = arith.addf %add3A_2684, %mul3A_2692 : vector<16xf32>
        %mul3A_2694 = arith.constant 8 : i32
        %mul3A_2695 = arith.muli %scan3A_2657, %mul3A_2694 : i32
        %add3A_2696 = arith.constant 4 : i32
        %add3A_2697 = arith.addi %mul3A_2695, %add3A_2696 : i32
        %broadcast_in_dim3A_2698 = vector.broadcast %add3A_2697 : i32 to vector<16xi32>
        %gather3A_2699 = tpu.vector_load_idx %arg8[%add3A_2589, %and3A_2593, %broadcast_in_dim3A_2698] : memref<32x8x64xf32, #tpu.memory_space<vmem>>[vector<16xi32>, vector<16xi32>, vector<16xi32>], vector<16xf32>,
        %gather3A_2700 = tpu.vector_load_idx %arg9[%add3A_2589, %and3A_2598, %broadcast_in_dim3A_2698] : memref<32x8x64xf32, #tpu.memory_space<vmem>>[vector<16xi32>, vector<16xi32>, vector<16xi32>], vector<16xf32>,
        %mul3A_2701 = arith.mulf %gather3A_2699, %gather3A_2700 : vector<16xf32>
        %add3A_2702 = arith.addf %add3A_2693, %mul3A_2701 : vector<16xf32>
        %mul3A_2703 = arith.constant 8 : i32
        %mul3A_2704 = arith.muli %scan3A_2657, %mul3A_2703 : i32
        %add3A_2705 = arith.constant 5 : i32
        %add3A_2706 = arith.addi %mul3A_2704, %add3A_2705 : i32
        %broadcast_in_dim3A_2707 = vector.broadcast %add3A_2706 : i32 to vector<16xi32>
        %gather3A_2708 = tpu.vector_load_idx %arg8[%add3A_2589, %and3A_2593, %broadcast_in_dim3A_2707] : memref<32x8x64xf32, #tpu.memory_space<vmem>>[vector<16xi32>, vector<16xi32>, vector<16xi32>], vector<16xf32>,
        %gather3A_2709 = tpu.vector_load_idx %arg9[%add3A_2589, %and3A_2598, %broadcast_in_dim3A_2707] : memref<32x8x64xf32, #tpu.memory_space<vmem>>[vector<16xi32>, vector<16xi32>, vector<16xi32>], vector<16xf32>,
        %mul3A_2710 = arith.mulf %gather3A_2708, %gather3A_2709 : vector<16xf32>
        %add3A_2711 = arith.addf %add3A_2702, %mul3A_2710 : vector<16xf32>
        %mul3A_2712 = arith.constant 8 : i32
        %mul3A_2713 = arith.muli %scan3A_2657, %mul3A_2712 : i32
        %add3A_2714 = arith.constant 6 : i32
        %add3A_2715 = arith.addi %mul3A_2713, %add3A_2714 : i32
        %broadcast_in_dim3A_2716 = vector.broadcast %add3A_2715 : i32 to vector<16xi32>
        %gather3A_2717 = tpu.vector_load_idx %arg8[%add3A_2589, %and3A_2593, %broadcast_in_dim3A_2716] : memref<32x8x64xf32, #tpu.memory_space<vmem>>[vector<16xi32>, vector<16xi32>, vector<16xi32>], vector<16xf32>,
        %gather3A_2718 = tpu.vector_load_idx %arg9[%add3A_2589, %and3A_2598, %broadcast_in_dim3A_2716] : memref<32x8x64xf32, #tpu.memory_space<vmem>>[vector<16xi32>, vector<16xi32>, vector<16xi32>], vector<16xf32>,
        %mul3A_2719 = arith.mulf %gather3A_2717, %gather3A_2718 : vector<16xf32>
        %add3A_2720 = arith.addf %add3A_2711, %mul3A_2719 : vector<16xf32>
        %mul3A_2721 = arith.constant 8 : i32
        %mul3A_2722 = arith.muli %scan3A_2657, %mul3A_2721 : i32
        %add3A_2723 = arith.constant 7 : i32
        %add3A_2724 = arith.addi %mul3A_2722, %add3A_2723 : i32
        %broadcast_in_dim3A_2725 = vector.broadcast %add3A_2724 : i32 to vector<16xi32>
        %gather3A_2726 = tpu.vector_load_idx %arg8[%add3A_2589, %and3A_2593, %broadcast_in_dim3A_2725] : memref<32x8x64xf32, #tpu.memory_space<vmem>>[vector<16xi32>, vector<16xi32>, vector<16xi32>], vector<16xf32>,
        %gather3A_2727 = tpu.vector_load_idx %arg9[%add3A_2589, %and3A_2598, %broadcast_in_dim3A_2725] : memref<32x8x64xf32, #tpu.memory_space<vmem>>[vector<16xi32>, vector<16xi32>, vector<16xi32>], vector<16xf32>,
        %mul3A_2728 = arith.mulf %gather3A_2726, %gather3A_2727 : vector<16xf32>
        %add3A_2729 = arith.addf %add3A_2720, %mul3A_2728 : vector<16xf32>
        scf.yield %add3A_2729 : vector<16xf32>
      }
      %scan3A_2606 = arith.constant 8 : i32
      %neg3A = arith.constant 0.000000e+00 : f32
      %neg3A_2607 = vector.broadcast %neg3A : f32 to vector<16xf32>
      %neg3A_2608 = arith.subf %neg3A_2607, %scan3A_2605 : vector<16xf32>
      %exp3A = math.exp %neg3A_2608 : vector<16xf32>
      %add3A_2609 = arith.constant 1.000000e+00 : f32
      %add3A_2610 = vector.broadcast %add3A_2609 : f32 to vector<16xf32>
      %add3A_2611 = arith.addf %add3A_2610, %exp3A : vector<16xf32>
      %div3A = arith.constant 1.000000e+00 : f32
      %div3A_2612 = vector.broadcast %div3A : f32 to vector<16xf32>
      %div3A_2613 = arith.divf %div3A_2612, %add3A_2611 : vector<16xf32>
      %mul3A_2614 = arith.constant 32 : i32
      %mul3A_2615 = arith.muli %scan3A_9, %mul3A_2614 : i32
      %add3A_2616 = arith.constant 0 : i32
      %add3A_2617 = arith.addi %mul3A_2615, %add3A_2616 : i32
      %swap3A = arith.index_cast %add3A_2617 : i32 to index
      %swap3A_2618 = tpu.vector_load %arg10[%swap3A] {strides = array<i32>} : memref<512xf32, #tpu.memory_space<vmem>>, vector<16xf32>,
      tpu.vector_store %arg10[%swap3A], %div3A_2613 {strides = array<i32>} : memref<512xf32, #tpu.memory_space<vmem>>, vector<16xf32>,
      %broadcast_in_dim3A_2619 = arith.constant 16 : i32
      %broadcast_in_dim3A_2620 = vector.broadcast %broadcast_in_dim3A_2619 : i32 to vector<16xi32>
      %add3A_2621 = arith.addi %broadcast_in_dim3A_2620, %iota3A : vector<16xi32>
      %get3A_2622 = arith.constant 16 : index
      %get3A_2623 = tpu.vector_load %arg6[%get3A_2622] {strides = array<i32>} : memref<32xi32, #tpu.memory_space<vmem>>, vector<16xi32>,
      %and3A_2624 = arith.constant 7 : i32
      %and3A_2625 = vector.broadcast %and3A_2624 : i32 to vector<16xi32>
      %and3A_2626 = arith.andi %get3A_2623, %and3A_2625 : vector<16xi32>
      %get3A_2627 = arith.constant 16 : index
      %get3A_2628 = tpu.vector_load %arg7[%get3A_2627] {strides = array<i32>} : memref<32xi32, #tpu.memory_space<vmem>>, vector<16xi32>,
      %and3A_2629 = arith.constant 7 : i32
      %and3A_2630 = vector.broadcast %and3A_2629 : i32 to vector<16xi32>
      %and3A_2631 = arith.andi %get3A_2628, %and3A_2630 : vector<16xi32>
      %broadcast_in_dim3A_2632 = arith.constant 0.000000e+00 : f32
      %broadcast_in_dim3A_2633 = vector.broadcast %broadcast_in_dim3A_2632 : f32 to vector<16xf32>
      %scan3A_2634 = arith.constant 0 : i32
      %scan3A_2635 = arith.constant 8 : i32
      %scan3A_2636 = arith.addi %scan3A_2634, %scan3A_2635 : i32
      %scan3A_2637 = arith.constant 1 : i32
      %scan3A_2638 = scf.for %scan3A_2657 = %scan3A_2634 to %scan3A_2636 step %scan3A_2637 iter_args(%scan3A_2658 = %broadcast_in_dim3A_2633) -> (vector<16xf32>)  : i32 {
        %mul3A_2659 = arith.constant 8 : i32
        %mul3A_2660 = arith.muli %scan3A_2657, %mul3A_2659 : i32
        %add3A_2661 = arith.constant 0 : i32
        %add3A_2662 = arith.addi %mul3A_2660, %add3A_2661 : i32
        %broadcast_in_dim3A_2663 = vector.broadcast %add3A_2662 : i32 to vector<16xi32>
        %gather3A = tpu.vector_load_idx %arg8[%add3A_2621, %and3A_2626, %broadcast_in_dim3A_2663] : memref<32x8x64xf32, #tpu.memory_space<vmem>>[vector<16xi32>, vector<16xi32>, vector<16xi32>], vector<16xf32>,
        %gather3A_2664 = tpu.vector_load_idx %arg9[%add3A_2621, %and3A_2631, %broadcast_in_dim3A_2663] : memref<32x8x64xf32, #tpu.memory_space<vmem>>[vector<16xi32>, vector<16xi32>, vector<16xi32>], vector<16xf32>,
        %mul3A_2665 = arith.mulf %gather3A, %gather3A_2664 : vector<16xf32>
        %add3A_2666 = arith.addf %scan3A_2658, %mul3A_2665 : vector<16xf32>
        %mul3A_2667 = arith.constant 8 : i32
        %mul3A_2668 = arith.muli %scan3A_2657, %mul3A_2667 : i32
        %add3A_2669 = arith.constant 1 : i32
        %add3A_2670 = arith.addi %mul3A_2668, %add3A_2669 : i32
        %broadcast_in_dim3A_2671 = vector.broadcast %add3A_2670 : i32 to vector<16xi32>
        %gather3A_2672 = tpu.vector_load_idx %arg8[%add3A_2621, %and3A_2626, %broadcast_in_dim3A_2671] : memref<32x8x64xf32, #tpu.memory_space<vmem>>[vector<16xi32>, vector<16xi32>, vector<16xi32>], vector<16xf32>,
        %gather3A_2673 = tpu.vector_load_idx %arg9[%add3A_2621, %and3A_2631, %broadcast_in_dim3A_2671] : memref<32x8x64xf32, #tpu.memory_space<vmem>>[vector<16xi32>, vector<16xi32>, vector<16xi32>], vector<16xf32>,
        %mul3A_2674 = arith.mulf %gather3A_2672, %gather3A_2673 : vector<16xf32>
        %add3A_2675 = arith.addf %add3A_2666, %mul3A_2674 : vector<16xf32>
        %mul3A_2676 = arith.constant 8 : i32
        %mul3A_2677 = arith.muli %scan3A_2657, %mul3A_2676 : i32
        %add3A_2678 = arith.constant 2 : i32
        %add3A_2679 = arith.addi %mul3A_2677, %add3A_2678 : i32
        %broadcast_in_dim3A_2680 = vector.broadcast %add3A_2679 : i32 to vector<16xi32>
        %gather3A_2681 = tpu.vector_load_idx %arg8[%add3A_2621, %and3A_2626, %broadcast_in_dim3A_2680] : memref<32x8x64xf32, #tpu.memory_space<vmem>>[vector<16xi32>, vector<16xi32>, vector<16xi32>], vector<16xf32>,
        %gather3A_2682 = tpu.vector_load_idx %arg9[%add3A_2621, %and3A_2631, %broadcast_in_dim3A_2680] : memref<32x8x64xf32, #tpu.memory_space<vmem>>[vector<16xi32>, vector<16xi32>, vector<16xi32>], vector<16xf32>,
        %mul3A_2683 = arith.mulf %gather3A_2681, %gather3A_2682 : vector<16xf32>
        %add3A_2684 = arith.addf %add3A_2675, %mul3A_2683 : vector<16xf32>
        %mul3A_2685 = arith.constant 8 : i32
        %mul3A_2686 = arith.muli %scan3A_2657, %mul3A_2685 : i32
        %add3A_2687 = arith.constant 3 : i32
        %add3A_2688 = arith.addi %mul3A_2686, %add3A_2687 : i32
        %broadcast_in_dim3A_2689 = vector.broadcast %add3A_2688 : i32 to vector<16xi32>
        %gather3A_2690 = tpu.vector_load_idx %arg8[%add3A_2621, %and3A_2626, %broadcast_in_dim3A_2689] : memref<32x8x64xf32, #tpu.memory_space<vmem>>[vector<16xi32>, vector<16xi32>, vector<16xi32>], vector<16xf32>,
        %gather3A_2691 = tpu.vector_load_idx %arg9[%add3A_2621, %and3A_2631, %broadcast_in_dim3A_2689] : memref<32x8x64xf32, #tpu.memory_space<vmem>>[vector<16xi32>, vector<16xi32>, vector<16xi32>], vector<16xf32>,
        %mul3A_2692 = arith.mulf %gather3A_2690, %gather3A_2691 : vector<16xf32>
        %add3A_2693 = arith.addf %add3A_2684, %mul3A_2692 : vector<16xf32>
        %mul3A_2694 = arith.constant 8 : i32
        %mul3A_2695 = arith.muli %scan3A_2657, %mul3A_2694 : i32
        %add3A_2696 = arith.constant 4 : i32
        %add3A_2697 = arith.addi %mul3A_2695, %add3A_2696 : i32
        %broadcast_in_dim3A_2698 = vector.broadcast %add3A_2697 : i32 to vector<16xi32>
        %gather3A_2699 = tpu.vector_load_idx %arg8[%add3A_2621, %and3A_2626, %broadcast_in_dim3A_2698] : memref<32x8x64xf32, #tpu.memory_space<vmem>>[vector<16xi32>, vector<16xi32>, vector<16xi32>], vector<16xf32>,
        %gather3A_2700 = tpu.vector_load_idx %arg9[%add3A_2621, %and3A_2631, %broadcast_in_dim3A_2698] : memref<32x8x64xf32, #tpu.memory_space<vmem>>[vector<16xi32>, vector<16xi32>, vector<16xi32>], vector<16xf32>,
        %mul3A_2701 = arith.mulf %gather3A_2699, %gather3A_2700 : vector<16xf32>
        %add3A_2702 = arith.addf %add3A_2693, %mul3A_2701 : vector<16xf32>
        %mul3A_2703 = arith.constant 8 : i32
        %mul3A_2704 = arith.muli %scan3A_2657, %mul3A_2703 : i32
        %add3A_2705 = arith.constant 5 : i32
        %add3A_2706 = arith.addi %mul3A_2704, %add3A_2705 : i32
        %broadcast_in_dim3A_2707 = vector.broadcast %add3A_2706 : i32 to vector<16xi32>
        %gather3A_2708 = tpu.vector_load_idx %arg8[%add3A_2621, %and3A_2626, %broadcast_in_dim3A_2707] : memref<32x8x64xf32, #tpu.memory_space<vmem>>[vector<16xi32>, vector<16xi32>, vector<16xi32>], vector<16xf32>,
        %gather3A_2709 = tpu.vector_load_idx %arg9[%add3A_2621, %and3A_2631, %broadcast_in_dim3A_2707] : memref<32x8x64xf32, #tpu.memory_space<vmem>>[vector<16xi32>, vector<16xi32>, vector<16xi32>], vector<16xf32>,
        %mul3A_2710 = arith.mulf %gather3A_2708, %gather3A_2709 : vector<16xf32>
        %add3A_2711 = arith.addf %add3A_2702, %mul3A_2710 : vector<16xf32>
        %mul3A_2712 = arith.constant 8 : i32
        %mul3A_2713 = arith.muli %scan3A_2657, %mul3A_2712 : i32
        %add3A_2714 = arith.constant 6 : i32
        %add3A_2715 = arith.addi %mul3A_2713, %add3A_2714 : i32
        %broadcast_in_dim3A_2716 = vector.broadcast %add3A_2715 : i32 to vector<16xi32>
        %gather3A_2717 = tpu.vector_load_idx %arg8[%add3A_2621, %and3A_2626, %broadcast_in_dim3A_2716] : memref<32x8x64xf32, #tpu.memory_space<vmem>>[vector<16xi32>, vector<16xi32>, vector<16xi32>], vector<16xf32>,
        %gather3A_2718 = tpu.vector_load_idx %arg9[%add3A_2621, %and3A_2631, %broadcast_in_dim3A_2716] : memref<32x8x64xf32, #tpu.memory_space<vmem>>[vector<16xi32>, vector<16xi32>, vector<16xi32>], vector<16xf32>,
        %mul3A_2719 = arith.mulf %gather3A_2717, %gather3A_2718 : vector<16xf32>
        %add3A_2720 = arith.addf %add3A_2711, %mul3A_2719 : vector<16xf32>
        %mul3A_2721 = arith.constant 8 : i32
        %mul3A_2722 = arith.muli %scan3A_2657, %mul3A_2721 : i32
        %add3A_2723 = arith.constant 7 : i32
        %add3A_2724 = arith.addi %mul3A_2722, %add3A_2723 : i32
        %broadcast_in_dim3A_2725 = vector.broadcast %add3A_2724 : i32 to vector<16xi32>
        %gather3A_2726 = tpu.vector_load_idx %arg8[%add3A_2621, %and3A_2626, %broadcast_in_dim3A_2725] : memref<32x8x64xf32, #tpu.memory_space<vmem>>[vector<16xi32>, vector<16xi32>, vector<16xi32>], vector<16xf32>,
        %gather3A_2727 = tpu.vector_load_idx %arg9[%add3A_2621, %and3A_2631, %broadcast_in_dim3A_2725] : memref<32x8x64xf32, #tpu.memory_space<vmem>>[vector<16xi32>, vector<16xi32>, vector<16xi32>], vector<16xf32>,
        %mul3A_2728 = arith.mulf %gather3A_2726, %gather3A_2727 : vector<16xf32>
        %add3A_2729 = arith.addf %add3A_2720, %mul3A_2728 : vector<16xf32>
        scf.yield %add3A_2729 : vector<16xf32>
      }
      %scan3A_2639 = arith.constant 8 : i32
      %neg3A_2640 = arith.constant 0.000000e+00 : f32
      %neg3A_2641 = vector.broadcast %neg3A_2640 : f32 to vector<16xf32>
      %neg3A_2642 = arith.subf %neg3A_2641, %scan3A_2638 : vector<16xf32>
      %exp3A_2643 = math.exp %neg3A_2642 : vector<16xf32>
      %add3A_2644 = arith.constant 1.000000e+00 : f32
      %add3A_2645 = vector.broadcast %add3A_2644 : f32 to vector<16xf32>
      %add3A_2646 = arith.addf %add3A_2645, %exp3A_2643 : vector<16xf32>
      %div3A_2647 = arith.constant 1.000000e+00 : f32
      %div3A_2648 = vector.broadcast %div3A_2647 : f32 to vector<16xf32>
      %div3A_2649 = arith.divf %div3A_2648, %add3A_2646 : vector<16xf32>
      %mul3A_2650 = arith.constant 32 : i32
      %mul3A_2651 = arith.muli %scan3A_9, %mul3A_2650 : i32
      %add3A_2652 = arith.constant 16 : i32
      %add3A_2653 = arith.addi %mul3A_2651, %add3A_2652 : i32
      %swap3A_2654 = arith.index_cast %add3A_2653 : i32 to index
      %swap3A_2655 = tpu.vector_load %arg10[%swap3A_2654] {strides = array<i32>} : memref<512xf32, #tpu.memory_space<vmem>>, vector<16xf32>,
      tpu.vector_store %arg10[%swap3A_2654], %div3A_2649 {strides = array<i32>} : memref<512xf32, #tpu.memory_space<vmem>>, vector<16xf32>,
      %scan3A_2656 = arith.constant 0 : i32
      scf.yield %scan3A_2656 : i32
    }
    %scan3A_8 = arith.constant 16 : i32
    "tpu.region"() ({
      %run_scoped3A = tpu.sem_alloc : memref<!tpu.dma_semaphore, #tpu.memory_space<semaphore_mem>>
      %dma_start3A = tpu.memref_slice %arg5[%mul3A_2] : memref<16384xf32, #tpu.memory_space<hbm>> -> memref<512xf32, #tpu.memory_space<hbm>>
      %dma_start3A_9 = tpu.memref_slice %arg5[%mul3A_2] : memref<16384xf32, #tpu.memory_space<hbm>> -> memref<512xf32, #tpu.memory_space<hbm>>
      tpu.enqueue_dma source(%arg10 : memref<512xf32, #tpu.memory_space<vmem>>) target(%dma_start3A_9 : memref<512xf32, #tpu.memory_space<hbm>>) target_semaphore(%run_scoped3A : memref<!tpu.dma_semaphore, #tpu.memory_space<semaphore_mem>>)
      %dma_wait3A = tpu.memref_slice %arg5[%mul3A_2] : memref<16384xf32, #tpu.memory_space<hbm>> -> memref<512xf32, #tpu.memory_space<hbm>>
      %dma_wait3A_10 = tpu.memref_slice %arg5[%mul3A_2] : memref<16384xf32, #tpu.memory_space<hbm>> -> memref<512xf32, #tpu.memory_space<hbm>>
      tpu.wait_dma2 semaphore(%run_scoped3A : memref<!tpu.dma_semaphore, #tpu.memory_space<semaphore_mem>>) src(%arg10 : memref<512xf32, #tpu.memory_space<vmem>>) dst(%dma_wait3A_10 : memref<512xf32, #tpu.memory_space<hbm>>)
      tpu.yield
    }) : () -> ()
    return
  }
}

</mosaic_0001>

<sc_bundles>
// kernel: _newmf_sc.3.cloned.1.call-start
scs
__scs_entry_jumppad:
0x0: {  	(pc) =	sbr.rel $0x88, $3  }
0x1: {  	(tag) =	ssettag $0x0;
	lr =	simm.s32 $0x1  }
0x2: {  	[smem:$0x3F9E] =	sst lr;
	_ =	strace $0xD0000000  }
0x3: {  	_ = 	snop  }
0x4: {  	_ = 	snop  }
0x5: {  	_ = 	snop  }
0x6: {  	_ = 	snop  }
0x7: {  	_ = 	snop  }
__scs_overlays_trampoline_lowered:
0x8: {  	[smem:$0x3FAD] =	sst s0  }
0x9: {  	[smem:$0x3FAE] =	sst s1  }
0xa: {  	[smem:$0x3FAF] =	sst s2  }
0xb: {  	[smem:$0x3FB0] =	sst s3  }
0xc: {  	[smem:$0x3FB1] =	sst s4  }
0xd: {  	[smem:$0x3FB2] =	sst s5  }
0xe: {  	[smem:$0x3FB3] =	sst s6  }
0xf: {  	[smem:$0x3FB4] =	sst s7  }
0x10: {  	[smem:$0x3FB5] =	sst s8  }
0x11: {  	[smem:$0x3FB6] =	sst s9;
	s0 =	simm.s32 @!p0 $0x0  }
0x12: {  	s1 =	sld [smem:$0x3F9C];
	s0 =	simm.s32 @p0 $0x1  }
0x13: {  	[smem:$0x3FB7] =	sst s0;
	s0 =	simm.s32 @!p1 $0x0  }
0x14: {  	s2 =	sld [smem:$0x3F9B];
	s0 =	simm.s32 @p1 $0x1  }
0x15: {  	[smem:$0x3FB8] =	sst s0;
	s0 =	simm.s32 @!p2 $0x0  }
0x16: {  	s3 =	sld [smem:$0x3FDB];
	s0 =	simm.s32 @p2 $0x1  }
0x17: {  	s4 =	simm.s32 $0x1BF5;
	[smem:$0x3FBA] =	sst s0  }
0x18: {  	s0 =	sld [smem:$0x3F9D];
	_ =	swait.ge [sflag:s4], $0x0  }
0x19: {  	s7 =	sld [smem:$0x3F9E]  }
0x1a: {  	s8 =	sadd.s32 $0xFFFFE003, lr  }
0x1b: {  	s9 =	sadd.s32 $0xFFFFFEF7, lr;
	s5 =	simm.s32 $0xFFFFFFFF;
	p2 =	slt.u32 s8, $0xFFFFF086  }
0x1c: {  	p1 =	slt.u32 s9, $0xF7A;
	s5 =	simm.s32 @!p2 $0x0  }
0x1d: {  	s5 =	simm.s32 @p1 $0x1;
	p0 =	seq.s32 s7, s2  }
0x1e: {  	s7 =	smul.u32 @!p0 $0xF7A, s2;
	p2 =	seq.s32 @!p0 s5, $0x0  }
0x1f: {  	s9 =	smul.u32 $0xF7A, s1;
	s8 =	simm.s32 @!p0 $0x1BF5;
	p2 =	por !p2, p0  }
0x20: {  	[sflag:s8] =	ssyncset.s32 @!p0 $0xFFFFF086;
	s6 =	sadd.s32 @!p0 s3, s7;
	s7 =	simm.s32 @!p0 $0x108  }
0x21: {  	s3 =	sadd.s32 s3, s9;
	s6 =	sadd.s32 @!p0 $0x88, s6;
	s7 =	simm.s32 @p2 $0x1082  }
0x22: {  	[simem:s7], [sflag:s8] =	dma.local @!p0 [hbm:s6], $0xF7A  }
0x23: {  	s9 =	sor.u32 $0xD0000000, s2;
	s6 =	simm.s32 $0x108;
	_ =	swait.ge @!p0 [sflag:s8], $0x0  }
0x24: {  	s3 =	sadd.s32 $0x88, s3;
	s6 =	simm.s32 @!p1 $0x1082;
	[sflag:s4] =	ssyncset.s32 $0xFFFFF086  }
0x25: {  	[simem:s6], [sflag:s4] =	dma.local [hbm:s3], $0xF7A  }
0x26: {  	[smem:$0x3F9E] =	sst s1;
	(tag) =	ssettag s2;
	_ =	strace s9  }
0x27: {  	s1 =	sld [smem:$0x3FAE]  }
0x28: {  	s2 =	sld [smem:$0x3FAF]  }
0x29: {  	s4 =	sld [smem:$0x3FB1]  }
0x2a: {  	p0 =	seq.s32 s5, $0x0;
	s5 =	sld [smem:$0x3FB2]  }
0x2b: {  	s6 =	sld [smem:$0x3FB3]  }
0x2c: {  	s7 =	sld [smem:$0x3FB4]  }
0x2d: {  	s3 =	simm.s32 $0x108;
	s8 =	sld [smem:$0x3FB5]  }
0x2e: {  	s3 =	simm.s32 @!p0 $0x1082;
	s9 =	sld [smem:$0x3FB6]  }
0x2f: {  	lr =	sadd.s32 s0, s3;
	s0 =	sld [smem:$0x3FAD]  }
0x30: {  	s3 =	sld [smem:$0x3FB0]  }
0x31: {  	[smem:$0x3FB9] =	sst s10  }
0x32: {  	s10 =	sld [smem:$0x3FB7];
	_ =	sdelay $0x3  }
0x33: {  	p0 =	seq.s32 s10, $0x1;
	s10 =	sld [smem:$0x3FB9];
	_ =	sdelay $0x3  }
0x34: {  	[smem:$0x3FB9] =	sst s10  }
0x35: {  	s10 =	sld [smem:$0x3FB8];
	_ =	sdelay $0x3  }
0x36: {  	p1 =	seq.s32 s10, $0x1;
	s10 =	sld [smem:$0x3FB9];
	_ =	sdelay $0x3  }
0x37: {  	[smem:$0x3FB9] =	sst s10  }
0x38: {  	s10 =	sld [smem:$0x3FBA]  }
0x39: {  	_ = 	snop;
	(pc) =	sbr.ind lr, $3  }
0x3a: {  	_ = 	snop  }
0x3b: {  	_ = 	snop  }
0x3c: {  	p2 =	seq.s32 s10, $0x1;
	s10 =	sld [smem:$0x3FB9]  }
0x3d: {  	_ =	shalt  }
0x3e: {  	_ =	shalt  }
0x3f: {  	_ =	shalt  }
0x40: {  	_ =	shalt  }
0x41: {  	_ =	shalt  }
0x42: {  	_ =	shalt  }
0x43: {  	_ =	shalt  }
0x44: {  	_ =	shalt  }
0x45: {  	_ =	shalt  }
0x46: {  	_ =	shalt  }
0x47: {  	_ =	shalt  }
0x48: {  	_ =	shalt  }
0x49: {  	_ =	shalt  }
0x4a: {  	_ =	shalt  }
0x4b: {  	_ =	shalt  }
0x4c: {  	_ =	shalt  }
0x4d: {  	_ =	shalt  }
0x4e: {  	_ =	shalt  }
0x4f: {  	_ =	shalt  }
0x50: {  	_ =	shalt  }
0x51: {  	_ =	shalt  }
0x52: {  	_ =	shalt  }
0x53: {  	_ =	shalt  }
0x54: {  	_ =	shalt  }
0x55: {  	_ =	shalt  }
0x56: {  	_ =	shalt  }
0x57: {  	_ =	shalt  }
0x58: {  	_ =	shalt  }
0x59: {  	_ =	shalt  }
0x5a: {  	_ =	shalt  }
0x5b: {  	_ =	shalt  }
0x5c: {  	_ =	shalt  }
0x5d: {  	_ =	shalt  }
0x5e: {  	_ =	shalt  }
0x5f: {  	_ =	shalt  }
0x60: {  	_ =	shalt  }
0x61: {  	_ =	shalt  }
0x62: {  	_ =	shalt  }
0x63: {  	_ =	shalt  }
0x64: {  	_ =	shalt  }
0x65: {  	_ =	shalt  }
0x66: {  	_ =	shalt  }
0x67: {  	_ =	shalt  }
0x68: {  	_ =	shalt  }
0x69: {  	_ =	shalt  }
0x6a: {  	_ =	shalt  }
0x6b: {  	_ =	shalt  }
0x6c: {  	_ =	shalt  }
0x6d: {  	_ =	shalt  }
0x6e: {  	_ =	shalt  }
0x6f: {  	_ =	shalt  }
0x70: {  	_ =	shalt  }
0x71: {  	_ =	shalt  }
0x72: {  	_ =	shalt  }
0x73: {  	_ =	shalt  }
0x74: {  	_ =	shalt  }
0x75: {  	_ =	shalt  }
0x76: {  	_ =	shalt  }
0x77: {  	_ =	shalt  }
0x78: {  	_ =	shalt  }
0x79: {  	_ =	shalt  }
0x7a: {  	_ =	shalt  }
0x7b: {  	_ =	shalt  }
0x7c: {  	_ =	shalt  }
0x7d: {  	_ =	shalt  }
0x7e: {  	_ =	shalt  }
0x7f: {  	_ =	shalt  }
0x80: {  	_ =	shalt  }
0x81: {  	_ =	shalt  }
0x82: {  	_ =	shalt  }
0x83: {  	_ =	shalt  }
0x84: {  	_ =	shalt  }
0x85: {  	_ =	shalt  }
0x86: {  	_ =	shalt  }
0x87: {  	_ =	shalt  }
.Lfunc_end0:
.L_simem_size_0:
called_computation_lowered:
.L_overlay_start_0:
0x88: {  	s2 =	sld [smem:$0x3FD9]  }
0x89: {  	s3 =	sld [smem:$0x3FFE];
	_ =	sdelay $0x1  }
0x8a: {  	s1 =	srdreg.scid  }
0x8b: {  	s0 =	sand.u32 $0x1, s1  }
0x8c: {  	s17 =	sshll.u32 s0, $0xA;
	s2 =	sadd.s32 s3, s2  }
0x8d: {  	s2 =	sadd.s32 s2, s17  }
0x8e: {  	[smem:$0x3FC5] =	sst s2  }
0x8f: {  	_ = 	snop  }
0x90: {  	s2 =	sld [smem:$0x3FC9]  }
0x91: {  	s18 =	sld [smem:$0x3FC8]  }
0x92: {  	s4 =	sld [smem:$0x3FD0];
	(tm) =	ssettm $0x1  }
0x93: {  	s5 =	sld [smem:$0x3FFB];
	_ =	sdelay $0x3  }
0x94: {  	_ =	strace s5  }
0x95: {  	s5 =	sld [smem:$0x3FFC];
	_ =	sdelay $0x3  }
0x96: {  	_ =	strace s5  }
0x97: {  	s5 =	sld [smem:$0x3FFD];
	_ =	sdelay $0x3  }
0x98: {  	_ =	strace s5  }
0x99: {  	_ =	strace $0x8FFFFFFF  }
0x9a: {  	s19 =	sld [smem:$0x3FDB];
	_ =	sdelay $0x1  }
0x9b: {  	s6 =	simm.s32 $_scs_section_size  }
0x9c: {  	s7 =	simm.s32 $_size__tile_overlayer_lowered;
	s8 =	simm.s32 $_tile_overlayer_lowered  }
0x9d: {  	s22 =	simm.s32 $0x1BFF;
	s21 =	sshll.u32 s8, $0x1;
	s5 =	sadd.s32 s6, s19  }
0x9e: {  	s9 =	simm.s32 $0x0;
	s20 =	sshll.u32 s7, $0x1;
	s7 =	sadd.s32 s21, s5  }
0x9f: {  	[timem:s9], [sflag:s22] =	dma.local [hbm:s7], s20  }
0xa0: {  	_ =	swait.ge [sflag:s22], s20  }
0xa1: {  	s6 =	ssub.s32 $0x0, s20;
	[sflag:s22] =	ssyncset.done $0x0  }
0xa2: {  	[sflag:s22] =	ssyncadd.s32 s6;
	_ =	sdelay $0x1  }
0xa3: {  	s23 =	simm.s32 $0x1B8B  }
0xa4: {  	_ =	swait.ge [sflag:s23], $0x1  }
0xa5: {  	[sflag:s23] =	ssyncset.done $0x0  }
0xa6: {  	s25 =	simm.s32 $0x1B8E;
	s24 =	sld [smem:$0x3FFE];
	[sflag:s23] =	ssyncadd.s32 $0xFFFFFFFF  }
0xa7: {  	s26 =	simm.s32 $execute0_lowered;
	[smem:$0x3FD2] =	sst s25  }
0xa8: {  	s7 =	sshll.u32 s26, $0x1;
	_ =	strace $0x80000046;
	[dreg:$0x1] =	wrdreg $0xFFFFFFFF  }
0xa9: {  	s28 =	simm.s32 $_size_execute0_lowered;
	s5 =	sadd.s32 s5, s7;
	[dreg:$0x0] =	wrdreg $0x0  }
0xaa: {  	s7 =	sshll.u32 s28, $0x1;
	[dreg:$0x2] =	wrdreg s5  }
0xab: {  	[dreg:$0x3] =	wrdreg s7  }
0xac: {  	[dreg:$0x4] =	wrdreg $0xC0  }
0xad: {  	_ =	task [dreg:s9], $0x5FFFF  }
0xae: {  	[dreg:$0x1] =	wrdreg $0xFFFFFFFF  }
0xaf: {  	[dreg:$0x0] =	wrdreg $0x60  }
0xb0: {  	[dreg:$0x2] =	wrdreg s2  }
0xb1: {  	[dreg:$0x3] =	wrdreg s18  }
0xb2: {  	[dreg:$0x4] =	wrdreg s24  }
0xb3: {  	[dreg:$0x5] =	wrdreg s4  }
0xb4: {  	[dreg:$0x6] =	wrdreg $0x9  }
0xb5: {  	_ =	task.clear_ibuf [dreg:s9], $0x7FFFF;
	_ =	strace $0x90000046  }
0xb6: {  	s29 =	simm.s32 $0x9;
	_ =	strace $0x80000048  }
0xb7: {  	_ =	swait.ge [sflag:s29], $0x1  }
0xb8: {  	[sflag:s29] =	ssyncadd.s32 $0xFFFFFFFF  }
0xb9: {  	_ =	strace $0x90000048  }
0xba: {  	_ =	sfence  }
0xbb: {  	s30 =	sld [smem:$0x0];
	_ =	sdelay $0x2  }
0xbc: {  	s31 =	sshll.u32 s1, $0xD;
	s1 =	sshrl.u32 s1, $0x2  }
0xbd: {  	s3 =	sand.u32 $0x4000, s31;
	s1 =	sadd.s32 s1, s30  }
0xbe: {  	s0 =	sor.u32 s3, s0;
	s1 =	sshll.u32 s1, $0x11  }
0xbf: {  	s0 =	sor.u32 s1, s0  }
0xc0: {  	s0 =	sadd.s32 $0x8F2B, s0  }
0xc1: {  	[sflag:s0] =	ssyncadd.remote.s32 $0x1  }
0xc2: {  	_ =	sfence.sel $0xFFFF  }
0xc3: {  	[dreg:$0x0] =	wrdreg $0xFFFFFFFF;
	(pc) =	sbr.abs _section_cstart, $3  }
0xc4: {  	[dreg:$0x1] =	wrdreg $0xFFFFFFFF  }
0xc5: {  	_ =	task.clear_ibuf [dreg:s9], $0x2FFFF;
	_ =	strace $0x9FFFFFFF  }
0xc6: {  	(tm) =	ssettm $0x7FFFFFFF  }
0xc7: {  	_ =	shalt  }
tec
execute0_lowered:
.L_overlay_start_1:
0x0: {  	(tag) =	ssettag $0x1  }
0x1: {  	s0 =	rddreg [dreg:$0x2]  }
0x2: {  	s1 =	rddreg [dreg:$0x3];
	s4 =	simm.s32 $0x0;
	s2 =	srdreg.scid  }
0x3: {  	s5 =	stileid.u32;
	s9 =	simm.s32 $0x3;
	s11 =	simm.s32 $0x100  }
0x4: {  	s12 =	simm.s32 $0x8100;
	s8 =	simm.s32 $0x6100;
	s10 =	simm.s32 $0xE500  }
0x5: {  	s13 =	simm.s32 $0x6900;
	s14 =	simm.s32 $0xE900;
	s15 =	simm.s32 $0x6D00  }
0x6: {  	s16 =	simm.s32 $0xED00;
	s17 =	simm.s32 $0x7100;
	s18 =	simm.s32 $0xF100  }
0x7: {  	s19 =	simm.s32 $0x7500;
	s20 =	simm.s32 $0xF500;
	s21 =	simm.s32 $0x7900  }
0x8: {  	s22 =	simm.s32 $0xF900;
	s23 =	simm.s32 $0x7D00;
	s24 =	simm.s32 $0xFD00  }
0x9: {  	s25 =	simm.s32 $0x1;
	s26 =	simm.s32 $0x2;
	s2 =	sand.u32 $0x1, s2  }
0xa: {  	s5 =	sshll.u32 s5, $0xA;
	s3 =	ssub.s32 $0x2, s2;
	s2 =	sshll.u32 s2, $0x9  }
0xb: {  	[smem:$0x7FF] =	sst s4;
	s6 =	sadd.s32 $0x400, s0;
	s5 =	sor.u32 s2, s5  }
0xc: {  	v0 =	vlaneseq.u32;
	_ =	strace $0x80000047;
	s7 =	sshrl.u32 s3, $0x1;
	s2 =	sshrl.u32 s5, $0x3  }
0xd: {  	v0 =	vmul.u32 $0x400, v0;
	s31 =	ssub.s32 s3, s7;
	s7 =	simm.s32 $0xDD00;
	s1 =	sadd.s32 s1, s2  }
0xe: {  	s3 =	simm.s32 $0x0;
	s0 =	smax.u32 s31, $0x1;
	[dreg:$0x5] =	wrdreg s1  }
0xf: {  	v1 =	vor.u32 $0x4000, v0;
	s2 =	simm.s32 $0x6500;
	[dreg:$0x6] =	wrdreg s0;
	s1 =	simm.s32 $0xE100  }
.LBB2_1:
0x10: {  	[dreg:$0x7] =	wrdreg s3;
	s28 =	simm.s32 $0x0  }
.LBB2_2:
0x11: {  	s29 =	sshll.u32 s28, $0x5  }
0x12: {  	s30 =	sor.u32 s5, s29  }
0x13: {  	s0 =	rddreg [dreg:$0x0];
	s30 =	sshrl.u32 s30, $0x3  }
0x14: {  	s31 =	sadd.s32 s0, s30  }
0x15: {  	[tilespmem:s4], [sflag:$0x3] =	stream.linear.gather [hbm4b:s31+s4], $0x20, $0x38;
	[tilespmem:$0x10300] =	vst v63  }
0x16: {  	_ =	swait.ge [sflag:s9], $0x20  }
0x17: {  	[sflag:s9] =	ssyncset.done $0x0  }
0x18: {  	[sflag:s9] =	ssyncadd.s32 $0xFFFFFFE0  }
0x19: {  	s3 =	rddreg [dreg:$0x1]  }
0x1a: {  	s30 =	sadd.s32 s3, s30;
	s3 =	simm.s32 $0x80  }
0x1b: {  	[tilespmem:s3], [sflag:$0x3] =	stream.linear.gather [hbm4b:s30+s4], $0x20, $0x38;
	[tilespmem:$0x10300] =	vst v63  }
0x1c: {  	_ =	swait.ge [sflag:s9], $0x20  }
0x1d: {  	[sflag:s9] =	ssyncset.done $0x0  }
0x1e: {  	[sflag:s9] =	ssyncadd.s32 $0xFFFFFFE0  }
0x1f: {  	v2 =	vld [tilespmem:$0x0];
	_ =	sdelay $0x3  }
0x20: {  	v4 =	vld [tilespmem:$0x80]  }
0x21: {  	v2 =	vshrl.u32 v2, $0x3  }
0x22: {  	v3 =	vshll.u32 v2, $0x7  }
0x23: {  	(v2sf) =	vpush v3, $0x0;
	_ =	sdelay $0x1  }
0x24: {  	v2 =	vshrl.u32 v4, $0x3  }
0x25: {  	v2 =	vshll.u32 v2, $0x7  }
0x26: {  	(v2sf) =	vpush v2, $0x0;
	_ =	sdelay $0x3  }
0x27: {  	(v2sf) =	vpush v3, $0x1;
	_ =	sdelay $0x3  }
0x28: {  	(v2sf) =	vpush v2, $0x1;
	_ =	sdelay $0x2  }
0x29: {  	s30 =	spop (v2sf)  }
0x2a: {  	(v2sf) =	vpush v3, $0x2;
	s30 =	sand.u32 $0x1FFFFF80, s30  }
0x2b: {  	s30 =	sadd.s32 s6, s30  }
0x2c: {  	[tilespmem:s11], [sflag:$0x1] =	stream.linear.gather [hbm4b:s30+s4], $0x400, $0x38;
	[tilespmem:$0x10300] =	vst v63  }
0x2d: {  	s30 =	spop (v2sf)  }
0x2e: {  	(v2sf) =	vpush v2, $0x2;
	s30 =	sand.u32 $0x1FFFFF80, s30  }
0x2f: {  	s30 =	sadd.s32 s6, s30  }
0x30: {  	[tilespmem:s12], [sflag:$0x2] =	stream.linear.gather [hbm4b:s30+s4], $0x400, $0x38;
	[tilespmem:$0x10300] =	vst v63  }
0x31: {  	s30 =	spop (v2sf)  }
0x32: {  	(v2sf) =	vpush v3, $0x3;
	s30 =	sand.u32 $0x1FFFFF80, s30  }
0x33: {  	s3 =	simm.s32 $0x500;
	s30 =	sadd.s32 s6, s30  }
0x34: {  	[tilespmem:s3], [sflag:$0x1] =	stream.linear.gather [hbm4b:s30+s4], $0x400, $0x38;
	[tilespmem:$0x10300] =	vst v63  }
0x35: {  	s30 =	spop (v2sf)  }
0x36: {  	(v2sf) =	vpush v2, $0x3;
	s30 =	sand.u32 $0x1FFFFF80, s30  }
0x37: {  	s3 =	simm.s32 $0x8500;
	s30 =	sadd.s32 s6, s30  }
0x38: {  	[tilespmem:s3], [sflag:$0x2] =	stream.linear.gather [hbm4b:s30+s4], $0x400, $0x38;
	[tilespmem:$0x10300] =	vst v63  }
0x39: {  	s30 =	spop (v2sf)  }
0x3a: {  	(v2sf) =	vpush v3, $0x4;
	s30 =	sand.u32 $0x1FFFFF80, s30  }
0x3b: {  	s3 =	simm.s32 $0x900;
	s30 =	sadd.s32 s6, s30  }
0x3c: {  	[tilespmem:s3], [sflag:$0x1] =	stream.linear.gather [hbm4b:s30+s4], $0x400, $0x38;
	[tilespmem:$0x10300] =	vst v63  }
0x3d: {  	s30 =	spop (v2sf)  }
0x3e: {  	(v2sf) =	vpush v2, $0x4;
	s30 =	sand.u32 $0x1FFFFF80, s30  }
0x3f: {  	s3 =	simm.s32 $0x8900;
	s30 =	sadd.s32 s6, s30  }
0x40: {  	[tilespmem:s3], [sflag:$0x2] =	stream.linear.gather [hbm4b:s30+s4], $0x400, $0x38;
	[tilespmem:$0x10300] =	vst v63  }
0x41: {  	s30 =	spop (v2sf)  }
0x42: {  	(v2sf) =	vpush v3, $0x5;
	s30 =	sand.u32 $0x1FFFFF80, s30  }
0x43: {  	s3 =	simm.s32 $0xD00;
	s30 =	sadd.s32 s6, s30  }
0x44: {  	[tilespmem:s3], [sflag:$0x1] =	stream.linear.gather [hbm4b:s30+s4], $0x400, $0x38;
	[tilespmem:$0x10300] =	vst v63  }
0x45: {  	s30 =	spop (v2sf)  }
0x46: {  	(v2sf) =	vpush v2, $0x5;
	s30 =	sand.u32 $0x1FFFFF80, s30  }
0x47: {  	s3 =	simm.s32 $0x8D00;
	s30 =	sadd.s32 s6, s30  }
0x48: {  	[tilespmem:s3], [sflag:$0x2] =	stream.linear.gather [hbm4b:s30+s4], $0x400, $0x38;
	[tilespmem:$0x10300] =	vst v63  }
0x49: {  	s30 =	spop (v2sf)  }
0x4a: {  	(v2sf) =	vpush v3, $0x6;
	s30 =	sand.u32 $0x1FFFFF80, s30  }
0x4b: {  	s3 =	simm.s32 $0x1100;
	s30 =	sadd.s32 s6, s30  }
0x4c: {  	[tilespmem:s3], [sflag:$0x1] =	stream.linear.gather [hbm4b:s30+s4], $0x400, $0x38;
	[tilespmem:$0x10300] =	vst v63  }
0x4d: {  	s30 =	spop (v2sf)  }
0x4e: {  	(v2sf) =	vpush v2, $0x6;
	s30 =	sand.u32 $0x1FFFFF80, s30  }
0x4f: {  	s3 =	simm.s32 $0x9100;
	s30 =	sadd.s32 s6, s30  }
0x50: {  	[tilespmem:s3], [sflag:$0x2] =	stream.linear.gather [hbm4b:s30+s4], $0x400, $0x38;
	[tilespmem:$0x10300] =	vst v63  }
0x51: {  	s30 =	spop (v2sf)  }
0x52: {  	(v2sf) =	vpush v3, $0x7;
	s30 =	sand.u32 $0x1FFFFF80, s30  }
0x53: {  	s3 =	simm.s32 $0x1500;
	s30 =	sadd.s32 s6, s30  }
0x54: {  	[tilespmem:s3], [sflag:$0x1] =	stream.linear.gather [hbm4b:s30+s4], $0x400, $0x38;
	[tilespmem:$0x10300] =	vst v63  }
0x55: {  	s30 =	spop (v2sf)  }
0x56: {  	(v2sf) =	vpush v2, $0x7;
	s30 =	sand.u32 $0x1FFFFF80, s30  }
0x57: {  	s3 =	simm.s32 $0x9500;
	s30 =	sadd.s32 s6, s30  }
0x58: {  	[tilespmem:s3], [sflag:$0x2] =	stream.linear.gather [hbm4b:s30+s4], $0x400, $0x38;
	[tilespmem:$0x10300] =	vst v63  }
0x59: {  	s30 =	spop (v2sf)  }
0x5a: {  	(v2sf) =	vpush v3, $0x8;
	s30 =	sand.u32 $0x1FFFFF80, s30  }
0x5b: {  	s3 =	simm.s32 $0x1900;
	s30 =	sadd.s32 s6, s30  }
0x5c: {  	[tilespmem:s3], [sflag:$0x1] =	stream.linear.gather [hbm4b:s30+s4], $0x400, $0x38;
	[tilespmem:$0x10300] =	vst v63  }
0x5d: {  	s30 =	spop (v2sf)  }
0x5e: {  	(v2sf) =	vpush v2, $0x8;
	s30 =	sand.u32 $0x1FFFFF80, s30  }
0x5f: {  	s3 =	simm.s32 $0x9900;
	s30 =	sadd.s32 s6, s30  }
0x60: {  	[tilespmem:s3], [sflag:$0x2] =	stream.linear.gather [hbm4b:s30+s4], $0x400, $0x38;
	[tilespmem:$0x10300] =	vst v63  }
0x61: {  	s30 =	spop (v2sf)  }
0x62: {  	(v2sf) =	vpush v3, $0x9;
	s30 =	sand.u32 $0x1FFFFF80, s30  }
0x63: {  	s3 =	simm.s32 $0x1D00;
	s30 =	sadd.s32 s6, s30  }
0x64: {  	[tilespmem:s3], [sflag:$0x1] =	stream.linear.gather [hbm4b:s30+s4], $0x400, $0x38;
	[tilespmem:$0x10300] =	vst v63  }
0x65: {  	s30 =	spop (v2sf)  }
0x66: {  	(v2sf) =	vpush v2, $0x9;
	s30 =	sand.u32 $0x1FFFFF80, s30  }
0x67: {  	s3 =	simm.s32 $0x9D00;
	s30 =	sadd.s32 s6, s30  }
0x68: {  	[tilespmem:s3], [sflag:$0x2] =	stream.linear.gather [hbm4b:s30+s4], $0x400, $0x38;
	[tilespmem:$0x10300] =	vst v63  }
0x69: {  	s30 =	spop (v2sf)  }
0x6a: {  	(v2sf) =	vpush v3, $0xA;
	s30 =	sand.u32 $0x1FFFFF80, s30  }
0x6b: {  	s3 =	simm.s32 $0x2100;
	s30 =	sadd.s32 s6, s30  }
0x6c: {  	[tilespmem:s3], [sflag:$0x1] =	stream.linear.gather [hbm4b:s30+s4], $0x400, $0x38;
	[tilespmem:$0x10300] =	vst v63  }
0x6d: {  	s30 =	spop (v2sf)  }
0x6e: {  	(v2sf) =	vpush v2, $0xA;
	s30 =	sand.u32 $0x1FFFFF80, s30  }
0x6f: {  	s3 =	simm.s32 $0xA100;
	s30 =	sadd.s32 s6, s30  }
0x70: {  	[tilespmem:s3], [sflag:$0x2] =	stream.linear.gather [hbm4b:s30+s4], $0x400, $0x38;
	[tilespmem:$0x10300] =	vst v63  }
0x71: {  	s30 =	spop (v2sf)  }
0x72: {  	(v2sf) =	vpush v3, $0xB;
	s30 =	sand.u32 $0x1FFFFF80, s30  }
0x73: {  	s3 =	simm.s32 $0x2500;
	s30 =	sadd.s32 s6, s30  }
0x74: {  	[tilespmem:s3], [sflag:$0x1] =	stream.linear.gather [hbm4b:s30+s4], $0x400, $0x38;
	[tilespmem:$0x10300] =	vst v63  }
0x75: {  	s30 =	spop (v2sf)  }
0x76: {  	(v2sf) =	vpush v2, $0xB;
	s30 =	sand.u32 $0x1FFFFF80, s30  }
0x77: {  	s3 =	simm.s32 $0xA500;
	s30 =	sadd.s32 s6, s30  }
0x78: {  	[tilespmem:s3], [sflag:$0x2] =	stream.linear.gather [hbm4b:s30+s4], $0x400, $0x38;
	[tilespmem:$0x10300] =	vst v63  }
0x79: {  	s30 =	spop (v2sf)  }
0x7a: {  	(v2sf) =	vpush v3, $0xC;
	s30 =	sand.u32 $0x1FFFFF80, s30  }
0x7b: {  	s3 =	simm.s32 $0x2900;
	s30 =	sadd.s32 s6, s30  }
0x7c: {  	[tilespmem:s3], [sflag:$0x1] =	stream.linear.gather [hbm4b:s30+s4], $0x400, $0x38;
	[tilespmem:$0x10300] =	vst v63  }
0x7d: {  	s30 =	spop (v2sf)  }
0x7e: {  	(v2sf) =	vpush v2, $0xC;
	s30 =	sand.u32 $0x1FFFFF80, s30  }
0x7f: {  	s3 =	simm.s32 $0xA900;
	s30 =	sadd.s32 s6, s30  }
0x80: {  	[tilespmem:s3], [sflag:$0x2] =	stream.linear.gather [hbm4b:s30+s4], $0x400, $0x38;
	[tilespmem:$0x10300] =	vst v63  }
0x81: {  	s30 =	spop (v2sf)  }
0x82: {  	(v2sf) =	vpush v3, $0xD;
	s30 =	sand.u32 $0x1FFFFF80, s30  }
0x83: {  	s3 =	simm.s32 $0x2D00;
	s30 =	sadd.s32 s6, s30  }
0x84: {  	[tilespmem:s3], [sflag:$0x1] =	stream.linear.gather [hbm4b:s30+s4], $0x400, $0x38;
	[tilespmem:$0x10300] =	vst v63  }
0x85: {  	s30 =	spop (v2sf)  }
0x86: {  	(v2sf) =	vpush v2, $0xD;
	s30 =	sand.u32 $0x1FFFFF80, s30  }
0x87: {  	s3 =	simm.s32 $0xAD00;
	s30 =	sadd.s32 s6, s30  }
0x88: {  	[tilespmem:s3], [sflag:$0x2] =	stream.linear.gather [hbm4b:s30+s4], $0x400, $0x38;
	[tilespmem:$0x10300] =	vst v63  }
0x89: {  	s30 =	spop (v2sf)  }
0x8a: {  	(v2sf) =	vpush v3, $0xE;
	s30 =	sand.u32 $0x1FFFFF80, s30  }
0x8b: {  	s3 =	simm.s32 $0x3100;
	s30 =	sadd.s32 s6, s30  }
0x8c: {  	[tilespmem:s3], [sflag:$0x1] =	stream.linear.gather [hbm4b:s30+s4], $0x400, $0x38;
	[tilespmem:$0x10300] =	vst v63  }
0x8d: {  	s30 =	spop (v2sf)  }
0x8e: {  	(v2sf) =	vpush v2, $0xE;
	s30 =	sand.u32 $0x1FFFFF80, s30  }
0x8f: {  	s3 =	simm.s32 $0xB100;
	s30 =	sadd.s32 s6, s30  }
0x90: {  	[tilespmem:s3], [sflag:$0x2] =	stream.linear.gather [hbm4b:s30+s4], $0x400, $0x38;
	[tilespmem:$0x10300] =	vst v63  }
0x91: {  	s30 =	spop (v2sf)  }
0x92: {  	(v2sf) =	vpush v3, $0xF;
	s30 =	sand.u32 $0x1FFFFF80, s30  }
0x93: {  	s3 =	simm.s32 $0x3500;
	s30 =	sadd.s32 s6, s30  }
0x94: {  	[tilespmem:s3], [sflag:$0x1] =	stream.linear.gather [hbm4b:s30+s4], $0x400, $0x38;
	[tilespmem:$0x10300] =	vst v63  }
0x95: {  	s30 =	spop (v2sf)  }
0x96: {  	(v2sf) =	vpush v2, $0xF;
	s30 =	sand.u32 $0x1FFFFF80, s30  }
0x97: {  	s3 =	simm.s32 $0xB500;
	s30 =	sadd.s32 s6, s30  }
0x98: {  	[tilespmem:s3], [sflag:$0x2] =	stream.linear.gather [hbm4b:s30+s4], $0x400, $0x38;
	[tilespmem:$0x10300] =	vst v63  }
0x99: {  	s30 =	spop (v2sf)  }
0x9a: {  	s30 =	sand.u32 $0x1FFFFF80, s30  }
0x9b: {  	s3 =	simm.s32 $0x3900;
	s30 =	sadd.s32 s6, s30  }
0x9c: {  	[tilespmem:s3], [sflag:$0x1] =	stream.linear.gather [hbm4b:s30+s4], $0x400, $0x38;
	[tilespmem:$0x10300] =	vst v63  }
0x9d: {  	s30 =	spop (v2sf)  }
0x9e: {  	s30 =	sand.u32 $0x1FFFFF80, s30  }
0x9f: {  	s3 =	simm.s32 $0xB900;
	s30 =	sadd.s32 s6, s30  }
0xa0: {  	[tilespmem:s3], [sflag:$0x2] =	stream.linear.gather [hbm4b:s30+s4], $0x400, $0x38;
	[tilespmem:$0x10300] =	vst v63  }
0xa1: {  	s30 =	spop (v2sf)  }
0xa2: {  	s30 =	sand.u32 $0x1FFFFF80, s30  }
0xa3: {  	s3 =	simm.s32 $0x3D00;
	s30 =	sadd.s32 s6, s30  }
0xa4: {  	[tilespmem:s3], [sflag:$0x1] =	stream.linear.gather [hbm4b:s30+s4], $0x400, $0x38;
	[tilespmem:$0x10300] =	vst v63  }
0xa5: {  	s30 =	spop (v2sf)  }
0xa6: {  	s30 =	sand.u32 $0x1FFFFF80, s30  }
0xa7: {  	s3 =	simm.s32 $0xBD00;
	s30 =	sadd.s32 s6, s30  }
0xa8: {  	[tilespmem:s3], [sflag:$0x2] =	stream.linear.gather [hbm4b:s30+s4], $0x400, $0x38;
	[tilespmem:$0x10300] =	vst v63  }
0xa9: {  	v2 =	vld [tilespmem:$0x10];
	_ =	sdelay $0x3  }
0xaa: {  	v4 =	vld [tilespmem:$0x90]  }
0xab: {  	v2 =	vshrl.u32 v2, $0x3  }
0xac: {  	v3 =	vshll.u32 v2, $0x7  }
0xad: {  	(v2sf) =	vpush v3, $0x0;
	_ =	sdelay $0x1  }
0xae: {  	v2 =	vshrl.u32 v4, $0x3  }
0xaf: {  	v2 =	vshll.u32 v2, $0x7  }
0xb0: {  	(v2sf) =	vpush v2, $0x0;
	_ =	sdelay $0x3  }
0xb1: {  	(v2sf) =	vpush v3, $0x1;
	_ =	sdelay $0x3  }
0xb2: {  	(v2sf) =	vpush v2, $0x1;
	_ =	sdelay $0x2  }
0xb3: {  	s30 =	spop (v2sf)  }
0xb4: {  	(v2sf) =	vpush v3, $0x2;
	s30 =	sand.u32 $0x1FFFFF80, s30  }
0xb5: {  	s3 =	simm.s32 $0x4100;
	s30 =	sadd.s32 s6, s30  }
0xb6: {  	[tilespmem:s3], [sflag:$0x1] =	stream.linear.gather [hbm4b:s30+s4], $0x400, $0x38;
	[tilespmem:$0x10300] =	vst v63  }
0xb7: {  	s30 =	spop (v2sf)  }
0xb8: {  	(v2sf) =	vpush v2, $0x2;
	s30 =	sand.u32 $0x1FFFFF80, s30  }
0xb9: {  	s3 =	simm.s32 $0xC100;
	s30 =	sadd.s32 s6, s30  }
0xba: {  	[tilespmem:s3], [sflag:$0x2] =	stream.linear.gather [hbm4b:s30+s4], $0x400, $0x38;
	[tilespmem:$0x10300] =	vst v63  }
0xbb: {  	s30 =	spop (v2sf)  }
0xbc: {  	(v2sf) =	vpush v3, $0x3;
	s30 =	sand.u32 $0x1FFFFF80, s30  }
0xbd: {  	s3 =	simm.s32 $0x4500;
	s30 =	sadd.s32 s6, s30  }
0xbe: {  	[tilespmem:s3], [sflag:$0x1] =	stream.linear.gather [hbm4b:s30+s4], $0x400, $0x38;
	[tilespmem:$0x10300] =	vst v63  }
0xbf: {  	s30 =	spop (v2sf)  }
0xc0: {  	(v2sf) =	vpush v2, $0x3;
	s30 =	sand.u32 $0x1FFFFF80, s30  }
0xc1: {  	s3 =	simm.s32 $0xC500;
	s30 =	sadd.s32 s6, s30  }
0xc2: {  	[tilespmem:s3], [sflag:$0x2] =	stream.linear.gather [hbm4b:s30+s4], $0x400, $0x38;
	[tilespmem:$0x10300] =	vst v63  }
0xc3: {  	s30 =	spop (v2sf)  }
0xc4: {  	(v2sf) =	vpush v3, $0x4;
	s30 =	sand.u32 $0x1FFFFF80, s30  }
0xc5: {  	s3 =	simm.s32 $0x4900;
	s30 =	sadd.s32 s6, s30  }
0xc6: {  	[tilespmem:s3], [sflag:$0x1] =	stream.linear.gather [hbm4b:s30+s4], $0x400, $0x38;
	[tilespmem:$0x10300] =	vst v63  }
0xc7: {  	s30 =	spop (v2sf)  }
0xc8: {  	(v2sf) =	vpush v2, $0x4;
	s30 =	sand.u32 $0x1FFFFF80, s30  }
0xc9: {  	s3 =	simm.s32 $0xC900;
	s30 =	sadd.s32 s6, s30  }
0xca: {  	[tilespmem:s3], [sflag:$0x2] =	stream.linear.gather [hbm4b:s30+s4], $0x400, $0x38;
	[tilespmem:$0x10300] =	vst v63  }
0xcb: {  	s30 =	spop (v2sf)  }
0xcc: {  	(v2sf) =	vpush v3, $0x5;
	s30 =	sand.u32 $0x1FFFFF80, s30  }
0xcd: {  	s3 =	simm.s32 $0x4D00;
	s30 =	sadd.s32 s6, s30  }
0xce: {  	[tilespmem:s3], [sflag:$0x1] =	stream.linear.gather [hbm4b:s30+s4], $0x400, $0x38;
	[tilespmem:$0x10300] =	vst v63  }
0xcf: {  	s30 =	spop (v2sf)  }
0xd0: {  	(v2sf) =	vpush v2, $0x5;
	s30 =	sand.u32 $0x1FFFFF80, s30  }
0xd1: {  	s3 =	simm.s32 $0xCD00;
	s30 =	sadd.s32 s6, s30  }
0xd2: {  	[tilespmem:s3], [sflag:$0x2] =	stream.linear.gather [hbm4b:s30+s4], $0x400, $0x38;
	[tilespmem:$0x10300] =	vst v63  }
0xd3: {  	s30 =	spop (v2sf)  }
0xd4: {  	(v2sf) =	vpush v3, $0x6;
	s30 =	sand.u32 $0x1FFFFF80, s30  }
0xd5: {  	s3 =	simm.s32 $0x5100;
	s30 =	sadd.s32 s6, s30  }
0xd6: {  	[tilespmem:s3], [sflag:$0x1] =	stream.linear.gather [hbm4b:s30+s4], $0x400, $0x38;
	[tilespmem:$0x10300] =	vst v63  }
0xd7: {  	s30 =	spop (v2sf)  }
0xd8: {  	(v2sf) =	vpush v2, $0x6;
	s30 =	sand.u32 $0x1FFFFF80, s30  }
0xd9: {  	s3 =	simm.s32 $0xD100;
	s30 =	sadd.s32 s6, s30  }
0xda: {  	[tilespmem:s3], [sflag:$0x2] =	stream.linear.gather [hbm4b:s30+s4], $0x400, $0x38;
	[tilespmem:$0x10300] =	vst v63  }
0xdb: {  	s30 =	spop (v2sf)  }
0xdc: {  	(v2sf) =	vpush v3, $0x7;
	s30 =	sand.u32 $0x1FFFFF80, s30  }
0xdd: {  	s3 =	simm.s32 $0x5500;
	s30 =	sadd.s32 s6, s30  }
0xde: {  	[tilespmem:s3], [sflag:$0x1] =	stream.linear.gather [hbm4b:s30+s4], $0x400, $0x38;
	[tilespmem:$0x10300] =	vst v63  }
0xdf: {  	s30 =	spop (v2sf)  }
0xe0: {  	(v2sf) =	vpush v2, $0x7;
	s30 =	sand.u32 $0x1FFFFF80, s30  }
0xe1: {  	s3 =	simm.s32 $0xD500;
	s30 =	sadd.s32 s6, s30  }
0xe2: {  	[tilespmem:s3], [sflag:$0x2] =	stream.linear.gather [hbm4b:s30+s4], $0x400, $0x38;
	[tilespmem:$0x10300] =	vst v63  }
0xe3: {  	s30 =	spop (v2sf)  }
0xe4: {  	(v2sf) =	vpush v3, $0x8;
	s30 =	sand.u32 $0x1FFFFF80, s30  }
0xe5: {  	s3 =	simm.s32 $0x5900;
	s30 =	sadd.s32 s6, s30  }
0xe6: {  	[tilespmem:s3], [sflag:$0x1] =	stream.linear.gather [hbm4b:s30+s4], $0x400, $0x38;
	[tilespmem:$0x10300] =	vst v63  }
0xe7: {  	s30 =	spop (v2sf)  }
0xe8: {  	(v2sf) =	vpush v2, $0x8;
	s30 =	sand.u32 $0x1FFFFF80, s30  }
0xe9: {  	s3 =	simm.s32 $0xD900;
	s30 =	sadd.s32 s6, s30  }
0xea: {  	[tilespmem:s3], [sflag:$0x2] =	stream.linear.gather [hbm4b:s30+s4], $0x400, $0x38;
	[tilespmem:$0x10300] =	vst v63  }
0xeb: {  	s30 =	spop (v2sf)  }
0xec: {  	(v2sf) =	vpush v3, $0x9;
	s30 =	sand.u32 $0x1FFFFF80, s30  }
0xed: {  	s3 =	simm.s32 $0x5D00;
	s30 =	sadd.s32 s6, s30  }
0xee: {  	[tilespmem:s3], [sflag:$0x1] =	stream.linear.gather [hbm4b:s30+s4], $0x400, $0x38;
	[tilespmem:$0x10300] =	vst v63  }
0xef: {  	s30 =	spop (v2sf)  }
0xf0: {  	(v2sf) =	vpush v2, $0x9;
	s30 =	sand.u32 $0x1FFFFF80, s30  }
0xf1: {  	s30 =	sadd.s32 s6, s30  }
0xf2: {  	[tilespmem:s7], [sflag:$0x2] =	stream.linear.gather [hbm4b:s30+s4], $0x400, $0x38;
	[tilespmem:$0x10300] =	vst v63  }
0xf3: {  	s30 =	spop (v2sf)  }
0xf4: {  	(v2sf) =	vpush v3, $0xA;
	s30 =	sand.u32 $0x1FFFFF80, s30  }
0xf5: {  	s30 =	sadd.s32 s6, s30  }
0xf6: {  	[tilespmem:s8], [sflag:$0x1] =	stream.linear.gather [hbm4b:s30+s4], $0x400, $0x38;
	[tilespmem:$0x10300] =	vst v63  }
0xf7: {  	s30 =	spop (v2sf)  }
0xf8: {  	(v2sf) =	vpush v2, $0xA;
	s30 =	sand.u32 $0x1FFFFF80, s30  }
0xf9: {  	s30 =	sadd.s32 s6, s30  }
0xfa: {  	[tilespmem:s1], [sflag:$0x2] =	stream.linear.gather [hbm4b:s30+s4], $0x400, $0x38;
	[tilespmem:$0x10300] =	vst v63  }
0xfb: {  	s30 =	spop (v2sf)  }
0xfc: {  	(v2sf) =	vpush v3, $0xB;
	s30 =	sand.u32 $0x1FFFFF80, s30  }
0xfd: {  	s30 =	sadd.s32 s6, s30  }
0xfe: {  	[tilespmem:s2], [sflag:$0x1] =	stream.linear.gather [hbm4b:s30+s4], $0x400, $0x38;
	[tilespmem:$0x10300] =	vst v63  }
0xff: {  	s30 =	spop (v2sf)  }
0x100: {  	(v2sf) =	vpush v2, $0xB;
	s30 =	sand.u32 $0x1FFFFF80, s30  }
0x101: {  	s30 =	sadd.s32 s6, s30  }
0x102: {  	[tilespmem:s10], [sflag:$0x2] =	stream.linear.gather [hbm4b:s30+s4], $0x400, $0x38;
	[tilespmem:$0x10300] =	vst v63  }
0x103: {  	s30 =	spop (v2sf)  }
0x104: {  	(v2sf) =	vpush v3, $0xC;
	s30 =	sand.u32 $0x1FFFFF80, s30  }
0x105: {  	s30 =	sadd.s32 s6, s30  }
0x106: {  	[tilespmem:s13], [sflag:$0x1] =	stream.linear.gather [hbm4b:s30+s4], $0x400, $0x38;
	[tilespmem:$0x10300] =	vst v63  }
0x107: {  	s30 =	spop (v2sf)  }
0x108: {  	(v2sf) =	vpush v2, $0xC;
	s30 =	sand.u32 $0x1FFFFF80, s30  }
0x109: {  	s30 =	sadd.s32 s6, s30  }
0x10a: {  	[tilespmem:s14], [sflag:$0x2] =	stream.linear.gather [hbm4b:s30+s4], $0x400, $0x38;
	[tilespmem:$0x10300] =	vst v63  }
0x10b: {  	s30 =	spop (v2sf)  }
0x10c: {  	(v2sf) =	vpush v3, $0xD;
	s30 =	sand.u32 $0x1FFFFF80, s30  }
0x10d: {  	s30 =	sadd.s32 s6, s30  }
0x10e: {  	(v2sf) =	vpush v2, $0xD;
	[tilespmem:s15], [sflag:$0x1] =	stream.linear.gather [hbm4b:s30+s4], $0x400, $0x38;
	[tilespmem:$0x10300] =	vst v63  }
0x10f: {  	s30 =	spop (v2sf)  }
0x110: {  	s30 =	sand.u32 $0x1FFFFF80, s30  }
0x111: {  	(v2sf) =	vpush v3, $0xE;
	s30 =	sadd.s32 s6, s30  }
0x112: {  	[tilespmem:s16], [sflag:$0x2] =	stream.linear.gather [hbm4b:s30+s4], $0x400, $0x38;
	[tilespmem:$0x10300] =	vst v63  }
0x113: {  	s30 =	spop (v2sf)  }
0x114: {  	(v2sf) =	vpush v2, $0xE;
	s30 =	sand.u32 $0x1FFFFF80, s30  }
0x115: {  	s30 =	sadd.s32 s6, s30  }
0x116: {  	[tilespmem:s17], [sflag:$0x1] =	stream.linear.gather [hbm4b:s30+s4], $0x400, $0x38;
	[tilespmem:$0x10300] =	vst v63  }
0x117: {  	s30 =	spop (v2sf);
	(v2sf) =	vpush v3, $0xF  }
0x118: {  	s30 =	sand.u32 $0x1FFFFF80, s30  }
0x119: {  	s30 =	sadd.s32 s6, s30  }
0x11a: {  	[tilespmem:s18], [sflag:$0x2] =	stream.linear.gather [hbm4b:s30+s4], $0x400, $0x38;
	[tilespmem:$0x10300] =	vst v63  }
0x11b: {  	s30 =	spop (v2sf)  }
0x11c: {  	(v2sf) =	vpush v2, $0xF;
	s30 =	sand.u32 $0x1FFFFF80, s30  }
0x11d: {  	s30 =	sadd.s32 s6, s30;
	s31 =	spop (v2sf)  }
0x11e: {  	[tilespmem:s19], [sflag:$0x1] =	stream.linear.gather [hbm4b:s30+s4], $0x400, $0x38;
	[tilespmem:$0x10300] =	vst v63  }
0x11f: {  	s30 =	sand.u32 $0x1FFFFF80, s31  }
0x120: {  	s30 =	sadd.s32 s6, s30;
	s31 =	spop (v2sf)  }
0x121: {  	[tilespmem:s20], [sflag:$0x2] =	stream.linear.gather [hbm4b:s30+s4], $0x400, $0x38;
	[tilespmem:$0x10300] =	vst v63  }
0x122: {  	s30 =	sand.u32 $0x1FFFFF80, s31  }
0x123: {  	s30 =	sadd.s32 s6, s30;
	s31 =	spop (v2sf)  }
0x124: {  	[tilespmem:s21], [sflag:$0x1] =	stream.linear.gather [hbm4b:s30+s4], $0x400, $0x38;
	[tilespmem:$0x10300] =	vst v63  }
0x125: {  	s30 =	sand.u32 $0x1FFFFF80, s31  }
0x126: {  	s30 =	sadd.s32 s6, s30;
	s31 =	spop (v2sf)  }
0x127: {  	[tilespmem:s22], [sflag:$0x2] =	stream.linear.gather [hbm4b:s30+s4], $0x400, $0x38;
	[tilespmem:$0x10300] =	vst v63  }
0x128: {  	s30 =	sand.u32 $0x1FFFFF80, s31  }
0x129: {  	s30 =	sadd.s32 s6, s30  }
0x12a: {  	[tilespmem:s23], [sflag:$0x1] =	stream.linear.gather [hbm4b:s30+s4], $0x400, $0x38;
	[tilespmem:$0x10300] =	vst v63  }
0x12b: {  	s30 =	spop (v2sf)  }
0x12c: {  	s30 =	sand.u32 $0x1FFFFF80, s30  }
0x12d: {  	s30 =	sadd.s32 s6, s30  }
0x12e: {  	[tilespmem:s24], [sflag:$0x2] =	stream.linear.gather [hbm4b:s30+s4], $0x400, $0x38;
	[tilespmem:$0x10300] =	vst v63  }
0x12f: {  	_ =	swait.ge [sflag:s25], $0x400  }
0x130: {  	[sflag:s25] =	ssyncset.done $0x0  }
0x131: {  	[sflag:s25] =	ssyncadd.s32 $0xFFFFFC00  }
0x132: {  	_ =	swait.ge [sflag:s26], $0x400  }
0x133: {  	[sflag:s26] =	ssyncset.done $0x0  }
0x134: {  	[sflag:s26] =	ssyncadd.s32 $0xFFFFFC00  }
0x135: {  	_ =	swait.ge [sflag:s25], $0x400  }
0x136: {  	[sflag:s25] =	ssyncset.done $0x0  }
0x137: {  	[sflag:s25] =	ssyncadd.s32 $0xFFFFFC00  }
0x138: {  	_ =	swait.ge [sflag:s26], $0x400  }
0x139: {  	[sflag:s26] =	ssyncset.done $0x0  }
0x13a: {  	[sflag:s26] =	ssyncadd.s32 $0xFFFFFC00  }
0x13b: {  	_ =	swait.ge [sflag:s25], $0x400  }
0x13c: {  	[sflag:s25] =	ssyncset.done $0x0  }
0x13d: {  	[sflag:s25] =	ssyncadd.s32 $0xFFFFFC00  }
0x13e: {  	_ =	swait.ge [sflag:s26], $0x400  }
0x13f: {  	[sflag:s26] =	ssyncset.done $0x0  }
0x140: {  	[sflag:s26] =	ssyncadd.s32 $0xFFFFFC00  }
0x141: {  	_ =	swait.ge [sflag:s25], $0x400  }
0x142: {  	[sflag:s25] =	ssyncset.done $0x0  }
0x143: {  	[sflag:s25] =	ssyncadd.s32 $0xFFFFFC00  }
0x144: {  	_ =	swait.ge [sflag:s26], $0x400  }
0x145: {  	[sflag:s26] =	ssyncset.done $0x0  }
0x146: {  	[sflag:s26] =	ssyncadd.s32 $0xFFFFFC00  }
0x147: {  	_ =	swait.ge [sflag:s25], $0x400  }
0x148: {  	[sflag:s25] =	ssyncset.done $0x0  }
0x149: {  	[sflag:s25] =	ssyncadd.s32 $0xFFFFFC00  }
0x14a: {  	_ =	swait.ge [sflag:s26], $0x400  }
0x14b: {  	[sflag:s26] =	ssyncset.done $0x0  }
0x14c: {  	[sflag:s26] =	ssyncadd.s32 $0xFFFFFC00  }
0x14d: {  	_ =	swait.ge [sflag:s25], $0x400  }
0x14e: {  	[sflag:s25] =	ssyncset.done $0x0  }
0x14f: {  	[sflag:s25] =	ssyncadd.s32 $0xFFFFFC00  }
0x150: {  	_ =	swait.ge [sflag:s26], $0x400  }
0x151: {  	[sflag:s26] =	ssyncset.done $0x0  }
0x152: {  	[sflag:s26] =	ssyncadd.s32 $0xFFFFFC00  }
0x153: {  	_ =	swait.ge [sflag:s25], $0x400  }
0x154: {  	[sflag:s25] =	ssyncset.done $0x0  }
0x155: {  	[sflag:s25] =	ssyncadd.s32 $0xFFFFFC00  }
0x156: {  	_ =	swait.ge [sflag:s26], $0x400  }
0x157: {  	[sflag:s26] =	ssyncset.done $0x0  }
0x158: {  	[sflag:s26] =	ssyncadd.s32 $0xFFFFFC00  }
0x159: {  	_ =	swait.ge [sflag:s25], $0x400  }
0x15a: {  	[sflag:s25] =	ssyncset.done $0x0  }
0x15b: {  	[sflag:s25] =	ssyncadd.s32 $0xFFFFFC00  }
0x15c: {  	_ =	swait.ge [sflag:s26], $0x400  }
0x15d: {  	[sflag:s26] =	ssyncset.done $0x0  }
0x15e: {  	[sflag:s26] =	ssyncadd.s32 $0xFFFFFC00  }
0x15f: {  	_ =	swait.ge [sflag:s25], $0x400  }
0x160: {  	[sflag:s25] =	ssyncset.done $0x0  }
0x161: {  	[sflag:s25] =	ssyncadd.s32 $0xFFFFFC00  }
0x162: {  	_ =	swait.ge [sflag:s26], $0x400  }
0x163: {  	[sflag:s26] =	ssyncset.done $0x0  }
0x164: {  	[sflag:s26] =	ssyncadd.s32 $0xFFFFFC00  }
0x165: {  	_ =	swait.ge [sflag:s25], $0x400  }
0x166: {  	[sflag:s25] =	ssyncset.done $0x0  }
0x167: {  	[sflag:s25] =	ssyncadd.s32 $0xFFFFFC00  }
0x168: {  	_ =	swait.ge [sflag:s26], $0x400  }
0x169: {  	[sflag:s26] =	ssyncset.done $0x0  }
0x16a: {  	[sflag:s26] =	ssyncadd.s32 $0xFFFFFC00  }
0x16b: {  	_ =	swait.ge [sflag:s25], $0x400  }
0x16c: {  	[sflag:s25] =	ssyncset.done $0x0  }
0x16d: {  	[sflag:s25] =	ssyncadd.s32 $0xFFFFFC00  }
0x16e: {  	_ =	swait.ge [sflag:s26], $0x400  }
0x16f: {  	[sflag:s26] =	ssyncset.done $0x0  }
0x170: {  	[sflag:s26] =	ssyncadd.s32 $0xFFFFFC00  }
0x171: {  	_ =	swait.ge [sflag:s25], $0x400  }
0x172: {  	[sflag:s25] =	ssyncset.done $0x0  }
0x173: {  	[sflag:s25] =	ssyncadd.s32 $0xFFFFFC00  }
0x174: {  	_ =	swait.ge [sflag:s26], $0x400  }
0x175: {  	[sflag:s26] =	ssyncset.done $0x0  }
0x176: {  	[sflag:s26] =	ssyncadd.s32 $0xFFFFFC00  }
0x177: {  	_ =	swait.ge [sflag:s25], $0x400  }
0x178: {  	[sflag:s25] =	ssyncset.done $0x0  }
0x179: {  	[sflag:s25] =	ssyncadd.s32 $0xFFFFFC00  }
0x17a: {  	_ =	swait.ge [sflag:s26], $0x400  }
0x17b: {  	[sflag:s26] =	ssyncset.done $0x0  }
0x17c: {  	[sflag:s26] =	ssyncadd.s32 $0xFFFFFC00  }
0x17d: {  	_ =	swait.ge [sflag:s25], $0x400  }
0x17e: {  	[sflag:s25] =	ssyncset.done $0x0  }
0x17f: {  	[sflag:s25] =	ssyncadd.s32 $0xFFFFFC00  }
0x180: {  	_ =	swait.ge [sflag:s26], $0x400  }
0x181: {  	[sflag:s26] =	ssyncset.done $0x0  }
0x182: {  	[sflag:s26] =	ssyncadd.s32 $0xFFFFFC00  }
0x183: {  	_ =	swait.ge [sflag:s25], $0x400  }
0x184: {  	[sflag:s25] =	ssyncset.done $0x0  }
0x185: {  	[sflag:s25] =	ssyncadd.s32 $0xFFFFFC00  }
0x186: {  	_ =	swait.ge [sflag:s26], $0x400  }
0x187: {  	[sflag:s26] =	ssyncset.done $0x0  }
0x188: {  	[sflag:s26] =	ssyncadd.s32 $0xFFFFFC00  }
0x189: {  	_ =	swait.ge [sflag:s25], $0x400  }
0x18a: {  	[sflag:s25] =	ssyncset.done $0x0  }
0x18b: {  	[sflag:s25] =	ssyncadd.s32 $0xFFFFFC00  }
0x18c: {  	_ =	swait.ge [sflag:s26], $0x400  }
0x18d: {  	[sflag:s26] =	ssyncset.done $0x0  }
0x18e: {  	[sflag:s26] =	ssyncadd.s32 $0xFFFFFC00  }
0x18f: {  	_ =	swait.ge [sflag:s25], $0x400  }
0x190: {  	[sflag:s25] =	ssyncset.done $0x0  }
0x191: {  	[sflag:s25] =	ssyncadd.s32 $0xFFFFFC00  }
0x192: {  	_ =	swait.ge [sflag:s26], $0x400  }
0x193: {  	[sflag:s26] =	ssyncset.done $0x0  }
0x194: {  	[sflag:s26] =	ssyncadd.s32 $0xFFFFFC00  }
0x195: {  	_ =	swait.ge [sflag:s25], $0x400  }
0x196: {  	[sflag:s25] =	ssyncset.done $0x0  }
0x197: {  	[sflag:s25] =	ssyncadd.s32 $0xFFFFFC00  }
0x198: {  	_ =	swait.ge [sflag:s26], $0x400  }
0x199: {  	[sflag:s26] =	ssyncset.done $0x0  }
0x19a: {  	[sflag:s26] =	ssyncadd.s32 $0xFFFFFC00  }
0x19b: {  	_ =	swait.ge [sflag:s25], $0x400  }
0x19c: {  	[sflag:s25] =	ssyncset.done $0x0  }
0x19d: {  	[sflag:s25] =	ssyncadd.s32 $0xFFFFFC00  }
0x19e: {  	_ =	swait.ge [sflag:s26], $0x400  }
0x19f: {  	[sflag:s26] =	ssyncset.done $0x0  }
0x1a0: {  	[sflag:s26] =	ssyncadd.s32 $0xFFFFFC00  }
0x1a1: {  	_ =	swait.ge [sflag:s25], $0x400  }
0x1a2: {  	[sflag:s25] =	ssyncset.done $0x0  }
0x1a3: {  	[sflag:s25] =	ssyncadd.s32 $0xFFFFFC00  }
0x1a4: {  	_ =	swait.ge [sflag:s26], $0x400  }
0x1a5: {  	[sflag:s26] =	ssyncset.done $0x0  }
0x1a6: {  	[sflag:s26] =	ssyncadd.s32 $0xFFFFFC00  }
0x1a7: {  	_ =	swait.ge [sflag:s25], $0x400  }
0x1a8: {  	[sflag:s25] =	ssyncset.done $0x0  }
0x1a9: {  	[sflag:s25] =	ssyncadd.s32 $0xFFFFFC00  }
0x1aa: {  	_ =	swait.ge [sflag:s26], $0x400  }
0x1ab: {  	[sflag:s26] =	ssyncset.done $0x0  }
0x1ac: {  	[sflag:s26] =	ssyncadd.s32 $0xFFFFFC00  }
0x1ad: {  	_ =	swait.ge [sflag:s25], $0x400  }
0x1ae: {  	[sflag:s25] =	ssyncset.done $0x0  }
0x1af: {  	[sflag:s25] =	ssyncadd.s32 $0xFFFFFC00  }
0x1b0: {  	_ =	swait.ge [sflag:s26], $0x400  }
0x1b1: {  	[sflag:s26] =	ssyncset.done $0x0  }
0x1b2: {  	[sflag:s26] =	ssyncadd.s32 $0xFFFFFC00  }
0x1b3: {  	_ =	swait.ge [sflag:s25], $0x400  }
0x1b4: {  	[sflag:s25] =	ssyncset.done $0x0  }
0x1b5: {  	[sflag:s25] =	ssyncadd.s32 $0xFFFFFC00  }
0x1b6: {  	_ =	swait.ge [sflag:s26], $0x400  }
0x1b7: {  	[sflag:s26] =	ssyncset.done $0x0  }
0x1b8: {  	[sflag:s26] =	ssyncadd.s32 $0xFFFFFC00  }
0x1b9: {  	_ =	swait.ge [sflag:s25], $0x400  }
0x1ba: {  	[sflag:s25] =	ssyncset.done $0x0  }
0x1bb: {  	[sflag:s25] =	ssyncadd.s32 $0xFFFFFC00  }
0x1bc: {  	_ =	swait.ge [sflag:s26], $0x400  }
0x1bd: {  	[sflag:s26] =	ssyncset.done $0x0  }
0x1be: {  	[sflag:s26] =	ssyncadd.s32 $0xFFFFFC00  }
0x1bf: {  	_ =	swait.ge [sflag:s25], $0x400  }
0x1c0: {  	[sflag:s25] =	ssyncset.done $0x0  }
0x1c1: {  	[sflag:s25] =	ssyncadd.s32 $0xFFFFFC00  }
0x1c2: {  	_ =	swait.ge [sflag:s26], $0x400  }
0x1c3: {  	[sflag:s26] =	ssyncset.done $0x0  }
0x1c4: {  	[sflag:s26] =	ssyncadd.s32 $0xFFFFFC00  }
0x1c5: {  	_ =	swait.ge [sflag:s25], $0x400  }
0x1c6: {  	[sflag:s25] =	ssyncset.done $0x0  }
0x1c7: {  	[sflag:s25] =	ssyncadd.s32 $0xFFFFFC00  }
0x1c8: {  	_ =	swait.ge [sflag:s26], $0x400  }
0x1c9: {  	[sflag:s26] =	ssyncset.done $0x0  }
0x1ca: {  	[sflag:s26] =	ssyncadd.s32 $0xFFFFFC00  }
0x1cb: {  	_ =	swait.ge [sflag:s25], $0x400  }
0x1cc: {  	[sflag:s25] =	ssyncset.done $0x0  }
0x1cd: {  	[sflag:s25] =	ssyncadd.s32 $0xFFFFFC00  }
0x1ce: {  	_ =	swait.ge [sflag:s26], $0x400  }
0x1cf: {  	[sflag:s26] =	ssyncset.done $0x0  }
0x1d0: {  	[sflag:s26] =	ssyncadd.s32 $0xFFFFFC00  }
0x1d1: {  	_ =	swait.ge [sflag:s25], $0x400  }
0x1d2: {  	[sflag:s25] =	ssyncset.done $0x0  }
0x1d3: {  	[sflag:s25] =	ssyncadd.s32 $0xFFFFFC00  }
0x1d4: {  	_ =	swait.ge [sflag:s26], $0x400  }
0x1d5: {  	[sflag:s26] =	ssyncset.done $0x0  }
0x1d6: {  	[sflag:s26] =	ssyncadd.s32 $0xFFFFFC00  }
0x1d7: {  	_ =	swait.ge [sflag:s25], $0x400  }
0x1d8: {  	[sflag:s25] =	ssyncset.done $0x0  }
0x1d9: {  	[sflag:s25] =	ssyncadd.s32 $0xFFFFFC00  }
0x1da: {  	_ =	swait.ge [sflag:s26], $0x400  }
0x1db: {  	[sflag:s26] =	ssyncset.done $0x0  }
0x1dc: {  	[sflag:s26] =	ssyncadd.s32 $0xFFFFFC00  }
0x1dd: {  	_ =	swait.ge [sflag:s25], $0x400  }
0x1de: {  	[sflag:s25] =	ssyncset.done $0x0  }
0x1df: {  	[sflag:s25] =	ssyncadd.s32 $0xFFFFFC00  }
0x1e0: {  	_ =	swait.ge [sflag:s26], $0x400  }
0x1e1: {  	[sflag:s26] =	ssyncset.done $0x0  }
0x1e2: {  	[sflag:s26] =	ssyncadd.s32 $0xFFFFFC00  }
0x1e3: {  	_ =	swait.ge [sflag:s25], $0x400  }
0x1e4: {  	[sflag:s25] =	ssyncset.done $0x0  }
0x1e5: {  	[sflag:s25] =	ssyncadd.s32 $0xFFFFFC00  }
0x1e6: {  	_ =	swait.ge [sflag:s26], $0x400  }
0x1e7: {  	[sflag:s26] =	ssyncset.done $0x0  }
0x1e8: {  	[sflag:s26] =	ssyncadd.s32 $0xFFFFFC00  }
0x1e9: {  	_ =	swait.ge [sflag:s25], $0x400  }
0x1ea: {  	[sflag:s25] =	ssyncset.done $0x0  }
0x1eb: {  	[sflag:s25] =	ssyncadd.s32 $0xFFFFFC00  }
0x1ec: {  	_ =	swait.ge [sflag:s26], $0x400  }
0x1ed: {  	[sflag:s26] =	ssyncset.done $0x0  }
0x1ee: {  	[sflag:s26] =	ssyncadd.s32 $0xFFFFFC00  }
0x1ef: {  	v2 =	vld [tilespmem:$0x0]  }
0x1f0: {  	v3 =	vld [tilespmem:$0x80];
	_ =	sdelay $0x1  }
0x1f1: {  	s30 =	simm.s32 $0x0  }
0x1f2: {  	v4 =	vmov s30  }
0x1f3: {  	s30 =	simm.s32 $0x1;
	v4 =	vand.u32 $0x78, v4  }
0x1f4: {  	v6 =	vmov s30;
	v2 =	vshll.u32 v2, $0x7;
	v3 =	vshll.u32 v3, $0x7  }
0x1f5: {  	v4 =	vbroadcast v4, $0x0;
	v2 =	vand.u32 $0x380, v2;
	v5 =	vand.u32 $0x380, v3  }
0x1f6: {  	s30 =	simm.s32 $0x2;
	v3 =	vor.u32 v0, v2;
	v2 =	vor.u32 v0, v5;
	v5 =	vand.u32 $0x79, v6  }
0x1f7: {  	v6 =	vmov s30;
	v7 =	vor.u32 v3, v4;
	v5 =	vbroadcast v5, $0x0  }
0x1f8: {  	s30 =	simm.s32 $0x3;
	v6 =	vand.u32 $0x7A, v6;
	v4 =	vor.u32 v2, v4  }
0x1f9: {  	v8 =	vmov s30;
	v6 =	vbroadcast v6, $0x0;
	v9 =	vor.u32 v3, v5  }
0x1fa: {  	s30 =	simm.s32 $0x4;
	v8 =	vand.u32 $0x7B, v8;
	v5 =	vor.u32 v2, v5  }
0x1fb: {  	v10 =	vmov s30;
	v8 =	vbroadcast v8, $0x0;
	v11 =	vor.u32 v3, v6  }
0x1fc: {  	s30 =	simm.s32 $0x5;
	v10 =	vand.u32 $0x7C, v10;
	v13 =	vld.idx.msk [tilespmem:v7+s11+$0x0], $0xffff;
	v7 =	vor.u32 v2, v6  }
0x1fd: {  	v10 =	vbroadcast v10, $0x0;
	v12 =	vor.u32 v3, v8;
	v6 =	vmov s30;
	v4 =	vld.idx.msk [tilespmem:v4+s12+$0x0], $0xffff  }
0x1fe: {  	v8 =	vor.u32 v2, v8;
	s30 =	simm.s32 $0x6;
	v6 =	vand.u32 $0x7D, v6;
	v14 =	vld.idx.msk [tilespmem:v9+s11+$0x0], $0xffff  }
0x1ff: {  	v16 =	vor.u32 v3, v10;
	v17 =	vld.idx.msk [tilespmem:v5+s12+$0x0], $0xffff;
	v5 =	vbroadcast v6, $0x0;
	v9 =	vmov s30  }
0x200: {  	s30 =	simm.s32 $0x7;
	v6 =	vld.idx.msk [tilespmem:v11+s11+$0x0], $0xffff;
	v11 =	vor.u32 v2, v10;
	v10 =	vand.u32 $0x7E, v9  }
0x201: {  	v18 =	vor.u32 v3, v5;
	v19 =	vbroadcast v10, $0x0;
	v10 =	vmov s30;
	v9 =	vld.idx.msk [tilespmem:v7+s12+$0x0], $0xffff  }
0x202: {  	v20 =	vimm.f32 $0.0e+00;
	v7 =	vld.idx.msk [tilespmem:v12+s11+$0x0], $0xffff;
	v12 =	vor.u32 v2, v5;
	v5 =	vand.u32 $0x7F, v10  }
0x203: {  	s31 =	simm.s32 $0xD;
	s30 =	simm.s32 $0xC;
	v13 =	vmul.f32 v4, v13;
	v10 =	vld.idx.msk [tilespmem:v8+s12+$0x0], $0xffff;
	v15 =	vor.u32 v3, v19;
	v22 =	vbroadcast v5, $0x0  }
0x204: {  	v4 =	vmov s31;
	v8 =	vld.idx.msk [tilespmem:v16+s11+$0x0], $0xffff;
	v5 =	vmov s30;
	v16 =	vor.u32 v2, v19  }
0x205: {  	s31 =	simm.s32 $0xB;
	s30 =	simm.s32 $0x8;
	v19 =	vadd.f32 v13, v20;
	v20 =	vmul.f32 v17, v14;
	v14 =	vld.idx.msk [tilespmem:v11+s12+$0x0], $0xffff;
	v17 =	vor.u32 v3, v22  }
0x206: {  	v21 =	vmov s30;
	s30 =	simm.s32 $0xF;
	v13 =	vmov s31;
	s31 =	simm.s32 $0x17;
	v11 =	vld.idx.msk [tilespmem:v18+s11+$0x0], $0xffff;
	v18 =	vor.u32 v2, v22  }
.LBB2_3:
0x207: {  	p0 =	sne.s32 s31, $0x3F;
	v21 =	vand.u32 $0x78, v21;
	s0 =	sadd.s32 $0xFFFFFFFA, s30;
	s3 =	sadd.s32 $0xFFFFFFFB, s30;
	v19 =	vadd.f32 v20, v19;
	v6 =	vmul.f32 v9, v6;
	v9 =	vld.idx.msk [tilespmem:v12+s12+$0x0], $0xffff  }
0x208: {  	v12 =	vbroadcast v21, $0x0;
	v20 =	vmov s0;
	v21 =	vmov s3;
	v15 =	vld.idx.msk [tilespmem:v15+s11+$0x0], $0xffff  }
0x209: {  	v7 =	vmul.f32 v10, v7;
	v20 =	vand.u32 $0x79, v20;
	v6 =	vadd.f32 v6, v19;
	v10 =	vld.idx.msk [tilespmem:v16+s12+$0x0], $0xffff  }
0x20a: {  	v16 =	vor.u32 v3, v12;
	v19 =	vbroadcast v20, $0x0;
	v20 =	vand.u32 $0x7A, v21;
	v17 =	vld.idx.msk [tilespmem:v17+s11+$0x0], $0xffff  }
0x20b: {  	v12 =	vor.u32 v2, v12;
	v6 =	vadd.f32 v7, v6;
	v7 =	vmul.f32 v14, v8;
	v8 =	vld.idx.msk [tilespmem:v18+s12+$0x0], $0xffff  }
0x20c: {  	v13 =	vand.u32 $0x7B, v13;
	v18 =	vbroadcast v20, $0x0;
	v14 =	vor.u32 v3, v19  }
0x20d: {  	v19 =	vor.u32 v2, v19;
	v6 =	vadd.f32 v7, v6;
	v7 =	vmul.f32 v9, v11  }
0x20e: {  	v5 =	vand.u32 $0x7C, v5;
	v9 =	vor.u32 v3, v18;
	v11 =	vbroadcast v13, $0x0  }
0x20f: {  	v13 =	vld.idx.msk [tilespmem:v16+s11+$0x0], $0xffff;
	v16 =	vor.u32 v2, v18;
	v6 =	vadd.f32 v7, v6;
	v7 =	vmul.f32 v10, v15  }
0x210: {  	v4 =	vand.u32 $0x7D, v4;
	v5 =	vbroadcast v5, $0x0;
	v10 =	vld.idx.msk [tilespmem:v12+s12+$0x0], $0xffff;
	v12 =	vor.u32 v3, v11  }
0x211: {  	s0 =	sadd.s32 $0xFFFFFFFF, s30;
	v11 =	vor.u32 v2, v11;
	v8 =	vmul.f32 v8, v17;
	v14 =	vld.idx.msk [tilespmem:v14+s11+$0x0], $0xffff;
	v7 =	vadd.f32 v7, v6  }
0x212: {  	v4 =	vbroadcast v4, $0x0;
	v18 =	vor.u32 v3, v5;
	v15 =	vmov s0;
	v17 =	vld.idx.msk [tilespmem:v19+s12+$0x0], $0xffff  }
0x213: {  	v21 =	vor.u32 v2, v5;
	v5 =	vand.u32 $0x7E, v15;
	v6 =	vld.idx.msk [tilespmem:v9+s11+$0x0], $0xffff;
	v19 =	vadd.f32 v8, v7  }
0x214: {  	v22 =	vor.u32 v3, v4;
	v9 =	vld.idx.msk [tilespmem:v16+s12+$0x0], $0xffff;
	v16 =	vbroadcast v5, $0x0;
	v5 =	vmov s30;
	s30 =	smov.u32 s31  }
.Ltmp0:
0x215: {  	v7 =	vld.idx.msk [tilespmem:v12+s11+$0x0], $0xffff;
	v12 =	vor.u32 v2, v4;
	v4 =	vand.u32 $0x7F, v5;
	(pc) =	sbr.rel @p0 .LBB2_3-.Ltmp0, $4  }
0x216: {  	s3 =	sadd.s32 $0xFFFFFFFE, s31;
	s0 =	sadd.s32 $0xFFFFFFFD, s31;
	v13 =	vmul.f32 v10, v13;
	v10 =	vld.idx.msk [tilespmem:v11+s12+$0x0], $0xffff;
	v15 =	vor.u32 v3, v16;
	v23 =	vbroadcast v4, $0x0  }
0x217: {  	v5 =	vmov s0;
	v4 =	vmov s3;
	v16 =	vor.u32 v2, v16;
	v8 =	vld.idx.msk [tilespmem:v18+s11+$0x0], $0xffff  }
0x218: {  	s0 =	sadd.s32 $0xFFFFFFF9, s31;
	s3 =	sadd.s32 $0xFFFFFFFC, s31;
	v19 =	vadd.f32 v13, v19;
	v20 =	vmul.f32 v17, v14;
	v14 =	vld.idx.msk [tilespmem:v21+s12+$0x0], $0xffff;
	v17 =	vor.u32 v3, v23  }
0x219: {  	s31 =	sadd.s32 $0x8, s31;
	v13 =	vmov s3;
	v21 =	vmov s0;
	v18 =	vor.u32 v2, v23;
	v11 =	vld.idx.msk [tilespmem:v22+s11+$0x0], $0xffff  }
0x21a: {  	_ =	sdelay $0x2  }
0x21b: {  	v21 =	vand.u32 $0x78, v21;
	s0 =	sadd.s32 $0xFFFFFFFA, s30;
	s3 =	sadd.s32 $0xFFFFFFFB, s30;
	v19 =	vadd.f32 v20, v19;
	v6 =	vmul.f32 v9, v6  }
0x21c: {  	v9 =	vld.idx.msk [tilespmem:v12+s12+$0x0], $0xffff;
	v12 =	vbroadcast v21, $0x0;
	v20 =	vmov s0;
	v21 =	vmov s3  }
0x21d: {  	v7 =	vmul.f32 v10, v7;
	v20 =	vand.u32 $0x79, v20;
	v6 =	vadd.f32 v6, v19  }
0x21e: {  	v10 =	vld.idx.msk [tilespmem:v16+s12+$0x0], $0xffff;
	v16 =	vor.u32 v3, v12;
	v19 =	vbroadcast v20, $0x0;
	v20 =	vand.u32 $0x7A, v21  }
0x21f: {  	v15 =	vld.idx.msk [tilespmem:v15+s11+$0x0], $0xffff;
	v12 =	vor.u32 v2, v12;
	v6 =	vadd.f32 v7, v6;
	v7 =	vmul.f32 v14, v8  }
0x220: {  	v13 =	vand.u32 $0x7B, v13;
	v8 =	vld.idx.msk [tilespmem:v18+s12+$0x0], $0xffff;
	v18 =	vbroadcast v20, $0x0;
	v14 =	vor.u32 v3, v19  }
0x221: {  	v17 =	vld.idx.msk [tilespmem:v17+s11+$0x0], $0xffff;
	v5 =	vand.u32 $0x7C, v5;
	v19 =	vor.u32 v2, v19;
	v6 =	vadd.f32 v7, v6  }
0x222: {  	v7 =	vmul.f32 v9, v11;
	v9 =	vor.u32 v3, v18;
	v11 =	vbroadcast v13, $0x0  }
0x223: {  	v4 =	vand.u32 $0x7D, v4;
	v5 =	vbroadcast v5, $0x0;
	v13 =	vld.idx.msk [tilespmem:v16+s11+$0x0], $0xffff;
	v16 =	vor.u32 v2, v18  }
0x224: {  	v6 =	vadd.f32 v7, v6;
	v7 =	vmul.f32 v10, v15;
	v10 =	vld.idx.msk [tilespmem:v12+s12+$0x0], $0xffff;
	v12 =	vor.u32 v3, v11  }
0x225: {  	s3 =	sadd.s32 $0xFFFFFFFF, s30;
	v4 =	vbroadcast v4, $0x0;
	v11 =	vor.u32 v2, v11;
	v15 =	vor.u32 v3, v5;
	v14 =	vld.idx.msk [tilespmem:v14+s11+$0x0], $0xffff  }
0x226: {  	v6 =	vadd.f32 v7, v6;
	v7 =	vmul.f32 v8, v17;
	v8 =	vld.idx.msk [tilespmem:v19+s12+$0x0], $0xffff;
	v17 =	vmov s3  }
0x227: {  	v5 =	vor.u32 v2, v5;
	v18 =	vmov s30;
	v9 =	vld.idx.msk [tilespmem:v9+s11+$0x0], $0xffff;
	v17 =	vand.u32 $0x7E, v17  }
0x228: {  	v6 =	vadd.f32 v7, v6;
	v17 =	vbroadcast v17, $0x0;
	v7 =	vld.idx.msk [tilespmem:v16+s12+$0x0], $0xffff;
	v16 =	vor.u32 v3, v4  }
0x229: {  	v18 =	vand.u32 $0x7F, v18;
	v12 =	vld.idx.msk [tilespmem:v12+s11+$0x0], $0xffff;
	v4 =	vor.u32 v2, v4;
	v10 =	vmul.f32 v10, v13  }
0x22a: {  	v18 =	vbroadcast v18, $0x0;
	v11 =	vld.idx.msk [tilespmem:v11+s12+$0x0], $0xffff;
	v13 =	vor.u32 v3, v17  }
0x22b: {  	v15 =	vld.idx.msk [tilespmem:v15+s11+$0x0], $0xffff;
	v17 =	vor.u32 v2, v17;
	v6 =	vadd.f32 v10, v6;
	v8 =	vmul.f32 v8, v14  }
0x22c: {  	v5 =	vld.idx.msk [tilespmem:v5+s12+$0x0], $0xffff;
	v3 =	vor.u32 v3, v18  }
0x22d: {  	v2 =	vor.u32 v2, v18;
	v6 =	vadd.f32 v8, v6;
	v10 =	vld.idx.msk [tilespmem:v16+s11+$0x0], $0xffff;
	v7 =	vmul.f32 v7, v9  }
0x22e: {  	v4 =	vld.idx.msk [tilespmem:v4+s12+$0x0], $0xffff  }
0x22f: {  	v8 =	vld.idx.msk [tilespmem:v13+s11+$0x0], $0xffff;
	v6 =	vadd.f32 v7, v6;
	v7 =	vmul.f32 v11, v12  }
0x230: {  	v9 =	vld.idx.msk [tilespmem:v17+s12+$0x0], $0xffff  }
0x231: {  	v5 =	vmul.f32 v5, v15;
	v3 =	vld.idx.msk [tilespmem:v3+s11+$0x0], $0xffff;
	v6 =	vadd.f32 v7, v6  }
0x232: {  	v2 =	vld.idx.msk [tilespmem:v2+s12+$0x0], $0xffff  }
0x233: {  	v4 =	vmul.f32 v4, v10;
	v5 =	vadd.f32 v5, v6;
	_ =	sdelay $0x1  }
0x234: {  	v4 =	vadd.f32 v4, v5;
	v5 =	vmul.f32 v9, v8;
	_ =	sdelay $0x1  }
0x235: {  	v2 =	vmul.f32 v2, v3;
	v4 =	vadd.f32 v5, v4;
	_ =	sdelay $0x1  }
0x236: {  	v2 =	vadd.f32 v2, v4;
	_ =	sdelay $0x1  }
0x237: {  	v2 =	vsub.f32 $0.0e+00, v2;
	_ =	sdelay $0x1  }
0x238: {  	v2 =	vmul.f32 $1.442695020e+00, v2;
	_ =	sdelay $0x1  }
0x239: {  	(erf) = vpow2.f32 v2;
	_ =	sdelay $0x8  }
0x23a: {  	v2 =	vpop (erf)  }
0x23b: {  	v2 =	vadd.f32 $1.000000000e+00, v2;
	_ =	sdelay $0x1  }
0x23c: {  	(erf) = vrcp.f32 v2;
	_ =	sdelay $0x8  }
0x23d: {  	v2 =	vpop (erf)  }
0x23e: {  	[tilespmem:s29+$0x10100] =	vst v2  }
0x23f: {  	v2 =	vld [tilespmem:$0x10]  }
0x240: {  	v3 =	vld [tilespmem:$0x90];
	_ =	sdelay $0x1  }
0x241: {  	s3 =	simm.s32 $0x0  }
0x242: {  	v4 =	vmov s3  }
0x243: {  	s3 =	simm.s32 $0x1;
	v4 =	vand.u32 $0x78, v4  }
0x244: {  	v6 =	vmov s3;
	v2 =	vshll.u32 v2, $0x7;
	v3 =	vshll.u32 v3, $0x7  }
0x245: {  	v4 =	vbroadcast v4, $0x0;
	v2 =	vand.u32 $0x380, v2;
	v5 =	vand.u32 $0x380, v3  }
0x246: {  	s3 =	simm.s32 $0x2;
	v3 =	vor.u32 v1, v2;
	v2 =	vor.u32 v1, v5;
	v5 =	vand.u32 $0x79, v6  }
0x247: {  	v6 =	vmov s3;
	v7 =	vor.u32 v3, v4;
	v5 =	vbroadcast v5, $0x0  }
0x248: {  	s3 =	simm.s32 $0x3;
	v6 =	vand.u32 $0x7A, v6;
	v4 =	vor.u32 v2, v4  }
0x249: {  	v8 =	vmov s3;
	v6 =	vbroadcast v6, $0x0;
	v9 =	vor.u32 v3, v5  }
0x24a: {  	s3 =	simm.s32 $0x4;
	v8 =	vand.u32 $0x7B, v8;
	v5 =	vor.u32 v2, v5  }
0x24b: {  	v10 =	vmov s3;
	v8 =	vbroadcast v8, $0x0;
	v11 =	vor.u32 v3, v6  }
0x24c: {  	s3 =	simm.s32 $0x5;
	v10 =	vand.u32 $0x7C, v10;
	v13 =	vld.idx.msk [tilespmem:v7+s11+$0x0], $0xffff;
	v7 =	vor.u32 v2, v6  }
0x24d: {  	v10 =	vbroadcast v10, $0x0;
	v12 =	vor.u32 v3, v8;
	v6 =	vmov s3;
	v4 =	vld.idx.msk [tilespmem:v4+s12+$0x0], $0xffff  }
0x24e: {  	v8 =	vor.u32 v2, v8;
	s3 =	simm.s32 $0x6;
	v6 =	vand.u32 $0x7D, v6;
	v14 =	vld.idx.msk [tilespmem:v9+s11+$0x0], $0xffff  }
0x24f: {  	v16 =	vor.u32 v3, v10;
	v17 =	vld.idx.msk [tilespmem:v5+s12+$0x0], $0xffff;
	v5 =	vbroadcast v6, $0x0;
	v9 =	vmov s3  }
0x250: {  	s3 =	simm.s32 $0x7;
	v6 =	vld.idx.msk [tilespmem:v11+s11+$0x0], $0xffff;
	v11 =	vor.u32 v2, v10;
	v10 =	vand.u32 $0x7E, v9  }
0x251: {  	v18 =	vor.u32 v3, v5;
	v19 =	vbroadcast v10, $0x0;
	v10 =	vmov s3;
	v9 =	vld.idx.msk [tilespmem:v7+s12+$0x0], $0xffff  }
0x252: {  	v20 =	vimm.f32 $0.0e+00;
	v7 =	vld.idx.msk [tilespmem:v12+s11+$0x0], $0xffff;
	v12 =	vor.u32 v2, v5;
	v5 =	vand.u32 $0x7F, v10  }
0x253: {  	s0 =	simm.s32 $0xC;
	s3 =	simm.s32 $0xD;
	v13 =	vmul.f32 v4, v13;
	v10 =	vld.idx.msk [tilespmem:v8+s12+$0x0], $0xffff;
	v15 =	vor.u32 v3, v19;
	v22 =	vbroadcast v5, $0x0  }
0x254: {  	v4 =	vmov s3;
	v8 =	vld.idx.msk [tilespmem:v16+s11+$0x0], $0xffff;
	v5 =	vmov s0;
	v16 =	vor.u32 v2, v19  }
0x255: {  	s3 =	simm.s32 $0xB;
	s0 =	simm.s32 $0x8;
	v19 =	vadd.f32 v13, v20;
	v20 =	vmul.f32 v17, v14;
	v14 =	vld.idx.msk [tilespmem:v11+s12+$0x0], $0xffff;
	v17 =	vor.u32 v3, v22  }
0x256: {  	s31 =	simm.s32 $0x17;
	s30 =	simm.s32 $0xF;
	v21 =	vmov s0;
	v13 =	vmov s3;
	v11 =	vld.idx.msk [tilespmem:v18+s11+$0x0], $0xffff;
	v18 =	vor.u32 v2, v22  }
.LBB2_5:
0x257: {  	p0 =	sne.s32 s31, $0x3F;
	v21 =	vand.u32 $0x78, v21;
	s0 =	sadd.s32 $0xFFFFFFFA, s30;
	s3 =	sadd.s32 $0xFFFFFFFB, s30;
	v19 =	vadd.f32 v20, v19;
	v6 =	vmul.f32 v9, v6;
	v9 =	vld.idx.msk [tilespmem:v12+s12+$0x0], $0xffff  }
0x258: {  	v12 =	vbroadcast v21, $0x0;
	v20 =	vmov s0;
	v21 =	vmov s3;
	v15 =	vld.idx.msk [tilespmem:v15+s11+$0x0], $0xffff  }
0x259: {  	v7 =	vmul.f32 v10, v7;
	v20 =	vand.u32 $0x79, v20;
	v6 =	vadd.f32 v6, v19;
	v10 =	vld.idx.msk [tilespmem:v16+s12+$0x0], $0xffff  }
0x25a: {  	v16 =	vor.u32 v3, v12;
	v19 =	vbroadcast v20, $0x0;
	v20 =	vand.u32 $0x7A, v21;
	v17 =	vld.idx.msk [tilespmem:v17+s11+$0x0], $0xffff  }
0x25b: {  	v12 =	vor.u32 v2, v12;
	v6 =	vadd.f32 v7, v6;
	v7 =	vmul.f32 v14, v8;
	v8 =	vld.idx.msk [tilespmem:v18+s12+$0x0], $0xffff  }
0x25c: {  	v13 =	vand.u32 $0x7B, v13;
	v18 =	vbroadcast v20, $0x0;
	v14 =	vor.u32 v3, v19  }
0x25d: {  	v19 =	vor.u32 v2, v19;
	v6 =	vadd.f32 v7, v6;
	v7 =	vmul.f32 v9, v11  }
0x25e: {  	v5 =	vand.u32 $0x7C, v5;
	v9 =	vor.u32 v3, v18;
	v11 =	vbroadcast v13, $0x0  }
0x25f: {  	v13 =	vld.idx.msk [tilespmem:v16+s11+$0x0], $0xffff;
	v16 =	vor.u32 v2, v18;
	v6 =	vadd.f32 v7, v6;
	v7 =	vmul.f32 v10, v15  }
0x260: {  	v4 =	vand.u32 $0x7D, v4;
	v5 =	vbroadcast v5, $0x0;
	v10 =	vld.idx.msk [tilespmem:v12+s12+$0x0], $0xffff;
	v12 =	vor.u32 v3, v11  }
0x261: {  	s0 =	sadd.s32 $0xFFFFFFFF, s30;
	v11 =	vor.u32 v2, v11;
	v8 =	vmul.f32 v8, v17;
	v14 =	vld.idx.msk [tilespmem:v14+s11+$0x0], $0xffff;
	v7 =	vadd.f32 v7, v6  }
0x262: {  	v4 =	vbroadcast v4, $0x0;
	v18 =	vor.u32 v3, v5;
	v15 =	vmov s0;
	v17 =	vld.idx.msk [tilespmem:v19+s12+$0x0], $0xffff  }
0x263: {  	v21 =	vor.u32 v2, v5;
	v5 =	vand.u32 $0x7E, v15;
	v6 =	vld.idx.msk [tilespmem:v9+s11+$0x0], $0xffff;
	v19 =	vadd.f32 v8, v7  }
0x264: {  	v22 =	vor.u32 v3, v4;
	v9 =	vld.idx.msk [tilespmem:v16+s12+$0x0], $0xffff;
	v16 =	vbroadcast v5, $0x0;
	v5 =	vmov s30;
	s30 =	smov.u32 s31  }
.Ltmp1:
0x265: {  	v7 =	vld.idx.msk [tilespmem:v12+s11+$0x0], $0xffff;
	v12 =	vor.u32 v2, v4;
	v4 =	vand.u32 $0x7F, v5;
	(pc) =	sbr.rel @p0 .LBB2_5-.Ltmp1, $4  }
0x266: {  	s3 =	sadd.s32 $0xFFFFFFFE, s31;
	s0 =	sadd.s32 $0xFFFFFFFD, s31;
	v13 =	vmul.f32 v10, v13;
	v10 =	vld.idx.msk [tilespmem:v11+s12+$0x0], $0xffff;
	v15 =	vor.u32 v3, v16;
	v23 =	vbroadcast v4, $0x0  }
0x267: {  	v5 =	vmov s0;
	v4 =	vmov s3;
	v16 =	vor.u32 v2, v16;
	v8 =	vld.idx.msk [tilespmem:v18+s11+$0x0], $0xffff  }
0x268: {  	s0 =	sadd.s32 $0xFFFFFFF9, s31;
	s3 =	sadd.s32 $0xFFFFFFFC, s31;
	v19 =	vadd.f32 v13, v19;
	v20 =	vmul.f32 v17, v14;
	v14 =	vld.idx.msk [tilespmem:v21+s12+$0x0], $0xffff;
	v17 =	vor.u32 v3, v23  }
0x269: {  	s31 =	sadd.s32 $0x8, s31;
	v13 =	vmov s3;
	v21 =	vmov s0;
	v18 =	vor.u32 v2, v23;
	v11 =	vld.idx.msk [tilespmem:v22+s11+$0x0], $0xffff  }
0x26a: {  	_ = 	snop  }
0x26b: {  	v21 =	vand.u32 $0x78, v21;
	s0 =	sadd.s32 $0xFFFFFFFA, s30;
	v19 =	vadd.f32 v20, v19;
	v6 =	vmul.f32 v9, v6  }
0x26c: {  	s3 =	sadd.s32 $0xFFFFFFFB, s30;
	v13 =	vand.u32 $0x7B, v13;
	v32 =	vbroadcast v21, $0x0;
	v33 =	vmov s0  }
0x26d: {  	v5 =	vand.u32 $0x7C, v5;
	v34 =	vmov s3;
	v20 =	vand.u32 $0x79, v33  }
0x26e: {  	v31 =	vld.idx.msk [tilespmem:v12+s12+$0x0], $0xffff;
	v7 =	vmul.f32 v10, v7;
	v36 =	vor.u32 v3, v32;
	v37 =	vbroadcast v20, $0x0  }
0x26f: {  	v15 =	vld.idx.msk [tilespmem:v15+s11+$0x0], $0xffff;
	v6 =	vadd.f32 v6, v19;
	v38 =	vand.u32 $0x7A, v34;
	v12 =	vor.u32 v2, v32  }
0x270: {  	v35 =	vld.idx.msk [tilespmem:v16+s12+$0x0], $0xffff;
	v4 =	vand.u32 $0x7D, v4;
	v42 =	vbroadcast v38, $0x0;
	v41 =	vor.u32 v3, v37  }
0x271: {  	v17 =	vld.idx.msk [tilespmem:v17+s11+$0x0], $0xffff;
	v39 =	vmul.f32 v14, v8;
	v6 =	vadd.f32 v7, v6;
	v19 =	vor.u32 v2, v37  }
0x272: {  	v40 =	vld.idx.msk [tilespmem:v18+s12+$0x0], $0xffff;
	v57 =	vmov s30;
	v45 =	vbroadcast v13, $0x0;
	v44 =	vor.u32 v3, v42  }
0x273: {  	v43 =	vmul.f32 v31, v11;
	v47 =	vor.u32 v2, v42;
	v6 =	vadd.f32 v39, v6;
	v46 =	vld.idx.msk [tilespmem:v36+s11+$0x0], $0xffff  }
0x274: {  	v5 =	vbroadcast v5, $0x0;
	v4 =	vbroadcast v4, $0x0;
	v50 =	vor.u32 v3, v45;
	v49 =	vld.idx.msk [tilespmem:v12+s12+$0x0], $0xffff  }
0x275: {  	s31 =	sadd.s32 $0xFFFFFFFF, s30;
	v48 =	vmul.f32 v35, v15;
	v11 =	vor.u32 v2, v45;
	v6 =	vadd.f32 v43, v6;
	v14 =	vld.idx.msk [tilespmem:v41+s11+$0x0], $0xffff  }
0x276: {  	v54 =	vmov s31;
	v53 =	vor.u32 v3, v5;
	v5 =	vor.u32 v2, v5;
	v52 =	vld.idx.msk [tilespmem:v19+s12+$0x0], $0xffff  }
0x277: {  	v51 =	vmul.f32 v40, v17;
	v17 =	vand.u32 $0x7E, v54;
	v6 =	vadd.f32 v48, v6;
	v9 =	vld.idx.msk [tilespmem:v44+s11+$0x0], $0xffff  }
0x278: {  	v18 =	vand.u32 $0x7F, v57;
	v56 =	vor.u32 v3, v4;
	v17 =	vbroadcast v17, $0x0;
	v55 =	vld.idx.msk [tilespmem:v47+s12+$0x0], $0xffff  }
0x279: {  	v4 =	vor.u32 v2, v4;
	v12 =	vld.idx.msk [tilespmem:v50+s11+$0x0], $0xffff;
	v6 =	vadd.f32 v51, v6;
	v10 =	vmul.f32 v49, v46  }
0x27a: {  	v18 =	vbroadcast v18, $0x0;
	v58 =	vor.u32 v3, v17;
	v11 =	vld.idx.msk [tilespmem:v11+s12+$0x0], $0xffff  }
0x27b: {  	v15 =	vld.idx.msk [tilespmem:v53+s11+$0x0], $0xffff;
	v17 =	vor.u32 v2, v17;
	v6 =	vadd.f32 v10, v6;
	v8 =	vmul.f32 v52, v14  }
0x27c: {  	v5 =	vld.idx.msk [tilespmem:v5+s12+$0x0], $0xffff;
	v3 =	vor.u32 v3, v18  }
0x27d: {  	v59 =	vld.idx.msk [tilespmem:v56+s11+$0x0], $0xffff;
	v2 =	vor.u32 v2, v18;
	v7 =	vmul.f32 v55, v9;
	v6 =	vadd.f32 v8, v6  }
0x27e: {  	v4 =	vld.idx.msk [tilespmem:v4+s12+$0x0], $0xffff  }
0x27f: {  	v60 =	vld.idx.msk [tilespmem:v58+s11+$0x0], $0xffff;
	v61 =	vmul.f32 v11, v12;
	v6 =	vadd.f32 v7, v6  }
0x280: {  	v62 =	vld.idx.msk [tilespmem:v17+s12+$0x0], $0xffff  }
0x281: {  	v3 =	vld.idx.msk [tilespmem:v3+s11+$0x0], $0xffff;
	v5 =	vmul.f32 v5, v15;
	v6 =	vadd.f32 v61, v6  }
0x282: {  	v2 =	vld.idx.msk [tilespmem:v2+s12+$0x0], $0xffff  }
0x283: {  	v4 =	vmul.f32 v4, v59;
	v5 =	vadd.f32 v5, v6;
	_ =	sdelay $0x1  }
0x284: {  	v63 =	vmul.f32 v62, v60;
	v4 =	vadd.f32 v4, v5;
	_ =	sdelay $0x1  }
0x285: {  	v2 =	vmul.f32 v2, v3;
	v4 =	vadd.f32 v63, v4;
	_ =	sdelay $0x1  }
0x286: {  	v2 =	vadd.f32 v2, v4;
	_ =	sdelay $0x1  }
0x287: {  	v2 =	vsub.f32 $0.0e+00, v2;
	_ =	sdelay $0x1  }
0x288: {  	v2 =	vmul.f32 $1.442695020e+00, v2;
	_ =	sdelay $0x1  }
0x289: {  	(erf) = vpow2.f32 v2;
	_ =	sdelay $0x8  }
0x28a: {  	v2 =	vpop (erf)  }
0x28b: {  	v2 =	vadd.f32 $1.000000000e+00, v2;
	_ =	sdelay $0x1  }
0x28c: {  	(erf) = vrcp.f32 v2;
	_ =	sdelay $0x3  }
0x28d: {  	s28 =	sadd.s32 $0x1, s28  }
0x28e: {  	p0 =	sne.s32 s28, $0x10  }
.Ltmp2:
0x28f: {  	_ = 	snop;
	(pc) =	sbr.rel @p0 .LBB2_2-.Ltmp2, $3  }
0x290: {  	_ =	sdelay $0x1  }
0x291: {  	v2 =	vpop (erf)  }
0x292: {  	[tilespmem:s29+$0x10110] =	vst v2  }
0x293: {  	s0 =	rddreg [dreg:$0x5];
	s3 =	simm.s32 $0x10100  }
0x294: {  	[hbm4b:s0+s4] =	stream.linear.scatter [tilespmem:s3], [sflag:$0x3], $0x200, $0x38;
	[tilespmem:$0x10300] =	vst v63  }
0x295: {  	_ =	swait.ge [sflag:s9], $0x200  }
0x296: {  	s30 =	rddreg [dreg:$0x7]  }
0x297: {  	s31 =	rddreg [dreg:$0x6];
	s3 =	sadd.s32 $0x1, s30  }
0x298: {  	p0 =	sne.s32 s3, s31  }
.Ltmp3:
0x299: {  	_ = 	snop;
	(pc) =	sbr.rel @p0 .LBB2_1-.Ltmp3, $3  }
0x29a: {  	_ =	sdelay $0x1  }
0x29b: {  	[sflag:s9] =	ssyncset.done $0x0  }
0x29c: {  	[sflag:s9] =	ssyncadd.s32 $0xFFFFFE00  }
0x29d: {  	_ =	sfence.sel $0x180000  }
0x29e: {  	[bflag:$0x0] =	sbarrier.arrive $0xFFFF  }
0x29f: {  	_ =	strace $0x90000047  }
0x2a0: {  	s0 =	stileid.u32;
	[bflag:$0x2] =	sbarrier.arrive $0xFFFF  }
0x2a1: {  	p0 =	sne.s32 s0, $0x0;
	s0 =	rddreg [dreg:$0x4]  }
0x2a2: {  	s0 =	sadd.s32 @!p0 $0x100000, s0  }
0x2a3: {  	[sflag:s0] =	ssyncadd.tile.s32 @!p0 $0x1;
	_ =	shalt  }
.Lfunc_end2:
_tile_overlayer_lowered:
.L_overlay_start_2:
0x2a4: {  	(tag) =	ssettag $0x2  }
0x2a5: {  	s0 =	rddreg [dreg:$0x0];
	s2 =	stileid.u32  }
0x2a6: {  	s1 =	rddreg [dreg:$0x1];
	p0 =	sne.s32 s2, $0x0  }
0x2a7: {  	s3 =	rddreg [dreg:$0x2];
	[bflag:$0x3] =	sbarrier.arrive $0xFFFF;
	s2 =	simm.s32 @!p0 $0x1C03  }
0x2a8: {  	[timem:s3], [sflag:s2] =	dma.local @!p0 [hbm:s0], s1  }
0x2a9: {  	s0 =	simm.s32 @!p0 $0x3  }
0x2aa: {  	_ =	swait.ge @!p0 [sflag:s0], s1  }
0x2ab: {  	s1 =	ssub.s32 @!p0 $0x0, s1;
	[sflag:s0] =	ssyncset.done @!p0 $0x0  }
0x2ac: {  	[sflag:s0] =	ssyncadd.s32 @!p0 s1  }
0x2ad: {  	[bflag:$0x3] =	sbarrier.arrive $0xFFFF  }
0x2ae: {  	_ =	shalt  }

</sc_bundles>
